<compile_context>
chip_gen: v7x
topology: tpu7x:2x2x1
jax: 0.10.2.dev20260603
libtpu: 0.0.44.dev20260713+nightly
codegen_flags: <defaults>
</compile_context>

<pallas_src>
import functools

import jax
import jax.numpy as jnp
from jax import lax
from jax.experimental import pallas as pl
from jax.experimental.pallas import tpu as pltpu
from jax.experimental.pallas import tpu_sc as plsc

D_ENT = 128
D_REL = 128
NC = 2
NS = 16
GB = 40
SB = 8
CH = 128


def _round_bf16(x):
    xi = lax.bitcast_convert_type(x, jnp.uint32)
    xr = lax.bitcast_convert_type(xi + jnp.uint32(0x8000), jnp.float32)
    return xr.astype(jnp.bfloat16)


def _sc_gather_entities(ent, h_idx, t_idx):
    B = h_idx.shape[0]
    nw = NC * NS
    bpw = B // nw
    assert B % (8 * nw) == 0
    mesh = plsc.VectorSubcoreMesh(core_axis_name="c", subcore_axis_name="s")

    @functools.partial(
        pl.kernel,
        out_type=(
            jax.ShapeDtypeStruct((B, D_ENT), jnp.float32),
            jax.ShapeDtypeStruct((B, D_ENT), jnp.float32),
        ),
        mesh=mesh,
        scratch_types=[
            pltpu.VMEM((bpw,), jnp.int32),
            pltpu.VMEM((bpw,), jnp.int32),
            pltpu.VMEM((bpw, D_ENT), jnp.float32),
            pltpu.VMEM((bpw, D_ENT), jnp.float32),
            pltpu.SemaphoreType.DMA,
            pltpu.SemaphoreType.DMA,
        ],
    )
    def k(ent_hbm, h_hbm, t_hbm, hout, tout, hi_v, ti_v, hr_v, tr_v, s1, s2):
        wid = lax.axis_index("s") * NC + lax.axis_index("c")
        base = wid * bpw
        pltpu.sync_copy(h_hbm.at[pl.ds(base, bpw)], hi_v)
        pltpu.sync_copy(t_hbm.at[pl.ds(base, bpw)], ti_v)
        c1 = pltpu.async_copy(ent_hbm.at[hi_v], hr_v, s1)
        c2 = pltpu.async_copy(ent_hbm.at[ti_v], tr_v, s2)
        c1.wait()
        c2.wait()
        pltpu.sync_copy(hr_v, hout.at[pl.ds(base, bpw)])
        pltpu.sync_copy(tr_v, tout.at[pl.ds(base, bpw)])

    return k(ent, h_idx, t_idx)


def _score_blocks(starts_ref, t_ref, rel_ref, d_ref, acc_ref, k):
    for sb in range(GB // SB):
        lo = starts_ref[k * GB + sb * SB]
        hi = starts_ref[k * GB + sb * SB + SB]

        def chunk(c, _, sb=sb):
            row0 = pl.multiple_of(c * CH, CH)
            d = d_ref[pl.ds(row0, CH), :]
            gl = row0 + lax.broadcasted_iota(jnp.int32, (CH, 1), 0)
            acc = acc_ref[pl.ds(row0, CH), :]
            for g in range(sb * SB, sb * SB + SB):
                s = starts_ref[k * GB + g]
                e = starts_ref[k * GB + g + 1]
                y = lax.dot_general(
                    d, _round_bf16(t_ref[g]), (((1,), (1,)), ((), ())),
                    preferred_element_type=jnp.float32,
                )
                a = jnp.abs(y + rel_ref[g, :][None, :])
                m = (gl >= s) & (gl < e)
                acc = acc + jnp.where(m, a, 0.0)
            acc_ref[pl.ds(row0, CH), :] = acc
            return 0

        lax.fori_loop(lo // CH, (hi + CH - 1) // CH, chunk, 0)


def _tc_score_body(starts_ref, t_ref, rel_ref, h_ref, tr_ref, out_ref,
                   d_ref, acc_ref):
    B = h_ref.shape[0]
    k = pl.program_id(0)
    nsteps = pl.num_programs(0)

    @pl.when(k == 0)
    def _():
        for c in range(B // CH):
            sl = pl.ds(c * CH, CH)
            d_ref[sl, :] = _round_bf16(h_ref[sl, :] - tr_ref[sl, :])
            acc_ref[sl, :] = jnp.zeros((CH, D_REL), jnp.float32)

    _score_blocks(starts_ref, t_ref, rel_ref, d_ref, acc_ref, k)

    @pl.when(k == nsteps - 1)
    def _():
        for c in range(B // CH):
            sl = pl.ds(c * CH, CH)
            out_ref[sl, :] = jnp.sum(acc_ref[sl, :], axis=1, keepdims=True)


def _tc_score(t3, rel, hrows, trows, starts):
    B = hrows.shape[0]
    nrel = rel.shape[0]
    assert nrel % GB == 0
    grid_spec = pltpu.PrefetchScalarGridSpec(
        num_scalar_prefetch=1,
        grid=(nrel // GB,),
        in_specs=[
            pl.BlockSpec((GB, D_REL, D_ENT), lambda k, st: (k, 0, 0)),
            pl.BlockSpec((GB, D_REL), lambda k, st: (k, 0)),
            pl.BlockSpec((B, D_ENT), lambda k, st: (0, 0)),
            pl.BlockSpec((B, D_ENT), lambda k, st: (0, 0)),
        ],
        out_specs=pl.BlockSpec((B, 1), lambda k, st: (0, 0)),
        scratch_shapes=[
            pltpu.VMEM((B, D_ENT), jnp.bfloat16),
            pltpu.VMEM((B, D_REL), jnp.float32),
        ],
    )
    return pl.pallas_call(
        _tc_score_body,
        grid_spec=grid_spec,
        out_shape=jax.ShapeDtypeStruct((B, 1), jnp.float32),
    )(starts, t3, rel, hrows, trows)


def kernel(predict_h, predict_t, predict_r, ent_embeddings, rel_embeddings,
           transfer_matrix):
    B = predict_h.shape[0]
    nrel = rel_embeddings.shape[0]
    iota = jnp.arange(B, dtype=jnp.int32)
    _, h_s, t_s, perm = lax.sort(
        (predict_r * B + iota, predict_h, predict_t, iota), num_keys=1
    )
    rr = jnp.arange(nrel + 1, dtype=jnp.int32)
    starts = jnp.sum(
        (predict_r[None, :] < rr[:, None]).astype(jnp.int32), axis=1
    )
    hrows, trows = _sc_gather_entities(ent_embeddings, h_s, t_s)
    _, inv_perm = lax.sort((perm, iota), num_keys=1)
    t3 = transfer_matrix.reshape(nrel, D_REL, D_ENT)
    score_sorted = _tc_score(t3, rel_embeddings, hrows, trows, starts)
    return jnp.take(score_sorted, inv_perm, axis=0)

# --- scband reference (transcript-rebuilt; emitter-appended) ---
"""Pipeline reference for scband-trans-r-50405736186254 (READ-ONLY COPY).

The authoritative reference and input builder live on the scoring server;
editing this copy changes nothing except your own understanding.
"""

import jax, jax.numpy as jnp
import numpy as np

ENT_SIZE = 128
REL_SIZE = 128
N_ENTITIES = 100000
N_RELATIONS = 1000
BATCH = 4096


def setup_inputs(seed: int = 0) -> dict:
    key = jax.random.key(seed)
    k1, k2, k3, k4, k5, k6 = jax.random.split(key, 6)
    predict_h = jax.random.randint(k1, (BATCH,), 0, N_ENTITIES, dtype=jnp.int64 if jax.config.jax_enable_x64 else jnp.int32).astype(jnp.int32)
    predict_t = jax.random.randint(k2, (BATCH,), 0, N_ENTITIES).astype(jnp.int32)
    predict_r = jax.random.randint(k3, (BATCH,), 0, N_RELATIONS).astype(jnp.int32)
    # Xavier-normal-ish init for parameter tables
    ent_embeddings = jax.random.normal(k4, (N_ENTITIES, ENT_SIZE), dtype=jnp.float32) * float(np.sqrt(2.0 / (N_ENTITIES + ENT_SIZE)))
    rel_embeddings = jax.random.normal(k5, (N_RELATIONS, REL_SIZE), dtype=jnp.float32) * float(np.sqrt(2.0 / (N_RELATIONS + REL_SIZE)))
    transfer_matrix = jax.random.normal(k6, (N_RELATIONS, ENT_SIZE * REL_SIZE), dtype=jnp.float32) * float(np.sqrt(2.0 / (N_RELATIONS + ENT_SIZE * REL_SIZE)))
    return {
        "predict_h": predict_h,
        "predict_t": predict_t,
        "predict_r": predict_r,
        "ent_embeddings": ent_embeddings,
        "rel_embeddings": rel_embeddings,
        "transfer_matrix": transfer_matrix,
    }


def reference(predict_h, predict_t, predict_r, ent_embeddings, rel_embeddings, transfer_matrix):
    # embedding lookups (gather)
    h_e = jnp.take(ent_embeddings, predict_h, axis=0).reshape(-1, ENT_SIZE, 1)
    t_e = jnp.take(ent_embeddings, predict_t, axis=0).reshape(-1, ENT_SIZE, 1)
    r_e = jnp.take(rel_embeddings, predict_r, axis=0).reshape(-1, REL_SIZE)
    M = jnp.take(transfer_matrix, predict_r, axis=0).reshape(-1, REL_SIZE, ENT_SIZE)
    # project entities into relation space (batched matmul)
    h_proj = jnp.matmul(M, h_e).reshape(-1, REL_SIZE)
    t_proj = jnp.matmul(M, t_e).reshape(-1, REL_SIZE)
    # translation score |h + r - t| summed over relation dims
    score = jnp.sum(jnp.abs(h_proj + r_e - t_proj), axis=1, keepdims=True)
    return score

if __name__ == "__main__":
    import jax
    _d = setup_inputs()
    print(jax.jit(kernel)(*tuple(_d.values())))

</pallas_src>

<mosaic_0001>
#map = affine_map<(d0, d1) -> (0, 0)>
#map1 = affine_map<(d0, d1) -> (0)>
module attributes {stable_mosaic.version = 14 : i64} {
  func.func @k(%arg0: i32, %arg1: i32, %arg2: memref<100000x128xf32, #tpu.memory_space<hbm>>, %arg3: memref<4096xi32, #tpu.memory_space<hbm>>, %arg4: memref<4096xi32, #tpu.memory_space<hbm>>, %arg5: memref<4096x128xf32, #tpu.memory_space<hbm>>, %arg6: memref<4096x128xf32, #tpu.memory_space<hbm>>, %arg7: memref<128xi32, #tpu.memory_space<vmem>>, %arg8: memref<128xi32, #tpu.memory_space<vmem>>, %arg9: memref<128x128xf32, #tpu.memory_space<vmem>>, %arg10: memref<128x128xf32, #tpu.memory_space<vmem>>, %arg11: memref<!tpu.dma_semaphore, #tpu.memory_space<semaphore_mem>>, %arg12: memref<!tpu.dma_semaphore, #tpu.memory_space<semaphore_mem>>) attributes {dimension_semantics = [#tpu.dimension_semantics<core_parallel>, #tpu.dimension_semantics<subcore_parallel>], iteration_bounds = array<i64: 2, 16>, scalar_prefetch = 0 : i64, scratch_operands = 6 : i64, tpu.core_type = #tpu.core_type<sc_vector_subcore>, window_params = [{transform_indices = #map}, {transform_indices = #map1}, {transform_indices = #map1}, {transform_indices = #map}, {transform_indices = #map}]} {
    %mul3A = arith.constant 2 : i32
    %mul3A_0 = arith.muli %arg1, %mul3A : i32
    %add3A = arith.addi %mul3A_0, %arg0 : i32
    %mul3A_1 = arith.constant 128 : i32
    %mul3A_2 = arith.muli %add3A, %mul3A_1 : i32
    "tpu.region"() ({
      %run_scoped3A = tpu.sem_alloc : memref<!tpu.dma_semaphore, #tpu.memory_space<semaphore_mem>>
      %dma_start3A_13 = tpu.memref_slice %arg3[%mul3A_2] : memref<4096xi32, #tpu.memory_space<hbm>> -> memref<128xi32, #tpu.memory_space<hbm>>
      %dma_start3A_14 = tpu.memref_slice %arg3[%mul3A_2] : memref<4096xi32, #tpu.memory_space<hbm>> -> memref<128xi32, #tpu.memory_space<hbm>>
      tpu.enqueue_dma source(%dma_start3A_14 : memref<128xi32, #tpu.memory_space<hbm>>) target(%arg7 : memref<128xi32, #tpu.memory_space<vmem>>) target_semaphore(%run_scoped3A : memref<!tpu.dma_semaphore, #tpu.memory_space<semaphore_mem>>)
      %dma_wait3A_15 = tpu.memref_slice %arg3[%mul3A_2] : memref<4096xi32, #tpu.memory_space<hbm>> -> memref<128xi32, #tpu.memory_space<hbm>>
      %dma_wait3A_16 = tpu.memref_slice %arg3[%mul3A_2] : memref<4096xi32, #tpu.memory_space<hbm>> -> memref<128xi32, #tpu.memory_space<hbm>>
      tpu.wait_dma2 semaphore(%run_scoped3A : memref<!tpu.dma_semaphore, #tpu.memory_space<semaphore_mem>>) src(%dma_wait3A_16 : memref<128xi32, #tpu.memory_space<hbm>>) dst(%arg7 : memref<128xi32, #tpu.memory_space<vmem>>)
      tpu.yield
    }) : () -> ()
    "tpu.region"() ({
      %run_scoped3A = tpu.sem_alloc : memref<!tpu.dma_semaphore, #tpu.memory_space<semaphore_mem>>
      %dma_start3A_13 = tpu.memref_slice %arg4[%mul3A_2] : memref<4096xi32, #tpu.memory_space<hbm>> -> memref<128xi32, #tpu.memory_space<hbm>>
      %dma_start3A_14 = tpu.memref_slice %arg4[%mul3A_2] : memref<4096xi32, #tpu.memory_space<hbm>> -> memref<128xi32, #tpu.memory_space<hbm>>
      tpu.enqueue_dma source(%dma_start3A_14 : memref<128xi32, #tpu.memory_space<hbm>>) target(%arg8 : memref<128xi32, #tpu.memory_space<vmem>>) target_semaphore(%run_scoped3A : memref<!tpu.dma_semaphore, #tpu.memory_space<semaphore_mem>>)
      %dma_wait3A_15 = tpu.memref_slice %arg4[%mul3A_2] : memref<4096xi32, #tpu.memory_space<hbm>> -> memref<128xi32, #tpu.memory_space<hbm>>
      %dma_wait3A_16 = tpu.memref_slice %arg4[%mul3A_2] : memref<4096xi32, #tpu.memory_space<hbm>> -> memref<128xi32, #tpu.memory_space<hbm>>
      tpu.wait_dma2 semaphore(%run_scoped3A : memref<!tpu.dma_semaphore, #tpu.memory_space<semaphore_mem>>) src(%dma_wait3A_16 : memref<128xi32, #tpu.memory_space<hbm>>) dst(%arg8 : memref<128xi32, #tpu.memory_space<vmem>>)
      tpu.yield
    }) : () -> ()
    %dma_start3A = arith.constant 0 : i32
    %dma_start3A_3 = arith.constant 0 : i32
    %dma_start3A_4 = tpu.memref_slice %arg2[%dma_start3A, %dma_start3A_3] : memref<100000x128xf32, #tpu.memory_space<hbm>> -> memref<100000x128xf32, #tpu.memory_space<hbm>>
    tpu.enqueue_indirect_dma source(%dma_start3A_4 : memref<100000x128xf32, #tpu.memory_space<hbm>>) target(%arg9 : memref<128x128xf32, #tpu.memory_space<vmem>>) offsets(%arg7 : memref<128xi32, #tpu.memory_space<vmem>>) semaphore(%arg11 : memref<!tpu.dma_semaphore, #tpu.memory_space<semaphore_mem>>)
    %dma_start3A_5 = arith.constant 0 : i32
    %dma_start3A_6 = arith.constant 0 : i32
    %dma_start3A_7 = tpu.memref_slice %arg2[%dma_start3A_5, %dma_start3A_6] : memref<100000x128xf32, #tpu.memory_space<hbm>> -> memref<100000x128xf32, #tpu.memory_space<hbm>>
    tpu.enqueue_indirect_dma source(%dma_start3A_7 : memref<100000x128xf32, #tpu.memory_space<hbm>>) target(%arg10 : memref<128x128xf32, #tpu.memory_space<vmem>>) offsets(%arg8 : memref<128xi32, #tpu.memory_space<vmem>>) semaphore(%arg12 : memref<!tpu.dma_semaphore, #tpu.memory_space<semaphore_mem>>)
    %dma_wait3A = arith.constant 0 : i32
    %dma_wait3A_8 = arith.constant 0 : i32
    %dma_wait3A_9 = tpu.memref_slice %arg2[%dma_wait3A, %dma_wait3A_8] : memref<100000x128xf32, #tpu.memory_space<hbm>> -> memref<100000x128xf32, #tpu.memory_space<hbm>>
    tpu.wait_indirect_dma semaphore(%arg11 : memref<!tpu.dma_semaphore, #tpu.memory_space<semaphore_mem>>) src(%dma_wait3A_9 : memref<100000x128xf32, #tpu.memory_space<hbm>>) dst(%arg9 : memref<128x128xf32, #tpu.memory_space<vmem>>)
    %dma_wait3A_10 = arith.constant 0 : i32
    %dma_wait3A_11 = arith.constant 0 : i32
    %dma_wait3A_12 = tpu.memref_slice %arg2[%dma_wait3A_10, %dma_wait3A_11] : memref<100000x128xf32, #tpu.memory_space<hbm>> -> memref<100000x128xf32, #tpu.memory_space<hbm>>
    tpu.wait_indirect_dma semaphore(%arg12 : memref<!tpu.dma_semaphore, #tpu.memory_space<semaphore_mem>>) src(%dma_wait3A_12 : memref<100000x128xf32, #tpu.memory_space<hbm>>) dst(%arg10 : memref<128x128xf32, #tpu.memory_space<vmem>>)
    "tpu.region"() ({
      %run_scoped3A = tpu.sem_alloc : memref<!tpu.dma_semaphore, #tpu.memory_space<semaphore_mem>>
      %dma_start3A_13 = arith.constant 0 : i32
      %dma_start3A_14 = tpu.memref_slice %arg5[%mul3A_2, %dma_start3A_13] : memref<4096x128xf32, #tpu.memory_space<hbm>> -> memref<128x128xf32, #tpu.memory_space<hbm>>
      %dma_start3A_15 = arith.constant 0 : i32
      %dma_start3A_16 = tpu.memref_slice %arg5[%mul3A_2, %dma_start3A_15] : memref<4096x128xf32, #tpu.memory_space<hbm>> -> memref<128x128xf32, #tpu.memory_space<hbm>>
      tpu.enqueue_dma source(%arg9 : memref<128x128xf32, #tpu.memory_space<vmem>>) target(%dma_start3A_16 : memref<128x128xf32, #tpu.memory_space<hbm>>) target_semaphore(%run_scoped3A : memref<!tpu.dma_semaphore, #tpu.memory_space<semaphore_mem>>)
      %dma_wait3A_17 = arith.constant 0 : i32
      %dma_wait3A_18 = tpu.memref_slice %arg5[%mul3A_2, %dma_wait3A_17] : memref<4096x128xf32, #tpu.memory_space<hbm>> -> memref<128x128xf32, #tpu.memory_space<hbm>>
      %dma_wait3A_19 = arith.constant 0 : i32
      %dma_wait3A_20 = tpu.memref_slice %arg5[%mul3A_2, %dma_wait3A_19] : memref<4096x128xf32, #tpu.memory_space<hbm>> -> memref<128x128xf32, #tpu.memory_space<hbm>>
      tpu.wait_dma2 semaphore(%run_scoped3A : memref<!tpu.dma_semaphore, #tpu.memory_space<semaphore_mem>>) src(%arg9 : memref<128x128xf32, #tpu.memory_space<vmem>>) dst(%dma_wait3A_20 : memref<128x128xf32, #tpu.memory_space<hbm>>)
      tpu.yield
    }) : () -> ()
    "tpu.region"() ({
      %run_scoped3A = tpu.sem_alloc : memref<!tpu.dma_semaphore, #tpu.memory_space<semaphore_mem>>
      %dma_start3A_13 = arith.constant 0 : i32
      %dma_start3A_14 = tpu.memref_slice %arg6[%mul3A_2, %dma_start3A_13] : memref<4096x128xf32, #tpu.memory_space<hbm>> -> memref<128x128xf32, #tpu.memory_space<hbm>>
      %dma_start3A_15 = arith.constant 0 : i32
      %dma_start3A_16 = tpu.memref_slice %arg6[%mul3A_2, %dma_start3A_15] : memref<4096x128xf32, #tpu.memory_space<hbm>> -> memref<128x128xf32, #tpu.memory_space<hbm>>
      tpu.enqueue_dma source(%arg10 : memref<128x128xf32, #tpu.memory_space<vmem>>) target(%dma_start3A_16 : memref<128x128xf32, #tpu.memory_space<hbm>>) target_semaphore(%run_scoped3A : memref<!tpu.dma_semaphore, #tpu.memory_space<semaphore_mem>>)
      %dma_wait3A_17 = arith.constant 0 : i32
      %dma_wait3A_18 = tpu.memref_slice %arg6[%mul3A_2, %dma_wait3A_17] : memref<4096x128xf32, #tpu.memory_space<hbm>> -> memref<128x128xf32, #tpu.memory_space<hbm>>
      %dma_wait3A_19 = arith.constant 0 : i32
      %dma_wait3A_20 = tpu.memref_slice %arg6[%mul3A_2, %dma_wait3A_19] : memref<4096x128xf32, #tpu.memory_space<hbm>> -> memref<128x128xf32, #tpu.memory_space<hbm>>
      tpu.wait_dma2 semaphore(%run_scoped3A : memref<!tpu.dma_semaphore, #tpu.memory_space<semaphore_mem>>) src(%arg10 : memref<128x128xf32, #tpu.memory_space<vmem>>) dst(%dma_wait3A_20 : memref<128x128xf32, #tpu.memory_space<hbm>>)
      tpu.yield
    }) : () -> ()
    return
  }
}

module attributes {stable_mosaic.version = 14 : i64} {
  func.func @_tc_score_body(%arg0: i32, %arg1: memref<1001xi32, #tpu.memory_space<smem>>, %arg2: memref<40x128x128xf32, #tpu.memory_space<vmem>>, %arg3: memref<40x128xf32, #tpu.memory_space<vmem>>, %arg4: memref<4096x128xf32, #tpu.memory_space<vmem>>, %arg5: memref<4096x128xf32, #tpu.memory_space<vmem>>, %arg6: memref<4096x1xf32, #tpu.memory_space<vmem>>, %arg7: memref<4096x128xbf16, #tpu.memory_space<vmem>>, %arg8: memref<4096x128xf32, #tpu.memory_space<vmem>>) attributes {dimension_semantics = [#tpu.dimension_semantics<arbitrary>], iteration_bounds = array<i64: 25>, scalar_prefetch = 1 : i64, scratch_operands = 2 : i64, tpu.core_type = #tpu.core_type<tc>, window_params = [{transform_indices = @transform_0, window_bounds = array<i64: 40, 128, 128>}, {transform_indices = @transform_1, window_bounds = array<i64: 40, 128>}, {pipeline_mode = #tpu.pipeline_mode<synchronous>, transform_indices = @transform_2, window_bounds = array<i64: 4096, 128>}, {pipeline_mode = #tpu.pipeline_mode<synchronous>, transform_indices = @transform_3, window_bounds = array<i64: 4096, 128>}, {pipeline_mode = #tpu.pipeline_mode<synchronous>, transform_indices = @transform_4, window_bounds = array<i64: 4096, 1>}]} {
    %eq3A = arith.constant 0 : i32
    %eq3A_0 = arith.cmpi eq, %arg0, %eq3A : i32
    %convert_element_type3A = arith.extui %eq3A_0 : i1 to i32
    %cond3A = arith.constant 0 : i32
    %cond3A_1 = arith.cmpi ne, %convert_element_type3A, %cond3A : i32
    scf.if %cond3A_1 {
      %get3A_380 = arith.constant 0 : index
      %get3A_381 = arith.constant 0 : index
      %get3A_382 = vector.load %arg4[%get3A_380, %get3A_381] : memref<4096x128xf32, #tpu.memory_space<vmem>>, vector<128x128xf32>
      %get3A_383 = arith.constant 0 : index
      %get3A_384 = arith.constant 0 : index
      %get3A_385 = vector.load %arg5[%get3A_383, %get3A_384] : memref<4096x128xf32, #tpu.memory_space<vmem>>, vector<128x128xf32>
      %sub3A_386 = arith.subf %get3A_382, %get3A_385 : vector<128x128xf32>
      %bitcast_convert_type3A = tpu.bitcast %sub3A_386 : vector<128x128xf32> -> vector<128x128xi32>
      %add3A_387 = arith.constant 32768 : i32
      %add3A_388 = vector.broadcast %add3A_387 : i32 to vector<128x128xi32>
      %add3A_389 = arith.addi %bitcast_convert_type3A, %add3A_388 : vector<128x128xi32>
      %bitcast_convert_type3A_390 = tpu.bitcast %add3A_389 : vector<128x128xi32> -> vector<128x128xf32>
      %convert_element_type3A_391 = arith.truncf %bitcast_convert_type3A_390 : vector<128x128xf32> to vector<128x128xbf16>
      %swap3A = arith.constant 0 : index
      %swap3A_392 = arith.constant 0 : index
      %swap3A_393 = vector.load %arg7[%swap3A, %swap3A_392] : memref<4096x128xbf16, #tpu.memory_space<vmem>>, vector<128x128xbf16>
      tpu.vector_store %arg7[%swap3A, %swap3A_392], %convert_element_type3A_391 {strides = array<i32>} : memref<4096x128xbf16, #tpu.memory_space<vmem>>, vector<128x128xbf16>,
      %broadcast_in_dim3A = arith.constant 0.000000e+00 : f32
      %broadcast_in_dim3A_394 = vector.broadcast %broadcast_in_dim3A : f32 to vector<128x128xf32>
      %swap3A_395 = arith.constant 0 : index
      %swap3A_396 = arith.constant 0 : index
      %swap3A_397 = vector.load %arg8[%swap3A_395, %swap3A_396] : memref<4096x128xf32, #tpu.memory_space<vmem>>, vector<128x128xf32>
      tpu.vector_store %arg8[%swap3A_395, %swap3A_396], %broadcast_in_dim3A_394 {strides = array<i32>} : memref<4096x128xf32, #tpu.memory_space<vmem>>, vector<128x128xf32>,
      %get3A_398 = arith.constant 128 : index
      %get3A_399 = arith.constant 0 : index
      %get3A_400 = vector.load %arg4[%get3A_398, %get3A_399] : memref<4096x128xf32, #tpu.memory_space<vmem>>, vector<128x128xf32>
      %get3A_401 = arith.constant 128 : index
      %get3A_402 = arith.constant 0 : index
      %get3A_403 = vector.load %arg5[%get3A_401, %get3A_402] : memref<4096x128xf32, #tpu.memory_space<vmem>>, vector<128x128xf32>
      %sub3A_404 = arith.subf %get3A_400, %get3A_403 : vector<128x128xf32>
      %bitcast_convert_type3A_405 = tpu.bitcast %sub3A_404 : vector<128x128xf32> -> vector<128x128xi32>
      %add3A_406 = arith.constant 32768 : i32
      %add3A_407 = vector.broadcast %add3A_406 : i32 to vector<128x128xi32>
      %add3A_408 = arith.addi %bitcast_convert_type3A_405, %add3A_407 : vector<128x128xi32>
      %bitcast_convert_type3A_409 = tpu.bitcast %add3A_408 : vector<128x128xi32> -> vector<128x128xf32>
      %convert_element_type3A_410 = arith.truncf %bitcast_convert_type3A_409 : vector<128x128xf32> to vector<128x128xbf16>
      %swap3A_411 = arith.constant 128 : index
      %swap3A_412 = arith.constant 0 : index
      %swap3A_413 = vector.load %arg7[%swap3A_411, %swap3A_412] : memref<4096x128xbf16, #tpu.memory_space<vmem>>, vector<128x128xbf16>
      tpu.vector_store %arg7[%swap3A_411, %swap3A_412], %convert_element_type3A_410 {strides = array<i32>} : memref<4096x128xbf16, #tpu.memory_space<vmem>>, vector<128x128xbf16>,
      %broadcast_in_dim3A_414 = arith.constant 0.000000e+00 : f32
      %broadcast_in_dim3A_415 = vector.broadcast %broadcast_in_dim3A_414 : f32 to vector<128x128xf32>
      %swap3A_416 = arith.constant 128 : index
      %swap3A_417 = arith.constant 0 : index
      %swap3A_418 = vector.load %arg8[%swap3A_416, %swap3A_417] : memref<4096x128xf32, #tpu.memory_space<vmem>>, vector<128x128xf32>
      tpu.vector_store %arg8[%swap3A_416, %swap3A_417], %broadcast_in_dim3A_415 {strides = array<i32>} : memref<4096x128xf32, #tpu.memory_space<vmem>>, vector<128x128xf32>,
      %get3A_419 = arith.constant 256 : index
      %get3A_420 = arith.constant 0 : index
      %get3A_421 = vector.load %arg4[%get3A_419, %get3A_420] : memref<4096x128xf32, #tpu.memory_space<vmem>>, vector<128x128xf32>
      %get3A_422 = arith.constant 256 : index
      %get3A_423 = arith.constant 0 : index
      %get3A_424 = vector.load %arg5[%get3A_422, %get3A_423] : memref<4096x128xf32, #tpu.memory_space<vmem>>, vector<128x128xf32>
      %sub3A_425 = arith.subf %get3A_421, %get3A_424 : vector<128x128xf32>
      %bitcast_convert_type3A_426 = tpu.bitcast %sub3A_425 : vector<128x128xf32> -> vector<128x128xi32>
      %add3A_427 = arith.constant 32768 : i32
      %add3A_428 = vector.broadcast %add3A_427 : i32 to vector<128x128xi32>
      %add3A_429 = arith.addi %bitcast_convert_type3A_426, %add3A_428 : vector<128x128xi32>
      %bitcast_convert_type3A_430 = tpu.bitcast %add3A_429 : vector<128x128xi32> -> vector<128x128xf32>
      %convert_element_type3A_431 = arith.truncf %bitcast_convert_type3A_430 : vector<128x128xf32> to vector<128x128xbf16>
      %swap3A_432 = arith.constant 256 : index
      %swap3A_433 = arith.constant 0 : index
      %swap3A_434 = vector.load %arg7[%swap3A_432, %swap3A_433] : memref<4096x128xbf16, #tpu.memory_space<vmem>>, vector<128x128xbf16>
      tpu.vector_store %arg7[%swap3A_432, %swap3A_433], %convert_element_type3A_431 {strides = array<i32>} : memref<4096x128xbf16, #tpu.memory_space<vmem>>, vector<128x128xbf16>,
      %broadcast_in_dim3A_435 = arith.constant 0.000000e+00 : f32
      %broadcast_in_dim3A_436 = vector.broadcast %broadcast_in_dim3A_435 : f32 to vector<128x128xf32>
      %swap3A_437 = arith.constant 256 : index
      %swap3A_438 = arith.constant 0 : index
      %swap3A_439 = vector.load %arg8[%swap3A_437, %swap3A_438] : memref<4096x128xf32, #tpu.memory_space<vmem>>, vector<128x128xf32>
      tpu.vector_store %arg8[%swap3A_437, %swap3A_438], %broadcast_in_dim3A_436 {strides = array<i32>} : memref<4096x128xf32, #tpu.memory_space<vmem>>, vector<128x128xf32>,
      %get3A_440 = arith.constant 384 : index
      %get3A_441 = arith.constant 0 : index
      %get3A_442 = vector.load %arg4[%get3A_440, %get3A_441] : memref<4096x128xf32, #tpu.memory_space<vmem>>, vector<128x128xf32>
      %get3A_443 = arith.constant 384 : index
      %get3A_444 = arith.constant 0 : index
      %get3A_445 = vector.load %arg5[%get3A_443, %get3A_444] : memref<4096x128xf32, #tpu.memory_space<vmem>>, vector<128x128xf32>
      %sub3A_446 = arith.subf %get3A_442, %get3A_445 : vector<128x128xf32>
      %bitcast_convert_type3A_447 = tpu.bitcast %sub3A_446 : vector<128x128xf32> -> vector<128x128xi32>
      %add3A_448 = arith.constant 32768 : i32
      %add3A_449 = vector.broadcast %add3A_448 : i32 to vector<128x128xi32>
      %add3A_450 = arith.addi %bitcast_convert_type3A_447, %add3A_449 : vector<128x128xi32>
      %bitcast_convert_type3A_451 = tpu.bitcast %add3A_450 : vector<128x128xi32> -> vector<128x128xf32>
      %convert_element_type3A_452 = arith.truncf %bitcast_convert_type3A_451 : vector<128x128xf32> to vector<128x128xbf16>
      %swap3A_453 = arith.constant 384 : index
      %swap3A_454 = arith.constant 0 : index
      %swap3A_455 = vector.load %arg7[%swap3A_453, %swap3A_454] : memref<4096x128xbf16, #tpu.memory_space<vmem>>, vector<128x128xbf16>
      tpu.vector_store %arg7[%swap3A_453, %swap3A_454], %convert_element_type3A_452 {strides = array<i32>} : memref<4096x128xbf16, #tpu.memory_space<vmem>>, vector<128x128xbf16>,
      %broadcast_in_dim3A_456 = arith.constant 0.000000e+00 : f32
      %broadcast_in_dim3A_457 = vector.broadcast %broadcast_in_dim3A_456 : f32 to vector<128x128xf32>
      %swap3A_458 = arith.constant 384 : index
      %swap3A_459 = arith.constant 0 : index
      %swap3A_460 = vector.load %arg8[%swap3A_458, %swap3A_459] : memref<4096x128xf32, #tpu.memory_space<vmem>>, vector<128x128xf32>
      tpu.vector_store %arg8[%swap3A_458, %swap3A_459], %broadcast_in_dim3A_457 {strides = array<i32>} : memref<4096x128xf32, #tpu.memory_space<vmem>>, vector<128x128xf32>,
      %get3A_461 = arith.constant 512 : index
      %get3A_462 = arith.constant 0 : index
      %get3A_463 = vector.load %arg4[%get3A_461, %get3A_462] : memref<4096x128xf32, #tpu.memory_space<vmem>>, vector<128x128xf32>
      %get3A_464 = arith.constant 512 : index
      %get3A_465 = arith.constant 0 : index
      %get3A_466 = vector.load %arg5[%get3A_464, %get3A_465] : memref<4096x128xf32, #tpu.memory_space<vmem>>, vector<128x128xf32>
      %sub3A_467 = arith.subf %get3A_463, %get3A_466 : vector<128x128xf32>
      %bitcast_convert_type3A_468 = tpu.bitcast %sub3A_467 : vector<128x128xf32> -> vector<128x128xi32>
      %add3A_469 = arith.constant 32768 : i32
      %add3A_470 = vector.broadcast %add3A_469 : i32 to vector<128x128xi32>
      %add3A_471 = arith.addi %bitcast_convert_type3A_468, %add3A_470 : vector<128x128xi32>
      %bitcast_convert_type3A_472 = tpu.bitcast %add3A_471 : vector<128x128xi32> -> vector<128x128xf32>
      %convert_element_type3A_473 = arith.truncf %bitcast_convert_type3A_472 : vector<128x128xf32> to vector<128x128xbf16>
      %swap3A_474 = arith.constant 512 : index
      %swap3A_475 = arith.constant 0 : index
      %swap3A_476 = vector.load %arg7[%swap3A_474, %swap3A_475] : memref<4096x128xbf16, #tpu.memory_space<vmem>>, vector<128x128xbf16>
      tpu.vector_store %arg7[%swap3A_474, %swap3A_475], %convert_element_type3A_473 {strides = array<i32>} : memref<4096x128xbf16, #tpu.memory_space<vmem>>, vector<128x128xbf16>,
      %broadcast_in_dim3A_477 = arith.constant 0.000000e+00 : f32
      %broadcast_in_dim3A_478 = vector.broadcast %broadcast_in_dim3A_477 : f32 to vector<128x128xf32>
      %swap3A_479 = arith.constant 512 : index
      %swap3A_480 = arith.constant 0 : index
      %swap3A_481 = vector.load %arg8[%swap3A_479, %swap3A_480] : memref<4096x128xf32, #tpu.memory_space<vmem>>, vector<128x128xf32>
      tpu.vector_store %arg8[%swap3A_479, %swap3A_480], %broadcast_in_dim3A_478 {strides = array<i32>} : memref<4096x128xf32, #tpu.memory_space<vmem>>, vector<128x128xf32>,
      %get3A_482 = arith.constant 640 : index
      %get3A_483 = arith.constant 0 : index
      %get3A_484 = vector.load %arg4[%get3A_482, %get3A_483] : memref<4096x128xf32, #tpu.memory_space<vmem>>, vector<128x128xf32>
      %get3A_485 = arith.constant 640 : index
      %get3A_486 = arith.constant 0 : index
      %get3A_487 = vector.load %arg5[%get3A_485, %get3A_486] : memref<4096x128xf32, #tpu.memory_space<vmem>>, vector<128x128xf32>
      %sub3A_488 = arith.subf %get3A_484, %get3A_487 : vector<128x128xf32>
      %bitcast_convert_type3A_489 = tpu.bitcast %sub3A_488 : vector<128x128xf32> -> vector<128x128xi32>
      %add3A_490 = arith.constant 32768 : i32
      %add3A_491 = vector.broadcast %add3A_490 : i32 to vector<128x128xi32>
      %add3A_492 = arith.addi %bitcast_convert_type3A_489, %add3A_491 : vector<128x128xi32>
      %bitcast_convert_type3A_493 = tpu.bitcast %add3A_492 : vector<128x128xi32> -> vector<128x128xf32>
      %convert_element_type3A_494 = arith.truncf %bitcast_convert_type3A_493 : vector<128x128xf32> to vector<128x128xbf16>
      %swap3A_495 = arith.constant 640 : index
      %swap3A_496 = arith.constant 0 : index
      %swap3A_497 = vector.load %arg7[%swap3A_495, %swap3A_496] : memref<4096x128xbf16, #tpu.memory_space<vmem>>, vector<128x128xbf16>
      tpu.vector_store %arg7[%swap3A_495, %swap3A_496], %convert_element_type3A_494 {strides = array<i32>} : memref<4096x128xbf16, #tpu.memory_space<vmem>>, vector<128x128xbf16>,
      %broadcast_in_dim3A_498 = arith.constant 0.000000e+00 : f32
      %broadcast_in_dim3A_499 = vector.broadcast %broadcast_in_dim3A_498 : f32 to vector<128x128xf32>
      %swap3A_500 = arith.constant 640 : index
      %swap3A_501 = arith.constant 0 : index
      %swap3A_502 = vector.load %arg8[%swap3A_500, %swap3A_501] : memref<4096x128xf32, #tpu.memory_space<vmem>>, vector<128x128xf32>
      tpu.vector_store %arg8[%swap3A_500, %swap3A_501], %broadcast_in_dim3A_499 {strides = array<i32>} : memref<4096x128xf32, #tpu.memory_space<vmem>>, vector<128x128xf32>,
      %get3A_503 = arith.constant 768 : index
      %get3A_504 = arith.constant 0 : index
      %get3A_505 = vector.load %arg4[%get3A_503, %get3A_504] : memref<4096x128xf32, #tpu.memory_space<vmem>>, vector<128x128xf32>
      %get3A_506 = arith.constant 768 : index
      %get3A_507 = arith.constant 0 : index
      %get3A_508 = vector.load %arg5[%get3A_506, %get3A_507] : memref<4096x128xf32, #tpu.memory_space<vmem>>, vector<128x128xf32>
      %sub3A_509 = arith.subf %get3A_505, %get3A_508 : vector<128x128xf32>
      %bitcast_convert_type3A_510 = tpu.bitcast %sub3A_509 : vector<128x128xf32> -> vector<128x128xi32>
      %add3A_511 = arith.constant 32768 : i32
      %add3A_512 = vector.broadcast %add3A_511 : i32 to vector<128x128xi32>
      %add3A_513 = arith.addi %bitcast_convert_type3A_510, %add3A_512 : vector<128x128xi32>
      %bitcast_convert_type3A_514 = tpu.bitcast %add3A_513 : vector<128x128xi32> -> vector<128x128xf32>
      %convert_element_type3A_515 = arith.truncf %bitcast_convert_type3A_514 : vector<128x128xf32> to vector<128x128xbf16>
      %swap3A_516 = arith.constant 768 : index
      %swap3A_517 = arith.constant 0 : index
      %swap3A_518 = vector.load %arg7[%swap3A_516, %swap3A_517] : memref<4096x128xbf16, #tpu.memory_space<vmem>>, vector<128x128xbf16>
      tpu.vector_store %arg7[%swap3A_516, %swap3A_517], %convert_element_type3A_515 {strides = array<i32>} : memref<4096x128xbf16, #tpu.memory_space<vmem>>, vector<128x128xbf16>,
      %broadcast_in_dim3A_519 = arith.constant 0.000000e+00 : f32
      %broadcast_in_dim3A_520 = vector.broadcast %broadcast_in_dim3A_519 : f32 to vector<128x128xf32>
      %swap3A_521 = arith.constant 768 : index
      %swap3A_522 = arith.constant 0 : index
      %swap3A_523 = vector.load %arg8[%swap3A_521, %swap3A_522] : memref<4096x128xf32, #tpu.memory_space<vmem>>, vector<128x128xf32>
      tpu.vector_store %arg8[%swap3A_521, %swap3A_522], %broadcast_in_dim3A_520 {strides = array<i32>} : memref<4096x128xf32, #tpu.memory_space<vmem>>, vector<128x128xf32>,
      %get3A_524 = arith.constant 896 : index
      %get3A_525 = arith.constant 0 : index
      %get3A_526 = vector.load %arg4[%get3A_524, %get3A_525] : memref<4096x128xf32, #tpu.memory_space<vmem>>, vector<128x128xf32>
      %get3A_527 = arith.constant 896 : index
      %get3A_528 = arith.constant 0 : index
      %get3A_529 = vector.load %arg5[%get3A_527, %get3A_528] : memref<4096x128xf32, #tpu.memory_space<vmem>>, vector<128x128xf32>
      %sub3A_530 = arith.subf %get3A_526, %get3A_529 : vector<128x128xf32>
      %bitcast_convert_type3A_531 = tpu.bitcast %sub3A_530 : vector<128x128xf32> -> vector<128x128xi32>
      %add3A_532 = arith.constant 32768 : i32
      %add3A_533 = vector.broadcast %add3A_532 : i32 to vector<128x128xi32>
      %add3A_534 = arith.addi %bitcast_convert_type3A_531, %add3A_533 : vector<128x128xi32>
      %bitcast_convert_type3A_535 = tpu.bitcast %add3A_534 : vector<128x128xi32> -> vector<128x128xf32>
      %convert_element_type3A_536 = arith.truncf %bitcast_convert_type3A_535 : vector<128x128xf32> to vector<128x128xbf16>
      %swap3A_537 = arith.constant 896 : index
      %swap3A_538 = arith.constant 0 : index
      %swap3A_539 = vector.load %arg7[%swap3A_537, %swap3A_538] : memref<4096x128xbf16, #tpu.memory_space<vmem>>, vector<128x128xbf16>
      tpu.vector_store %arg7[%swap3A_537, %swap3A_538], %convert_element_type3A_536 {strides = array<i32>} : memref<4096x128xbf16, #tpu.memory_space<vmem>>, vector<128x128xbf16>,
      %broadcast_in_dim3A_540 = arith.constant 0.000000e+00 : f32
      %broadcast_in_dim3A_541 = vector.broadcast %broadcast_in_dim3A_540 : f32 to vector<128x128xf32>
      %swap3A_542 = arith.constant 896 : index
      %swap3A_543 = arith.constant 0 : index
      %swap3A_544 = vector.load %arg8[%swap3A_542, %swap3A_543] : memref<4096x128xf32, #tpu.memory_space<vmem>>, vector<128x128xf32>
      tpu.vector_store %arg8[%swap3A_542, %swap3A_543], %broadcast_in_dim3A_541 {strides = array<i32>} : memref<4096x128xf32, #tpu.memory_space<vmem>>, vector<128x128xf32>,
      %get3A_545 = arith.constant 1024 : index
      %get3A_546 = arith.constant 0 : index
      %get3A_547 = vector.load %arg4[%get3A_545, %get3A_546] : memref<4096x128xf32, #tpu.memory_space<vmem>>, vector<128x128xf32>
      %get3A_548 = arith.constant 1024 : index
      %get3A_549 = arith.constant 0 : index
      %get3A_550 = vector.load %arg5[%get3A_548, %get3A_549] : memref<4096x128xf32, #tpu.memory_space<vmem>>, vector<128x128xf32>
      %sub3A_551 = arith.subf %get3A_547, %get3A_550 : vector<128x128xf32>
      %bitcast_convert_type3A_552 = tpu.bitcast %sub3A_551 : vector<128x128xf32> -> vector<128x128xi32>
      %add3A_553 = arith.constant 32768 : i32
      %add3A_554 = vector.broadcast %add3A_553 : i32 to vector<128x128xi32>
      %add3A_555 = arith.addi %bitcast_convert_type3A_552, %add3A_554 : vector<128x128xi32>
      %bitcast_convert_type3A_556 = tpu.bitcast %add3A_555 : vector<128x128xi32> -> vector<128x128xf32>
      %convert_element_type3A_557 = arith.truncf %bitcast_convert_type3A_556 : vector<128x128xf32> to vector<128x128xbf16>
      %swap3A_558 = arith.constant 1024 : index
      %swap3A_559 = arith.constant 0 : index
      %swap3A_560 = vector.load %arg7[%swap3A_558, %swap3A_559] : memref<4096x128xbf16, #tpu.memory_space<vmem>>, vector<128x128xbf16>
      tpu.vector_store %arg7[%swap3A_558, %swap3A_559], %convert_element_type3A_557 {strides = array<i32>} : memref<4096x128xbf16, #tpu.memory_space<vmem>>, vector<128x128xbf16>,
      %broadcast_in_dim3A_561 = arith.constant 0.000000e+00 : f32
      %broadcast_in_dim3A_562 = vector.broadcast %broadcast_in_dim3A_561 : f32 to vector<128x128xf32>
      %swap3A_563 = arith.constant 1024 : index
      %swap3A_564 = arith.constant 0 : index
      %swap3A_565 = vector.load %arg8[%swap3A_563, %swap3A_564] : memref<4096x128xf32, #tpu.memory_space<vmem>>, vector<128x128xf32>
      tpu.vector_store %arg8[%swap3A_563, %swap3A_564], %broadcast_in_dim3A_562 {strides = array<i32>} : memref<4096x128xf32, #tpu.memory_space<vmem>>, vector<128x128xf32>,
      %get3A_566 = arith.constant 1152 : index
      %get3A_567 = arith.constant 0 : index
      %get3A_568 = vector.load %arg4[%get3A_566, %get3A_567] : memref<4096x128xf32, #tpu.memory_space<vmem>>, vector<128x128xf32>
      %get3A_569 = arith.constant 1152 : index
      %get3A_570 = arith.constant 0 : index
      %get3A_571 = vector.load %arg5[%get3A_569, %get3A_570] : memref<4096x128xf32, #tpu.memory_space<vmem>>, vector<128x128xf32>
      %sub3A_572 = arith.subf %get3A_568, %get3A_571 : vector<128x128xf32>
      %bitcast_convert_type3A_573 = tpu.bitcast %sub3A_572 : vector<128x128xf32> -> vector<128x128xi32>
      %add3A_574 = arith.constant 32768 : i32
      %add3A_575 = vector.broadcast %add3A_574 : i32 to vector<128x128xi32>
      %add3A_576 = arith.addi %bitcast_convert_type3A_573, %add3A_575 : vector<128x128xi32>
      %bitcast_convert_type3A_577 = tpu.bitcast %add3A_576 : vector<128x128xi32> -> vector<128x128xf32>
      %convert_element_type3A_578 = arith.truncf %bitcast_convert_type3A_577 : vector<128x128xf32> to vector<128x128xbf16>
      %swap3A_579 = arith.constant 1152 : index
      %swap3A_580 = arith.constant 0 : index
      %swap3A_581 = vector.load %arg7[%swap3A_579, %swap3A_580] : memref<4096x128xbf16, #tpu.memory_space<vmem>>, vector<128x128xbf16>
      tpu.vector_store %arg7[%swap3A_579, %swap3A_580], %convert_element_type3A_578 {strides = array<i32>} : memref<4096x128xbf16, #tpu.memory_space<vmem>>, vector<128x128xbf16>,
      %broadcast_in_dim3A_582 = arith.constant 0.000000e+00 : f32
      %broadcast_in_dim3A_583 = vector.broadcast %broadcast_in_dim3A_582 : f32 to vector<128x128xf32>
      %swap3A_584 = arith.constant 1152 : index
      %swap3A_585 = arith.constant 0 : index
      %swap3A_586 = vector.load %arg8[%swap3A_584, %swap3A_585] : memref<4096x128xf32, #tpu.memory_space<vmem>>, vector<128x128xf32>
      tpu.vector_store %arg8[%swap3A_584, %swap3A_585], %broadcast_in_dim3A_583 {strides = array<i32>} : memref<4096x128xf32, #tpu.memory_space<vmem>>, vector<128x128xf32>,
      %get3A_587 = arith.constant 1280 : index
      %get3A_588 = arith.constant 0 : index
      %get3A_589 = vector.load %arg4[%get3A_587, %get3A_588] : memref<4096x128xf32, #tpu.memory_space<vmem>>, vector<128x128xf32>
      %get3A_590 = arith.constant 1280 : index
      %get3A_591 = arith.constant 0 : index
      %get3A_592 = vector.load %arg5[%get3A_590, %get3A_591] : memref<4096x128xf32, #tpu.memory_space<vmem>>, vector<128x128xf32>
      %sub3A_593 = arith.subf %get3A_589, %get3A_592 : vector<128x128xf32>
      %bitcast_convert_type3A_594 = tpu.bitcast %sub3A_593 : vector<128x128xf32> -> vector<128x128xi32>
      %add3A_595 = arith.constant 32768 : i32
      %add3A_596 = vector.broadcast %add3A_595 : i32 to vector<128x128xi32>
      %add3A_597 = arith.addi %bitcast_convert_type3A_594, %add3A_596 : vector<128x128xi32>
      %bitcast_convert_type3A_598 = tpu.bitcast %add3A_597 : vector<128x128xi32> -> vector<128x128xf32>
      %convert_element_type3A_599 = arith.truncf %bitcast_convert_type3A_598 : vector<128x128xf32> to vector<128x128xbf16>
      %swap3A_600 = arith.constant 1280 : index
      %swap3A_601 = arith.constant 0 : index
      %swap3A_602 = vector.load %arg7[%swap3A_600, %swap3A_601] : memref<4096x128xbf16, #tpu.memory_space<vmem>>, vector<128x128xbf16>
      tpu.vector_store %arg7[%swap3A_600, %swap3A_601], %convert_element_type3A_599 {strides = array<i32>} : memref<4096x128xbf16, #tpu.memory_space<vmem>>, vector<128x128xbf16>,
      %broadcast_in_dim3A_603 = arith.constant 0.000000e+00 : f32
      %broadcast_in_dim3A_604 = vector.broadcast %broadcast_in_dim3A_603 : f32 to vector<128x128xf32>
      %swap3A_605 = arith.constant 1280 : index
      %swap3A_606 = arith.constant 0 : index
      %swap3A_607 = vector.load %arg8[%swap3A_605, %swap3A_606] : memref<4096x128xf32, #tpu.memory_space<vmem>>, vector<128x128xf32>
      tpu.vector_store %arg8[%swap3A_605, %swap3A_606], %broadcast_in_dim3A_604 {strides = array<i32>} : memref<4096x128xf32, #tpu.memory_space<vmem>>, vector<128x128xf32>,
      %get3A_608 = arith.constant 1408 : index
      %get3A_609 = arith.constant 0 : index
      %get3A_610 = vector.load %arg4[%get3A_608, %get3A_609] : memref<4096x128xf32, #tpu.memory_space<vmem>>, vector<128x128xf32>
      %get3A_611 = arith.constant 1408 : index
      %get3A_612 = arith.constant 0 : index
      %get3A_613 = vector.load %arg5[%get3A_611, %get3A_612] : memref<4096x128xf32, #tpu.memory_space<vmem>>, vector<128x128xf32>
      %sub3A_614 = arith.subf %get3A_610, %get3A_613 : vector<128x128xf32>
      %bitcast_convert_type3A_615 = tpu.bitcast %sub3A_614 : vector<128x128xf32> -> vector<128x128xi32>
      %add3A_616 = arith.constant 32768 : i32
      %add3A_617 = vector.broadcast %add3A_616 : i32 to vector<128x128xi32>
      %add3A_618 = arith.addi %bitcast_convert_type3A_615, %add3A_617 : vector<128x128xi32>
      %bitcast_convert_type3A_619 = tpu.bitcast %add3A_618 : vector<128x128xi32> -> vector<128x128xf32>
      %convert_element_type3A_620 = arith.truncf %bitcast_convert_type3A_619 : vector<128x128xf32> to vector<128x128xbf16>
      %swap3A_621 = arith.constant 1408 : index
      %swap3A_622 = arith.constant 0 : index
      %swap3A_623 = vector.load %arg7[%swap3A_621, %swap3A_622] : memref<4096x128xbf16, #tpu.memory_space<vmem>>, vector<128x128xbf16>
      tpu.vector_store %arg7[%swap3A_621, %swap3A_622], %convert_element_type3A_620 {strides = array<i32>} : memref<4096x128xbf16, #tpu.memory_space<vmem>>, vector<128x128xbf16>,
      %broadcast_in_dim3A_624 = arith.constant 0.000000e+00 : f32
      %broadcast_in_dim3A_625 = vector.broadcast %broadcast_in_dim3A_624 : f32 to vector<128x128xf32>
      %swap3A_626 = arith.constant 1408 : index
      %swap3A_627 = arith.constant 0 : index
      %swap3A_628 = vector.load %arg8[%swap3A_626, %swap3A_627] : memref<4096x128xf32, #tpu.memory_space<vmem>>, vector<128x128xf32>
      tpu.vector_store %arg8[%swap3A_626, %swap3A_627], %broadcast_in_dim3A_625 {strides = array<i32>} : memref<4096x128xf32, #tpu.memory_space<vmem>>, vector<128x128xf32>,
      %get3A_629 = arith.constant 1536 : index
      %get3A_630 = arith.constant 0 : index
      %get3A_631 = vector.load %arg4[%get3A_629, %get3A_630] : memref<4096x128xf32, #tpu.memory_space<vmem>>, vector<128x128xf32>
      %get3A_632 = arith.constant 1536 : index
      %get3A_633 = arith.constant 0 : index
      %get3A_634 = vector.load %arg5[%get3A_632, %get3A_633] : memref<4096x128xf32, #tpu.memory_space<vmem>>, vector<128x128xf32>
      %sub3A_635 = arith.subf %get3A_631, %get3A_634 : vector<128x128xf32>
      %bitcast_convert_type3A_636 = tpu.bitcast %sub3A_635 : vector<128x128xf32> -> vector<128x128xi32>
      %add3A_637 = arith.constant 32768 : i32
      %add3A_638 = vector.broadcast %add3A_637 : i32 to vector<128x128xi32>
      %add3A_639 = arith.addi %bitcast_convert_type3A_636, %add3A_638 : vector<128x128xi32>
      %bitcast_convert_type3A_640 = tpu.bitcast %add3A_639 : vector<128x128xi32> -> vector<128x128xf32>
      %convert_element_type3A_641 = arith.truncf %bitcast_convert_type3A_640 : vector<128x128xf32> to vector<128x128xbf16>
      %swap3A_642 = arith.constant 1536 : index
      %swap3A_643 = arith.constant 0 : index
      %swap3A_644 = vector.load %arg7[%swap3A_642, %swap3A_643] : memref<4096x128xbf16, #tpu.memory_space<vmem>>, vector<128x128xbf16>
      tpu.vector_store %arg7[%swap3A_642, %swap3A_643], %convert_element_type3A_641 {strides = array<i32>} : memref<4096x128xbf16, #tpu.memory_space<vmem>>, vector<128x128xbf16>,
      %broadcast_in_dim3A_645 = arith.constant 0.000000e+00 : f32
      %broadcast_in_dim3A_646 = vector.broadcast %broadcast_in_dim3A_645 : f32 to vector<128x128xf32>
      %swap3A_647 = arith.constant 1536 : index
      %swap3A_648 = arith.constant 0 : index
      %swap3A_649 = vector.load %arg8[%swap3A_647, %swap3A_648] : memref<4096x128xf32, #tpu.memory_space<vmem>>, vector<128x128xf32>
      tpu.vector_store %arg8[%swap3A_647, %swap3A_648], %broadcast_in_dim3A_646 {strides = array<i32>} : memref<4096x128xf32, #tpu.memory_space<vmem>>, vector<128x128xf32>,
      %get3A_650 = arith.constant 1664 : index
      %get3A_651 = arith.constant 0 : index
      %get3A_652 = vector.load %arg4[%get3A_650, %get3A_651] : memref<4096x128xf32, #tpu.memory_space<vmem>>, vector<128x128xf32>
      %get3A_653 = arith.constant 1664 : index
      %get3A_654 = arith.constant 0 : index
      %get3A_655 = vector.load %arg5[%get3A_653, %get3A_654] : memref<4096x128xf32, #tpu.memory_space<vmem>>, vector<128x128xf32>
      %sub3A_656 = arith.subf %get3A_652, %get3A_655 : vector<128x128xf32>
      %bitcast_convert_type3A_657 = tpu.bitcast %sub3A_656 : vector<128x128xf32> -> vector<128x128xi32>
      %add3A_658 = arith.constant 32768 : i32
      %add3A_659 = vector.broadcast %add3A_658 : i32 to vector<128x128xi32>
      %add3A_660 = arith.addi %bitcast_convert_type3A_657, %add3A_659 : vector<128x128xi32>
      %bitcast_convert_type3A_661 = tpu.bitcast %add3A_660 : vector<128x128xi32> -> vector<128x128xf32>
      %convert_element_type3A_662 = arith.truncf %bitcast_convert_type3A_661 : vector<128x128xf32> to vector<128x128xbf16>
      %swap3A_663 = arith.constant 1664 : index
      %swap3A_664 = arith.constant 0 : index
      %swap3A_665 = vector.load %arg7[%swap3A_663, %swap3A_664] : memref<4096x128xbf16, #tpu.memory_space<vmem>>, vector<128x128xbf16>
      tpu.vector_store %arg7[%swap3A_663, %swap3A_664], %convert_element_type3A_662 {strides = array<i32>} : memref<4096x128xbf16, #tpu.memory_space<vmem>>, vector<128x128xbf16>,
      %broadcast_in_dim3A_666 = arith.constant 0.000000e+00 : f32
      %broadcast_in_dim3A_667 = vector.broadcast %broadcast_in_dim3A_666 : f32 to vector<128x128xf32>
      %swap3A_668 = arith.constant 1664 : index
      %swap3A_669 = arith.constant 0 : index
      %swap3A_670 = vector.load %arg8[%swap3A_668, %swap3A_669] : memref<4096x128xf32, #tpu.memory_space<vmem>>, vector<128x128xf32>
      tpu.vector_store %arg8[%swap3A_668, %swap3A_669], %broadcast_in_dim3A_667 {strides = array<i32>} : memref<4096x128xf32, #tpu.memory_space<vmem>>, vector<128x128xf32>,
      %get3A_671 = arith.constant 1792 : index
      %get3A_672 = arith.constant 0 : index
      %get3A_673 = vector.load %arg4[%get3A_671, %get3A_672] : memref<4096x128xf32, #tpu.memory_space<vmem>>, vector<128x128xf32>
      %get3A_674 = arith.constant 1792 : index
      %get3A_675 = arith.constant 0 : index
      %get3A_676 = vector.load %arg5[%get3A_674, %get3A_675] : memref<4096x128xf32, #tpu.memory_space<vmem>>, vector<128x128xf32>
      %sub3A_677 = arith.subf %get3A_673, %get3A_676 : vector<128x128xf32>
      %bitcast_convert_type3A_678 = tpu.bitcast %sub3A_677 : vector<128x128xf32> -> vector<128x128xi32>
      %add3A_679 = arith.constant 32768 : i32
      %add3A_680 = vector.broadcast %add3A_679 : i32 to vector<128x128xi32>
      %add3A_681 = arith.addi %bitcast_convert_type3A_678, %add3A_680 : vector<128x128xi32>
      %bitcast_convert_type3A_682 = tpu.bitcast %add3A_681 : vector<128x128xi32> -> vector<128x128xf32>
      %convert_element_type3A_683 = arith.truncf %bitcast_convert_type3A_682 : vector<128x128xf32> to vector<128x128xbf16>
      %swap3A_684 = arith.constant 1792 : index
      %swap3A_685 = arith.constant 0 : index
      %swap3A_686 = vector.load %arg7[%swap3A_684, %swap3A_685] : memref<4096x128xbf16, #tpu.memory_space<vmem>>, vector<128x128xbf16>
      tpu.vector_store %arg7[%swap3A_684, %swap3A_685], %convert_element_type3A_683 {strides = array<i32>} : memref<4096x128xbf16, #tpu.memory_space<vmem>>, vector<128x128xbf16>,
      %broadcast_in_dim3A_687 = arith.constant 0.000000e+00 : f32
      %broadcast_in_dim3A_688 = vector.broadcast %broadcast_in_dim3A_687 : f32 to vector<128x128xf32>
      %swap3A_689 = arith.constant 1792 : index
      %swap3A_690 = arith.constant 0 : index
      %swap3A_691 = vector.load %arg8[%swap3A_689, %swap3A_690] : memref<4096x128xf32, #tpu.memory_space<vmem>>, vector<128x128xf32>
      tpu.vector_store %arg8[%swap3A_689, %swap3A_690], %broadcast_in_dim3A_688 {strides = array<i32>} : memref<4096x128xf32, #tpu.memory_space<vmem>>, vector<128x128xf32>,
      %get3A_692 = arith.constant 1920 : index
      %get3A_693 = arith.constant 0 : index
      %get3A_694 = vector.load %arg4[%get3A_692, %get3A_693] : memref<4096x128xf32, #tpu.memory_space<vmem>>, vector<128x128xf32>
      %get3A_695 = arith.constant 1920 : index
      %get3A_696 = arith.constant 0 : index
      %get3A_697 = vector.load %arg5[%get3A_695, %get3A_696] : memref<4096x128xf32, #tpu.memory_space<vmem>>, vector<128x128xf32>
      %sub3A_698 = arith.subf %get3A_694, %get3A_697 : vector<128x128xf32>
      %bitcast_convert_type3A_699 = tpu.bitcast %sub3A_698 : vector<128x128xf32> -> vector<128x128xi32>
      %add3A_700 = arith.constant 32768 : i32
      %add3A_701 = vector.broadcast %add3A_700 : i32 to vector<128x128xi32>
      %add3A_702 = arith.addi %bitcast_convert_type3A_699, %add3A_701 : vector<128x128xi32>
      %bitcast_convert_type3A_703 = tpu.bitcast %add3A_702 : vector<128x128xi32> -> vector<128x128xf32>
      %convert_element_type3A_704 = arith.truncf %bitcast_convert_type3A_703 : vector<128x128xf32> to vector<128x128xbf16>
      %swap3A_705 = arith.constant 1920 : index
      %swap3A_706 = arith.constant 0 : index
      %swap3A_707 = vector.load %arg7[%swap3A_705, %swap3A_706] : memref<4096x128xbf16, #tpu.memory_space<vmem>>, vector<128x128xbf16>
      tpu.vector_store %arg7[%swap3A_705, %swap3A_706], %convert_element_type3A_704 {strides = array<i32>} : memref<4096x128xbf16, #tpu.memory_space<vmem>>, vector<128x128xbf16>,
      %broadcast_in_dim3A_708 = arith.constant 0.000000e+00 : f32
      %broadcast_in_dim3A_709 = vector.broadcast %broadcast_in_dim3A_708 : f32 to vector<128x128xf32>
      %swap3A_710 = arith.constant 1920 : index
      %swap3A_711 = arith.constant 0 : index
      %swap3A_712 = vector.load %arg8[%swap3A_710, %swap3A_711] : memref<4096x128xf32, #tpu.memory_space<vmem>>, vector<128x128xf32>
      tpu.vector_store %arg8[%swap3A_710, %swap3A_711], %broadcast_in_dim3A_709 {strides = array<i32>} : memref<4096x128xf32, #tpu.memory_space<vmem>>, vector<128x128xf32>,
      %get3A_713 = arith.constant 2048 : index
      %get3A_714 = arith.constant 0 : index
      %get3A_715 = vector.load %arg4[%get3A_713, %get3A_714] : memref<4096x128xf32, #tpu.memory_space<vmem>>, vector<128x128xf32>
      %get3A_716 = arith.constant 2048 : index
      %get3A_717 = arith.constant 0 : index
      %get3A_718 = vector.load %arg5[%get3A_716, %get3A_717] : memref<4096x128xf32, #tpu.memory_space<vmem>>, vector<128x128xf32>
      %sub3A_719 = arith.subf %get3A_715, %get3A_718 : vector<128x128xf32>
      %bitcast_convert_type3A_720 = tpu.bitcast %sub3A_719 : vector<128x128xf32> -> vector<128x128xi32>
      %add3A_721 = arith.constant 32768 : i32
      %add3A_722 = vector.broadcast %add3A_721 : i32 to vector<128x128xi32>
      %add3A_723 = arith.addi %bitcast_convert_type3A_720, %add3A_722 : vector<128x128xi32>
      %bitcast_convert_type3A_724 = tpu.bitcast %add3A_723 : vector<128x128xi32> -> vector<128x128xf32>
      %convert_element_type3A_725 = arith.truncf %bitcast_convert_type3A_724 : vector<128x128xf32> to vector<128x128xbf16>
      %swap3A_726 = arith.constant 2048 : index
      %swap3A_727 = arith.constant 0 : index
      %swap3A_728 = vector.load %arg7[%swap3A_726, %swap3A_727] : memref<4096x128xbf16, #tpu.memory_space<vmem>>, vector<128x128xbf16>
      tpu.vector_store %arg7[%swap3A_726, %swap3A_727], %convert_element_type3A_725 {strides = array<i32>} : memref<4096x128xbf16, #tpu.memory_space<vmem>>, vector<128x128xbf16>,
      %broadcast_in_dim3A_729 = arith.constant 0.000000e+00 : f32
      %broadcast_in_dim3A_730 = vector.broadcast %broadcast_in_dim3A_729 : f32 to vector<128x128xf32>
      %swap3A_731 = arith.constant 2048 : index
      %swap3A_732 = arith.constant 0 : index
      %swap3A_733 = vector.load %arg8[%swap3A_731, %swap3A_732] : memref<4096x128xf32, #tpu.memory_space<vmem>>, vector<128x128xf32>
      tpu.vector_store %arg8[%swap3A_731, %swap3A_732], %broadcast_in_dim3A_730 {strides = array<i32>} : memref<4096x128xf32, #tpu.memory_space<vmem>>, vector<128x128xf32>,
      %get3A_734 = arith.constant 2176 : index
      %get3A_735 = arith.constant 0 : index
      %get3A_736 = vector.load %arg4[%get3A_734, %get3A_735] : memref<4096x128xf32, #tpu.memory_space<vmem>>, vector<128x128xf32>
      %get3A_737 = arith.constant 2176 : index
      %get3A_738 = arith.constant 0 : index
      %get3A_739 = vector.load %arg5[%get3A_737, %get3A_738] : memref<4096x128xf32, #tpu.memory_space<vmem>>, vector<128x128xf32>
      %sub3A_740 = arith.subf %get3A_736, %get3A_739 : vector<128x128xf32>
      %bitcast_convert_type3A_741 = tpu.bitcast %sub3A_740 : vector<128x128xf32> -> vector<128x128xi32>
      %add3A_742 = arith.constant 32768 : i32
      %add3A_743 = vector.broadcast %add3A_742 : i32 to vector<128x128xi32>
      %add3A_744 = arith.addi %bitcast_convert_type3A_741, %add3A_743 : vector<128x128xi32>
      %bitcast_convert_type3A_745 = tpu.bitcast %add3A_744 : vector<128x128xi32> -> vector<128x128xf32>
      %convert_element_type3A_746 = arith.truncf %bitcast_convert_type3A_745 : vector<128x128xf32> to vector<128x128xbf16>
      %swap3A_747 = arith.constant 2176 : index
      %swap3A_748 = arith.constant 0 : index
      %swap3A_749 = vector.load %arg7[%swap3A_747, %swap3A_748] : memref<4096x128xbf16, #tpu.memory_space<vmem>>, vector<128x128xbf16>
      tpu.vector_store %arg7[%swap3A_747, %swap3A_748], %convert_element_type3A_746 {strides = array<i32>} : memref<4096x128xbf16, #tpu.memory_space<vmem>>, vector<128x128xbf16>,
      %broadcast_in_dim3A_750 = arith.constant 0.000000e+00 : f32
      %broadcast_in_dim3A_751 = vector.broadcast %broadcast_in_dim3A_750 : f32 to vector<128x128xf32>
      %swap3A_752 = arith.constant 2176 : index
      %swap3A_753 = arith.constant 0 : index
      %swap3A_754 = vector.load %arg8[%swap3A_752, %swap3A_753] : memref<4096x128xf32, #tpu.memory_space<vmem>>, vector<128x128xf32>
      tpu.vector_store %arg8[%swap3A_752, %swap3A_753], %broadcast_in_dim3A_751 {strides = array<i32>} : memref<4096x128xf32, #tpu.memory_space<vmem>>, vector<128x128xf32>,
      %get3A_755 = arith.constant 2304 : index
      %get3A_756 = arith.constant 0 : index
      %get3A_757 = vector.load %arg4[%get3A_755, %get3A_756] : memref<4096x128xf32, #tpu.memory_space<vmem>>, vector<128x128xf32>
      %get3A_758 = arith.constant 2304 : index
      %get3A_759 = arith.constant 0 : index
      %get3A_760 = vector.load %arg5[%get3A_758, %get3A_759] : memref<4096x128xf32, #tpu.memory_space<vmem>>, vector<128x128xf32>
      %sub3A_761 = arith.subf %get3A_757, %get3A_760 : vector<128x128xf32>
      %bitcast_convert_type3A_762 = tpu.bitcast %sub3A_761 : vector<128x128xf32> -> vector<128x128xi32>
      %add3A_763 = arith.constant 32768 : i32
      %add3A_764 = vector.broadcast %add3A_763 : i32 to vector<128x128xi32>
      %add3A_765 = arith.addi %bitcast_convert_type3A_762, %add3A_764 : vector<128x128xi32>
      %bitcast_convert_type3A_766 = tpu.bitcast %add3A_765 : vector<128x128xi32> -> vector<128x128xf32>
      %convert_element_type3A_767 = arith.truncf %bitcast_convert_type3A_766 : vector<128x128xf32> to vector<128x128xbf16>
      %swap3A_768 = arith.constant 2304 : index
      %swap3A_769 = arith.constant 0 : index
      %swap3A_770 = vector.load %arg7[%swap3A_768, %swap3A_769] : memref<4096x128xbf16, #tpu.memory_space<vmem>>, vector<128x128xbf16>
      tpu.vector_store %arg7[%swap3A_768, %swap3A_769], %convert_element_type3A_767 {strides = array<i32>} : memref<4096x128xbf16, #tpu.memory_space<vmem>>, vector<128x128xbf16>,
      %broadcast_in_dim3A_771 = arith.constant 0.000000e+00 : f32
      %broadcast_in_dim3A_772 = vector.broadcast %broadcast_in_dim3A_771 : f32 to vector<128x128xf32>
      %swap3A_773 = arith.constant 2304 : index
      %swap3A_774 = arith.constant 0 : index
      %swap3A_775 = vector.load %arg8[%swap3A_773, %swap3A_774] : memref<4096x128xf32, #tpu.memory_space<vmem>>, vector<128x128xf32>
      tpu.vector_store %arg8[%swap3A_773, %swap3A_774], %broadcast_in_dim3A_772 {strides = array<i32>} : memref<4096x128xf32, #tpu.memory_space<vmem>>, vector<128x128xf32>,
      %get3A_776 = arith.constant 2432 : index
      %get3A_777 = arith.constant 0 : index
      %get3A_778 = vector.load %arg4[%get3A_776, %get3A_777] : memref<4096x128xf32, #tpu.memory_space<vmem>>, vector<128x128xf32>
      %get3A_779 = arith.constant 2432 : index
      %get3A_780 = arith.constant 0 : index
      %get3A_781 = vector.load %arg5[%get3A_779, %get3A_780] : memref<4096x128xf32, #tpu.memory_space<vmem>>, vector<128x128xf32>
      %sub3A_782 = arith.subf %get3A_778, %get3A_781 : vector<128x128xf32>
      %bitcast_convert_type3A_783 = tpu.bitcast %sub3A_782 : vector<128x128xf32> -> vector<128x128xi32>
      %add3A_784 = arith.constant 32768 : i32
      %add3A_785 = vector.broadcast %add3A_784 : i32 to vector<128x128xi32>
      %add3A_786 = arith.addi %bitcast_convert_type3A_783, %add3A_785 : vector<128x128xi32>
      %bitcast_convert_type3A_787 = tpu.bitcast %add3A_786 : vector<128x128xi32> -> vector<128x128xf32>
      %convert_element_type3A_788 = arith.truncf %bitcast_convert_type3A_787 : vector<128x128xf32> to vector<128x128xbf16>
      %swap3A_789 = arith.constant 2432 : index
      %swap3A_790 = arith.constant 0 : index
      %swap3A_791 = vector.load %arg7[%swap3A_789, %swap3A_790] : memref<4096x128xbf16, #tpu.memory_space<vmem>>, vector<128x128xbf16>
      tpu.vector_store %arg7[%swap3A_789, %swap3A_790], %convert_element_type3A_788 {strides = array<i32>} : memref<4096x128xbf16, #tpu.memory_space<vmem>>, vector<128x128xbf16>,
      %broadcast_in_dim3A_792 = arith.constant 0.000000e+00 : f32
      %broadcast_in_dim3A_793 = vector.broadcast %broadcast_in_dim3A_792 : f32 to vector<128x128xf32>
      %swap3A_794 = arith.constant 2432 : index
      %swap3A_795 = arith.constant 0 : index
      %swap3A_796 = vector.load %arg8[%swap3A_794, %swap3A_795] : memref<4096x128xf32, #tpu.memory_space<vmem>>, vector<128x128xf32>
      tpu.vector_store %arg8[%swap3A_794, %swap3A_795], %broadcast_in_dim3A_793 {strides = array<i32>} : memref<4096x128xf32, #tpu.memory_space<vmem>>, vector<128x128xf32>,
      %get3A_797 = arith.constant 2560 : index
      %get3A_798 = arith.constant 0 : index
      %get3A_799 = vector.load %arg4[%get3A_797, %get3A_798] : memref<4096x128xf32, #tpu.memory_space<vmem>>, vector<128x128xf32>
      %get3A_800 = arith.constant 2560 : index
      %get3A_801 = arith.constant 0 : index
      %get3A_802 = vector.load %arg5[%get3A_800, %get3A_801] : memref<4096x128xf32, #tpu.memory_space<vmem>>, vector<128x128xf32>
      %sub3A_803 = arith.subf %get3A_799, %get3A_802 : vector<128x128xf32>
      %bitcast_convert_type3A_804 = tpu.bitcast %sub3A_803 : vector<128x128xf32> -> vector<128x128xi32>
      %add3A_805 = arith.constant 32768 : i32
      %add3A_806 = vector.broadcast %add3A_805 : i32 to vector<128x128xi32>
      %add3A_807 = arith.addi %bitcast_convert_type3A_804, %add3A_806 : vector<128x128xi32>
      %bitcast_convert_type3A_808 = tpu.bitcast %add3A_807 : vector<128x128xi32> -> vector<128x128xf32>
      %convert_element_type3A_809 = arith.truncf %bitcast_convert_type3A_808 : vector<128x128xf32> to vector<128x128xbf16>
      %swap3A_810 = arith.constant 2560 : index
      %swap3A_811 = arith.constant 0 : index
      %swap3A_812 = vector.load %arg7[%swap3A_810, %swap3A_811] : memref<4096x128xbf16, #tpu.memory_space<vmem>>, vector<128x128xbf16>
      tpu.vector_store %arg7[%swap3A_810, %swap3A_811], %convert_element_type3A_809 {strides = array<i32>} : memref<4096x128xbf16, #tpu.memory_space<vmem>>, vector<128x128xbf16>,
      %broadcast_in_dim3A_813 = arith.constant 0.000000e+00 : f32
      %broadcast_in_dim3A_814 = vector.broadcast %broadcast_in_dim3A_813 : f32 to vector<128x128xf32>
      %swap3A_815 = arith.constant 2560 : index
      %swap3A_816 = arith.constant 0 : index
      %swap3A_817 = vector.load %arg8[%swap3A_815, %swap3A_816] : memref<4096x128xf32, #tpu.memory_space<vmem>>, vector<128x128xf32>
      tpu.vector_store %arg8[%swap3A_815, %swap3A_816], %broadcast_in_dim3A_814 {strides = array<i32>} : memref<4096x128xf32, #tpu.memory_space<vmem>>, vector<128x128xf32>,
      %get3A_818 = arith.constant 2688 : index
      %get3A_819 = arith.constant 0 : index
      %get3A_820 = vector.load %arg4[%get3A_818, %get3A_819] : memref<4096x128xf32, #tpu.memory_space<vmem>>, vector<128x128xf32>
      %get3A_821 = arith.constant 2688 : index
      %get3A_822 = arith.constant 0 : index
      %get3A_823 = vector.load %arg5[%get3A_821, %get3A_822] : memref<4096x128xf32, #tpu.memory_space<vmem>>, vector<128x128xf32>
      %sub3A_824 = arith.subf %get3A_820, %get3A_823 : vector<128x128xf32>
      %bitcast_convert_type3A_825 = tpu.bitcast %sub3A_824 : vector<128x128xf32> -> vector<128x128xi32>
      %add3A_826 = arith.constant 32768 : i32
      %add3A_827 = vector.broadcast %add3A_826 : i32 to vector<128x128xi32>
      %add3A_828 = arith.addi %bitcast_convert_type3A_825, %add3A_827 : vector<128x128xi32>
      %bitcast_convert_type3A_829 = tpu.bitcast %add3A_828 : vector<128x128xi32> -> vector<128x128xf32>
      %convert_element_type3A_830 = arith.truncf %bitcast_convert_type3A_829 : vector<128x128xf32> to vector<128x128xbf16>
      %swap3A_831 = arith.constant 2688 : index
      %swap3A_832 = arith.constant 0 : index
      %swap3A_833 = vector.load %arg7[%swap3A_831, %swap3A_832] : memref<4096x128xbf16, #tpu.memory_space<vmem>>, vector<128x128xbf16>
      tpu.vector_store %arg7[%swap3A_831, %swap3A_832], %convert_element_type3A_830 {strides = array<i32>} : memref<4096x128xbf16, #tpu.memory_space<vmem>>, vector<128x128xbf16>,
      %broadcast_in_dim3A_834 = arith.constant 0.000000e+00 : f32
      %broadcast_in_dim3A_835 = vector.broadcast %broadcast_in_dim3A_834 : f32 to vector<128x128xf32>
      %swap3A_836 = arith.constant 2688 : index
      %swap3A_837 = arith.constant 0 : index
      %swap3A_838 = vector.load %arg8[%swap3A_836, %swap3A_837] : memref<4096x128xf32, #tpu.memory_space<vmem>>, vector<128x128xf32>
      tpu.vector_store %arg8[%swap3A_836, %swap3A_837], %broadcast_in_dim3A_835 {strides = array<i32>} : memref<4096x128xf32, #tpu.memory_space<vmem>>, vector<128x128xf32>,
      %get3A_839 = arith.constant 2816 : index
      %get3A_840 = arith.constant 0 : index
      %get3A_841 = vector.load %arg4[%get3A_839, %get3A_840] : memref<4096x128xf32, #tpu.memory_space<vmem>>, vector<128x128xf32>
      %get3A_842 = arith.constant 2816 : index
      %get3A_843 = arith.constant 0 : index
      %get3A_844 = vector.load %arg5[%get3A_842, %get3A_843] : memref<4096x128xf32, #tpu.memory_space<vmem>>, vector<128x128xf32>
      %sub3A_845 = arith.subf %get3A_841, %get3A_844 : vector<128x128xf32>
      %bitcast_convert_type3A_846 = tpu.bitcast %sub3A_845 : vector<128x128xf32> -> vector<128x128xi32>
      %add3A_847 = arith.constant 32768 : i32
      %add3A_848 = vector.broadcast %add3A_847 : i32 to vector<128x128xi32>
      %add3A_849 = arith.addi %bitcast_convert_type3A_846, %add3A_848 : vector<128x128xi32>
      %bitcast_convert_type3A_850 = tpu.bitcast %add3A_849 : vector<128x128xi32> -> vector<128x128xf32>
      %convert_element_type3A_851 = arith.truncf %bitcast_convert_type3A_850 : vector<128x128xf32> to vector<128x128xbf16>
      %swap3A_852 = arith.constant 2816 : index
      %swap3A_853 = arith.constant 0 : index
      %swap3A_854 = vector.load %arg7[%swap3A_852, %swap3A_853] : memref<4096x128xbf16, #tpu.memory_space<vmem>>, vector<128x128xbf16>
      tpu.vector_store %arg7[%swap3A_852, %swap3A_853], %convert_element_type3A_851 {strides = array<i32>} : memref<4096x128xbf16, #tpu.memory_space<vmem>>, vector<128x128xbf16>,
      %broadcast_in_dim3A_855 = arith.constant 0.000000e+00 : f32
      %broadcast_in_dim3A_856 = vector.broadcast %broadcast_in_dim3A_855 : f32 to vector<128x128xf32>
      %swap3A_857 = arith.constant 2816 : index
      %swap3A_858 = arith.constant 0 : index
      %swap3A_859 = vector.load %arg8[%swap3A_857, %swap3A_858] : memref<4096x128xf32, #tpu.memory_space<vmem>>, vector<128x128xf32>
      tpu.vector_store %arg8[%swap3A_857, %swap3A_858], %broadcast_in_dim3A_856 {strides = array<i32>} : memref<4096x128xf32, #tpu.memory_space<vmem>>, vector<128x128xf32>,
      %get3A_860 = arith.constant 2944 : index
      %get3A_861 = arith.constant 0 : index
      %get3A_862 = vector.load %arg4[%get3A_860, %get3A_861] : memref<4096x128xf32, #tpu.memory_space<vmem>>, vector<128x128xf32>
      %get3A_863 = arith.constant 2944 : index
      %get3A_864 = arith.constant 0 : index
      %get3A_865 = vector.load %arg5[%get3A_863, %get3A_864] : memref<4096x128xf32, #tpu.memory_space<vmem>>, vector<128x128xf32>
      %sub3A_866 = arith.subf %get3A_862, %get3A_865 : vector<128x128xf32>
      %bitcast_convert_type3A_867 = tpu.bitcast %sub3A_866 : vector<128x128xf32> -> vector<128x128xi32>
      %add3A_868 = arith.constant 32768 : i32
      %add3A_869 = vector.broadcast %add3A_868 : i32 to vector<128x128xi32>
      %add3A_870 = arith.addi %bitcast_convert_type3A_867, %add3A_869 : vector<128x128xi32>
      %bitcast_convert_type3A_871 = tpu.bitcast %add3A_870 : vector<128x128xi32> -> vector<128x128xf32>
      %convert_element_type3A_872 = arith.truncf %bitcast_convert_type3A_871 : vector<128x128xf32> to vector<128x128xbf16>
      %swap3A_873 = arith.constant 2944 : index
      %swap3A_874 = arith.constant 0 : index
      %swap3A_875 = vector.load %arg7[%swap3A_873, %swap3A_874] : memref<4096x128xbf16, #tpu.memory_space<vmem>>, vector<128x128xbf16>
      tpu.vector_store %arg7[%swap3A_873, %swap3A_874], %convert_element_type3A_872 {strides = array<i32>} : memref<4096x128xbf16, #tpu.memory_space<vmem>>, vector<128x128xbf16>,
      %broadcast_in_dim3A_876 = arith.constant 0.000000e+00 : f32
      %broadcast_in_dim3A_877 = vector.broadcast %broadcast_in_dim3A_876 : f32 to vector<128x128xf32>
      %swap3A_878 = arith.constant 2944 : index
      %swap3A_879 = arith.constant 0 : index
      %swap3A_880 = vector.load %arg8[%swap3A_878, %swap3A_879] : memref<4096x128xf32, #tpu.memory_space<vmem>>, vector<128x128xf32>
      tpu.vector_store %arg8[%swap3A_878, %swap3A_879], %broadcast_in_dim3A_877 {strides = array<i32>} : memref<4096x128xf32, #tpu.memory_space<vmem>>, vector<128x128xf32>,
      %get3A_881 = arith.constant 3072 : index
      %get3A_882 = arith.constant 0 : index
      %get3A_883 = vector.load %arg4[%get3A_881, %get3A_882] : memref<4096x128xf32, #tpu.memory_space<vmem>>, vector<128x128xf32>
      %get3A_884 = arith.constant 3072 : index
      %get3A_885 = arith.constant 0 : index
      %get3A_886 = vector.load %arg5[%get3A_884, %get3A_885] : memref<4096x128xf32, #tpu.memory_space<vmem>>, vector<128x128xf32>
      %sub3A_887 = arith.subf %get3A_883, %get3A_886 : vector<128x128xf32>
      %bitcast_convert_type3A_888 = tpu.bitcast %sub3A_887 : vector<128x128xf32> -> vector<128x128xi32>
      %add3A_889 = arith.constant 32768 : i32
      %add3A_890 = vector.broadcast %add3A_889 : i32 to vector<128x128xi32>
      %add3A_891 = arith.addi %bitcast_convert_type3A_888, %add3A_890 : vector<128x128xi32>
      %bitcast_convert_type3A_892 = tpu.bitcast %add3A_891 : vector<128x128xi32> -> vector<128x128xf32>
      %convert_element_type3A_893 = arith.truncf %bitcast_convert_type3A_892 : vector<128x128xf32> to vector<128x128xbf16>
      %swap3A_894 = arith.constant 3072 : index
      %swap3A_895 = arith.constant 0 : index
      %swap3A_896 = vector.load %arg7[%swap3A_894, %swap3A_895] : memref<4096x128xbf16, #tpu.memory_space<vmem>>, vector<128x128xbf16>
      tpu.vector_store %arg7[%swap3A_894, %swap3A_895], %convert_element_type3A_893 {strides = array<i32>} : memref<4096x128xbf16, #tpu.memory_space<vmem>>, vector<128x128xbf16>,
      %broadcast_in_dim3A_897 = arith.constant 0.000000e+00 : f32
      %broadcast_in_dim3A_898 = vector.broadcast %broadcast_in_dim3A_897 : f32 to vector<128x128xf32>
      %swap3A_899 = arith.constant 3072 : index
      %swap3A_900 = arith.constant 0 : index
      %swap3A_901 = vector.load %arg8[%swap3A_899, %swap3A_900] : memref<4096x128xf32, #tpu.memory_space<vmem>>, vector<128x128xf32>
      tpu.vector_store %arg8[%swap3A_899, %swap3A_900], %broadcast_in_dim3A_898 {strides = array<i32>} : memref<4096x128xf32, #tpu.memory_space<vmem>>, vector<128x128xf32>,
      %get3A_902 = arith.constant 3200 : index
      %get3A_903 = arith.constant 0 : index
      %get3A_904 = vector.load %arg4[%get3A_902, %get3A_903] : memref<4096x128xf32, #tpu.memory_space<vmem>>, vector<128x128xf32>
      %get3A_905 = arith.constant 3200 : index
      %get3A_906 = arith.constant 0 : index
      %get3A_907 = vector.load %arg5[%get3A_905, %get3A_906] : memref<4096x128xf32, #tpu.memory_space<vmem>>, vector<128x128xf32>
      %sub3A_908 = arith.subf %get3A_904, %get3A_907 : vector<128x128xf32>
      %bitcast_convert_type3A_909 = tpu.bitcast %sub3A_908 : vector<128x128xf32> -> vector<128x128xi32>
      %add3A_910 = arith.constant 32768 : i32
      %add3A_911 = vector.broadcast %add3A_910 : i32 to vector<128x128xi32>
      %add3A_912 = arith.addi %bitcast_convert_type3A_909, %add3A_911 : vector<128x128xi32>
      %bitcast_convert_type3A_913 = tpu.bitcast %add3A_912 : vector<128x128xi32> -> vector<128x128xf32>
      %convert_element_type3A_914 = arith.truncf %bitcast_convert_type3A_913 : vector<128x128xf32> to vector<128x128xbf16>
      %swap3A_915 = arith.constant 3200 : index
      %swap3A_916 = arith.constant 0 : index
      %swap3A_917 = vector.load %arg7[%swap3A_915, %swap3A_916] : memref<4096x128xbf16, #tpu.memory_space<vmem>>, vector<128x128xbf16>
      tpu.vector_store %arg7[%swap3A_915, %swap3A_916], %convert_element_type3A_914 {strides = array<i32>} : memref<4096x128xbf16, #tpu.memory_space<vmem>>, vector<128x128xbf16>,
      %broadcast_in_dim3A_918 = arith.constant 0.000000e+00 : f32
      %broadcast_in_dim3A_919 = vector.broadcast %broadcast_in_dim3A_918 : f32 to vector<128x128xf32>
      %swap3A_920 = arith.constant 3200 : index
      %swap3A_921 = arith.constant 0 : index
      %swap3A_922 = vector.load %arg8[%swap3A_920, %swap3A_921] : memref<4096x128xf32, #tpu.memory_space<vmem>>, vector<128x128xf32>
      tpu.vector_store %arg8[%swap3A_920, %swap3A_921], %broadcast_in_dim3A_919 {strides = array<i32>} : memref<4096x128xf32, #tpu.memory_space<vmem>>, vector<128x128xf32>,
      %get3A_923 = arith.constant 3328 : index
      %get3A_924 = arith.constant 0 : index
      %get3A_925 = vector.load %arg4[%get3A_923, %get3A_924] : memref<4096x128xf32, #tpu.memory_space<vmem>>, vector<128x128xf32>
      %get3A_926 = arith.constant 3328 : index
      %get3A_927 = arith.constant 0 : index
      %get3A_928 = vector.load %arg5[%get3A_926, %get3A_927] : memref<4096x128xf32, #tpu.memory_space<vmem>>, vector<128x128xf32>
      %sub3A_929 = arith.subf %get3A_925, %get3A_928 : vector<128x128xf32>
      %bitcast_convert_type3A_930 = tpu.bitcast %sub3A_929 : vector<128x128xf32> -> vector<128x128xi32>
      %add3A_931 = arith.constant 32768 : i32
      %add3A_932 = vector.broadcast %add3A_931 : i32 to vector<128x128xi32>
      %add3A_933 = arith.addi %bitcast_convert_type3A_930, %add3A_932 : vector<128x128xi32>
      %bitcast_convert_type3A_934 = tpu.bitcast %add3A_933 : vector<128x128xi32> -> vector<128x128xf32>
      %convert_element_type3A_935 = arith.truncf %bitcast_convert_type3A_934 : vector<128x128xf32> to vector<128x128xbf16>
      %swap3A_936 = arith.constant 3328 : index
      %swap3A_937 = arith.constant 0 : index
      %swap3A_938 = vector.load %arg7[%swap3A_936, %swap3A_937] : memref<4096x128xbf16, #tpu.memory_space<vmem>>, vector<128x128xbf16>
      tpu.vector_store %arg7[%swap3A_936, %swap3A_937], %convert_element_type3A_935 {strides = array<i32>} : memref<4096x128xbf16, #tpu.memory_space<vmem>>, vector<128x128xbf16>,
      %broadcast_in_dim3A_939 = arith.constant 0.000000e+00 : f32
      %broadcast_in_dim3A_940 = vector.broadcast %broadcast_in_dim3A_939 : f32 to vector<128x128xf32>
      %swap3A_941 = arith.constant 3328 : index
      %swap3A_942 = arith.constant 0 : index
      %swap3A_943 = vector.load %arg8[%swap3A_941, %swap3A_942] : memref<4096x128xf32, #tpu.memory_space<vmem>>, vector<128x128xf32>
      tpu.vector_store %arg8[%swap3A_941, %swap3A_942], %broadcast_in_dim3A_940 {strides = array<i32>} : memref<4096x128xf32, #tpu.memory_space<vmem>>, vector<128x128xf32>,
      %get3A_944 = arith.constant 3456 : index
      %get3A_945 = arith.constant 0 : index
      %get3A_946 = vector.load %arg4[%get3A_944, %get3A_945] : memref<4096x128xf32, #tpu.memory_space<vmem>>, vector<128x128xf32>
      %get3A_947 = arith.constant 3456 : index
      %get3A_948 = arith.constant 0 : index
      %get3A_949 = vector.load %arg5[%get3A_947, %get3A_948] : memref<4096x128xf32, #tpu.memory_space<vmem>>, vector<128x128xf32>
      %sub3A_950 = arith.subf %get3A_946, %get3A_949 : vector<128x128xf32>
      %bitcast_convert_type3A_951 = tpu.bitcast %sub3A_950 : vector<128x128xf32> -> vector<128x128xi32>
      %add3A_952 = arith.constant 32768 : i32
      %add3A_953 = vector.broadcast %add3A_952 : i32 to vector<128x128xi32>
      %add3A_954 = arith.addi %bitcast_convert_type3A_951, %add3A_953 : vector<128x128xi32>
      %bitcast_convert_type3A_955 = tpu.bitcast %add3A_954 : vector<128x128xi32> -> vector<128x128xf32>
      %convert_element_type3A_956 = arith.truncf %bitcast_convert_type3A_955 : vector<128x128xf32> to vector<128x128xbf16>
      %swap3A_957 = arith.constant 3456 : index
      %swap3A_958 = arith.constant 0 : index
      %swap3A_959 = vector.load %arg7[%swap3A_957, %swap3A_958] : memref<4096x128xbf16, #tpu.memory_space<vmem>>, vector<128x128xbf16>
      tpu.vector_store %arg7[%swap3A_957, %swap3A_958], %convert_element_type3A_956 {strides = array<i32>} : memref<4096x128xbf16, #tpu.memory_space<vmem>>, vector<128x128xbf16>,
      %broadcast_in_dim3A_960 = arith.constant 0.000000e+00 : f32
      %broadcast_in_dim3A_961 = vector.broadcast %broadcast_in_dim3A_960 : f32 to vector<128x128xf32>
      %swap3A_962 = arith.constant 3456 : index
      %swap3A_963 = arith.constant 0 : index
      %swap3A_964 = vector.load %arg8[%swap3A_962, %swap3A_963] : memref<4096x128xf32, #tpu.memory_space<vmem>>, vector<128x128xf32>
      tpu.vector_store %arg8[%swap3A_962, %swap3A_963], %broadcast_in_dim3A_961 {strides = array<i32>} : memref<4096x128xf32, #tpu.memory_space<vmem>>, vector<128x128xf32>,
      %get3A_965 = arith.constant 3584 : index
      %get3A_966 = arith.constant 0 : index
      %get3A_967 = vector.load %arg4[%get3A_965, %get3A_966] : memref<4096x128xf32, #tpu.memory_space<vmem>>, vector<128x128xf32>
      %get3A_968 = arith.constant 3584 : index
      %get3A_969 = arith.constant 0 : index
      %get3A_970 = vector.load %arg5[%get3A_968, %get3A_969] : memref<4096x128xf32, #tpu.memory_space<vmem>>, vector<128x128xf32>
      %sub3A_971 = arith.subf %get3A_967, %get3A_970 : vector<128x128xf32>
      %bitcast_convert_type3A_972 = tpu.bitcast %sub3A_971 : vector<128x128xf32> -> vector<128x128xi32>
      %add3A_973 = arith.constant 32768 : i32
      %add3A_974 = vector.broadcast %add3A_973 : i32 to vector<128x128xi32>
      %add3A_975 = arith.addi %bitcast_convert_type3A_972, %add3A_974 : vector<128x128xi32>
      %bitcast_convert_type3A_976 = tpu.bitcast %add3A_975 : vector<128x128xi32> -> vector<128x128xf32>
      %convert_element_type3A_977 = arith.truncf %bitcast_convert_type3A_976 : vector<128x128xf32> to vector<128x128xbf16>
      %swap3A_978 = arith.constant 3584 : index
      %swap3A_979 = arith.constant 0 : index
      %swap3A_980 = vector.load %arg7[%swap3A_978, %swap3A_979] : memref<4096x128xbf16, #tpu.memory_space<vmem>>, vector<128x128xbf16>
      tpu.vector_store %arg7[%swap3A_978, %swap3A_979], %convert_element_type3A_977 {strides = array<i32>} : memref<4096x128xbf16, #tpu.memory_space<vmem>>, vector<128x128xbf16>,
      %broadcast_in_dim3A_981 = arith.constant 0.000000e+00 : f32
      %broadcast_in_dim3A_982 = vector.broadcast %broadcast_in_dim3A_981 : f32 to vector<128x128xf32>
      %swap3A_983 = arith.constant 3584 : index
      %swap3A_984 = arith.constant 0 : index
      %swap3A_985 = vector.load %arg8[%swap3A_983, %swap3A_984] : memref<4096x128xf32, #tpu.memory_space<vmem>>, vector<128x128xf32>
      tpu.vector_store %arg8[%swap3A_983, %swap3A_984], %broadcast_in_dim3A_982 {strides = array<i32>} : memref<4096x128xf32, #tpu.memory_space<vmem>>, vector<128x128xf32>,
      %get3A_986 = arith.constant 3712 : index
      %get3A_987 = arith.constant 0 : index
      %get3A_988 = vector.load %arg4[%get3A_986, %get3A_987] : memref<4096x128xf32, #tpu.memory_space<vmem>>, vector<128x128xf32>
      %get3A_989 = arith.constant 3712 : index
      %get3A_990 = arith.constant 0 : index
      %get3A_991 = vector.load %arg5[%get3A_989, %get3A_990] : memref<4096x128xf32, #tpu.memory_space<vmem>>, vector<128x128xf32>
      %sub3A_992 = arith.subf %get3A_988, %get3A_991 : vector<128x128xf32>
      %bitcast_convert_type3A_993 = tpu.bitcast %sub3A_992 : vector<128x128xf32> -> vector<128x128xi32>
      %add3A_994 = arith.constant 32768 : i32
      %add3A_995 = vector.broadcast %add3A_994 : i32 to vector<128x128xi32>
      %add3A_996 = arith.addi %bitcast_convert_type3A_993, %add3A_995 : vector<128x128xi32>
      %bitcast_convert_type3A_997 = tpu.bitcast %add3A_996 : vector<128x128xi32> -> vector<128x128xf32>
      %convert_element_type3A_998 = arith.truncf %bitcast_convert_type3A_997 : vector<128x128xf32> to vector<128x128xbf16>
      %swap3A_999 = arith.constant 3712 : index
      %swap3A_1000 = arith.constant 0 : index
      %swap3A_1001 = vector.load %arg7[%swap3A_999, %swap3A_1000] : memref<4096x128xbf16, #tpu.memory_space<vmem>>, vector<128x128xbf16>
      tpu.vector_store %arg7[%swap3A_999, %swap3A_1000], %convert_element_type3A_998 {strides = array<i32>} : memref<4096x128xbf16, #tpu.memory_space<vmem>>, vector<128x128xbf16>,
      %broadcast_in_dim3A_1002 = arith.constant 0.000000e+00 : f32
      %broadcast_in_dim3A_1003 = vector.broadcast %broadcast_in_dim3A_1002 : f32 to vector<128x128xf32>
      %swap3A_1004 = arith.constant 3712 : index
      %swap3A_1005 = arith.constant 0 : index
      %swap3A_1006 = vector.load %arg8[%swap3A_1004, %swap3A_1005] : memref<4096x128xf32, #tpu.memory_space<vmem>>, vector<128x128xf32>
      tpu.vector_store %arg8[%swap3A_1004, %swap3A_1005], %broadcast_in_dim3A_1003 {strides = array<i32>} : memref<4096x128xf32, #tpu.memory_space<vmem>>, vector<128x128xf32>,
      %get3A_1007 = arith.constant 3840 : index
      %get3A_1008 = arith.constant 0 : index
      %get3A_1009 = vector.load %arg4[%get3A_1007, %get3A_1008] : memref<4096x128xf32, #tpu.memory_space<vmem>>, vector<128x128xf32>
      %get3A_1010 = arith.constant 3840 : index
      %get3A_1011 = arith.constant 0 : index
      %get3A_1012 = vector.load %arg5[%get3A_1010, %get3A_1011] : memref<4096x128xf32, #tpu.memory_space<vmem>>, vector<128x128xf32>
      %sub3A_1013 = arith.subf %get3A_1009, %get3A_1012 : vector<128x128xf32>
      %bitcast_convert_type3A_1014 = tpu.bitcast %sub3A_1013 : vector<128x128xf32> -> vector<128x128xi32>
      %add3A_1015 = arith.constant 32768 : i32
      %add3A_1016 = vector.broadcast %add3A_1015 : i32 to vector<128x128xi32>
      %add3A_1017 = arith.addi %bitcast_convert_type3A_1014, %add3A_1016 : vector<128x128xi32>
      %bitcast_convert_type3A_1018 = tpu.bitcast %add3A_1017 : vector<128x128xi32> -> vector<128x128xf32>
      %convert_element_type3A_1019 = arith.truncf %bitcast_convert_type3A_1018 : vector<128x128xf32> to vector<128x128xbf16>
      %swap3A_1020 = arith.constant 3840 : index
      %swap3A_1021 = arith.constant 0 : index
      %swap3A_1022 = vector.load %arg7[%swap3A_1020, %swap3A_1021] : memref<4096x128xbf16, #tpu.memory_space<vmem>>, vector<128x128xbf16>
      tpu.vector_store %arg7[%swap3A_1020, %swap3A_1021], %convert_element_type3A_1019 {strides = array<i32>} : memref<4096x128xbf16, #tpu.memory_space<vmem>>, vector<128x128xbf16>,
      %broadcast_in_dim3A_1023 = arith.constant 0.000000e+00 : f32
      %broadcast_in_dim3A_1024 = vector.broadcast %broadcast_in_dim3A_1023 : f32 to vector<128x128xf32>
      %swap3A_1025 = arith.constant 3840 : index
      %swap3A_1026 = arith.constant 0 : index
      %swap3A_1027 = vector.load %arg8[%swap3A_1025, %swap3A_1026] : memref<4096x128xf32, #tpu.memory_space<vmem>>, vector<128x128xf32>
      tpu.vector_store %arg8[%swap3A_1025, %swap3A_1026], %broadcast_in_dim3A_1024 {strides = array<i32>} : memref<4096x128xf32, #tpu.memory_space<vmem>>, vector<128x128xf32>,
      %get3A_1028 = arith.constant 3968 : index
      %get3A_1029 = arith.constant 0 : index
      %get3A_1030 = vector.load %arg4[%get3A_1028, %get3A_1029] : memref<4096x128xf32, #tpu.memory_space<vmem>>, vector<128x128xf32>
      %get3A_1031 = arith.constant 3968 : index
      %get3A_1032 = arith.constant 0 : index
      %get3A_1033 = vector.load %arg5[%get3A_1031, %get3A_1032] : memref<4096x128xf32, #tpu.memory_space<vmem>>, vector<128x128xf32>
      %sub3A_1034 = arith.subf %get3A_1030, %get3A_1033 : vector<128x128xf32>
      %bitcast_convert_type3A_1035 = tpu.bitcast %sub3A_1034 : vector<128x128xf32> -> vector<128x128xi32>
      %add3A_1036 = arith.constant 32768 : i32
      %add3A_1037 = vector.broadcast %add3A_1036 : i32 to vector<128x128xi32>
      %add3A_1038 = arith.addi %bitcast_convert_type3A_1035, %add3A_1037 : vector<128x128xi32>
      %bitcast_convert_type3A_1039 = tpu.bitcast %add3A_1038 : vector<128x128xi32> -> vector<128x128xf32>
      %convert_element_type3A_1040 = arith.truncf %bitcast_convert_type3A_1039 : vector<128x128xf32> to vector<128x128xbf16>
      %swap3A_1041 = arith.constant 3968 : index
      %swap3A_1042 = arith.constant 0 : index
      %swap3A_1043 = vector.load %arg7[%swap3A_1041, %swap3A_1042] : memref<4096x128xbf16, #tpu.memory_space<vmem>>, vector<128x128xbf16>
      tpu.vector_store %arg7[%swap3A_1041, %swap3A_1042], %convert_element_type3A_1040 {strides = array<i32>} : memref<4096x128xbf16, #tpu.memory_space<vmem>>, vector<128x128xbf16>,
      %broadcast_in_dim3A_1044 = arith.constant 0.000000e+00 : f32
      %broadcast_in_dim3A_1045 = vector.broadcast %broadcast_in_dim3A_1044 : f32 to vector<128x128xf32>
      %swap3A_1046 = arith.constant 3968 : index
      %swap3A_1047 = arith.constant 0 : index
      %swap3A_1048 = vector.load %arg8[%swap3A_1046, %swap3A_1047] : memref<4096x128xf32, #tpu.memory_space<vmem>>, vector<128x128xf32>
      tpu.vector_store %arg8[%swap3A_1046, %swap3A_1047], %broadcast_in_dim3A_1045 {strides = array<i32>} : memref<4096x128xf32, #tpu.memory_space<vmem>>, vector<128x128xf32>,
    } else {
    }
    %mul3A = arith.constant 40 : i32
    %mul3A_2 = arith.muli %arg0, %mul3A : i32
    %add3A = arith.constant 0 : i32
    %add3A_3 = arith.addi %mul3A_2, %add3A : i32
    %get3A = arith.index_cast %add3A_3 : i32 to index
    %get3A_4 = memref.load %arg1[%get3A] : memref<1001xi32, #tpu.memory_space<smem>>
    %mul3A_5 = arith.constant 40 : i32
    %mul3A_6 = arith.muli %arg0, %mul3A_5 : i32
    %add3A_7 = arith.constant 0 : i32
    %add3A_8 = arith.addi %mul3A_6, %add3A_7 : i32
    %add3A_9 = arith.constant 8 : i32
    %add3A_10 = arith.addi %add3A_8, %add3A_9 : i32
    %get3A_11 = arith.index_cast %add3A_10 : i32 to index
    %get3A_12 = memref.load %arg1[%get3A_11] : memref<1001xi32, #tpu.memory_space<smem>>
    %jit3A = arith.constant 128 : i32
    %div3A = arith.divsi %get3A_4, %jit3A : i32
    %sign3A = arith.constant 0 : i32
    %sign3A_13 = arith.cmpi sgt, %get3A_4, %sign3A : i32
    %sign3A_14 = arith.extui %sign3A_13 : i1 to i32
    %sign3A_15 = arith.constant 0 : i32
    %sign3A_16 = arith.cmpi slt, %get3A_4, %sign3A_15 : i32
    %sign3A_17 = arith.extui %sign3A_16 : i1 to i32
    %sign3A_18 = arith.subi %sign3A_14, %sign3A_17 : i32
    %sign3A_19 = arith.constant 0 : i32
    %sign3A_20 = arith.cmpi sgt, %jit3A, %sign3A_19 : i32
    %sign3A_21 = arith.extui %sign3A_20 : i1 to i32
    %sign3A_22 = arith.constant 0 : i32
    %sign3A_23 = arith.cmpi slt, %jit3A, %sign3A_22 : i32
    %sign3A_24 = arith.extui %sign3A_23 : i1 to i32
    %sign3A_25 = arith.subi %sign3A_21, %sign3A_24 : i32
    %ne3A = arith.cmpi ne, %sign3A_18, %sign3A_25 : i32
    %rem3A = arith.remsi %get3A_4, %jit3A : i32
    %ne3A_26 = arith.constant 0 : i32
    %ne3A_27 = arith.cmpi ne, %rem3A, %ne3A_26 : i32
    %and3A = arith.andi %ne3A, %ne3A_27 : i1
    %sub3A = arith.constant 1 : i32
    %sub3A_28 = arith.subi %div3A, %sub3A : i32
    %select_n3A = arith.select %and3A, %sub3A_28, %div3A : i32
    %add3A_29 = arith.constant 128 : i32
    %add3A_30 = arith.addi %get3A_12, %add3A_29 : i32
    %sub3A_31 = arith.constant 1 : i32
    %sub3A_32 = arith.subi %add3A_30, %sub3A_31 : i32
    %jit3A_33 = arith.constant 128 : i32
    %div3A_34 = arith.divsi %sub3A_32, %jit3A_33 : i32
    %sign3A_35 = arith.constant 0 : i32
    %sign3A_36 = arith.cmpi sgt, %sub3A_32, %sign3A_35 : i32
    %sign3A_37 = arith.extui %sign3A_36 : i1 to i32
    %sign3A_38 = arith.constant 0 : i32
    %sign3A_39 = arith.cmpi slt, %sub3A_32, %sign3A_38 : i32
    %sign3A_40 = arith.extui %sign3A_39 : i1 to i32
    %sign3A_41 = arith.subi %sign3A_37, %sign3A_40 : i32
    %sign3A_42 = arith.constant 0 : i32
    %sign3A_43 = arith.cmpi sgt, %jit3A_33, %sign3A_42 : i32
    %sign3A_44 = arith.extui %sign3A_43 : i1 to i32
    %sign3A_45 = arith.constant 0 : i32
    %sign3A_46 = arith.cmpi slt, %jit3A_33, %sign3A_45 : i32
    %sign3A_47 = arith.extui %sign3A_46 : i1 to i32
    %sign3A_48 = arith.subi %sign3A_44, %sign3A_47 : i32
    %ne3A_49 = arith.cmpi ne, %sign3A_41, %sign3A_48 : i32
    %rem3A_50 = arith.remsi %sub3A_32, %jit3A_33 : i32
    %ne3A_51 = arith.constant 0 : i32
    %ne3A_52 = arith.cmpi ne, %rem3A_50, %ne3A_51 : i32
    %and3A_53 = arith.andi %ne3A_49, %ne3A_52 : i1
    %sub3A_54 = arith.constant 1 : i32
    %sub3A_55 = arith.subi %div3A_34, %sub3A_54 : i32
    %select_n3A_56 = arith.select %and3A_53, %sub3A_55, %div3A_34 : i32
    %while3A = arith.constant 0 : i32
    %while3A_57 = arith.subi %select_n3A_56, %select_n3A : i32
    %while3A_58 = arith.addi %select_n3A, %while3A_57 : i32
    %while3A_59 = arith.constant 1 : i32
    %while3A_60 = arith.divsi %while3A_57, %while3A_59 : i32
    %while3A_61 = arith.muli %while3A_60, %while3A_59 : i32
    %while3A_62 = arith.addi %select_n3A, %while3A_61 : i32
    %while3A_63 = arith.constant 1 : i32
    %while3A_64 = scf.for %while3A_380 = %select_n3A to %while3A_62 step %while3A_63 iter_args(%while3A_381 = %while3A) -> (i32)  : i32 {
      %mul3A_382 = arith.constant 128 : i32
      %mul3A_383 = arith.muli %while3A_380, %mul3A_382 : i32
      %multiple_of3A = tpu.assume_multiple %mul3A_383, 128 : i32
      %get3A_384 = arith.index_cast %multiple_of3A : i32 to index
      %get3A_385 = arith.constant 0 : index
      %get3A_386 = vector.load %arg7[%get3A_384, %get3A_385] : memref<4096x128xbf16, #tpu.memory_space<vmem>>, vector<128x128xbf16>
      %iota3A = tpu.iota {dimensions = array<i32: 0>} : vector<128x1xi32>
      %add3A_387 = vector.broadcast %multiple_of3A : i32 to vector<128x1xi32>
      %add3A_388 = arith.addi %add3A_387, %iota3A : vector<128x1xi32>
      %get3A_389 = arith.index_cast %multiple_of3A : i32 to index
      %get3A_390 = arith.constant 0 : index
      %get3A_391 = vector.load %arg8[%get3A_389, %get3A_390] : memref<4096x128xf32, #tpu.memory_space<vmem>>, vector<128x128xf32>
      %mul3A_392 = arith.constant 40 : i32
      %mul3A_393 = arith.muli %arg0, %mul3A_392 : i32
      %add3A_394 = arith.constant 0 : i32
      %add3A_395 = arith.addi %mul3A_393, %add3A_394 : i32
      %get3A_396 = arith.index_cast %add3A_395 : i32 to index
      %get3A_397 = memref.load %arg1[%get3A_396] : memref<1001xi32, #tpu.memory_space<smem>>
      %mul3A_398 = arith.constant 40 : i32
      %mul3A_399 = arith.muli %arg0, %mul3A_398 : i32
      %add3A_400 = arith.constant 0 : i32
      %add3A_401 = arith.addi %mul3A_399, %add3A_400 : i32
      %add3A_402 = arith.constant 1 : i32
      %add3A_403 = arith.addi %add3A_401, %add3A_402 : i32
      %get3A_404 = arith.index_cast %add3A_403 : i32 to index
      %get3A_405 = memref.load %arg1[%get3A_404] : memref<1001xi32, #tpu.memory_space<smem>>
      %get3A_406 = arith.constant 0 : index
      %get3A_407 = arith.constant 0 : index
      %get3A_408 = arith.constant 0 : index
      %get3A_409 = vector.load %arg2[%get3A_406, %get3A_407, %get3A_408] : memref<40x128x128xf32, #tpu.memory_space<vmem>>, vector<1x128x128xf32>
      %get3A_410 = vector.shape_cast %get3A_409 : vector<1x128x128xf32> to vector<128x128xf32>
      %bitcast_convert_type3A = tpu.bitcast %get3A_410 : vector<128x128xf32> -> vector<128x128xi32>
      %add3A_411 = arith.constant 32768 : i32
      %add3A_412 = vector.broadcast %add3A_411 : i32 to vector<128x128xi32>
      %add3A_413 = arith.addi %bitcast_convert_type3A, %add3A_412 : vector<128x128xi32>
      %bitcast_convert_type3A_414 = tpu.bitcast %add3A_413 : vector<128x128xi32> -> vector<128x128xf32>
      %convert_element_type3A_415 = arith.truncf %bitcast_convert_type3A_414 : vector<128x128xf32> to vector<128x128xbf16>
      %dot_general3A = arith.constant dense<0.000000e+00> : vector<128x128xf32>
      %dot_general3A_416 = tpu.matmul %get3A_386, %convert_element_type3A_415, %dot_general3A {dimension_numbers = #tpu.dot_dimension_numbers<[1], [1], [0], [0], [0, 0, 1, 0], [], []>, transpose_lhs_hint = false} : vector<128x128xbf16>, vector<128x128xbf16>, vector<128x128xf32> -> vector<128x128xf32>
      %get3A_417 = arith.constant 0 : index
      %get3A_418 = arith.constant 0 : index
      %get3A_419 = vector.load %arg3[%get3A_417, %get3A_418] : memref<40x128xf32, #tpu.memory_space<vmem>>, vector<1x128xf32>
      %get3A_420 = vector.shape_cast %get3A_419 : vector<1x128xf32> to vector<128xf32>
      %broadcast_in_dim3A = vector.shape_cast %get3A_420 : vector<128xf32> to vector<1x128xf32>
      %add3A_421 = vector.broadcast %broadcast_in_dim3A : vector<1x128xf32> to vector<128x128xf32>
      %add3A_422 = arith.addf %dot_general3A_416, %add3A_421 : vector<128x128xf32>
      %abs3A = math.absf %add3A_422 : vector<128x128xf32>
      %ge3A = vector.broadcast %get3A_397 : i32 to vector<128x1xi32>
      %ge3A_423 = arith.cmpi sge, %add3A_388, %ge3A : vector<128x1xi32>
      %lt3A = vector.broadcast %get3A_405 : i32 to vector<128x1xi32>
      %lt3A_424 = arith.cmpi slt, %add3A_388, %lt3A : vector<128x1xi32>
      %and3A_425 = arith.andi %ge3A_423, %lt3A_424 : vector<128x1xi1>
      %jit3A_426 = arith.constant 0.000000e+00 : f32
      %broadcast_in_dim3A_427 = vector.shape_cast %and3A_425 : vector<128x1xi1> to vector<128x1xi1>
      %broadcast_in_dim3A_428 = vector.broadcast %broadcast_in_dim3A_427 : vector<128x1xi1> to vector<128x128xi1>
      %broadcast_in_dim3A_429 = vector.broadcast %jit3A_426 : f32 to vector<128x128xf32>
      %select_n3A_430 = arith.select %broadcast_in_dim3A_428, %abs3A, %broadcast_in_dim3A_429 : vector<128x128xi1>, vector<128x128xf32>
      %add3A_431 = arith.addf %get3A_391, %select_n3A_430 : vector<128x128xf32>
      %mul3A_432 = arith.constant 40 : i32
      %mul3A_433 = arith.muli %arg0, %mul3A_432 : i32
      %add3A_434 = arith.constant 1 : i32
      %add3A_435 = arith.addi %mul3A_433, %add3A_434 : i32
      %get3A_436 = arith.index_cast %add3A_435 : i32 to index
      %get3A_437 = memref.load %arg1[%get3A_436] : memref<1001xi32, #tpu.memory_space<smem>>
      %mul3A_438 = arith.constant 40 : i32
      %mul3A_439 = arith.muli %arg0, %mul3A_438 : i32
      %add3A_440 = arith.constant 1 : i32
      %add3A_441 = arith.addi %mul3A_439, %add3A_440 : i32
      %add3A_442 = arith.constant 1 : i32
      %add3A_443 = arith.addi %add3A_441, %add3A_442 : i32
      %get3A_444 = arith.index_cast %add3A_443 : i32 to index
      %get3A_445 = memref.load %arg1[%get3A_444] : memref<1001xi32, #tpu.memory_space<smem>>
      %get3A_446 = arith.constant 1 : index
      %get3A_447 = arith.constant 0 : index
      %get3A_448 = arith.constant 0 : index
      %get3A_449 = vector.load %arg2[%get3A_446, %get3A_447, %get3A_448] : memref<40x128x128xf32, #tpu.memory_space<vmem>>, vector<1x128x128xf32>
      %get3A_450 = vector.shape_cast %get3A_449 : vector<1x128x128xf32> to vector<128x128xf32>
      %bitcast_convert_type3A_451 = tpu.bitcast %get3A_450 : vector<128x128xf32> -> vector<128x128xi32>
      %add3A_452 = arith.constant 32768 : i32
      %add3A_453 = vector.broadcast %add3A_452 : i32 to vector<128x128xi32>
      %add3A_454 = arith.addi %bitcast_convert_type3A_451, %add3A_453 : vector<128x128xi32>
      %bitcast_convert_type3A_455 = tpu.bitcast %add3A_454 : vector<128x128xi32> -> vector<128x128xf32>
      %convert_element_type3A_456 = arith.truncf %bitcast_convert_type3A_455 : vector<128x128xf32> to vector<128x128xbf16>
      %dot_general3A_457 = arith.constant dense<0.000000e+00> : vector<128x128xf32>
      %dot_general3A_458 = tpu.matmul %get3A_386, %convert_element_type3A_456, %dot_general3A_457 {dimension_numbers = #tpu.dot_dimension_numbers<[1], [1], [0], [0], [0, 0, 1, 0], [], []>, transpose_lhs_hint = false} : vector<128x128xbf16>, vector<128x128xbf16>, vector<128x128xf32> -> vector<128x128xf32>
      %get3A_459 = arith.constant 1 : index
      %get3A_460 = arith.constant 0 : index
      %get3A_461 = vector.load %arg3[%get3A_459, %get3A_460] : memref<40x128xf32, #tpu.memory_space<vmem>>, vector<1x128xf32>
      %get3A_462 = vector.shape_cast %get3A_461 : vector<1x128xf32> to vector<128xf32>
      %broadcast_in_dim3A_463 = vector.shape_cast %get3A_462 : vector<128xf32> to vector<1x128xf32>
      %add3A_464 = vector.broadcast %broadcast_in_dim3A_463 : vector<1x128xf32> to vector<128x128xf32>
      %add3A_465 = arith.addf %dot_general3A_458, %add3A_464 : vector<128x128xf32>
      %abs3A_466 = math.absf %add3A_465 : vector<128x128xf32>
      %ge3A_467 = vector.broadcast %get3A_437 : i32 to vector<128x1xi32>
      %ge3A_468 = arith.cmpi sge, %add3A_388, %ge3A_467 : vector<128x1xi32>
      %lt3A_469 = vector.broadcast %get3A_445 : i32 to vector<128x1xi32>
      %lt3A_470 = arith.cmpi slt, %add3A_388, %lt3A_469 : vector<128x1xi32>
      %and3A_471 = arith.andi %ge3A_468, %lt3A_470 : vector<128x1xi1>
      %jit3A_472 = arith.constant 0.000000e+00 : f32
      %broadcast_in_dim3A_473 = vector.shape_cast %and3A_471 : vector<128x1xi1> to vector<128x1xi1>
      %broadcast_in_dim3A_474 = vector.broadcast %broadcast_in_dim3A_473 : vector<128x1xi1> to vector<128x128xi1>
      %broadcast_in_dim3A_475 = vector.broadcast %jit3A_472 : f32 to vector<128x128xf32>
      %select_n3A_476 = arith.select %broadcast_in_dim3A_474, %abs3A_466, %broadcast_in_dim3A_475 : vector<128x128xi1>, vector<128x128xf32>
      %add3A_477 = arith.addf %add3A_431, %select_n3A_476 : vector<128x128xf32>
      %mul3A_478 = arith.constant 40 : i32
      %mul3A_479 = arith.muli %arg0, %mul3A_478 : i32
      %add3A_480 = arith.constant 2 : i32
      %add3A_481 = arith.addi %mul3A_479, %add3A_480 : i32
      %get3A_482 = arith.index_cast %add3A_481 : i32 to index
      %get3A_483 = memref.load %arg1[%get3A_482] : memref<1001xi32, #tpu.memory_space<smem>>
      %mul3A_484 = arith.constant 40 : i32
      %mul3A_485 = arith.muli %arg0, %mul3A_484 : i32
      %add3A_486 = arith.constant 2 : i32
      %add3A_487 = arith.addi %mul3A_485, %add3A_486 : i32
      %add3A_488 = arith.constant 1 : i32
      %add3A_489 = arith.addi %add3A_487, %add3A_488 : i32
      %get3A_490 = arith.index_cast %add3A_489 : i32 to index
      %get3A_491 = memref.load %arg1[%get3A_490] : memref<1001xi32, #tpu.memory_space<smem>>
      %get3A_492 = arith.constant 2 : index
      %get3A_493 = arith.constant 0 : index
      %get3A_494 = arith.constant 0 : index
      %get3A_495 = vector.load %arg2[%get3A_492, %get3A_493, %get3A_494] : memref<40x128x128xf32, #tpu.memory_space<vmem>>, vector<1x128x128xf32>
      %get3A_496 = vector.shape_cast %get3A_495 : vector<1x128x128xf32> to vector<128x128xf32>
      %bitcast_convert_type3A_497 = tpu.bitcast %get3A_496 : vector<128x128xf32> -> vector<128x128xi32>
      %add3A_498 = arith.constant 32768 : i32
      %add3A_499 = vector.broadcast %add3A_498 : i32 to vector<128x128xi32>
      %add3A_500 = arith.addi %bitcast_convert_type3A_497, %add3A_499 : vector<128x128xi32>
      %bitcast_convert_type3A_501 = tpu.bitcast %add3A_500 : vector<128x128xi32> -> vector<128x128xf32>
      %convert_element_type3A_502 = arith.truncf %bitcast_convert_type3A_501 : vector<128x128xf32> to vector<128x128xbf16>
      %dot_general3A_503 = arith.constant dense<0.000000e+00> : vector<128x128xf32>
      %dot_general3A_504 = tpu.matmul %get3A_386, %convert_element_type3A_502, %dot_general3A_503 {dimension_numbers = #tpu.dot_dimension_numbers<[1], [1], [0], [0], [0, 0, 1, 0], [], []>, transpose_lhs_hint = false} : vector<128x128xbf16>, vector<128x128xbf16>, vector<128x128xf32> -> vector<128x128xf32>
      %get3A_505 = arith.constant 2 : index
      %get3A_506 = arith.constant 0 : index
      %get3A_507 = vector.load %arg3[%get3A_505, %get3A_506] : memref<40x128xf32, #tpu.memory_space<vmem>>, vector<1x128xf32>
      %get3A_508 = vector.shape_cast %get3A_507 : vector<1x128xf32> to vector<128xf32>
      %broadcast_in_dim3A_509 = vector.shape_cast %get3A_508 : vector<128xf32> to vector<1x128xf32>
      %add3A_510 = vector.broadcast %broadcast_in_dim3A_509 : vector<1x128xf32> to vector<128x128xf32>
      %add3A_511 = arith.addf %dot_general3A_504, %add3A_510 : vector<128x128xf32>
      %abs3A_512 = math.absf %add3A_511 : vector<128x128xf32>
      %ge3A_513 = vector.broadcast %get3A_483 : i32 to vector<128x1xi32>
      %ge3A_514 = arith.cmpi sge, %add3A_388, %ge3A_513 : vector<128x1xi32>
      %lt3A_515 = vector.broadcast %get3A_491 : i32 to vector<128x1xi32>
      %lt3A_516 = arith.cmpi slt, %add3A_388, %lt3A_515 : vector<128x1xi32>
      %and3A_517 = arith.andi %ge3A_514, %lt3A_516 : vector<128x1xi1>
      %jit3A_518 = arith.constant 0.000000e+00 : f32
      %broadcast_in_dim3A_519 = vector.shape_cast %and3A_517 : vector<128x1xi1> to vector<128x1xi1>
      %broadcast_in_dim3A_520 = vector.broadcast %broadcast_in_dim3A_519 : vector<128x1xi1> to vector<128x128xi1>
      %broadcast_in_dim3A_521 = vector.broadcast %jit3A_518 : f32 to vector<128x128xf32>
      %select_n3A_522 = arith.select %broadcast_in_dim3A_520, %abs3A_512, %broadcast_in_dim3A_521 : vector<128x128xi1>, vector<128x128xf32>
      %add3A_523 = arith.addf %add3A_477, %select_n3A_522 : vector<128x128xf32>
      %mul3A_524 = arith.constant 40 : i32
      %mul3A_525 = arith.muli %arg0, %mul3A_524 : i32
      %add3A_526 = arith.constant 3 : i32
      %add3A_527 = arith.addi %mul3A_525, %add3A_526 : i32
      %get3A_528 = arith.index_cast %add3A_527 : i32 to index
      %get3A_529 = memref.load %arg1[%get3A_528] : memref<1001xi32, #tpu.memory_space<smem>>
      %mul3A_530 = arith.constant 40 : i32
      %mul3A_531 = arith.muli %arg0, %mul3A_530 : i32
      %add3A_532 = arith.constant 3 : i32
      %add3A_533 = arith.addi %mul3A_531, %add3A_532 : i32
      %add3A_534 = arith.constant 1 : i32
      %add3A_535 = arith.addi %add3A_533, %add3A_534 : i32
      %get3A_536 = arith.index_cast %add3A_535 : i32 to index
      %get3A_537 = memref.load %arg1[%get3A_536] : memref<1001xi32, #tpu.memory_space<smem>>
      %get3A_538 = arith.constant 3 : index
      %get3A_539 = arith.constant 0 : index
      %get3A_540 = arith.constant 0 : index
      %get3A_541 = vector.load %arg2[%get3A_538, %get3A_539, %get3A_540] : memref<40x128x128xf32, #tpu.memory_space<vmem>>, vector<1x128x128xf32>
      %get3A_542 = vector.shape_cast %get3A_541 : vector<1x128x128xf32> to vector<128x128xf32>
      %bitcast_convert_type3A_543 = tpu.bitcast %get3A_542 : vector<128x128xf32> -> vector<128x128xi32>
      %add3A_544 = arith.constant 32768 : i32
      %add3A_545 = vector.broadcast %add3A_544 : i32 to vector<128x128xi32>
      %add3A_546 = arith.addi %bitcast_convert_type3A_543, %add3A_545 : vector<128x128xi32>
      %bitcast_convert_type3A_547 = tpu.bitcast %add3A_546 : vector<128x128xi32> -> vector<128x128xf32>
      %convert_element_type3A_548 = arith.truncf %bitcast_convert_type3A_547 : vector<128x128xf32> to vector<128x128xbf16>
      %dot_general3A_549 = arith.constant dense<0.000000e+00> : vector<128x128xf32>
      %dot_general3A_550 = tpu.matmul %get3A_386, %convert_element_type3A_548, %dot_general3A_549 {dimension_numbers = #tpu.dot_dimension_numbers<[1], [1], [0], [0], [0, 0, 1, 0], [], []>, transpose_lhs_hint = false} : vector<128x128xbf16>, vector<128x128xbf16>, vector<128x128xf32> -> vector<128x128xf32>
      %get3A_551 = arith.constant 3 : index
      %get3A_552 = arith.constant 0 : index
      %get3A_553 = vector.load %arg3[%get3A_551, %get3A_552] : memref<40x128xf32, #tpu.memory_space<vmem>>, vector<1x128xf32>
      %get3A_554 = vector.shape_cast %get3A_553 : vector<1x128xf32> to vector<128xf32>
      %broadcast_in_dim3A_555 = vector.shape_cast %get3A_554 : vector<128xf32> to vector<1x128xf32>
      %add3A_556 = vector.broadcast %broadcast_in_dim3A_555 : vector<1x128xf32> to vector<128x128xf32>
      %add3A_557 = arith.addf %dot_general3A_550, %add3A_556 : vector<128x128xf32>
      %abs3A_558 = math.absf %add3A_557 : vector<128x128xf32>
      %ge3A_559 = vector.broadcast %get3A_529 : i32 to vector<128x1xi32>
      %ge3A_560 = arith.cmpi sge, %add3A_388, %ge3A_559 : vector<128x1xi32>
      %lt3A_561 = vector.broadcast %get3A_537 : i32 to vector<128x1xi32>
      %lt3A_562 = arith.cmpi slt, %add3A_388, %lt3A_561 : vector<128x1xi32>
      %and3A_563 = arith.andi %ge3A_560, %lt3A_562 : vector<128x1xi1>
      %jit3A_564 = arith.constant 0.000000e+00 : f32
      %broadcast_in_dim3A_565 = vector.shape_cast %and3A_563 : vector<128x1xi1> to vector<128x1xi1>
      %broadcast_in_dim3A_566 = vector.broadcast %broadcast_in_dim3A_565 : vector<128x1xi1> to vector<128x128xi1>
      %broadcast_in_dim3A_567 = vector.broadcast %jit3A_564 : f32 to vector<128x128xf32>
      %select_n3A_568 = arith.select %broadcast_in_dim3A_566, %abs3A_558, %broadcast_in_dim3A_567 : vector<128x128xi1>, vector<128x128xf32>
      %add3A_569 = arith.addf %add3A_523, %select_n3A_568 : vector<128x128xf32>
      %mul3A_570 = arith.constant 40 : i32
      %mul3A_571 = arith.muli %arg0, %mul3A_570 : i32
      %add3A_572 = arith.constant 4 : i32
      %add3A_573 = arith.addi %mul3A_571, %add3A_572 : i32
      %get3A_574 = arith.index_cast %add3A_573 : i32 to index
      %get3A_575 = memref.load %arg1[%get3A_574] : memref<1001xi32, #tpu.memory_space<smem>>
      %mul3A_576 = arith.constant 40 : i32
      %mul3A_577 = arith.muli %arg0, %mul3A_576 : i32
      %add3A_578 = arith.constant 4 : i32
      %add3A_579 = arith.addi %mul3A_577, %add3A_578 : i32
      %add3A_580 = arith.constant 1 : i32
      %add3A_581 = arith.addi %add3A_579, %add3A_580 : i32
      %get3A_582 = arith.index_cast %add3A_581 : i32 to index
      %get3A_583 = memref.load %arg1[%get3A_582] : memref<1001xi32, #tpu.memory_space<smem>>
      %get3A_584 = arith.constant 4 : index
      %get3A_585 = arith.constant 0 : index
      %get3A_586 = arith.constant 0 : index
      %get3A_587 = vector.load %arg2[%get3A_584, %get3A_585, %get3A_586] : memref<40x128x128xf32, #tpu.memory_space<vmem>>, vector<1x128x128xf32>
      %get3A_588 = vector.shape_cast %get3A_587 : vector<1x128x128xf32> to vector<128x128xf32>
      %bitcast_convert_type3A_589 = tpu.bitcast %get3A_588 : vector<128x128xf32> -> vector<128x128xi32>
      %add3A_590 = arith.constant 32768 : i32
      %add3A_591 = vector.broadcast %add3A_590 : i32 to vector<128x128xi32>
      %add3A_592 = arith.addi %bitcast_convert_type3A_589, %add3A_591 : vector<128x128xi32>
      %bitcast_convert_type3A_593 = tpu.bitcast %add3A_592 : vector<128x128xi32> -> vector<128x128xf32>
      %convert_element_type3A_594 = arith.truncf %bitcast_convert_type3A_593 : vector<128x128xf32> to vector<128x128xbf16>
      %dot_general3A_595 = arith.constant dense<0.000000e+00> : vector<128x128xf32>
      %dot_general3A_596 = tpu.matmul %get3A_386, %convert_element_type3A_594, %dot_general3A_595 {dimension_numbers = #tpu.dot_dimension_numbers<[1], [1], [0], [0], [0, 0, 1, 0], [], []>, transpose_lhs_hint = false} : vector<128x128xbf16>, vector<128x128xbf16>, vector<128x128xf32> -> vector<128x128xf32>
      %get3A_597 = arith.constant 4 : index
      %get3A_598 = arith.constant 0 : index
      %get3A_599 = vector.load %arg3[%get3A_597, %get3A_598] : memref<40x128xf32, #tpu.memory_space<vmem>>, vector<1x128xf32>
      %get3A_600 = vector.shape_cast %get3A_599 : vector<1x128xf32> to vector<128xf32>
      %broadcast_in_dim3A_601 = vector.shape_cast %get3A_600 : vector<128xf32> to vector<1x128xf32>
      %add3A_602 = vector.broadcast %broadcast_in_dim3A_601 : vector<1x128xf32> to vector<128x128xf32>
      %add3A_603 = arith.addf %dot_general3A_596, %add3A_602 : vector<128x128xf32>
      %abs3A_604 = math.absf %add3A_603 : vector<128x128xf32>
      %ge3A_605 = vector.broadcast %get3A_575 : i32 to vector<128x1xi32>
      %ge3A_606 = arith.cmpi sge, %add3A_388, %ge3A_605 : vector<128x1xi32>
      %lt3A_607 = vector.broadcast %get3A_583 : i32 to vector<128x1xi32>
      %lt3A_608 = arith.cmpi slt, %add3A_388, %lt3A_607 : vector<128x1xi32>
      %and3A_609 = arith.andi %ge3A_606, %lt3A_608 : vector<128x1xi1>
      %jit3A_610 = arith.constant 0.000000e+00 : f32
      %broadcast_in_dim3A_611 = vector.shape_cast %and3A_609 : vector<128x1xi1> to vector<128x1xi1>
      %broadcast_in_dim3A_612 = vector.broadcast %broadcast_in_dim3A_611 : vector<128x1xi1> to vector<128x128xi1>
      %broadcast_in_dim3A_613 = vector.broadcast %jit3A_610 : f32 to vector<128x128xf32>
      %select_n3A_614 = arith.select %broadcast_in_dim3A_612, %abs3A_604, %broadcast_in_dim3A_613 : vector<128x128xi1>, vector<128x128xf32>
      %add3A_615 = arith.addf %add3A_569, %select_n3A_614 : vector<128x128xf32>
      %mul3A_616 = arith.constant 40 : i32
      %mul3A_617 = arith.muli %arg0, %mul3A_616 : i32
      %add3A_618 = arith.constant 5 : i32
      %add3A_619 = arith.addi %mul3A_617, %add3A_618 : i32
      %get3A_620 = arith.index_cast %add3A_619 : i32 to index
      %get3A_621 = memref.load %arg1[%get3A_620] : memref<1001xi32, #tpu.memory_space<smem>>
      %mul3A_622 = arith.constant 40 : i32
      %mul3A_623 = arith.muli %arg0, %mul3A_622 : i32
      %add3A_624 = arith.constant 5 : i32
      %add3A_625 = arith.addi %mul3A_623, %add3A_624 : i32
      %add3A_626 = arith.constant 1 : i32
      %add3A_627 = arith.addi %add3A_625, %add3A_626 : i32
      %get3A_628 = arith.index_cast %add3A_627 : i32 to index
      %get3A_629 = memref.load %arg1[%get3A_628] : memref<1001xi32, #tpu.memory_space<smem>>
      %get3A_630 = arith.constant 5 : index
      %get3A_631 = arith.constant 0 : index
      %get3A_632 = arith.constant 0 : index
      %get3A_633 = vector.load %arg2[%get3A_630, %get3A_631, %get3A_632] : memref<40x128x128xf32, #tpu.memory_space<vmem>>, vector<1x128x128xf32>
      %get3A_634 = vector.shape_cast %get3A_633 : vector<1x128x128xf32> to vector<128x128xf32>
      %bitcast_convert_type3A_635 = tpu.bitcast %get3A_634 : vector<128x128xf32> -> vector<128x128xi32>
      %add3A_636 = arith.constant 32768 : i32
      %add3A_637 = vector.broadcast %add3A_636 : i32 to vector<128x128xi32>
      %add3A_638 = arith.addi %bitcast_convert_type3A_635, %add3A_637 : vector<128x128xi32>
      %bitcast_convert_type3A_639 = tpu.bitcast %add3A_638 : vector<128x128xi32> -> vector<128x128xf32>
      %convert_element_type3A_640 = arith.truncf %bitcast_convert_type3A_639 : vector<128x128xf32> to vector<128x128xbf16>
      %dot_general3A_641 = arith.constant dense<0.000000e+00> : vector<128x128xf32>
      %dot_general3A_642 = tpu.matmul %get3A_386, %convert_element_type3A_640, %dot_general3A_641 {dimension_numbers = #tpu.dot_dimension_numbers<[1], [1], [0], [0], [0, 0, 1, 0], [], []>, transpose_lhs_hint = false} : vector<128x128xbf16>, vector<128x128xbf16>, vector<128x128xf32> -> vector<128x128xf32>
      %get3A_643 = arith.constant 5 : index
      %get3A_644 = arith.constant 0 : index
      %get3A_645 = vector.load %arg3[%get3A_643, %get3A_644] : memref<40x128xf32, #tpu.memory_space<vmem>>, vector<1x128xf32>
      %get3A_646 = vector.shape_cast %get3A_645 : vector<1x128xf32> to vector<128xf32>
      %broadcast_in_dim3A_647 = vector.shape_cast %get3A_646 : vector<128xf32> to vector<1x128xf32>
      %add3A_648 = vector.broadcast %broadcast_in_dim3A_647 : vector<1x128xf32> to vector<128x128xf32>
      %add3A_649 = arith.addf %dot_general3A_642, %add3A_648 : vector<128x128xf32>
      %abs3A_650 = math.absf %add3A_649 : vector<128x128xf32>
      %ge3A_651 = vector.broadcast %get3A_621 : i32 to vector<128x1xi32>
      %ge3A_652 = arith.cmpi sge, %add3A_388, %ge3A_651 : vector<128x1xi32>
      %lt3A_653 = vector.broadcast %get3A_629 : i32 to vector<128x1xi32>
      %lt3A_654 = arith.cmpi slt, %add3A_388, %lt3A_653 : vector<128x1xi32>
      %and3A_655 = arith.andi %ge3A_652, %lt3A_654 : vector<128x1xi1>
      %jit3A_656 = arith.constant 0.000000e+00 : f32
      %broadcast_in_dim3A_657 = vector.shape_cast %and3A_655 : vector<128x1xi1> to vector<128x1xi1>
      %broadcast_in_dim3A_658 = vector.broadcast %broadcast_in_dim3A_657 : vector<128x1xi1> to vector<128x128xi1>
      %broadcast_in_dim3A_659 = vector.broadcast %jit3A_656 : f32 to vector<128x128xf32>
      %select_n3A_660 = arith.select %broadcast_in_dim3A_658, %abs3A_650, %broadcast_in_dim3A_659 : vector<128x128xi1>, vector<128x128xf32>
      %add3A_661 = arith.addf %add3A_615, %select_n3A_660 : vector<128x128xf32>
      %mul3A_662 = arith.constant 40 : i32
      %mul3A_663 = arith.muli %arg0, %mul3A_662 : i32
      %add3A_664 = arith.constant 6 : i32
      %add3A_665 = arith.addi %mul3A_663, %add3A_664 : i32
      %get3A_666 = arith.index_cast %add3A_665 : i32 to index
      %get3A_667 = memref.load %arg1[%get3A_666] : memref<1001xi32, #tpu.memory_space<smem>>
      %mul3A_668 = arith.constant 40 : i32
      %mul3A_669 = arith.muli %arg0, %mul3A_668 : i32
      %add3A_670 = arith.constant 6 : i32
      %add3A_671 = arith.addi %mul3A_669, %add3A_670 : i32
      %add3A_672 = arith.constant 1 : i32
      %add3A_673 = arith.addi %add3A_671, %add3A_672 : i32
      %get3A_674 = arith.index_cast %add3A_673 : i32 to index
      %get3A_675 = memref.load %arg1[%get3A_674] : memref<1001xi32, #tpu.memory_space<smem>>
      %get3A_676 = arith.constant 6 : index
      %get3A_677 = arith.constant 0 : index
      %get3A_678 = arith.constant 0 : index
      %get3A_679 = vector.load %arg2[%get3A_676, %get3A_677, %get3A_678] : memref<40x128x128xf32, #tpu.memory_space<vmem>>, vector<1x128x128xf32>
      %get3A_680 = vector.shape_cast %get3A_679 : vector<1x128x128xf32> to vector<128x128xf32>
      %bitcast_convert_type3A_681 = tpu.bitcast %get3A_680 : vector<128x128xf32> -> vector<128x128xi32>
      %add3A_682 = arith.constant 32768 : i32
      %add3A_683 = vector.broadcast %add3A_682 : i32 to vector<128x128xi32>
      %add3A_684 = arith.addi %bitcast_convert_type3A_681, %add3A_683 : vector<128x128xi32>
      %bitcast_convert_type3A_685 = tpu.bitcast %add3A_684 : vector<128x128xi32> -> vector<128x128xf32>
      %convert_element_type3A_686 = arith.truncf %bitcast_convert_type3A_685 : vector<128x128xf32> to vector<128x128xbf16>
      %dot_general3A_687 = arith.constant dense<0.000000e+00> : vector<128x128xf32>
      %dot_general3A_688 = tpu.matmul %get3A_386, %convert_element_type3A_686, %dot_general3A_687 {dimension_numbers = #tpu.dot_dimension_numbers<[1], [1], [0], [0], [0, 0, 1, 0], [], []>, transpose_lhs_hint = false} : vector<128x128xbf16>, vector<128x128xbf16>, vector<128x128xf32> -> vector<128x128xf32>
      %get3A_689 = arith.constant 6 : index
      %get3A_690 = arith.constant 0 : index
      %get3A_691 = vector.load %arg3[%get3A_689, %get3A_690] : memref<40x128xf32, #tpu.memory_space<vmem>>, vector<1x128xf32>
      %get3A_692 = vector.shape_cast %get3A_691 : vector<1x128xf32> to vector<128xf32>
      %broadcast_in_dim3A_693 = vector.shape_cast %get3A_692 : vector<128xf32> to vector<1x128xf32>
      %add3A_694 = vector.broadcast %broadcast_in_dim3A_693 : vector<1x128xf32> to vector<128x128xf32>
      %add3A_695 = arith.addf %dot_general3A_688, %add3A_694 : vector<128x128xf32>
      %abs3A_696 = math.absf %add3A_695 : vector<128x128xf32>
      %ge3A_697 = vector.broadcast %get3A_667 : i32 to vector<128x1xi32>
      %ge3A_698 = arith.cmpi sge, %add3A_388, %ge3A_697 : vector<128x1xi32>
      %lt3A_699 = vector.broadcast %get3A_675 : i32 to vector<128x1xi32>
      %lt3A_700 = arith.cmpi slt, %add3A_388, %lt3A_699 : vector<128x1xi32>
      %and3A_701 = arith.andi %ge3A_698, %lt3A_700 : vector<128x1xi1>
      %jit3A_702 = arith.constant 0.000000e+00 : f32
      %broadcast_in_dim3A_703 = vector.shape_cast %and3A_701 : vector<128x1xi1> to vector<128x1xi1>
      %broadcast_in_dim3A_704 = vector.broadcast %broadcast_in_dim3A_703 : vector<128x1xi1> to vector<128x128xi1>
      %broadcast_in_dim3A_705 = vector.broadcast %jit3A_702 : f32 to vector<128x128xf32>
      %select_n3A_706 = arith.select %broadcast_in_dim3A_704, %abs3A_696, %broadcast_in_dim3A_705 : vector<128x128xi1>, vector<128x128xf32>
      %add3A_707 = arith.addf %add3A_661, %select_n3A_706 : vector<128x128xf32>
      %mul3A_708 = arith.constant 40 : i32
      %mul3A_709 = arith.muli %arg0, %mul3A_708 : i32
      %add3A_710 = arith.constant 7 : i32
      %add3A_711 = arith.addi %mul3A_709, %add3A_710 : i32
      %get3A_712 = arith.index_cast %add3A_711 : i32 to index
      %get3A_713 = memref.load %arg1[%get3A_712] : memref<1001xi32, #tpu.memory_space<smem>>
      %mul3A_714 = arith.constant 40 : i32
      %mul3A_715 = arith.muli %arg0, %mul3A_714 : i32
      %add3A_716 = arith.constant 7 : i32
      %add3A_717 = arith.addi %mul3A_715, %add3A_716 : i32
      %add3A_718 = arith.constant 1 : i32
      %add3A_719 = arith.addi %add3A_717, %add3A_718 : i32
      %get3A_720 = arith.index_cast %add3A_719 : i32 to index
      %get3A_721 = memref.load %arg1[%get3A_720] : memref<1001xi32, #tpu.memory_space<smem>>
      %get3A_722 = arith.constant 7 : index
      %get3A_723 = arith.constant 0 : index
      %get3A_724 = arith.constant 0 : index
      %get3A_725 = vector.load %arg2[%get3A_722, %get3A_723, %get3A_724] : memref<40x128x128xf32, #tpu.memory_space<vmem>>, vector<1x128x128xf32>
      %get3A_726 = vector.shape_cast %get3A_725 : vector<1x128x128xf32> to vector<128x128xf32>
      %bitcast_convert_type3A_727 = tpu.bitcast %get3A_726 : vector<128x128xf32> -> vector<128x128xi32>
      %add3A_728 = arith.constant 32768 : i32
      %add3A_729 = vector.broadcast %add3A_728 : i32 to vector<128x128xi32>
      %add3A_730 = arith.addi %bitcast_convert_type3A_727, %add3A_729 : vector<128x128xi32>
      %bitcast_convert_type3A_731 = tpu.bitcast %add3A_730 : vector<128x128xi32> -> vector<128x128xf32>
      %convert_element_type3A_732 = arith.truncf %bitcast_convert_type3A_731 : vector<128x128xf32> to vector<128x128xbf16>
      %dot_general3A_733 = arith.constant dense<0.000000e+00> : vector<128x128xf32>
      %dot_general3A_734 = tpu.matmul %get3A_386, %convert_element_type3A_732, %dot_general3A_733 {dimension_numbers = #tpu.dot_dimension_numbers<[1], [1], [0], [0], [0, 0, 1, 0], [], []>, transpose_lhs_hint = false} : vector<128x128xbf16>, vector<128x128xbf16>, vector<128x128xf32> -> vector<128x128xf32>
      %get3A_735 = arith.constant 7 : index
      %get3A_736 = arith.constant 0 : index
      %get3A_737 = vector.load %arg3[%get3A_735, %get3A_736] : memref<40x128xf32, #tpu.memory_space<vmem>>, vector<1x128xf32>
      %get3A_738 = vector.shape_cast %get3A_737 : vector<1x128xf32> to vector<128xf32>
      %broadcast_in_dim3A_739 = vector.shape_cast %get3A_738 : vector<128xf32> to vector<1x128xf32>
      %add3A_740 = vector.broadcast %broadcast_in_dim3A_739 : vector<1x128xf32> to vector<128x128xf32>
      %add3A_741 = arith.addf %dot_general3A_734, %add3A_740 : vector<128x128xf32>
      %abs3A_742 = math.absf %add3A_741 : vector<128x128xf32>
      %ge3A_743 = vector.broadcast %get3A_713 : i32 to vector<128x1xi32>
      %ge3A_744 = arith.cmpi sge, %add3A_388, %ge3A_743 : vector<128x1xi32>
      %lt3A_745 = vector.broadcast %get3A_721 : i32 to vector<128x1xi32>
      %lt3A_746 = arith.cmpi slt, %add3A_388, %lt3A_745 : vector<128x1xi32>
      %and3A_747 = arith.andi %ge3A_744, %lt3A_746 : vector<128x1xi1>
      %jit3A_748 = arith.constant 0.000000e+00 : f32
      %broadcast_in_dim3A_749 = vector.shape_cast %and3A_747 : vector<128x1xi1> to vector<128x1xi1>
      %broadcast_in_dim3A_750 = vector.broadcast %broadcast_in_dim3A_749 : vector<128x1xi1> to vector<128x128xi1>
      %broadcast_in_dim3A_751 = vector.broadcast %jit3A_748 : f32 to vector<128x128xf32>
      %select_n3A_752 = arith.select %broadcast_in_dim3A_750, %abs3A_742, %broadcast_in_dim3A_751 : vector<128x128xi1>, vector<128x128xf32>
      %add3A_753 = arith.addf %add3A_707, %select_n3A_752 : vector<128x128xf32>
      %swap3A = arith.index_cast %multiple_of3A : i32 to index
      %swap3A_754 = arith.constant 0 : index
      %swap3A_755 = vector.load %arg8[%swap3A, %swap3A_754] : memref<4096x128xf32, #tpu.memory_space<vmem>>, vector<128x128xf32>
      tpu.vector_store %arg8[%swap3A, %swap3A_754], %add3A_753 {strides = array<i32>} : memref<4096x128xf32, #tpu.memory_space<vmem>>, vector<128x128xf32>,
      %while3A_756 = arith.constant 0 : i32
      scf.yield %while3A_756 : i32
    }
    %while3A_65 = arith.constant 1 : i32
    %while3A_66 = scf.for %while3A_380 = %while3A_62 to %while3A_58 step %while3A_65 iter_args(%while3A_381 = %while3A_64) -> (i32)  : i32 {
      %mul3A_382 = arith.constant 128 : i32
      %mul3A_383 = arith.muli %while3A_380, %mul3A_382 : i32
      %multiple_of3A = tpu.assume_multiple %mul3A_383, 128 : i32
      %get3A_384 = arith.index_cast %multiple_of3A : i32 to index
      %get3A_385 = arith.constant 0 : index
      %get3A_386 = vector.load %arg7[%get3A_384, %get3A_385] : memref<4096x128xbf16, #tpu.memory_space<vmem>>, vector<128x128xbf16>
      %iota3A = tpu.iota {dimensions = array<i32: 0>} : vector<128x1xi32>
      %add3A_387 = vector.broadcast %multiple_of3A : i32 to vector<128x1xi32>
      %add3A_388 = arith.addi %add3A_387, %iota3A : vector<128x1xi32>
      %get3A_389 = arith.index_cast %multiple_of3A : i32 to index
      %get3A_390 = arith.constant 0 : index
      %get3A_391 = vector.load %arg8[%get3A_389, %get3A_390] : memref<4096x128xf32, #tpu.memory_space<vmem>>, vector<128x128xf32>
      %mul3A_392 = arith.constant 40 : i32
      %mul3A_393 = arith.muli %arg0, %mul3A_392 : i32
      %add3A_394 = arith.constant 0 : i32
      %add3A_395 = arith.addi %mul3A_393, %add3A_394 : i32
      %get3A_396 = arith.index_cast %add3A_395 : i32 to index
      %get3A_397 = memref.load %arg1[%get3A_396] : memref<1001xi32, #tpu.memory_space<smem>>
      %mul3A_398 = arith.constant 40 : i32
      %mul3A_399 = arith.muli %arg0, %mul3A_398 : i32
      %add3A_400 = arith.constant 0 : i32
      %add3A_401 = arith.addi %mul3A_399, %add3A_400 : i32
      %add3A_402 = arith.constant 1 : i32
      %add3A_403 = arith.addi %add3A_401, %add3A_402 : i32
      %get3A_404 = arith.index_cast %add3A_403 : i32 to index
      %get3A_405 = memref.load %arg1[%get3A_404] : memref<1001xi32, #tpu.memory_space<smem>>
      %get3A_406 = arith.constant 0 : index
      %get3A_407 = arith.constant 0 : index
      %get3A_408 = arith.constant 0 : index
      %get3A_409 = vector.load %arg2[%get3A_406, %get3A_407, %get3A_408] : memref<40x128x128xf32, #tpu.memory_space<vmem>>, vector<1x128x128xf32>
      %get3A_410 = vector.shape_cast %get3A_409 : vector<1x128x128xf32> to vector<128x128xf32>
      %bitcast_convert_type3A = tpu.bitcast %get3A_410 : vector<128x128xf32> -> vector<128x128xi32>
      %add3A_411 = arith.constant 32768 : i32
      %add3A_412 = vector.broadcast %add3A_411 : i32 to vector<128x128xi32>
      %add3A_413 = arith.addi %bitcast_convert_type3A, %add3A_412 : vector<128x128xi32>
      %bitcast_convert_type3A_414 = tpu.bitcast %add3A_413 : vector<128x128xi32> -> vector<128x128xf32>
      %convert_element_type3A_415 = arith.truncf %bitcast_convert_type3A_414 : vector<128x128xf32> to vector<128x128xbf16>
      %dot_general3A = arith.constant dense<0.000000e+00> : vector<128x128xf32>
      %dot_general3A_416 = tpu.matmul %get3A_386, %convert_element_type3A_415, %dot_general3A {dimension_numbers = #tpu.dot_dimension_numbers<[1], [1], [0], [0], [0, 0, 1, 0], [], []>, transpose_lhs_hint = false} : vector<128x128xbf16>, vector<128x128xbf16>, vector<128x128xf32> -> vector<128x128xf32>
      %get3A_417 = arith.constant 0 : index
      %get3A_418 = arith.constant 0 : index
      %get3A_419 = vector.load %arg3[%get3A_417, %get3A_418] : memref<40x128xf32, #tpu.memory_space<vmem>>, vector<1x128xf32>
      %get3A_420 = vector.shape_cast %get3A_419 : vector<1x128xf32> to vector<128xf32>
      %broadcast_in_dim3A = vector.shape_cast %get3A_420 : vector<128xf32> to vector<1x128xf32>
      %add3A_421 = vector.broadcast %broadcast_in_dim3A : vector<1x128xf32> to vector<128x128xf32>
      %add3A_422 = arith.addf %dot_general3A_416, %add3A_421 : vector<128x128xf32>
      %abs3A = math.absf %add3A_422 : vector<128x128xf32>
      %ge3A = vector.broadcast %get3A_397 : i32 to vector<128x1xi32>
      %ge3A_423 = arith.cmpi sge, %add3A_388, %ge3A : vector<128x1xi32>
      %lt3A = vector.broadcast %get3A_405 : i32 to vector<128x1xi32>
      %lt3A_424 = arith.cmpi slt, %add3A_388, %lt3A : vector<128x1xi32>
      %and3A_425 = arith.andi %ge3A_423, %lt3A_424 : vector<128x1xi1>
      %jit3A_426 = arith.constant 0.000000e+00 : f32
      %broadcast_in_dim3A_427 = vector.shape_cast %and3A_425 : vector<128x1xi1> to vector<128x1xi1>
      %broadcast_in_dim3A_428 = vector.broadcast %broadcast_in_dim3A_427 : vector<128x1xi1> to vector<128x128xi1>
      %broadcast_in_dim3A_429 = vector.broadcast %jit3A_426 : f32 to vector<128x128xf32>
      %select_n3A_430 = arith.select %broadcast_in_dim3A_428, %abs3A, %broadcast_in_dim3A_429 : vector<128x128xi1>, vector<128x128xf32>
      %add3A_431 = arith.addf %get3A_391, %select_n3A_430 : vector<128x128xf32>
      %mul3A_432 = arith.constant 40 : i32
      %mul3A_433 = arith.muli %arg0, %mul3A_432 : i32
      %add3A_434 = arith.constant 1 : i32
      %add3A_435 = arith.addi %mul3A_433, %add3A_434 : i32
      %get3A_436 = arith.index_cast %add3A_435 : i32 to index
      %get3A_437 = memref.load %arg1[%get3A_436] : memref<1001xi32, #tpu.memory_space<smem>>
      %mul3A_438 = arith.constant 40 : i32
      %mul3A_439 = arith.muli %arg0, %mul3A_438 : i32
      %add3A_440 = arith.constant 1 : i32
      %add3A_441 = arith.addi %mul3A_439, %add3A_440 : i32
      %add3A_442 = arith.constant 1 : i32
      %add3A_443 = arith.addi %add3A_441, %add3A_442 : i32
      %get3A_444 = arith.index_cast %add3A_443 : i32 to index
      %get3A_445 = memref.load %arg1[%get3A_444] : memref<1001xi32, #tpu.memory_space<smem>>
      %get3A_446 = arith.constant 1 : index
      %get3A_447 = arith.constant 0 : index
      %get3A_448 = arith.constant 0 : index
      %get3A_449 = vector.load %arg2[%get3A_446, %get3A_447, %get3A_448] : memref<40x128x128xf32, #tpu.memory_space<vmem>>, vector<1x128x128xf32>
      %get3A_450 = vector.shape_cast %get3A_449 : vector<1x128x128xf32> to vector<128x128xf32>
      %bitcast_convert_type3A_451 = tpu.bitcast %get3A_450 : vector<128x128xf32> -> vector<128x128xi32>
      %add3A_452 = arith.constant 32768 : i32
      %add3A_453 = vector.broadcast %add3A_452 : i32 to vector<128x128xi32>
      %add3A_454 = arith.addi %bitcast_convert_type3A_451, %add3A_453 : vector<128x128xi32>
      %bitcast_convert_type3A_455 = tpu.bitcast %add3A_454 : vector<128x128xi32> -> vector<128x128xf32>
      %convert_element_type3A_456 = arith.truncf %bitcast_convert_type3A_455 : vector<128x128xf32> to vector<128x128xbf16>
      %dot_general3A_457 = arith.constant dense<0.000000e+00> : vector<128x128xf32>
      %dot_general3A_458 = tpu.matmul %get3A_386, %convert_element_type3A_456, %dot_general3A_457 {dimension_numbers = #tpu.dot_dimension_numbers<[1], [1], [0], [0], [0, 0, 1, 0], [], []>, transpose_lhs_hint = false} : vector<128x128xbf16>, vector<128x128xbf16>, vector<128x128xf32> -> vector<128x128xf32>
      %get3A_459 = arith.constant 1 : index
      %get3A_460 = arith.constant 0 : index
      %get3A_461 = vector.load %arg3[%get3A_459, %get3A_460] : memref<40x128xf32, #tpu.memory_space<vmem>>, vector<1x128xf32>
      %get3A_462 = vector.shape_cast %get3A_461 : vector<1x128xf32> to vector<128xf32>
      %broadcast_in_dim3A_463 = vector.shape_cast %get3A_462 : vector<128xf32> to vector<1x128xf32>
      %add3A_464 = vector.broadcast %broadcast_in_dim3A_463 : vector<1x128xf32> to vector<128x128xf32>
      %add3A_465 = arith.addf %dot_general3A_458, %add3A_464 : vector<128x128xf32>
      %abs3A_466 = math.absf %add3A_465 : vector<128x128xf32>
      %ge3A_467 = vector.broadcast %get3A_437 : i32 to vector<128x1xi32>
      %ge3A_468 = arith.cmpi sge, %add3A_388, %ge3A_467 : vector<128x1xi32>
      %lt3A_469 = vector.broadcast %get3A_445 : i32 to vector<128x1xi32>
      %lt3A_470 = arith.cmpi slt, %add3A_388, %lt3A_469 : vector<128x1xi32>
      %and3A_471 = arith.andi %ge3A_468, %lt3A_470 : vector<128x1xi1>
      %jit3A_472 = arith.constant 0.000000e+00 : f32
      %broadcast_in_dim3A_473 = vector.shape_cast %and3A_471 : vector<128x1xi1> to vector<128x1xi1>
      %broadcast_in_dim3A_474 = vector.broadcast %broadcast_in_dim3A_473 : vector<128x1xi1> to vector<128x128xi1>
      %broadcast_in_dim3A_475 = vector.broadcast %jit3A_472 : f32 to vector<128x128xf32>
      %select_n3A_476 = arith.select %broadcast_in_dim3A_474, %abs3A_466, %broadcast_in_dim3A_475 : vector<128x128xi1>, vector<128x128xf32>
      %add3A_477 = arith.addf %add3A_431, %select_n3A_476 : vector<128x128xf32>
      %mul3A_478 = arith.constant 40 : i32
      %mul3A_479 = arith.muli %arg0, %mul3A_478 : i32
      %add3A_480 = arith.constant 2 : i32
      %add3A_481 = arith.addi %mul3A_479, %add3A_480 : i32
      %get3A_482 = arith.index_cast %add3A_481 : i32 to index
      %get3A_483 = memref.load %arg1[%get3A_482] : memref<1001xi32, #tpu.memory_space<smem>>
      %mul3A_484 = arith.constant 40 : i32
      %mul3A_485 = arith.muli %arg0, %mul3A_484 : i32
      %add3A_486 = arith.constant 2 : i32
      %add3A_487 = arith.addi %mul3A_485, %add3A_486 : i32
      %add3A_488 = arith.constant 1 : i32
      %add3A_489 = arith.addi %add3A_487, %add3A_488 : i32
      %get3A_490 = arith.index_cast %add3A_489 : i32 to index
      %get3A_491 = memref.load %arg1[%get3A_490] : memref<1001xi32, #tpu.memory_space<smem>>
      %get3A_492 = arith.constant 2 : index
      %get3A_493 = arith.constant 0 : index
      %get3A_494 = arith.constant 0 : index
      %get3A_495 = vector.load %arg2[%get3A_492, %get3A_493, %get3A_494] : memref<40x128x128xf32, #tpu.memory_space<vmem>>, vector<1x128x128xf32>
      %get3A_496 = vector.shape_cast %get3A_495 : vector<1x128x128xf32> to vector<128x128xf32>
      %bitcast_convert_type3A_497 = tpu.bitcast %get3A_496 : vector<128x128xf32> -> vector<128x128xi32>
      %add3A_498 = arith.constant 32768 : i32
      %add3A_499 = vector.broadcast %add3A_498 : i32 to vector<128x128xi32>
      %add3A_500 = arith.addi %bitcast_convert_type3A_497, %add3A_499 : vector<128x128xi32>
      %bitcast_convert_type3A_501 = tpu.bitcast %add3A_500 : vector<128x128xi32> -> vector<128x128xf32>
      %convert_element_type3A_502 = arith.truncf %bitcast_convert_type3A_501 : vector<128x128xf32> to vector<128x128xbf16>
      %dot_general3A_503 = arith.constant dense<0.000000e+00> : vector<128x128xf32>
      %dot_general3A_504 = tpu.matmul %get3A_386, %convert_element_type3A_502, %dot_general3A_503 {dimension_numbers = #tpu.dot_dimension_numbers<[1], [1], [0], [0], [0, 0, 1, 0], [], []>, transpose_lhs_hint = false} : vector<128x128xbf16>, vector<128x128xbf16>, vector<128x128xf32> -> vector<128x128xf32>
      %get3A_505 = arith.constant 2 : index
      %get3A_506 = arith.constant 0 : index
      %get3A_507 = vector.load %arg3[%get3A_505, %get3A_506] : memref<40x128xf32, #tpu.memory_space<vmem>>, vector<1x128xf32>
      %get3A_508 = vector.shape_cast %get3A_507 : vector<1x128xf32> to vector<128xf32>
      %broadcast_in_dim3A_509 = vector.shape_cast %get3A_508 : vector<128xf32> to vector<1x128xf32>
      %add3A_510 = vector.broadcast %broadcast_in_dim3A_509 : vector<1x128xf32> to vector<128x128xf32>
      %add3A_511 = arith.addf %dot_general3A_504, %add3A_510 : vector<128x128xf32>
      %abs3A_512 = math.absf %add3A_511 : vector<128x128xf32>
      %ge3A_513 = vector.broadcast %get3A_483 : i32 to vector<128x1xi32>
      %ge3A_514 = arith.cmpi sge, %add3A_388, %ge3A_513 : vector<128x1xi32>
      %lt3A_515 = vector.broadcast %get3A_491 : i32 to vector<128x1xi32>
      %lt3A_516 = arith.cmpi slt, %add3A_388, %lt3A_515 : vector<128x1xi32>
      %and3A_517 = arith.andi %ge3A_514, %lt3A_516 : vector<128x1xi1>
      %jit3A_518 = arith.constant 0.000000e+00 : f32
      %broadcast_in_dim3A_519 = vector.shape_cast %and3A_517 : vector<128x1xi1> to vector<128x1xi1>
      %broadcast_in_dim3A_520 = vector.broadcast %broadcast_in_dim3A_519 : vector<128x1xi1> to vector<128x128xi1>
      %broadcast_in_dim3A_521 = vector.broadcast %jit3A_518 : f32 to vector<128x128xf32>
      %select_n3A_522 = arith.select %broadcast_in_dim3A_520, %abs3A_512, %broadcast_in_dim3A_521 : vector<128x128xi1>, vector<128x128xf32>
      %add3A_523 = arith.addf %add3A_477, %select_n3A_522 : vector<128x128xf32>
      %mul3A_524 = arith.constant 40 : i32
      %mul3A_525 = arith.muli %arg0, %mul3A_524 : i32
      %add3A_526 = arith.constant 3 : i32
      %add3A_527 = arith.addi %mul3A_525, %add3A_526 : i32
      %get3A_528 = arith.index_cast %add3A_527 : i32 to index
      %get3A_529 = memref.load %arg1[%get3A_528] : memref<1001xi32, #tpu.memory_space<smem>>
      %mul3A_530 = arith.constant 40 : i32
      %mul3A_531 = arith.muli %arg0, %mul3A_530 : i32
      %add3A_532 = arith.constant 3 : i32
      %add3A_533 = arith.addi %mul3A_531, %add3A_532 : i32
      %add3A_534 = arith.constant 1 : i32
      %add3A_535 = arith.addi %add3A_533, %add3A_534 : i32
      %get3A_536 = arith.index_cast %add3A_535 : i32 to index
      %get3A_537 = memref.load %arg1[%get3A_536] : memref<1001xi32, #tpu.memory_space<smem>>
      %get3A_538 = arith.constant 3 : index
      %get3A_539 = arith.constant 0 : index
      %get3A_540 = arith.constant 0 : index
      %get3A_541 = vector.load %arg2[%get3A_538, %get3A_539, %get3A_540] : memref<40x128x128xf32, #tpu.memory_space<vmem>>, vector<1x128x128xf32>
      %get3A_542 = vector.shape_cast %get3A_541 : vector<1x128x128xf32> to vector<128x128xf32>
      %bitcast_convert_type3A_543 = tpu.bitcast %get3A_542 : vector<128x128xf32> -> vector<128x128xi32>
      %add3A_544 = arith.constant 32768 : i32
      %add3A_545 = vector.broadcast %add3A_544 : i32 to vector<128x128xi32>
      %add3A_546 = arith.addi %bitcast_convert_type3A_543, %add3A_545 : vector<128x128xi32>
      %bitcast_convert_type3A_547 = tpu.bitcast %add3A_546 : vector<128x128xi32> -> vector<128x128xf32>
      %convert_element_type3A_548 = arith.truncf %bitcast_convert_type3A_547 : vector<128x128xf32> to vector<128x128xbf16>
      %dot_general3A_549 = arith.constant dense<0.000000e+00> : vector<128x128xf32>
      %dot_general3A_550 = tpu.matmul %get3A_386, %convert_element_type3A_548, %dot_general3A_549 {dimension_numbers = #tpu.dot_dimension_numbers<[1], [1], [0], [0], [0, 0, 1, 0], [], []>, transpose_lhs_hint = false} : vector<128x128xbf16>, vector<128x128xbf16>, vector<128x128xf32> -> vector<128x128xf32>
      %get3A_551 = arith.constant 3 : index
      %get3A_552 = arith.constant 0 : index
      %get3A_553 = vector.load %arg3[%get3A_551, %get3A_552] : memref<40x128xf32, #tpu.memory_space<vmem>>, vector<1x128xf32>
      %get3A_554 = vector.shape_cast %get3A_553 : vector<1x128xf32> to vector<128xf32>
      %broadcast_in_dim3A_555 = vector.shape_cast %get3A_554 : vector<128xf32> to vector<1x128xf32>
      %add3A_556 = vector.broadcast %broadcast_in_dim3A_555 : vector<1x128xf32> to vector<128x128xf32>
      %add3A_557 = arith.addf %dot_general3A_550, %add3A_556 : vector<128x128xf32>
      %abs3A_558 = math.absf %add3A_557 : vector<128x128xf32>
      %ge3A_559 = vector.broadcast %get3A_529 : i32 to vector<128x1xi32>
      %ge3A_560 = arith.cmpi sge, %add3A_388, %ge3A_559 : vector<128x1xi32>
      %lt3A_561 = vector.broadcast %get3A_537 : i32 to vector<128x1xi32>
      %lt3A_562 = arith.cmpi slt, %add3A_388, %lt3A_561 : vector<128x1xi32>
      %and3A_563 = arith.andi %ge3A_560, %lt3A_562 : vector<128x1xi1>
      %jit3A_564 = arith.constant 0.000000e+00 : f32
      %broadcast_in_dim3A_565 = vector.shape_cast %and3A_563 : vector<128x1xi1> to vector<128x1xi1>
      %broadcast_in_dim3A_566 = vector.broadcast %broadcast_in_dim3A_565 : vector<128x1xi1> to vector<128x128xi1>
      %broadcast_in_dim3A_567 = vector.broadcast %jit3A_564 : f32 to vector<128x128xf32>
      %select_n3A_568 = arith.select %broadcast_in_dim3A_566, %abs3A_558, %broadcast_in_dim3A_567 : vector<128x128xi1>, vector<128x128xf32>
      %add3A_569 = arith.addf %add3A_523, %select_n3A_568 : vector<128x128xf32>
      %mul3A_570 = arith.constant 40 : i32
      %mul3A_571 = arith.muli %arg0, %mul3A_570 : i32
      %add3A_572 = arith.constant 4 : i32
      %add3A_573 = arith.addi %mul3A_571, %add3A_572 : i32
      %get3A_574 = arith.index_cast %add3A_573 : i32 to index
      %get3A_575 = memref.load %arg1[%get3A_574] : memref<1001xi32, #tpu.memory_space<smem>>
      %mul3A_576 = arith.constant 40 : i32
      %mul3A_577 = arith.muli %arg0, %mul3A_576 : i32
      %add3A_578 = arith.constant 4 : i32
      %add3A_579 = arith.addi %mul3A_577, %add3A_578 : i32
      %add3A_580 = arith.constant 1 : i32
      %add3A_581 = arith.addi %add3A_579, %add3A_580 : i32
      %get3A_582 = arith.index_cast %add3A_581 : i32 to index
      %get3A_583 = memref.load %arg1[%get3A_582] : memref<1001xi32, #tpu.memory_space<smem>>
      %get3A_584 = arith.constant 4 : index
      %get3A_585 = arith.constant 0 : index
      %get3A_586 = arith.constant 0 : index
      %get3A_587 = vector.load %arg2[%get3A_584, %get3A_585, %get3A_586] : memref<40x128x128xf32, #tpu.memory_space<vmem>>, vector<1x128x128xf32>
      %get3A_588 = vector.shape_cast %get3A_587 : vector<1x128x128xf32> to vector<128x128xf32>
      %bitcast_convert_type3A_589 = tpu.bitcast %get3A_588 : vector<128x128xf32> -> vector<128x128xi32>
      %add3A_590 = arith.constant 32768 : i32
      %add3A_591 = vector.broadcast %add3A_590 : i32 to vector<128x128xi32>
      %add3A_592 = arith.addi %bitcast_convert_type3A_589, %add3A_591 : vector<128x128xi32>
      %bitcast_convert_type3A_593 = tpu.bitcast %add3A_592 : vector<128x128xi32> -> vector<128x128xf32>
      %convert_element_type3A_594 = arith.truncf %bitcast_convert_type3A_593 : vector<128x128xf32> to vector<128x128xbf16>
      %dot_general3A_595 = arith.constant dense<0.000000e+00> : vector<128x128xf32>
      %dot_general3A_596 = tpu.matmul %get3A_386, %convert_element_type3A_594, %dot_general3A_595 {dimension_numbers = #tpu.dot_dimension_numbers<[1], [1], [0], [0], [0, 0, 1, 0], [], []>, transpose_lhs_hint = false} : vector<128x128xbf16>, vector<128x128xbf16>, vector<128x128xf32> -> vector<128x128xf32>
      %get3A_597 = arith.constant 4 : index
      %get3A_598 = arith.constant 0 : index
      %get3A_599 = vector.load %arg3[%get3A_597, %get3A_598] : memref<40x128xf32, #tpu.memory_space<vmem>>, vector<1x128xf32>
      %get3A_600 = vector.shape_cast %get3A_599 : vector<1x128xf32> to vector<128xf32>
      %broadcast_in_dim3A_601 = vector.shape_cast %get3A_600 : vector<128xf32> to vector<1x128xf32>
      %add3A_602 = vector.broadcast %broadcast_in_dim3A_601 : vector<1x128xf32> to vector<128x128xf32>
      %add3A_603 = arith.addf %dot_general3A_596, %add3A_602 : vector<128x128xf32>
      %abs3A_604 = math.absf %add3A_603 : vector<128x128xf32>
      %ge3A_605 = vector.broadcast %get3A_575 : i32 to vector<128x1xi32>
      %ge3A_606 = arith.cmpi sge, %add3A_388, %ge3A_605 : vector<128x1xi32>
      %lt3A_607 = vector.broadcast %get3A_583 : i32 to vector<128x1xi32>
      %lt3A_608 = arith.cmpi slt, %add3A_388, %lt3A_607 : vector<128x1xi32>
      %and3A_609 = arith.andi %ge3A_606, %lt3A_608 : vector<128x1xi1>
      %jit3A_610 = arith.constant 0.000000e+00 : f32
      %broadcast_in_dim3A_611 = vector.shape_cast %and3A_609 : vector<128x1xi1> to vector<128x1xi1>
      %broadcast_in_dim3A_612 = vector.broadcast %broadcast_in_dim3A_611 : vector<128x1xi1> to vector<128x128xi1>
      %broadcast_in_dim3A_613 = vector.broadcast %jit3A_610 : f32 to vector<128x128xf32>
      %select_n3A_614 = arith.select %broadcast_in_dim3A_612, %abs3A_604, %broadcast_in_dim3A_613 : vector<128x128xi1>, vector<128x128xf32>
      %add3A_615 = arith.addf %add3A_569, %select_n3A_614 : vector<128x128xf32>
      %mul3A_616 = arith.constant 40 : i32
      %mul3A_617 = arith.muli %arg0, %mul3A_616 : i32
      %add3A_618 = arith.constant 5 : i32
      %add3A_619 = arith.addi %mul3A_617, %add3A_618 : i32
      %get3A_620 = arith.index_cast %add3A_619 : i32 to index
      %get3A_621 = memref.load %arg1[%get3A_620] : memref<1001xi32, #tpu.memory_space<smem>>
      %mul3A_622 = arith.constant 40 : i32
      %mul3A_623 = arith.muli %arg0, %mul3A_622 : i32
      %add3A_624 = arith.constant 5 : i32
      %add3A_625 = arith.addi %mul3A_623, %add3A_624 : i32
      %add3A_626 = arith.constant 1 : i32
      %add3A_627 = arith.addi %add3A_625, %add3A_626 : i32
      %get3A_628 = arith.index_cast %add3A_627 : i32 to index
      %get3A_629 = memref.load %arg1[%get3A_628] : memref<1001xi32, #tpu.memory_space<smem>>
      %get3A_630 = arith.constant 5 : index
      %get3A_631 = arith.constant 0 : index
      %get3A_632 = arith.constant 0 : index
      %get3A_633 = vector.load %arg2[%get3A_630, %get3A_631, %get3A_632] : memref<40x128x128xf32, #tpu.memory_space<vmem>>, vector<1x128x128xf32>
      %get3A_634 = vector.shape_cast %get3A_633 : vector<1x128x128xf32> to vector<128x128xf32>
      %bitcast_convert_type3A_635 = tpu.bitcast %get3A_634 : vector<128x128xf32> -> vector<128x128xi32>
      %add3A_636 = arith.constant 32768 : i32
      %add3A_637 = vector.broadcast %add3A_636 : i32 to vector<128x128xi32>
      %add3A_638 = arith.addi %bitcast_convert_type3A_635, %add3A_637 : vector<128x128xi32>
      %bitcast_convert_type3A_639 = tpu.bitcast %add3A_638 : vector<128x128xi32> -> vector<128x128xf32>
      %convert_element_type3A_640 = arith.truncf %bitcast_convert_type3A_639 : vector<128x128xf32> to vector<128x128xbf16>
      %dot_general3A_641 = arith.constant dense<0.000000e+00> : vector<128x128xf32>
      %dot_general3A_642 = tpu.matmul %get3A_386, %convert_element_type3A_640, %dot_general3A_641 {dimension_numbers = #tpu.dot_dimension_numbers<[1], [1], [0], [0], [0, 0, 1, 0], [], []>, transpose_lhs_hint = false} : vector<128x128xbf16>, vector<128x128xbf16>, vector<128x128xf32> -> vector<128x128xf32>
      %get3A_643 = arith.constant 5 : index
      %get3A_644 = arith.constant 0 : index
      %get3A_645 = vector.load %arg3[%get3A_643, %get3A_644] : memref<40x128xf32, #tpu.memory_space<vmem>>, vector<1x128xf32>
      %get3A_646 = vector.shape_cast %get3A_645 : vector<1x128xf32> to vector<128xf32>
      %broadcast_in_dim3A_647 = vector.shape_cast %get3A_646 : vector<128xf32> to vector<1x128xf32>
      %add3A_648 = vector.broadcast %broadcast_in_dim3A_647 : vector<1x128xf32> to vector<128x128xf32>
      %add3A_649 = arith.addf %dot_general3A_642, %add3A_648 : vector<128x128xf32>
      %abs3A_650 = math.absf %add3A_649 : vector<128x128xf32>
      %ge3A_651 = vector.broadcast %get3A_621 : i32 to vector<128x1xi32>
      %ge3A_652 = arith.cmpi sge, %add3A_388, %ge3A_651 : vector<128x1xi32>
      %lt3A_653 = vector.broadcast %get3A_629 : i32 to vector<128x1xi32>
      %lt3A_654 = arith.cmpi slt, %add3A_388, %lt3A_653 : vector<128x1xi32>
      %and3A_655 = arith.andi %ge3A_652, %lt3A_654 : vector<128x1xi1>
      %jit3A_656 = arith.constant 0.000000e+00 : f32
      %broadcast_in_dim3A_657 = vector.shape_cast %and3A_655 : vector<128x1xi1> to vector<128x1xi1>
      %broadcast_in_dim3A_658 = vector.broadcast %broadcast_in_dim3A_657 : vector<128x1xi1> to vector<128x128xi1>
      %broadcast_in_dim3A_659 = vector.broadcast %jit3A_656 : f32 to vector<128x128xf32>
      %select_n3A_660 = arith.select %broadcast_in_dim3A_658, %abs3A_650, %broadcast_in_dim3A_659 : vector<128x128xi1>, vector<128x128xf32>
      %add3A_661 = arith.addf %add3A_615, %select_n3A_660 : vector<128x128xf32>
      %mul3A_662 = arith.constant 40 : i32
      %mul3A_663 = arith.muli %arg0, %mul3A_662 : i32
      %add3A_664 = arith.constant 6 : i32
      %add3A_665 = arith.addi %mul3A_663, %add3A_664 : i32
      %get3A_666 = arith.index_cast %add3A_665 : i32 to index
      %get3A_667 = memref.load %arg1[%get3A_666] : memref<1001xi32, #tpu.memory_space<smem>>
      %mul3A_668 = arith.constant 40 : i32
      %mul3A_669 = arith.muli %arg0, %mul3A_668 : i32
      %add3A_670 = arith.constant 6 : i32
      %add3A_671 = arith.addi %mul3A_669, %add3A_670 : i32
      %add3A_672 = arith.constant 1 : i32
      %add3A_673 = arith.addi %add3A_671, %add3A_672 : i32
      %get3A_674 = arith.index_cast %add3A_673 : i32 to index
      %get3A_675 = memref.load %arg1[%get3A_674] : memref<1001xi32, #tpu.memory_space<smem>>
      %get3A_676 = arith.constant 6 : index
      %get3A_677 = arith.constant 0 : index
      %get3A_678 = arith.constant 0 : index
      %get3A_679 = vector.load %arg2[%get3A_676, %get3A_677, %get3A_678] : memref<40x128x128xf32, #tpu.memory_space<vmem>>, vector<1x128x128xf32>
      %get3A_680 = vector.shape_cast %get3A_679 : vector<1x128x128xf32> to vector<128x128xf32>
      %bitcast_convert_type3A_681 = tpu.bitcast %get3A_680 : vector<128x128xf32> -> vector<128x128xi32>
      %add3A_682 = arith.constant 32768 : i32
      %add3A_683 = vector.broadcast %add3A_682 : i32 to vector<128x128xi32>
      %add3A_684 = arith.addi %bitcast_convert_type3A_681, %add3A_683 : vector<128x128xi32>
      %bitcast_convert_type3A_685 = tpu.bitcast %add3A_684 : vector<128x128xi32> -> vector<128x128xf32>
      %convert_element_type3A_686 = arith.truncf %bitcast_convert_type3A_685 : vector<128x128xf32> to vector<128x128xbf16>
      %dot_general3A_687 = arith.constant dense<0.000000e+00> : vector<128x128xf32>
      %dot_general3A_688 = tpu.matmul %get3A_386, %convert_element_type3A_686, %dot_general3A_687 {dimension_numbers = #tpu.dot_dimension_numbers<[1], [1], [0], [0], [0, 0, 1, 0], [], []>, transpose_lhs_hint = false} : vector<128x128xbf16>, vector<128x128xbf16>, vector<128x128xf32> -> vector<128x128xf32>
      %get3A_689 = arith.constant 6 : index
      %get3A_690 = arith.constant 0 : index
      %get3A_691 = vector.load %arg3[%get3A_689, %get3A_690] : memref<40x128xf32, #tpu.memory_space<vmem>>, vector<1x128xf32>
      %get3A_692 = vector.shape_cast %get3A_691 : vector<1x128xf32> to vector<128xf32>
      %broadcast_in_dim3A_693 = vector.shape_cast %get3A_692 : vector<128xf32> to vector<1x128xf32>
      %add3A_694 = vector.broadcast %broadcast_in_dim3A_693 : vector<1x128xf32> to vector<128x128xf32>
      %add3A_695 = arith.addf %dot_general3A_688, %add3A_694 : vector<128x128xf32>
      %abs3A_696 = math.absf %add3A_695 : vector<128x128xf32>
      %ge3A_697 = vector.broadcast %get3A_667 : i32 to vector<128x1xi32>
      %ge3A_698 = arith.cmpi sge, %add3A_388, %ge3A_697 : vector<128x1xi32>
      %lt3A_699 = vector.broadcast %get3A_675 : i32 to vector<128x1xi32>
      %lt3A_700 = arith.cmpi slt, %add3A_388, %lt3A_699 : vector<128x1xi32>
      %and3A_701 = arith.andi %ge3A_698, %lt3A_700 : vector<128x1xi1>
      %jit3A_702 = arith.constant 0.000000e+00 : f32
      %broadcast_in_dim3A_703 = vector.shape_cast %and3A_701 : vector<128x1xi1> to vector<128x1xi1>
      %broadcast_in_dim3A_704 = vector.broadcast %broadcast_in_dim3A_703 : vector<128x1xi1> to vector<128x128xi1>
      %broadcast_in_dim3A_705 = vector.broadcast %jit3A_702 : f32 to vector<128x128xf32>
      %select_n3A_706 = arith.select %broadcast_in_dim3A_704, %abs3A_696, %broadcast_in_dim3A_705 : vector<128x128xi1>, vector<128x128xf32>
      %add3A_707 = arith.addf %add3A_661, %select_n3A_706 : vector<128x128xf32>
      %mul3A_708 = arith.constant 40 : i32
      %mul3A_709 = arith.muli %arg0, %mul3A_708 : i32
      %add3A_710 = arith.constant 7 : i32
      %add3A_711 = arith.addi %mul3A_709, %add3A_710 : i32
      %get3A_712 = arith.index_cast %add3A_711 : i32 to index
      %get3A_713 = memref.load %arg1[%get3A_712] : memref<1001xi32, #tpu.memory_space<smem>>
      %mul3A_714 = arith.constant 40 : i32
      %mul3A_715 = arith.muli %arg0, %mul3A_714 : i32
      %add3A_716 = arith.constant 7 : i32
      %add3A_717 = arith.addi %mul3A_715, %add3A_716 : i32
      %add3A_718 = arith.constant 1 : i32
      %add3A_719 = arith.addi %add3A_717, %add3A_718 : i32
      %get3A_720 = arith.index_cast %add3A_719 : i32 to index
      %get3A_721 = memref.load %arg1[%get3A_720] : memref<1001xi32, #tpu.memory_space<smem>>
      %get3A_722 = arith.constant 7 : index
      %get3A_723 = arith.constant 0 : index
      %get3A_724 = arith.constant 0 : index
      %get3A_725 = vector.load %arg2[%get3A_722, %get3A_723, %get3A_724] : memref<40x128x128xf32, #tpu.memory_space<vmem>>, vector<1x128x128xf32>
      %get3A_726 = vector.shape_cast %get3A_725 : vector<1x128x128xf32> to vector<128x128xf32>
      %bitcast_convert_type3A_727 = tpu.bitcast %get3A_726 : vector<128x128xf32> -> vector<128x128xi32>
      %add3A_728 = arith.constant 32768 : i32
      %add3A_729 = vector.broadcast %add3A_728 : i32 to vector<128x128xi32>
      %add3A_730 = arith.addi %bitcast_convert_type3A_727, %add3A_729 : vector<128x128xi32>
      %bitcast_convert_type3A_731 = tpu.bitcast %add3A_730 : vector<128x128xi32> -> vector<128x128xf32>
      %convert_element_type3A_732 = arith.truncf %bitcast_convert_type3A_731 : vector<128x128xf32> to vector<128x128xbf16>
      %dot_general3A_733 = arith.constant dense<0.000000e+00> : vector<128x128xf32>
      %dot_general3A_734 = tpu.matmul %get3A_386, %convert_element_type3A_732, %dot_general3A_733 {dimension_numbers = #tpu.dot_dimension_numbers<[1], [1], [0], [0], [0, 0, 1, 0], [], []>, transpose_lhs_hint = false} : vector<128x128xbf16>, vector<128x128xbf16>, vector<128x128xf32> -> vector<128x128xf32>
      %get3A_735 = arith.constant 7 : index
      %get3A_736 = arith.constant 0 : index
      %get3A_737 = vector.load %arg3[%get3A_735, %get3A_736] : memref<40x128xf32, #tpu.memory_space<vmem>>, vector<1x128xf32>
      %get3A_738 = vector.shape_cast %get3A_737 : vector<1x128xf32> to vector<128xf32>
      %broadcast_in_dim3A_739 = vector.shape_cast %get3A_738 : vector<128xf32> to vector<1x128xf32>
      %add3A_740 = vector.broadcast %broadcast_in_dim3A_739 : vector<1x128xf32> to vector<128x128xf32>
      %add3A_741 = arith.addf %dot_general3A_734, %add3A_740 : vector<128x128xf32>
      %abs3A_742 = math.absf %add3A_741 : vector<128x128xf32>
      %ge3A_743 = vector.broadcast %get3A_713 : i32 to vector<128x1xi32>
      %ge3A_744 = arith.cmpi sge, %add3A_388, %ge3A_743 : vector<128x1xi32>
      %lt3A_745 = vector.broadcast %get3A_721 : i32 to vector<128x1xi32>
      %lt3A_746 = arith.cmpi slt, %add3A_388, %lt3A_745 : vector<128x1xi32>
      %and3A_747 = arith.andi %ge3A_744, %lt3A_746 : vector<128x1xi1>
      %jit3A_748 = arith.constant 0.000000e+00 : f32
      %broadcast_in_dim3A_749 = vector.shape_cast %and3A_747 : vector<128x1xi1> to vector<128x1xi1>
      %broadcast_in_dim3A_750 = vector.broadcast %broadcast_in_dim3A_749 : vector<128x1xi1> to vector<128x128xi1>
      %broadcast_in_dim3A_751 = vector.broadcast %jit3A_748 : f32 to vector<128x128xf32>
      %select_n3A_752 = arith.select %broadcast_in_dim3A_750, %abs3A_742, %broadcast_in_dim3A_751 : vector<128x128xi1>, vector<128x128xf32>
      %add3A_753 = arith.addf %add3A_707, %select_n3A_752 : vector<128x128xf32>
      %swap3A = arith.index_cast %multiple_of3A : i32 to index
      %swap3A_754 = arith.constant 0 : index
      %swap3A_755 = vector.load %arg8[%swap3A, %swap3A_754] : memref<4096x128xf32, #tpu.memory_space<vmem>>, vector<128x128xf32>
      tpu.vector_store %arg8[%swap3A, %swap3A_754], %add3A_753 {strides = array<i32>} : memref<4096x128xf32, #tpu.memory_space<vmem>>, vector<128x128xf32>,
      %while3A_756 = arith.constant 0 : i32
      scf.yield %while3A_756 : i32
    }
    %mul3A_67 = arith.constant 40 : i32
    %mul3A_68 = arith.muli %arg0, %mul3A_67 : i32
    %add3A_69 = arith.constant 8 : i32
    %add3A_70 = arith.addi %mul3A_68, %add3A_69 : i32
    %get3A_71 = arith.index_cast %add3A_70 : i32 to index
    %get3A_72 = memref.load %arg1[%get3A_71] : memref<1001xi32, #tpu.memory_space<smem>>
    %mul3A_73 = arith.constant 40 : i32
    %mul3A_74 = arith.muli %arg0, %mul3A_73 : i32
    %add3A_75 = arith.constant 8 : i32
    %add3A_76 = arith.addi %mul3A_74, %add3A_75 : i32
    %add3A_77 = arith.constant 8 : i32
    %add3A_78 = arith.addi %add3A_76, %add3A_77 : i32
    %get3A_79 = arith.index_cast %add3A_78 : i32 to index
    %get3A_80 = memref.load %arg1[%get3A_79] : memref<1001xi32, #tpu.memory_space<smem>>
    %jit3A_81 = arith.constant 128 : i32
    %div3A_82 = arith.divsi %get3A_72, %jit3A_81 : i32
    %sign3A_83 = arith.constant 0 : i32
    %sign3A_84 = arith.cmpi sgt, %get3A_72, %sign3A_83 : i32
    %sign3A_85 = arith.extui %sign3A_84 : i1 to i32
    %sign3A_86 = arith.constant 0 : i32
    %sign3A_87 = arith.cmpi slt, %get3A_72, %sign3A_86 : i32
    %sign3A_88 = arith.extui %sign3A_87 : i1 to i32
    %sign3A_89 = arith.subi %sign3A_85, %sign3A_88 : i32
    %sign3A_90 = arith.constant 0 : i32
    %sign3A_91 = arith.cmpi sgt, %jit3A_81, %sign3A_90 : i32
    %sign3A_92 = arith.extui %sign3A_91 : i1 to i32
    %sign3A_93 = arith.constant 0 : i32
    %sign3A_94 = arith.cmpi slt, %jit3A_81, %sign3A_93 : i32
    %sign3A_95 = arith.extui %sign3A_94 : i1 to i32
    %sign3A_96 = arith.subi %sign3A_92, %sign3A_95 : i32
    %ne3A_97 = arith.cmpi ne, %sign3A_89, %sign3A_96 : i32
    %rem3A_98 = arith.remsi %get3A_72, %jit3A_81 : i32
    %ne3A_99 = arith.constant 0 : i32
    %ne3A_100 = arith.cmpi ne, %rem3A_98, %ne3A_99 : i32
    %and3A_101 = arith.andi %ne3A_97, %ne3A_100 : i1
    %sub3A_102 = arith.constant 1 : i32
    %sub3A_103 = arith.subi %div3A_82, %sub3A_102 : i32
    %select_n3A_104 = arith.select %and3A_101, %sub3A_103, %div3A_82 : i32
    %add3A_105 = arith.constant 128 : i32
    %add3A_106 = arith.addi %get3A_80, %add3A_105 : i32
    %sub3A_107 = arith.constant 1 : i32
    %sub3A_108 = arith.subi %add3A_106, %sub3A_107 : i32
    %jit3A_109 = arith.constant 128 : i32
    %div3A_110 = arith.divsi %sub3A_108, %jit3A_109 : i32
    %sign3A_111 = arith.constant 0 : i32
    %sign3A_112 = arith.cmpi sgt, %sub3A_108, %sign3A_111 : i32
    %sign3A_113 = arith.extui %sign3A_112 : i1 to i32
    %sign3A_114 = arith.constant 0 : i32
    %sign3A_115 = arith.cmpi slt, %sub3A_108, %sign3A_114 : i32
    %sign3A_116 = arith.extui %sign3A_115 : i1 to i32
    %sign3A_117 = arith.subi %sign3A_113, %sign3A_116 : i32
    %sign3A_118 = arith.constant 0 : i32
    %sign3A_119 = arith.cmpi sgt, %jit3A_109, %sign3A_118 : i32
    %sign3A_120 = arith.extui %sign3A_119 : i1 to i32
    %sign3A_121 = arith.constant 0 : i32
    %sign3A_122 = arith.cmpi slt, %jit3A_109, %sign3A_121 : i32
    %sign3A_123 = arith.extui %sign3A_122 : i1 to i32
    %sign3A_124 = arith.subi %sign3A_120, %sign3A_123 : i32
    %ne3A_125 = arith.cmpi ne, %sign3A_117, %sign3A_124 : i32
    %rem3A_126 = arith.remsi %sub3A_108, %jit3A_109 : i32
    %ne3A_127 = arith.constant 0 : i32
    %ne3A_128 = arith.cmpi ne, %rem3A_126, %ne3A_127 : i32
    %and3A_129 = arith.andi %ne3A_125, %ne3A_128 : i1
    %sub3A_130 = arith.constant 1 : i32
    %sub3A_131 = arith.subi %div3A_110, %sub3A_130 : i32
    %select_n3A_132 = arith.select %and3A_129, %sub3A_131, %div3A_110 : i32
    %while3A_133 = arith.constant 0 : i32
    %while3A_134 = arith.subi %select_n3A_132, %select_n3A_104 : i32
    %while3A_135 = arith.addi %select_n3A_104, %while3A_134 : i32
    %while3A_136 = arith.constant 1 : i32
    %while3A_137 = arith.divsi %while3A_134, %while3A_136 : i32
    %while3A_138 = arith.muli %while3A_137, %while3A_136 : i32
    %while3A_139 = arith.addi %select_n3A_104, %while3A_138 : i32
    %while3A_140 = arith.constant 1 : i32
    %while3A_141 = scf.for %while3A_380 = %select_n3A_104 to %while3A_139 step %while3A_140 iter_args(%while3A_381 = %while3A_133) -> (i32)  : i32 {
      %mul3A_382 = arith.constant 128 : i32
      %mul3A_383 = arith.muli %while3A_380, %mul3A_382 : i32
      %multiple_of3A = tpu.assume_multiple %mul3A_383, 128 : i32
      %get3A_384 = arith.index_cast %multiple_of3A : i32 to index
      %get3A_385 = arith.constant 0 : index
      %get3A_386 = vector.load %arg7[%get3A_384, %get3A_385] : memref<4096x128xbf16, #tpu.memory_space<vmem>>, vector<128x128xbf16>
      %iota3A = tpu.iota {dimensions = array<i32: 0>} : vector<128x1xi32>
      %add3A_387 = vector.broadcast %multiple_of3A : i32 to vector<128x1xi32>
      %add3A_388 = arith.addi %add3A_387, %iota3A : vector<128x1xi32>
      %get3A_389 = arith.index_cast %multiple_of3A : i32 to index
      %get3A_390 = arith.constant 0 : index
      %get3A_391 = vector.load %arg8[%get3A_389, %get3A_390] : memref<4096x128xf32, #tpu.memory_space<vmem>>, vector<128x128xf32>
      %mul3A_392 = arith.constant 40 : i32
      %mul3A_393 = arith.muli %arg0, %mul3A_392 : i32
      %add3A_394 = arith.constant 8 : i32
      %add3A_395 = arith.addi %mul3A_393, %add3A_394 : i32
      %get3A_396 = arith.index_cast %add3A_395 : i32 to index
      %get3A_397 = memref.load %arg1[%get3A_396] : memref<1001xi32, #tpu.memory_space<smem>>
      %mul3A_398 = arith.constant 40 : i32
      %mul3A_399 = arith.muli %arg0, %mul3A_398 : i32
      %add3A_400 = arith.constant 8 : i32
      %add3A_401 = arith.addi %mul3A_399, %add3A_400 : i32
      %add3A_402 = arith.constant 1 : i32
      %add3A_403 = arith.addi %add3A_401, %add3A_402 : i32
      %get3A_404 = arith.index_cast %add3A_403 : i32 to index
      %get3A_405 = memref.load %arg1[%get3A_404] : memref<1001xi32, #tpu.memory_space<smem>>
      %get3A_406 = arith.constant 8 : index
      %get3A_407 = arith.constant 0 : index
      %get3A_408 = arith.constant 0 : index
      %get3A_409 = vector.load %arg2[%get3A_406, %get3A_407, %get3A_408] : memref<40x128x128xf32, #tpu.memory_space<vmem>>, vector<1x128x128xf32>
      %get3A_410 = vector.shape_cast %get3A_409 : vector<1x128x128xf32> to vector<128x128xf32>
      %bitcast_convert_type3A = tpu.bitcast %get3A_410 : vector<128x128xf32> -> vector<128x128xi32>
      %add3A_411 = arith.constant 32768 : i32
      %add3A_412 = vector.broadcast %add3A_411 : i32 to vector<128x128xi32>
      %add3A_413 = arith.addi %bitcast_convert_type3A, %add3A_412 : vector<128x128xi32>
      %bitcast_convert_type3A_414 = tpu.bitcast %add3A_413 : vector<128x128xi32> -> vector<128x128xf32>
      %convert_element_type3A_415 = arith.truncf %bitcast_convert_type3A_414 : vector<128x128xf32> to vector<128x128xbf16>
      %dot_general3A = arith.constant dense<0.000000e+00> : vector<128x128xf32>
      %dot_general3A_416 = tpu.matmul %get3A_386, %convert_element_type3A_415, %dot_general3A {dimension_numbers = #tpu.dot_dimension_numbers<[1], [1], [0], [0], [0, 0, 1, 0], [], []>, transpose_lhs_hint = false} : vector<128x128xbf16>, vector<128x128xbf16>, vector<128x128xf32> -> vector<128x128xf32>
      %get3A_417 = arith.constant 8 : index
      %get3A_418 = arith.constant 0 : index
      %get3A_419 = vector.load %arg3[%get3A_417, %get3A_418] : memref<40x128xf32, #tpu.memory_space<vmem>>, vector<1x128xf32>
      %get3A_420 = vector.shape_cast %get3A_419 : vector<1x128xf32> to vector<128xf32>
      %broadcast_in_dim3A = vector.shape_cast %get3A_420 : vector<128xf32> to vector<1x128xf32>
      %add3A_421 = vector.broadcast %broadcast_in_dim3A : vector<1x128xf32> to vector<128x128xf32>
      %add3A_422 = arith.addf %dot_general3A_416, %add3A_421 : vector<128x128xf32>
      %abs3A = math.absf %add3A_422 : vector<128x128xf32>
      %ge3A = vector.broadcast %get3A_397 : i32 to vector<128x1xi32>
      %ge3A_423 = arith.cmpi sge, %add3A_388, %ge3A : vector<128x1xi32>
      %lt3A = vector.broadcast %get3A_405 : i32 to vector<128x1xi32>
      %lt3A_424 = arith.cmpi slt, %add3A_388, %lt3A : vector<128x1xi32>
      %and3A_425 = arith.andi %ge3A_423, %lt3A_424 : vector<128x1xi1>
      %jit3A_426 = arith.constant 0.000000e+00 : f32
      %broadcast_in_dim3A_427 = vector.shape_cast %and3A_425 : vector<128x1xi1> to vector<128x1xi1>
      %broadcast_in_dim3A_428 = vector.broadcast %broadcast_in_dim3A_427 : vector<128x1xi1> to vector<128x128xi1>
      %broadcast_in_dim3A_429 = vector.broadcast %jit3A_426 : f32 to vector<128x128xf32>
      %select_n3A_430 = arith.select %broadcast_in_dim3A_428, %abs3A, %broadcast_in_dim3A_429 : vector<128x128xi1>, vector<128x128xf32>
      %add3A_431 = arith.addf %get3A_391, %select_n3A_430 : vector<128x128xf32>
      %mul3A_432 = arith.constant 40 : i32
      %mul3A_433 = arith.muli %arg0, %mul3A_432 : i32
      %add3A_434 = arith.constant 9 : i32
      %add3A_435 = arith.addi %mul3A_433, %add3A_434 : i32
      %get3A_436 = arith.index_cast %add3A_435 : i32 to index
      %get3A_437 = memref.load %arg1[%get3A_436] : memref<1001xi32, #tpu.memory_space<smem>>
      %mul3A_438 = arith.constant 40 : i32
      %mul3A_439 = arith.muli %arg0, %mul3A_438 : i32
      %add3A_440 = arith.constant 9 : i32
      %add3A_441 = arith.addi %mul3A_439, %add3A_440 : i32
      %add3A_442 = arith.constant 1 : i32
      %add3A_443 = arith.addi %add3A_441, %add3A_442 : i32
      %get3A_444 = arith.index_cast %add3A_443 : i32 to index
      %get3A_445 = memref.load %arg1[%get3A_444] : memref<1001xi32, #tpu.memory_space<smem>>
      %get3A_446 = arith.constant 9 : index
      %get3A_447 = arith.constant 0 : index
      %get3A_448 = arith.constant 0 : index
      %get3A_449 = vector.load %arg2[%get3A_446, %get3A_447, %get3A_448] : memref<40x128x128xf32, #tpu.memory_space<vmem>>, vector<1x128x128xf32>
      %get3A_450 = vector.shape_cast %get3A_449 : vector<1x128x128xf32> to vector<128x128xf32>
      %bitcast_convert_type3A_451 = tpu.bitcast %get3A_450 : vector<128x128xf32> -> vector<128x128xi32>
      %add3A_452 = arith.constant 32768 : i32
      %add3A_453 = vector.broadcast %add3A_452 : i32 to vector<128x128xi32>
      %add3A_454 = arith.addi %bitcast_convert_type3A_451, %add3A_453 : vector<128x128xi32>
      %bitcast_convert_type3A_455 = tpu.bitcast %add3A_454 : vector<128x128xi32> -> vector<128x128xf32>
      %convert_element_type3A_456 = arith.truncf %bitcast_convert_type3A_455 : vector<128x128xf32> to vector<128x128xbf16>
      %dot_general3A_457 = arith.constant dense<0.000000e+00> : vector<128x128xf32>
      %dot_general3A_458 = tpu.matmul %get3A_386, %convert_element_type3A_456, %dot_general3A_457 {dimension_numbers = #tpu.dot_dimension_numbers<[1], [1], [0], [0], [0, 0, 1, 0], [], []>, transpose_lhs_hint = false} : vector<128x128xbf16>, vector<128x128xbf16>, vector<128x128xf32> -> vector<128x128xf32>
      %get3A_459 = arith.constant 9 : index
      %get3A_460 = arith.constant 0 : index
      %get3A_461 = vector.load %arg3[%get3A_459, %get3A_460] : memref<40x128xf32, #tpu.memory_space<vmem>>, vector<1x128xf32>
      %get3A_462 = vector.shape_cast %get3A_461 : vector<1x128xf32> to vector<128xf32>
      %broadcast_in_dim3A_463 = vector.shape_cast %get3A_462 : vector<128xf32> to vector<1x128xf32>
      %add3A_464 = vector.broadcast %broadcast_in_dim3A_463 : vector<1x128xf32> to vector<128x128xf32>
      %add3A_465 = arith.addf %dot_general3A_458, %add3A_464 : vector<128x128xf32>
      %abs3A_466 = math.absf %add3A_465 : vector<128x128xf32>
      %ge3A_467 = vector.broadcast %get3A_437 : i32 to vector<128x1xi32>
      %ge3A_468 = arith.cmpi sge, %add3A_388, %ge3A_467 : vector<128x1xi32>
      %lt3A_469 = vector.broadcast %get3A_445 : i32 to vector<128x1xi32>
      %lt3A_470 = arith.cmpi slt, %add3A_388, %lt3A_469 : vector<128x1xi32>
      %and3A_471 = arith.andi %ge3A_468, %lt3A_470 : vector<128x1xi1>
      %jit3A_472 = arith.constant 0.000000e+00 : f32
      %broadcast_in_dim3A_473 = vector.shape_cast %and3A_471 : vector<128x1xi1> to vector<128x1xi1>
      %broadcast_in_dim3A_474 = vector.broadcast %broadcast_in_dim3A_473 : vector<128x1xi1> to vector<128x128xi1>
      %broadcast_in_dim3A_475 = vector.broadcast %jit3A_472 : f32 to vector<128x128xf32>
      %select_n3A_476 = arith.select %broadcast_in_dim3A_474, %abs3A_466, %broadcast_in_dim3A_475 : vector<128x128xi1>, vector<128x128xf32>
      %add3A_477 = arith.addf %add3A_431, %select_n3A_476 : vector<128x128xf32>
      %mul3A_478 = arith.constant 40 : i32
      %mul3A_479 = arith.muli %arg0, %mul3A_478 : i32
      %add3A_480 = arith.constant 10 : i32
      %add3A_481 = arith.addi %mul3A_479, %add3A_480 : i32
      %get3A_482 = arith.index_cast %add3A_481 : i32 to index
      %get3A_483 = memref.load %arg1[%get3A_482] : memref<1001xi32, #tpu.memory_space<smem>>
      %mul3A_484 = arith.constant 40 : i32
      %mul3A_485 = arith.muli %arg0, %mul3A_484 : i32
      %add3A_486 = arith.constant 10 : i32
      %add3A_487 = arith.addi %mul3A_485, %add3A_486 : i32
      %add3A_488 = arith.constant 1 : i32
      %add3A_489 = arith.addi %add3A_487, %add3A_488 : i32
      %get3A_490 = arith.index_cast %add3A_489 : i32 to index
      %get3A_491 = memref.load %arg1[%get3A_490] : memref<1001xi32, #tpu.memory_space<smem>>
      %get3A_492 = arith.constant 10 : index
      %get3A_493 = arith.constant 0 : index
      %get3A_494 = arith.constant 0 : index
      %get3A_495 = vector.load %arg2[%get3A_492, %get3A_493, %get3A_494] : memref<40x128x128xf32, #tpu.memory_space<vmem>>, vector<1x128x128xf32>
      %get3A_496 = vector.shape_cast %get3A_495 : vector<1x128x128xf32> to vector<128x128xf32>
      %bitcast_convert_type3A_497 = tpu.bitcast %get3A_496 : vector<128x128xf32> -> vector<128x128xi32>
      %add3A_498 = arith.constant 32768 : i32
      %add3A_499 = vector.broadcast %add3A_498 : i32 to vector<128x128xi32>
      %add3A_500 = arith.addi %bitcast_convert_type3A_497, %add3A_499 : vector<128x128xi32>
      %bitcast_convert_type3A_501 = tpu.bitcast %add3A_500 : vector<128x128xi32> -> vector<128x128xf32>
      %convert_element_type3A_502 = arith.truncf %bitcast_convert_type3A_501 : vector<128x128xf32> to vector<128x128xbf16>
      %dot_general3A_503 = arith.constant dense<0.000000e+00> : vector<128x128xf32>
      %dot_general3A_504 = tpu.matmul %get3A_386, %convert_element_type3A_502, %dot_general3A_503 {dimension_numbers = #tpu.dot_dimension_numbers<[1], [1], [0], [0], [0, 0, 1, 0], [], []>, transpose_lhs_hint = false} : vector<128x128xbf16>, vector<128x128xbf16>, vector<128x128xf32> -> vector<128x128xf32>
      %get3A_505 = arith.constant 10 : index
      %get3A_506 = arith.constant 0 : index
      %get3A_507 = vector.load %arg3[%get3A_505, %get3A_506] : memref<40x128xf32, #tpu.memory_space<vmem>>, vector<1x128xf32>
      %get3A_508 = vector.shape_cast %get3A_507 : vector<1x128xf32> to vector<128xf32>
      %broadcast_in_dim3A_509 = vector.shape_cast %get3A_508 : vector<128xf32> to vector<1x128xf32>
      %add3A_510 = vector.broadcast %broadcast_in_dim3A_509 : vector<1x128xf32> to vector<128x128xf32>
      %add3A_511 = arith.addf %dot_general3A_504, %add3A_510 : vector<128x128xf32>
      %abs3A_512 = math.absf %add3A_511 : vector<128x128xf32>
      %ge3A_513 = vector.broadcast %get3A_483 : i32 to vector<128x1xi32>
      %ge3A_514 = arith.cmpi sge, %add3A_388, %ge3A_513 : vector<128x1xi32>
      %lt3A_515 = vector.broadcast %get3A_491 : i32 to vector<128x1xi32>
      %lt3A_516 = arith.cmpi slt, %add3A_388, %lt3A_515 : vector<128x1xi32>
      %and3A_517 = arith.andi %ge3A_514, %lt3A_516 : vector<128x1xi1>
      %jit3A_518 = arith.constant 0.000000e+00 : f32
      %broadcast_in_dim3A_519 = vector.shape_cast %and3A_517 : vector<128x1xi1> to vector<128x1xi1>
      %broadcast_in_dim3A_520 = vector.broadcast %broadcast_in_dim3A_519 : vector<128x1xi1> to vector<128x128xi1>
      %broadcast_in_dim3A_521 = vector.broadcast %jit3A_518 : f32 to vector<128x128xf32>
      %select_n3A_522 = arith.select %broadcast_in_dim3A_520, %abs3A_512, %broadcast_in_dim3A_521 : vector<128x128xi1>, vector<128x128xf32>
      %add3A_523 = arith.addf %add3A_477, %select_n3A_522 : vector<128x128xf32>
      %mul3A_524 = arith.constant 40 : i32
      %mul3A_525 = arith.muli %arg0, %mul3A_524 : i32
      %add3A_526 = arith.constant 11 : i32
      %add3A_527 = arith.addi %mul3A_525, %add3A_526 : i32
      %get3A_528 = arith.index_cast %add3A_527 : i32 to index
      %get3A_529 = memref.load %arg1[%get3A_528] : memref<1001xi32, #tpu.memory_space<smem>>
      %mul3A_530 = arith.constant 40 : i32
      %mul3A_531 = arith.muli %arg0, %mul3A_530 : i32
      %add3A_532 = arith.constant 11 : i32
      %add3A_533 = arith.addi %mul3A_531, %add3A_532 : i32
      %add3A_534 = arith.constant 1 : i32
      %add3A_535 = arith.addi %add3A_533, %add3A_534 : i32
      %get3A_536 = arith.index_cast %add3A_535 : i32 to index
      %get3A_537 = memref.load %arg1[%get3A_536] : memref<1001xi32, #tpu.memory_space<smem>>
      %get3A_538 = arith.constant 11 : index
      %get3A_539 = arith.constant 0 : index
      %get3A_540 = arith.constant 0 : index
      %get3A_541 = vector.load %arg2[%get3A_538, %get3A_539, %get3A_540] : memref<40x128x128xf32, #tpu.memory_space<vmem>>, vector<1x128x128xf32>
      %get3A_542 = vector.shape_cast %get3A_541 : vector<1x128x128xf32> to vector<128x128xf32>
      %bitcast_convert_type3A_543 = tpu.bitcast %get3A_542 : vector<128x128xf32> -> vector<128x128xi32>
      %add3A_544 = arith.constant 32768 : i32
      %add3A_545 = vector.broadcast %add3A_544 : i32 to vector<128x128xi32>
      %add3A_546 = arith.addi %bitcast_convert_type3A_543, %add3A_545 : vector<128x128xi32>
      %bitcast_convert_type3A_547 = tpu.bitcast %add3A_546 : vector<128x128xi32> -> vector<128x128xf32>
      %convert_element_type3A_548 = arith.truncf %bitcast_convert_type3A_547 : vector<128x128xf32> to vector<128x128xbf16>
      %dot_general3A_549 = arith.constant dense<0.000000e+00> : vector<128x128xf32>
      %dot_general3A_550 = tpu.matmul %get3A_386, %convert_element_type3A_548, %dot_general3A_549 {dimension_numbers = #tpu.dot_dimension_numbers<[1], [1], [0], [0], [0, 0, 1, 0], [], []>, transpose_lhs_hint = false} : vector<128x128xbf16>, vector<128x128xbf16>, vector<128x128xf32> -> vector<128x128xf32>
      %get3A_551 = arith.constant 11 : index
      %get3A_552 = arith.constant 0 : index
      %get3A_553 = vector.load %arg3[%get3A_551, %get3A_552] : memref<40x128xf32, #tpu.memory_space<vmem>>, vector<1x128xf32>
      %get3A_554 = vector.shape_cast %get3A_553 : vector<1x128xf32> to vector<128xf32>
      %broadcast_in_dim3A_555 = vector.shape_cast %get3A_554 : vector<128xf32> to vector<1x128xf32>
      %add3A_556 = vector.broadcast %broadcast_in_dim3A_555 : vector<1x128xf32> to vector<128x128xf32>
      %add3A_557 = arith.addf %dot_general3A_550, %add3A_556 : vector<128x128xf32>
      %abs3A_558 = math.absf %add3A_557 : vector<128x128xf32>
      %ge3A_559 = vector.broadcast %get3A_529 : i32 to vector<128x1xi32>
      %ge3A_560 = arith.cmpi sge, %add3A_388, %ge3A_559 : vector<128x1xi32>
      %lt3A_561 = vector.broadcast %get3A_537 : i32 to vector<128x1xi32>
      %lt3A_562 = arith.cmpi slt, %add3A_388, %lt3A_561 : vector<128x1xi32>
      %and3A_563 = arith.andi %ge3A_560, %lt3A_562 : vector<128x1xi1>
      %jit3A_564 = arith.constant 0.000000e+00 : f32
      %broadcast_in_dim3A_565 = vector.shape_cast %and3A_563 : vector<128x1xi1> to vector<128x1xi1>
      %broadcast_in_dim3A_566 = vector.broadcast %broadcast_in_dim3A_565 : vector<128x1xi1> to vector<128x128xi1>
      %broadcast_in_dim3A_567 = vector.broadcast %jit3A_564 : f32 to vector<128x128xf32>
      %select_n3A_568 = arith.select %broadcast_in_dim3A_566, %abs3A_558, %broadcast_in_dim3A_567 : vector<128x128xi1>, vector<128x128xf32>
      %add3A_569 = arith.addf %add3A_523, %select_n3A_568 : vector<128x128xf32>
      %mul3A_570 = arith.constant 40 : i32
      %mul3A_571 = arith.muli %arg0, %mul3A_570 : i32
      %add3A_572 = arith.constant 12 : i32
      %add3A_573 = arith.addi %mul3A_571, %add3A_572 : i32
      %get3A_574 = arith.index_cast %add3A_573 : i32 to index
      %get3A_575 = memref.load %arg1[%get3A_574] : memref<1001xi32, #tpu.memory_space<smem>>
      %mul3A_576 = arith.constant 40 : i32
      %mul3A_577 = arith.muli %arg0, %mul3A_576 : i32
      %add3A_578 = arith.constant 12 : i32
      %add3A_579 = arith.addi %mul3A_577, %add3A_578 : i32
      %add3A_580 = arith.constant 1 : i32
      %add3A_581 = arith.addi %add3A_579, %add3A_580 : i32
      %get3A_582 = arith.index_cast %add3A_581 : i32 to index
      %get3A_583 = memref.load %arg1[%get3A_582] : memref<1001xi32, #tpu.memory_space<smem>>
      %get3A_584 = arith.constant 12 : index
      %get3A_585 = arith.constant 0 : index
      %get3A_586 = arith.constant 0 : index
      %get3A_587 = vector.load %arg2[%get3A_584, %get3A_585, %get3A_586] : memref<40x128x128xf32, #tpu.memory_space<vmem>>, vector<1x128x128xf32>
      %get3A_588 = vector.shape_cast %get3A_587 : vector<1x128x128xf32> to vector<128x128xf32>
      %bitcast_convert_type3A_589 = tpu.bitcast %get3A_588 : vector<128x128xf32> -> vector<128x128xi32>
      %add3A_590 = arith.constant 32768 : i32
      %add3A_591 = vector.broadcast %add3A_590 : i32 to vector<128x128xi32>
      %add3A_592 = arith.addi %bitcast_convert_type3A_589, %add3A_591 : vector<128x128xi32>
      %bitcast_convert_type3A_593 = tpu.bitcast %add3A_592 : vector<128x128xi32> -> vector<128x128xf32>
      %convert_element_type3A_594 = arith.truncf %bitcast_convert_type3A_593 : vector<128x128xf32> to vector<128x128xbf16>
      %dot_general3A_595 = arith.constant dense<0.000000e+00> : vector<128x128xf32>
      %dot_general3A_596 = tpu.matmul %get3A_386, %convert_element_type3A_594, %dot_general3A_595 {dimension_numbers = #tpu.dot_dimension_numbers<[1], [1], [0], [0], [0, 0, 1, 0], [], []>, transpose_lhs_hint = false} : vector<128x128xbf16>, vector<128x128xbf16>, vector<128x128xf32> -> vector<128x128xf32>
      %get3A_597 = arith.constant 12 : index
      %get3A_598 = arith.constant 0 : index
      %get3A_599 = vector.load %arg3[%get3A_597, %get3A_598] : memref<40x128xf32, #tpu.memory_space<vmem>>, vector<1x128xf32>
      %get3A_600 = vector.shape_cast %get3A_599 : vector<1x128xf32> to vector<128xf32>
      %broadcast_in_dim3A_601 = vector.shape_cast %get3A_600 : vector<128xf32> to vector<1x128xf32>
      %add3A_602 = vector.broadcast %broadcast_in_dim3A_601 : vector<1x128xf32> to vector<128x128xf32>
      %add3A_603 = arith.addf %dot_general3A_596, %add3A_602 : vector<128x128xf32>
      %abs3A_604 = math.absf %add3A_603 : vector<128x128xf32>
      %ge3A_605 = vector.broadcast %get3A_575 : i32 to vector<128x1xi32>
      %ge3A_606 = arith.cmpi sge, %add3A_388, %ge3A_605 : vector<128x1xi32>
      %lt3A_607 = vector.broadcast %get3A_583 : i32 to vector<128x1xi32>
      %lt3A_608 = arith.cmpi slt, %add3A_388, %lt3A_607 : vector<128x1xi32>
      %and3A_609 = arith.andi %ge3A_606, %lt3A_608 : vector<128x1xi1>
      %jit3A_610 = arith.constant 0.000000e+00 : f32
      %broadcast_in_dim3A_611 = vector.shape_cast %and3A_609 : vector<128x1xi1> to vector<128x1xi1>
      %broadcast_in_dim3A_612 = vector.broadcast %broadcast_in_dim3A_611 : vector<128x1xi1> to vector<128x128xi1>
      %broadcast_in_dim3A_613 = vector.broadcast %jit3A_610 : f32 to vector<128x128xf32>
      %select_n3A_614 = arith.select %broadcast_in_dim3A_612, %abs3A_604, %broadcast_in_dim3A_613 : vector<128x128xi1>, vector<128x128xf32>
      %add3A_615 = arith.addf %add3A_569, %select_n3A_614 : vector<128x128xf32>
      %mul3A_616 = arith.constant 40 : i32
      %mul3A_617 = arith.muli %arg0, %mul3A_616 : i32
      %add3A_618 = arith.constant 13 : i32
      %add3A_619 = arith.addi %mul3A_617, %add3A_618 : i32
      %get3A_620 = arith.index_cast %add3A_619 : i32 to index
      %get3A_621 = memref.load %arg1[%get3A_620] : memref<1001xi32, #tpu.memory_space<smem>>
      %mul3A_622 = arith.constant 40 : i32
      %mul3A_623 = arith.muli %arg0, %mul3A_622 : i32
      %add3A_624 = arith.constant 13 : i32
      %add3A_625 = arith.addi %mul3A_623, %add3A_624 : i32
      %add3A_626 = arith.constant 1 : i32
      %add3A_627 = arith.addi %add3A_625, %add3A_626 : i32
      %get3A_628 = arith.index_cast %add3A_627 : i32 to index
      %get3A_629 = memref.load %arg1[%get3A_628] : memref<1001xi32, #tpu.memory_space<smem>>
      %get3A_630 = arith.constant 13 : index
      %get3A_631 = arith.constant 0 : index
      %get3A_632 = arith.constant 0 : index
      %get3A_633 = vector.load %arg2[%get3A_630, %get3A_631, %get3A_632] : memref<40x128x128xf32, #tpu.memory_space<vmem>>, vector<1x128x128xf32>
      %get3A_634 = vector.shape_cast %get3A_633 : vector<1x128x128xf32> to vector<128x128xf32>
      %bitcast_convert_type3A_635 = tpu.bitcast %get3A_634 : vector<128x128xf32> -> vector<128x128xi32>
      %add3A_636 = arith.constant 32768 : i32
      %add3A_637 = vector.broadcast %add3A_636 : i32 to vector<128x128xi32>
      %add3A_638 = arith.addi %bitcast_convert_type3A_635, %add3A_637 : vector<128x128xi32>
      %bitcast_convert_type3A_639 = tpu.bitcast %add3A_638 : vector<128x128xi32> -> vector<128x128xf32>
      %convert_element_type3A_640 = arith.truncf %bitcast_convert_type3A_639 : vector<128x128xf32> to vector<128x128xbf16>
      %dot_general3A_641 = arith.constant dense<0.000000e+00> : vector<128x128xf32>
      %dot_general3A_642 = tpu.matmul %get3A_386, %convert_element_type3A_640, %dot_general3A_641 {dimension_numbers = #tpu.dot_dimension_numbers<[1], [1], [0], [0], [0, 0, 1, 0], [], []>, transpose_lhs_hint = false} : vector<128x128xbf16>, vector<128x128xbf16>, vector<128x128xf32> -> vector<128x128xf32>
      %get3A_643 = arith.constant 13 : index
      %get3A_644 = arith.constant 0 : index
      %get3A_645 = vector.load %arg3[%get3A_643, %get3A_644] : memref<40x128xf32, #tpu.memory_space<vmem>>, vector<1x128xf32>
      %get3A_646 = vector.shape_cast %get3A_645 : vector<1x128xf32> to vector<128xf32>
      %broadcast_in_dim3A_647 = vector.shape_cast %get3A_646 : vector<128xf32> to vector<1x128xf32>
      %add3A_648 = vector.broadcast %broadcast_in_dim3A_647 : vector<1x128xf32> to vector<128x128xf32>
      %add3A_649 = arith.addf %dot_general3A_642, %add3A_648 : vector<128x128xf32>
      %abs3A_650 = math.absf %add3A_649 : vector<128x128xf32>
      %ge3A_651 = vector.broadcast %get3A_621 : i32 to vector<128x1xi32>
      %ge3A_652 = arith.cmpi sge, %add3A_388, %ge3A_651 : vector<128x1xi32>
      %lt3A_653 = vector.broadcast %get3A_629 : i32 to vector<128x1xi32>
      %lt3A_654 = arith.cmpi slt, %add3A_388, %lt3A_653 : vector<128x1xi32>
      %and3A_655 = arith.andi %ge3A_652, %lt3A_654 : vector<128x1xi1>
      %jit3A_656 = arith.constant 0.000000e+00 : f32
      %broadcast_in_dim3A_657 = vector.shape_cast %and3A_655 : vector<128x1xi1> to vector<128x1xi1>
      %broadcast_in_dim3A_658 = vector.broadcast %broadcast_in_dim3A_657 : vector<128x1xi1> to vector<128x128xi1>
      %broadcast_in_dim3A_659 = vector.broadcast %jit3A_656 : f32 to vector<128x128xf32>
      %select_n3A_660 = arith.select %broadcast_in_dim3A_658, %abs3A_650, %broadcast_in_dim3A_659 : vector<128x128xi1>, vector<128x128xf32>
      %add3A_661 = arith.addf %add3A_615, %select_n3A_660 : vector<128x128xf32>
      %mul3A_662 = arith.constant 40 : i32
      %mul3A_663 = arith.muli %arg0, %mul3A_662 : i32
      %add3A_664 = arith.constant 14 : i32
      %add3A_665 = arith.addi %mul3A_663, %add3A_664 : i32
      %get3A_666 = arith.index_cast %add3A_665 : i32 to index
      %get3A_667 = memref.load %arg1[%get3A_666] : memref<1001xi32, #tpu.memory_space<smem>>
      %mul3A_668 = arith.constant 40 : i32
      %mul3A_669 = arith.muli %arg0, %mul3A_668 : i32
      %add3A_670 = arith.constant 14 : i32
      %add3A_671 = arith.addi %mul3A_669, %add3A_670 : i32
      %add3A_672 = arith.constant 1 : i32
      %add3A_673 = arith.addi %add3A_671, %add3A_672 : i32
      %get3A_674 = arith.index_cast %add3A_673 : i32 to index
      %get3A_675 = memref.load %arg1[%get3A_674] : memref<1001xi32, #tpu.memory_space<smem>>
      %get3A_676 = arith.constant 14 : index
      %get3A_677 = arith.constant 0 : index
      %get3A_678 = arith.constant 0 : index
      %get3A_679 = vector.load %arg2[%get3A_676, %get3A_677, %get3A_678] : memref<40x128x128xf32, #tpu.memory_space<vmem>>, vector<1x128x128xf32>
      %get3A_680 = vector.shape_cast %get3A_679 : vector<1x128x128xf32> to vector<128x128xf32>
      %bitcast_convert_type3A_681 = tpu.bitcast %get3A_680 : vector<128x128xf32> -> vector<128x128xi32>
      %add3A_682 = arith.constant 32768 : i32
      %add3A_683 = vector.broadcast %add3A_682 : i32 to vector<128x128xi32>
      %add3A_684 = arith.addi %bitcast_convert_type3A_681, %add3A_683 : vector<128x128xi32>
      %bitcast_convert_type3A_685 = tpu.bitcast %add3A_684 : vector<128x128xi32> -> vector<128x128xf32>
      %convert_element_type3A_686 = arith.truncf %bitcast_convert_type3A_685 : vector<128x128xf32> to vector<128x128xbf16>
      %dot_general3A_687 = arith.constant dense<0.000000e+00> : vector<128x128xf32>
      %dot_general3A_688 = tpu.matmul %get3A_386, %convert_element_type3A_686, %dot_general3A_687 {dimension_numbers = #tpu.dot_dimension_numbers<[1], [1], [0], [0], [0, 0, 1, 0], [], []>, transpose_lhs_hint = false} : vector<128x128xbf16>, vector<128x128xbf16>, vector<128x128xf32> -> vector<128x128xf32>
      %get3A_689 = arith.constant 14 : index
      %get3A_690 = arith.constant 0 : index
      %get3A_691 = vector.load %arg3[%get3A_689, %get3A_690] : memref<40x128xf32, #tpu.memory_space<vmem>>, vector<1x128xf32>
      %get3A_692 = vector.shape_cast %get3A_691 : vector<1x128xf32> to vector<128xf32>
      %broadcast_in_dim3A_693 = vector.shape_cast %get3A_692 : vector<128xf32> to vector<1x128xf32>
      %add3A_694 = vector.broadcast %broadcast_in_dim3A_693 : vector<1x128xf32> to vector<128x128xf32>
      %add3A_695 = arith.addf %dot_general3A_688, %add3A_694 : vector<128x128xf32>
      %abs3A_696 = math.absf %add3A_695 : vector<128x128xf32>
      %ge3A_697 = vector.broadcast %get3A_667 : i32 to vector<128x1xi32>
      %ge3A_698 = arith.cmpi sge, %add3A_388, %ge3A_697 : vector<128x1xi32>
      %lt3A_699 = vector.broadcast %get3A_675 : i32 to vector<128x1xi32>
      %lt3A_700 = arith.cmpi slt, %add3A_388, %lt3A_699 : vector<128x1xi32>
      %and3A_701 = arith.andi %ge3A_698, %lt3A_700 : vector<128x1xi1>
      %jit3A_702 = arith.constant 0.000000e+00 : f32
      %broadcast_in_dim3A_703 = vector.shape_cast %and3A_701 : vector<128x1xi1> to vector<128x1xi1>
      %broadcast_in_dim3A_704 = vector.broadcast %broadcast_in_dim3A_703 : vector<128x1xi1> to vector<128x128xi1>
      %broadcast_in_dim3A_705 = vector.broadcast %jit3A_702 : f32 to vector<128x128xf32>
      %select_n3A_706 = arith.select %broadcast_in_dim3A_704, %abs3A_696, %broadcast_in_dim3A_705 : vector<128x128xi1>, vector<128x128xf32>
      %add3A_707 = arith.addf %add3A_661, %select_n3A_706 : vector<128x128xf32>
      %mul3A_708 = arith.constant 40 : i32
      %mul3A_709 = arith.muli %arg0, %mul3A_708 : i32
      %add3A_710 = arith.constant 15 : i32
      %add3A_711 = arith.addi %mul3A_709, %add3A_710 : i32
      %get3A_712 = arith.index_cast %add3A_711 : i32 to index
      %get3A_713 = memref.load %arg1[%get3A_712] : memref<1001xi32, #tpu.memory_space<smem>>
      %mul3A_714 = arith.constant 40 : i32
      %mul3A_715 = arith.muli %arg0, %mul3A_714 : i32
      %add3A_716 = arith.constant 15 : i32
      %add3A_717 = arith.addi %mul3A_715, %add3A_716 : i32
      %add3A_718 = arith.constant 1 : i32
      %add3A_719 = arith.addi %add3A_717, %add3A_718 : i32
      %get3A_720 = arith.index_cast %add3A_719 : i32 to index
      %get3A_721 = memref.load %arg1[%get3A_720] : memref<1001xi32, #tpu.memory_space<smem>>
      %get3A_722 = arith.constant 15 : index
      %get3A_723 = arith.constant 0 : index
      %get3A_724 = arith.constant 0 : index
      %get3A_725 = vector.load %arg2[%get3A_722, %get3A_723, %get3A_724] : memref<40x128x128xf32, #tpu.memory_space<vmem>>, vector<1x128x128xf32>
      %get3A_726 = vector.shape_cast %get3A_725 : vector<1x128x128xf32> to vector<128x128xf32>
      %bitcast_convert_type3A_727 = tpu.bitcast %get3A_726 : vector<128x128xf32> -> vector<128x128xi32>
      %add3A_728 = arith.constant 32768 : i32
      %add3A_729 = vector.broadcast %add3A_728 : i32 to vector<128x128xi32>
      %add3A_730 = arith.addi %bitcast_convert_type3A_727, %add3A_729 : vector<128x128xi32>
      %bitcast_convert_type3A_731 = tpu.bitcast %add3A_730 : vector<128x128xi32> -> vector<128x128xf32>
      %convert_element_type3A_732 = arith.truncf %bitcast_convert_type3A_731 : vector<128x128xf32> to vector<128x128xbf16>
      %dot_general3A_733 = arith.constant dense<0.000000e+00> : vector<128x128xf32>
      %dot_general3A_734 = tpu.matmul %get3A_386, %convert_element_type3A_732, %dot_general3A_733 {dimension_numbers = #tpu.dot_dimension_numbers<[1], [1], [0], [0], [0, 0, 1, 0], [], []>, transpose_lhs_hint = false} : vector<128x128xbf16>, vector<128x128xbf16>, vector<128x128xf32> -> vector<128x128xf32>
      %get3A_735 = arith.constant 15 : index
      %get3A_736 = arith.constant 0 : index
      %get3A_737 = vector.load %arg3[%get3A_735, %get3A_736] : memref<40x128xf32, #tpu.memory_space<vmem>>, vector<1x128xf32>
      %get3A_738 = vector.shape_cast %get3A_737 : vector<1x128xf32> to vector<128xf32>
      %broadcast_in_dim3A_739 = vector.shape_cast %get3A_738 : vector<128xf32> to vector<1x128xf32>
      %add3A_740 = vector.broadcast %broadcast_in_dim3A_739 : vector<1x128xf32> to vector<128x128xf32>
      %add3A_741 = arith.addf %dot_general3A_734, %add3A_740 : vector<128x128xf32>
      %abs3A_742 = math.absf %add3A_741 : vector<128x128xf32>
      %ge3A_743 = vector.broadcast %get3A_713 : i32 to vector<128x1xi32>
      %ge3A_744 = arith.cmpi sge, %add3A_388, %ge3A_743 : vector<128x1xi32>
      %lt3A_745 = vector.broadcast %get3A_721 : i32 to vector<128x1xi32>
      %lt3A_746 = arith.cmpi slt, %add3A_388, %lt3A_745 : vector<128x1xi32>
      %and3A_747 = arith.andi %ge3A_744, %lt3A_746 : vector<128x1xi1>
      %jit3A_748 = arith.constant 0.000000e+00 : f32
      %broadcast_in_dim3A_749 = vector.shape_cast %and3A_747 : vector<128x1xi1> to vector<128x1xi1>
      %broadcast_in_dim3A_750 = vector.broadcast %broadcast_in_dim3A_749 : vector<128x1xi1> to vector<128x128xi1>
      %broadcast_in_dim3A_751 = vector.broadcast %jit3A_748 : f32 to vector<128x128xf32>
      %select_n3A_752 = arith.select %broadcast_in_dim3A_750, %abs3A_742, %broadcast_in_dim3A_751 : vector<128x128xi1>, vector<128x128xf32>
      %add3A_753 = arith.addf %add3A_707, %select_n3A_752 : vector<128x128xf32>
      %swap3A = arith.index_cast %multiple_of3A : i32 to index
      %swap3A_754 = arith.constant 0 : index
      %swap3A_755 = vector.load %arg8[%swap3A, %swap3A_754] : memref<4096x128xf32, #tpu.memory_space<vmem>>, vector<128x128xf32>
      tpu.vector_store %arg8[%swap3A, %swap3A_754], %add3A_753 {strides = array<i32>} : memref<4096x128xf32, #tpu.memory_space<vmem>>, vector<128x128xf32>,
      %while3A_756 = arith.constant 0 : i32
      scf.yield %while3A_756 : i32
    }
    %while3A_142 = arith.constant 1 : i32
    %while3A_143 = scf.for %while3A_380 = %while3A_139 to %while3A_135 step %while3A_142 iter_args(%while3A_381 = %while3A_141) -> (i32)  : i32 {
      %mul3A_382 = arith.constant 128 : i32
      %mul3A_383 = arith.muli %while3A_380, %mul3A_382 : i32
      %multiple_of3A = tpu.assume_multiple %mul3A_383, 128 : i32
      %get3A_384 = arith.index_cast %multiple_of3A : i32 to index
      %get3A_385 = arith.constant 0 : index
      %get3A_386 = vector.load %arg7[%get3A_384, %get3A_385] : memref<4096x128xbf16, #tpu.memory_space<vmem>>, vector<128x128xbf16>
      %iota3A = tpu.iota {dimensions = array<i32: 0>} : vector<128x1xi32>
      %add3A_387 = vector.broadcast %multiple_of3A : i32 to vector<128x1xi32>
      %add3A_388 = arith.addi %add3A_387, %iota3A : vector<128x1xi32>
      %get3A_389 = arith.index_cast %multiple_of3A : i32 to index
      %get3A_390 = arith.constant 0 : index
      %get3A_391 = vector.load %arg8[%get3A_389, %get3A_390] : memref<4096x128xf32, #tpu.memory_space<vmem>>, vector<128x128xf32>
      %mul3A_392 = arith.constant 40 : i32
      %mul3A_393 = arith.muli %arg0, %mul3A_392 : i32
      %add3A_394 = arith.constant 8 : i32
      %add3A_395 = arith.addi %mul3A_393, %add3A_394 : i32
      %get3A_396 = arith.index_cast %add3A_395 : i32 to index
      %get3A_397 = memref.load %arg1[%get3A_396] : memref<1001xi32, #tpu.memory_space<smem>>
      %mul3A_398 = arith.constant 40 : i32
      %mul3A_399 = arith.muli %arg0, %mul3A_398 : i32
      %add3A_400 = arith.constant 8 : i32
      %add3A_401 = arith.addi %mul3A_399, %add3A_400 : i32
      %add3A_402 = arith.constant 1 : i32
      %add3A_403 = arith.addi %add3A_401, %add3A_402 : i32
      %get3A_404 = arith.index_cast %add3A_403 : i32 to index
      %get3A_405 = memref.load %arg1[%get3A_404] : memref<1001xi32, #tpu.memory_space<smem>>
      %get3A_406 = arith.constant 8 : index
      %get3A_407 = arith.constant 0 : index
      %get3A_408 = arith.constant 0 : index
      %get3A_409 = vector.load %arg2[%get3A_406, %get3A_407, %get3A_408] : memref<40x128x128xf32, #tpu.memory_space<vmem>>, vector<1x128x128xf32>
      %get3A_410 = vector.shape_cast %get3A_409 : vector<1x128x128xf32> to vector<128x128xf32>
      %bitcast_convert_type3A = tpu.bitcast %get3A_410 : vector<128x128xf32> -> vector<128x128xi32>
      %add3A_411 = arith.constant 32768 : i32
      %add3A_412 = vector.broadcast %add3A_411 : i32 to vector<128x128xi32>
      %add3A_413 = arith.addi %bitcast_convert_type3A, %add3A_412 : vector<128x128xi32>
      %bitcast_convert_type3A_414 = tpu.bitcast %add3A_413 : vector<128x128xi32> -> vector<128x128xf32>
      %convert_element_type3A_415 = arith.truncf %bitcast_convert_type3A_414 : vector<128x128xf32> to vector<128x128xbf16>
      %dot_general3A = arith.constant dense<0.000000e+00> : vector<128x128xf32>
      %dot_general3A_416 = tpu.matmul %get3A_386, %convert_element_type3A_415, %dot_general3A {dimension_numbers = #tpu.dot_dimension_numbers<[1], [1], [0], [0], [0, 0, 1, 0], [], []>, transpose_lhs_hint = false} : vector<128x128xbf16>, vector<128x128xbf16>, vector<128x128xf32> -> vector<128x128xf32>
      %get3A_417 = arith.constant 8 : index
      %get3A_418 = arith.constant 0 : index
      %get3A_419 = vector.load %arg3[%get3A_417, %get3A_418] : memref<40x128xf32, #tpu.memory_space<vmem>>, vector<1x128xf32>
      %get3A_420 = vector.shape_cast %get3A_419 : vector<1x128xf32> to vector<128xf32>
      %broadcast_in_dim3A = vector.shape_cast %get3A_420 : vector<128xf32> to vector<1x128xf32>
      %add3A_421 = vector.broadcast %broadcast_in_dim3A : vector<1x128xf32> to vector<128x128xf32>
      %add3A_422 = arith.addf %dot_general3A_416, %add3A_421 : vector<128x128xf32>
      %abs3A = math.absf %add3A_422 : vector<128x128xf32>
      %ge3A = vector.broadcast %get3A_397 : i32 to vector<128x1xi32>
      %ge3A_423 = arith.cmpi sge, %add3A_388, %ge3A : vector<128x1xi32>
      %lt3A = vector.broadcast %get3A_405 : i32 to vector<128x1xi32>
      %lt3A_424 = arith.cmpi slt, %add3A_388, %lt3A : vector<128x1xi32>
      %and3A_425 = arith.andi %ge3A_423, %lt3A_424 : vector<128x1xi1>
      %jit3A_426 = arith.constant 0.000000e+00 : f32
      %broadcast_in_dim3A_427 = vector.shape_cast %and3A_425 : vector<128x1xi1> to vector<128x1xi1>
      %broadcast_in_dim3A_428 = vector.broadcast %broadcast_in_dim3A_427 : vector<128x1xi1> to vector<128x128xi1>
      %broadcast_in_dim3A_429 = vector.broadcast %jit3A_426 : f32 to vector<128x128xf32>
      %select_n3A_430 = arith.select %broadcast_in_dim3A_428, %abs3A, %broadcast_in_dim3A_429 : vector<128x128xi1>, vector<128x128xf32>
      %add3A_431 = arith.addf %get3A_391, %select_n3A_430 : vector<128x128xf32>
      %mul3A_432 = arith.constant 40 : i32
      %mul3A_433 = arith.muli %arg0, %mul3A_432 : i32
      %add3A_434 = arith.constant 9 : i32
      %add3A_435 = arith.addi %mul3A_433, %add3A_434 : i32
      %get3A_436 = arith.index_cast %add3A_435 : i32 to index
      %get3A_437 = memref.load %arg1[%get3A_436] : memref<1001xi32, #tpu.memory_space<smem>>
      %mul3A_438 = arith.constant 40 : i32
      %mul3A_439 = arith.muli %arg0, %mul3A_438 : i32
      %add3A_440 = arith.constant 9 : i32
      %add3A_441 = arith.addi %mul3A_439, %add3A_440 : i32
      %add3A_442 = arith.constant 1 : i32
      %add3A_443 = arith.addi %add3A_441, %add3A_442 : i32
      %get3A_444 = arith.index_cast %add3A_443 : i32 to index
      %get3A_445 = memref.load %arg1[%get3A_444] : memref<1001xi32, #tpu.memory_space<smem>>
      %get3A_446 = arith.constant 9 : index
      %get3A_447 = arith.constant 0 : index
      %get3A_448 = arith.constant 0 : index
      %get3A_449 = vector.load %arg2[%get3A_446, %get3A_447, %get3A_448] : memref<40x128x128xf32, #tpu.memory_space<vmem>>, vector<1x128x128xf32>
      %get3A_450 = vector.shape_cast %get3A_449 : vector<1x128x128xf32> to vector<128x128xf32>
      %bitcast_convert_type3A_451 = tpu.bitcast %get3A_450 : vector<128x128xf32> -> vector<128x128xi32>
      %add3A_452 = arith.constant 32768 : i32
      %add3A_453 = vector.broadcast %add3A_452 : i32 to vector<128x128xi32>
      %add3A_454 = arith.addi %bitcast_convert_type3A_451, %add3A_453 : vector<128x128xi32>
      %bitcast_convert_type3A_455 = tpu.bitcast %add3A_454 : vector<128x128xi32> -> vector<128x128xf32>
      %convert_element_type3A_456 = arith.truncf %bitcast_convert_type3A_455 : vector<128x128xf32> to vector<128x128xbf16>
      %dot_general3A_457 = arith.constant dense<0.000000e+00> : vector<128x128xf32>
      %dot_general3A_458 = tpu.matmul %get3A_386, %convert_element_type3A_456, %dot_general3A_457 {dimension_numbers = #tpu.dot_dimension_numbers<[1], [1], [0], [0], [0, 0, 1, 0], [], []>, transpose_lhs_hint = false} : vector<128x128xbf16>, vector<128x128xbf16>, vector<128x128xf32> -> vector<128x128xf32>
      %get3A_459 = arith.constant 9 : index
      %get3A_460 = arith.constant 0 : index
      %get3A_461 = vector.load %arg3[%get3A_459, %get3A_460] : memref<40x128xf32, #tpu.memory_space<vmem>>, vector<1x128xf32>
      %get3A_462 = vector.shape_cast %get3A_461 : vector<1x128xf32> to vector<128xf32>
      %broadcast_in_dim3A_463 = vector.shape_cast %get3A_462 : vector<128xf32> to vector<1x128xf32>
      %add3A_464 = vector.broadcast %broadcast_in_dim3A_463 : vector<1x128xf32> to vector<128x128xf32>
      %add3A_465 = arith.addf %dot_general3A_458, %add3A_464 : vector<128x128xf32>
      %abs3A_466 = math.absf %add3A_465 : vector<128x128xf32>
      %ge3A_467 = vector.broadcast %get3A_437 : i32 to vector<128x1xi32>
      %ge3A_468 = arith.cmpi sge, %add3A_388, %ge3A_467 : vector<128x1xi32>
      %lt3A_469 = vector.broadcast %get3A_445 : i32 to vector<128x1xi32>
      %lt3A_470 = arith.cmpi slt, %add3A_388, %lt3A_469 : vector<128x1xi32>
      %and3A_471 = arith.andi %ge3A_468, %lt3A_470 : vector<128x1xi1>
      %jit3A_472 = arith.constant 0.000000e+00 : f32
      %broadcast_in_dim3A_473 = vector.shape_cast %and3A_471 : vector<128x1xi1> to vector<128x1xi1>
      %broadcast_in_dim3A_474 = vector.broadcast %broadcast_in_dim3A_473 : vector<128x1xi1> to vector<128x128xi1>
      %broadcast_in_dim3A_475 = vector.broadcast %jit3A_472 : f32 to vector<128x128xf32>
      %select_n3A_476 = arith.select %broadcast_in_dim3A_474, %abs3A_466, %broadcast_in_dim3A_475 : vector<128x128xi1>, vector<128x128xf32>
      %add3A_477 = arith.addf %add3A_431, %select_n3A_476 : vector<128x128xf32>
      %mul3A_478 = arith.constant 40 : i32
      %mul3A_479 = arith.muli %arg0, %mul3A_478 : i32
      %add3A_480 = arith.constant 10 : i32
      %add3A_481 = arith.addi %mul3A_479, %add3A_480 : i32
      %get3A_482 = arith.index_cast %add3A_481 : i32 to index
      %get3A_483 = memref.load %arg1[%get3A_482] : memref<1001xi32, #tpu.memory_space<smem>>
      %mul3A_484 = arith.constant 40 : i32
      %mul3A_485 = arith.muli %arg0, %mul3A_484 : i32
      %add3A_486 = arith.constant 10 : i32
      %add3A_487 = arith.addi %mul3A_485, %add3A_486 : i32
      %add3A_488 = arith.constant 1 : i32
      %add3A_489 = arith.addi %add3A_487, %add3A_488 : i32
      %get3A_490 = arith.index_cast %add3A_489 : i32 to index
      %get3A_491 = memref.load %arg1[%get3A_490] : memref<1001xi32, #tpu.memory_space<smem>>
      %get3A_492 = arith.constant 10 : index
      %get3A_493 = arith.constant 0 : index
      %get3A_494 = arith.constant 0 : index
      %get3A_495 = vector.load %arg2[%get3A_492, %get3A_493, %get3A_494] : memref<40x128x128xf32, #tpu.memory_space<vmem>>, vector<1x128x128xf32>
      %get3A_496 = vector.shape_cast %get3A_495 : vector<1x128x128xf32> to vector<128x128xf32>
      %bitcast_convert_type3A_497 = tpu.bitcast %get3A_496 : vector<128x128xf32> -> vector<128x128xi32>
      %add3A_498 = arith.constant 32768 : i32
      %add3A_499 = vector.broadcast %add3A_498 : i32 to vector<128x128xi32>
      %add3A_500 = arith.addi %bitcast_convert_type3A_497, %add3A_499 : vector<128x128xi32>
      %bitcast_convert_type3A_501 = tpu.bitcast %add3A_500 : vector<128x128xi32> -> vector<128x128xf32>
      %convert_element_type3A_502 = arith.truncf %bitcast_convert_type3A_501 : vector<128x128xf32> to vector<128x128xbf16>
      %dot_general3A_503 = arith.constant dense<0.000000e+00> : vector<128x128xf32>
      %dot_general3A_504 = tpu.matmul %get3A_386, %convert_element_type3A_502, %dot_general3A_503 {dimension_numbers = #tpu.dot_dimension_numbers<[1], [1], [0], [0], [0, 0, 1, 0], [], []>, transpose_lhs_hint = false} : vector<128x128xbf16>, vector<128x128xbf16>, vector<128x128xf32> -> vector<128x128xf32>
      %get3A_505 = arith.constant 10 : index
      %get3A_506 = arith.constant 0 : index
      %get3A_507 = vector.load %arg3[%get3A_505, %get3A_506] : memref<40x128xf32, #tpu.memory_space<vmem>>, vector<1x128xf32>
      %get3A_508 = vector.shape_cast %get3A_507 : vector<1x128xf32> to vector<128xf32>
      %broadcast_in_dim3A_509 = vector.shape_cast %get3A_508 : vector<128xf32> to vector<1x128xf32>
      %add3A_510 = vector.broadcast %broadcast_in_dim3A_509 : vector<1x128xf32> to vector<128x128xf32>
      %add3A_511 = arith.addf %dot_general3A_504, %add3A_510 : vector<128x128xf32>
      %abs3A_512 = math.absf %add3A_511 : vector<128x128xf32>
      %ge3A_513 = vector.broadcast %get3A_483 : i32 to vector<128x1xi32>
      %ge3A_514 = arith.cmpi sge, %add3A_388, %ge3A_513 : vector<128x1xi32>
      %lt3A_515 = vector.broadcast %get3A_491 : i32 to vector<128x1xi32>
      %lt3A_516 = arith.cmpi slt, %add3A_388, %lt3A_515 : vector<128x1xi32>
      %and3A_517 = arith.andi %ge3A_514, %lt3A_516 : vector<128x1xi1>
      %jit3A_518 = arith.constant 0.000000e+00 : f32
      %broadcast_in_dim3A_519 = vector.shape_cast %and3A_517 : vector<128x1xi1> to vector<128x1xi1>
      %broadcast_in_dim3A_520 = vector.broadcast %broadcast_in_dim3A_519 : vector<128x1xi1> to vector<128x128xi1>
      %broadcast_in_dim3A_521 = vector.broadcast %jit3A_518 : f32 to vector<128x128xf32>
      %select_n3A_522 = arith.select %broadcast_in_dim3A_520, %abs3A_512, %broadcast_in_dim3A_521 : vector<128x128xi1>, vector<128x128xf32>
      %add3A_523 = arith.addf %add3A_477, %select_n3A_522 : vector<128x128xf32>
      %mul3A_524 = arith.constant 40 : i32
      %mul3A_525 = arith.muli %arg0, %mul3A_524 : i32
      %add3A_526 = arith.constant 11 : i32
      %add3A_527 = arith.addi %mul3A_525, %add3A_526 : i32
      %get3A_528 = arith.index_cast %add3A_527 : i32 to index
      %get3A_529 = memref.load %arg1[%get3A_528] : memref<1001xi32, #tpu.memory_space<smem>>
      %mul3A_530 = arith.constant 40 : i32
      %mul3A_531 = arith.muli %arg0, %mul3A_530 : i32
      %add3A_532 = arith.constant 11 : i32
      %add3A_533 = arith.addi %mul3A_531, %add3A_532 : i32
      %add3A_534 = arith.constant 1 : i32
      %add3A_535 = arith.addi %add3A_533, %add3A_534 : i32
      %get3A_536 = arith.index_cast %add3A_535 : i32 to index
      %get3A_537 = memref.load %arg1[%get3A_536] : memref<1001xi32, #tpu.memory_space<smem>>
      %get3A_538 = arith.constant 11 : index
      %get3A_539 = arith.constant 0 : index
      %get3A_540 = arith.constant 0 : index
      %get3A_541 = vector.load %arg2[%get3A_538, %get3A_539, %get3A_540] : memref<40x128x128xf32, #tpu.memory_space<vmem>>, vector<1x128x128xf32>
      %get3A_542 = vector.shape_cast %get3A_541 : vector<1x128x128xf32> to vector<128x128xf32>
      %bitcast_convert_type3A_543 = tpu.bitcast %get3A_542 : vector<128x128xf32> -> vector<128x128xi32>
      %add3A_544 = arith.constant 32768 : i32
      %add3A_545 = vector.broadcast %add3A_544 : i32 to vector<128x128xi32>
      %add3A_546 = arith.addi %bitcast_convert_type3A_543, %add3A_545 : vector<128x128xi32>
      %bitcast_convert_type3A_547 = tpu.bitcast %add3A_546 : vector<128x128xi32> -> vector<128x128xf32>
      %convert_element_type3A_548 = arith.truncf %bitcast_convert_type3A_547 : vector<128x128xf32> to vector<128x128xbf16>
      %dot_general3A_549 = arith.constant dense<0.000000e+00> : vector<128x128xf32>
      %dot_general3A_550 = tpu.matmul %get3A_386, %convert_element_type3A_548, %dot_general3A_549 {dimension_numbers = #tpu.dot_dimension_numbers<[1], [1], [0], [0], [0, 0, 1, 0], [], []>, transpose_lhs_hint = false} : vector<128x128xbf16>, vector<128x128xbf16>, vector<128x128xf32> -> vector<128x128xf32>
      %get3A_551 = arith.constant 11 : index
      %get3A_552 = arith.constant 0 : index
      %get3A_553 = vector.load %arg3[%get3A_551, %get3A_552] : memref<40x128xf32, #tpu.memory_space<vmem>>, vector<1x128xf32>
      %get3A_554 = vector.shape_cast %get3A_553 : vector<1x128xf32> to vector<128xf32>
      %broadcast_in_dim3A_555 = vector.shape_cast %get3A_554 : vector<128xf32> to vector<1x128xf32>
      %add3A_556 = vector.broadcast %broadcast_in_dim3A_555 : vector<1x128xf32> to vector<128x128xf32>
      %add3A_557 = arith.addf %dot_general3A_550, %add3A_556 : vector<128x128xf32>
      %abs3A_558 = math.absf %add3A_557 : vector<128x128xf32>
      %ge3A_559 = vector.broadcast %get3A_529 : i32 to vector<128x1xi32>
      %ge3A_560 = arith.cmpi sge, %add3A_388, %ge3A_559 : vector<128x1xi32>
      %lt3A_561 = vector.broadcast %get3A_537 : i32 to vector<128x1xi32>
      %lt3A_562 = arith.cmpi slt, %add3A_388, %lt3A_561 : vector<128x1xi32>
      %and3A_563 = arith.andi %ge3A_560, %lt3A_562 : vector<128x1xi1>
      %jit3A_564 = arith.constant 0.000000e+00 : f32
      %broadcast_in_dim3A_565 = vector.shape_cast %and3A_563 : vector<128x1xi1> to vector<128x1xi1>
      %broadcast_in_dim3A_566 = vector.broadcast %broadcast_in_dim3A_565 : vector<128x1xi1> to vector<128x128xi1>
      %broadcast_in_dim3A_567 = vector.broadcast %jit3A_564 : f32 to vector<128x128xf32>
      %select_n3A_568 = arith.select %broadcast_in_dim3A_566, %abs3A_558, %broadcast_in_dim3A_567 : vector<128x128xi1>, vector<128x128xf32>
      %add3A_569 = arith.addf %add3A_523, %select_n3A_568 : vector<128x128xf32>
      %mul3A_570 = arith.constant 40 : i32
      %mul3A_571 = arith.muli %arg0, %mul3A_570 : i32
      %add3A_572 = arith.constant 12 : i32
      %add3A_573 = arith.addi %mul3A_571, %add3A_572 : i32
      %get3A_574 = arith.index_cast %add3A_573 : i32 to index
      %get3A_575 = memref.load %arg1[%get3A_574] : memref<1001xi32, #tpu.memory_space<smem>>
      %mul3A_576 = arith.constant 40 : i32
      %mul3A_577 = arith.muli %arg0, %mul3A_576 : i32
      %add3A_578 = arith.constant 12 : i32
      %add3A_579 = arith.addi %mul3A_577, %add3A_578 : i32
      %add3A_580 = arith.constant 1 : i32
      %add3A_581 = arith.addi %add3A_579, %add3A_580 : i32
      %get3A_582 = arith.index_cast %add3A_581 : i32 to index
      %get3A_583 = memref.load %arg1[%get3A_582] : memref<1001xi32, #tpu.memory_space<smem>>
      %get3A_584 = arith.constant 12 : index
      %get3A_585 = arith.constant 0 : index
      %get3A_586 = arith.constant 0 : index
      %get3A_587 = vector.load %arg2[%get3A_584, %get3A_585, %get3A_586] : memref<40x128x128xf32, #tpu.memory_space<vmem>>, vector<1x128x128xf32>
      %get3A_588 = vector.shape_cast %get3A_587 : vector<1x128x128xf32> to vector<128x128xf32>
      %bitcast_convert_type3A_589 = tpu.bitcast %get3A_588 : vector<128x128xf32> -> vector<128x128xi32>
      %add3A_590 = arith.constant 32768 : i32
      %add3A_591 = vector.broadcast %add3A_590 : i32 to vector<128x128xi32>
      %add3A_592 = arith.addi %bitcast_convert_type3A_589, %add3A_591 : vector<128x128xi32>
      %bitcast_convert_type3A_593 = tpu.bitcast %add3A_592 : vector<128x128xi32> -> vector<128x128xf32>
      %convert_element_type3A_594 = arith.truncf %bitcast_convert_type3A_593 : vector<128x128xf32> to vector<128x128xbf16>
      %dot_general3A_595 = arith.constant dense<0.000000e+00> : vector<128x128xf32>
      %dot_general3A_596 = tpu.matmul %get3A_386, %convert_element_type3A_594, %dot_general3A_595 {dimension_numbers = #tpu.dot_dimension_numbers<[1], [1], [0], [0], [0, 0, 1, 0], [], []>, transpose_lhs_hint = false} : vector<128x128xbf16>, vector<128x128xbf16>, vector<128x128xf32> -> vector<128x128xf32>
      %get3A_597 = arith.constant 12 : index
      %get3A_598 = arith.constant 0 : index
      %get3A_599 = vector.load %arg3[%get3A_597, %get3A_598] : memref<40x128xf32, #tpu.memory_space<vmem>>, vector<1x128xf32>
      %get3A_600 = vector.shape_cast %get3A_599 : vector<1x128xf32> to vector<128xf32>
      %broadcast_in_dim3A_601 = vector.shape_cast %get3A_600 : vector<128xf32> to vector<1x128xf32>
      %add3A_602 = vector.broadcast %broadcast_in_dim3A_601 : vector<1x128xf32> to vector<128x128xf32>
      %add3A_603 = arith.addf %dot_general3A_596, %add3A_602 : vector<128x128xf32>
      %abs3A_604 = math.absf %add3A_603 : vector<128x128xf32>
      %ge3A_605 = vector.broadcast %get3A_575 : i32 to vector<128x1xi32>
      %ge3A_606 = arith.cmpi sge, %add3A_388, %ge3A_605 : vector<128x1xi32>
      %lt3A_607 = vector.broadcast %get3A_583 : i32 to vector<128x1xi32>
      %lt3A_608 = arith.cmpi slt, %add3A_388, %lt3A_607 : vector<128x1xi32>
      %and3A_609 = arith.andi %ge3A_606, %lt3A_608 : vector<128x1xi1>
      %jit3A_610 = arith.constant 0.000000e+00 : f32
      %broadcast_in_dim3A_611 = vector.shape_cast %and3A_609 : vector<128x1xi1> to vector<128x1xi1>
      %broadcast_in_dim3A_612 = vector.broadcast %broadcast_in_dim3A_611 : vector<128x1xi1> to vector<128x128xi1>
      %broadcast_in_dim3A_613 = vector.broadcast %jit3A_610 : f32 to vector<128x128xf32>
      %select_n3A_614 = arith.select %broadcast_in_dim3A_612, %abs3A_604, %broadcast_in_dim3A_613 : vector<128x128xi1>, vector<128x128xf32>
      %add3A_615 = arith.addf %add3A_569, %select_n3A_614 : vector<128x128xf32>
      %mul3A_616 = arith.constant 40 : i32
      %mul3A_617 = arith.muli %arg0, %mul3A_616 : i32
      %add3A_618 = arith.constant 13 : i32
      %add3A_619 = arith.addi %mul3A_617, %add3A_618 : i32
      %get3A_620 = arith.index_cast %add3A_619 : i32 to index
      %get3A_621 = memref.load %arg1[%get3A_620] : memref<1001xi32, #tpu.memory_space<smem>>
      %mul3A_622 = arith.constant 40 : i32
      %mul3A_623 = arith.muli %arg0, %mul3A_622 : i32
      %add3A_624 = arith.constant 13 : i32
      %add3A_625 = arith.addi %mul3A_623, %add3A_624 : i32
      %add3A_626 = arith.constant 1 : i32
      %add3A_627 = arith.addi %add3A_625, %add3A_626 : i32
      %get3A_628 = arith.index_cast %add3A_627 : i32 to index
      %get3A_629 = memref.load %arg1[%get3A_628] : memref<1001xi32, #tpu.memory_space<smem>>
      %get3A_630 = arith.constant 13 : index
      %get3A_631 = arith.constant 0 : index
      %get3A_632 = arith.constant 0 : index
      %get3A_633 = vector.load %arg2[%get3A_630, %get3A_631, %get3A_632] : memref<40x128x128xf32, #tpu.memory_space<vmem>>, vector<1x128x128xf32>
      %get3A_634 = vector.shape_cast %get3A_633 : vector<1x128x128xf32> to vector<128x128xf32>
      %bitcast_convert_type3A_635 = tpu.bitcast %get3A_634 : vector<128x128xf32> -> vector<128x128xi32>
      %add3A_636 = arith.constant 32768 : i32
      %add3A_637 = vector.broadcast %add3A_636 : i32 to vector<128x128xi32>
      %add3A_638 = arith.addi %bitcast_convert_type3A_635, %add3A_637 : vector<128x128xi32>
      %bitcast_convert_type3A_639 = tpu.bitcast %add3A_638 : vector<128x128xi32> -> vector<128x128xf32>
      %convert_element_type3A_640 = arith.truncf %bitcast_convert_type3A_639 : vector<128x128xf32> to vector<128x128xbf16>
      %dot_general3A_641 = arith.constant dense<0.000000e+00> : vector<128x128xf32>
      %dot_general3A_642 = tpu.matmul %get3A_386, %convert_element_type3A_640, %dot_general3A_641 {dimension_numbers = #tpu.dot_dimension_numbers<[1], [1], [0], [0], [0, 0, 1, 0], [], []>, transpose_lhs_hint = false} : vector<128x128xbf16>, vector<128x128xbf16>, vector<128x128xf32> -> vector<128x128xf32>
      %get3A_643 = arith.constant 13 : index
      %get3A_644 = arith.constant 0 : index
      %get3A_645 = vector.load %arg3[%get3A_643, %get3A_644] : memref<40x128xf32, #tpu.memory_space<vmem>>, vector<1x128xf32>
      %get3A_646 = vector.shape_cast %get3A_645 : vector<1x128xf32> to vector<128xf32>
      %broadcast_in_dim3A_647 = vector.shape_cast %get3A_646 : vector<128xf32> to vector<1x128xf32>
      %add3A_648 = vector.broadcast %broadcast_in_dim3A_647 : vector<1x128xf32> to vector<128x128xf32>
      %add3A_649 = arith.addf %dot_general3A_642, %add3A_648 : vector<128x128xf32>
      %abs3A_650 = math.absf %add3A_649 : vector<128x128xf32>
      %ge3A_651 = vector.broadcast %get3A_621 : i32 to vector<128x1xi32>
      %ge3A_652 = arith.cmpi sge, %add3A_388, %ge3A_651 : vector<128x1xi32>
      %lt3A_653 = vector.broadcast %get3A_629 : i32 to vector<128x1xi32>
      %lt3A_654 = arith.cmpi slt, %add3A_388, %lt3A_653 : vector<128x1xi32>
      %and3A_655 = arith.andi %ge3A_652, %lt3A_654 : vector<128x1xi1>
      %jit3A_656 = arith.constant 0.000000e+00 : f32
      %broadcast_in_dim3A_657 = vector.shape_cast %and3A_655 : vector<128x1xi1> to vector<128x1xi1>
      %broadcast_in_dim3A_658 = vector.broadcast %broadcast_in_dim3A_657 : vector<128x1xi1> to vector<128x128xi1>
      %broadcast_in_dim3A_659 = vector.broadcast %jit3A_656 : f32 to vector<128x128xf32>
      %select_n3A_660 = arith.select %broadcast_in_dim3A_658, %abs3A_650, %broadcast_in_dim3A_659 : vector<128x128xi1>, vector<128x128xf32>
      %add3A_661 = arith.addf %add3A_615, %select_n3A_660 : vector<128x128xf32>
      %mul3A_662 = arith.constant 40 : i32
      %mul3A_663 = arith.muli %arg0, %mul3A_662 : i32
      %add3A_664 = arith.constant 14 : i32
      %add3A_665 = arith.addi %mul3A_663, %add3A_664 : i32
      %get3A_666 = arith.index_cast %add3A_665 : i32 to index
      %get3A_667 = memref.load %arg1[%get3A_666] : memref<1001xi32, #tpu.memory_space<smem>>
      %mul3A_668 = arith.constant 40 : i32
      %mul3A_669 = arith.muli %arg0, %mul3A_668 : i32
      %add3A_670 = arith.constant 14 : i32
      %add3A_671 = arith.addi %mul3A_669, %add3A_670 : i32
      %add3A_672 = arith.constant 1 : i32
      %add3A_673 = arith.addi %add3A_671, %add3A_672 : i32
      %get3A_674 = arith.index_cast %add3A_673 : i32 to index
      %get3A_675 = memref.load %arg1[%get3A_674] : memref<1001xi32, #tpu.memory_space<smem>>
      %get3A_676 = arith.constant 14 : index
      %get3A_677 = arith.constant 0 : index
      %get3A_678 = arith.constant 0 : index
      %get3A_679 = vector.load %arg2[%get3A_676, %get3A_677, %get3A_678] : memref<40x128x128xf32, #tpu.memory_space<vmem>>, vector<1x128x128xf32>
      %get3A_680 = vector.shape_cast %get3A_679 : vector<1x128x128xf32> to vector<128x128xf32>
      %bitcast_convert_type3A_681 = tpu.bitcast %get3A_680 : vector<128x128xf32> -> vector<128x128xi32>
      %add3A_682 = arith.constant 32768 : i32
      %add3A_683 = vector.broadcast %add3A_682 : i32 to vector<128x128xi32>
      %add3A_684 = arith.addi %bitcast_convert_type3A_681, %add3A_683 : vector<128x128xi32>
      %bitcast_convert_type3A_685 = tpu.bitcast %add3A_684 : vector<128x128xi32> -> vector<128x128xf32>
      %convert_element_type3A_686 = arith.truncf %bitcast_convert_type3A_685 : vector<128x128xf32> to vector<128x128xbf16>
      %dot_general3A_687 = arith.constant dense<0.000000e+00> : vector<128x128xf32>
      %dot_general3A_688 = tpu.matmul %get3A_386, %convert_element_type3A_686, %dot_general3A_687 {dimension_numbers = #tpu.dot_dimension_numbers<[1], [1], [0], [0], [0, 0, 1, 0], [], []>, transpose_lhs_hint = false} : vector<128x128xbf16>, vector<128x128xbf16>, vector<128x128xf32> -> vector<128x128xf32>
      %get3A_689 = arith.constant 14 : index
      %get3A_690 = arith.constant 0 : index
      %get3A_691 = vector.load %arg3[%get3A_689, %get3A_690] : memref<40x128xf32, #tpu.memory_space<vmem>>, vector<1x128xf32>
      %get3A_692 = vector.shape_cast %get3A_691 : vector<1x128xf32> to vector<128xf32>
      %broadcast_in_dim3A_693 = vector.shape_cast %get3A_692 : vector<128xf32> to vector<1x128xf32>
      %add3A_694 = vector.broadcast %broadcast_in_dim3A_693 : vector<1x128xf32> to vector<128x128xf32>
      %add3A_695 = arith.addf %dot_general3A_688, %add3A_694 : vector<128x128xf32>
      %abs3A_696 = math.absf %add3A_695 : vector<128x128xf32>
      %ge3A_697 = vector.broadcast %get3A_667 : i32 to vector<128x1xi32>
      %ge3A_698 = arith.cmpi sge, %add3A_388, %ge3A_697 : vector<128x1xi32>
      %lt3A_699 = vector.broadcast %get3A_675 : i32 to vector<128x1xi32>
      %lt3A_700 = arith.cmpi slt, %add3A_388, %lt3A_699 : vector<128x1xi32>
      %and3A_701 = arith.andi %ge3A_698, %lt3A_700 : vector<128x1xi1>
      %jit3A_702 = arith.constant 0.000000e+00 : f32
      %broadcast_in_dim3A_703 = vector.shape_cast %and3A_701 : vector<128x1xi1> to vector<128x1xi1>
      %broadcast_in_dim3A_704 = vector.broadcast %broadcast_in_dim3A_703 : vector<128x1xi1> to vector<128x128xi1>
      %broadcast_in_dim3A_705 = vector.broadcast %jit3A_702 : f32 to vector<128x128xf32>
      %select_n3A_706 = arith.select %broadcast_in_dim3A_704, %abs3A_696, %broadcast_in_dim3A_705 : vector<128x128xi1>, vector<128x128xf32>
      %add3A_707 = arith.addf %add3A_661, %select_n3A_706 : vector<128x128xf32>
      %mul3A_708 = arith.constant 40 : i32
      %mul3A_709 = arith.muli %arg0, %mul3A_708 : i32
      %add3A_710 = arith.constant 15 : i32
      %add3A_711 = arith.addi %mul3A_709, %add3A_710 : i32
      %get3A_712 = arith.index_cast %add3A_711 : i32 to index
      %get3A_713 = memref.load %arg1[%get3A_712] : memref<1001xi32, #tpu.memory_space<smem>>
      %mul3A_714 = arith.constant 40 : i32
      %mul3A_715 = arith.muli %arg0, %mul3A_714 : i32
      %add3A_716 = arith.constant 15 : i32
      %add3A_717 = arith.addi %mul3A_715, %add3A_716 : i32
      %add3A_718 = arith.constant 1 : i32
      %add3A_719 = arith.addi %add3A_717, %add3A_718 : i32
      %get3A_720 = arith.index_cast %add3A_719 : i32 to index
      %get3A_721 = memref.load %arg1[%get3A_720] : memref<1001xi32, #tpu.memory_space<smem>>
      %get3A_722 = arith.constant 15 : index
      %get3A_723 = arith.constant 0 : index
      %get3A_724 = arith.constant 0 : index
      %get3A_725 = vector.load %arg2[%get3A_722, %get3A_723, %get3A_724] : memref<40x128x128xf32, #tpu.memory_space<vmem>>, vector<1x128x128xf32>
      %get3A_726 = vector.shape_cast %get3A_725 : vector<1x128x128xf32> to vector<128x128xf32>
      %bitcast_convert_type3A_727 = tpu.bitcast %get3A_726 : vector<128x128xf32> -> vector<128x128xi32>
      %add3A_728 = arith.constant 32768 : i32
      %add3A_729 = vector.broadcast %add3A_728 : i32 to vector<128x128xi32>
      %add3A_730 = arith.addi %bitcast_convert_type3A_727, %add3A_729 : vector<128x128xi32>
      %bitcast_convert_type3A_731 = tpu.bitcast %add3A_730 : vector<128x128xi32> -> vector<128x128xf32>
      %convert_element_type3A_732 = arith.truncf %bitcast_convert_type3A_731 : vector<128x128xf32> to vector<128x128xbf16>
      %dot_general3A_733 = arith.constant dense<0.000000e+00> : vector<128x128xf32>
      %dot_general3A_734 = tpu.matmul %get3A_386, %convert_element_type3A_732, %dot_general3A_733 {dimension_numbers = #tpu.dot_dimension_numbers<[1], [1], [0], [0], [0, 0, 1, 0], [], []>, transpose_lhs_hint = false} : vector<128x128xbf16>, vector<128x128xbf16>, vector<128x128xf32> -> vector<128x128xf32>
      %get3A_735 = arith.constant 15 : index
      %get3A_736 = arith.constant 0 : index
      %get3A_737 = vector.load %arg3[%get3A_735, %get3A_736] : memref<40x128xf32, #tpu.memory_space<vmem>>, vector<1x128xf32>
      %get3A_738 = vector.shape_cast %get3A_737 : vector<1x128xf32> to vector<128xf32>
      %broadcast_in_dim3A_739 = vector.shape_cast %get3A_738 : vector<128xf32> to vector<1x128xf32>
      %add3A_740 = vector.broadcast %broadcast_in_dim3A_739 : vector<1x128xf32> to vector<128x128xf32>
      %add3A_741 = arith.addf %dot_general3A_734, %add3A_740 : vector<128x128xf32>
      %abs3A_742 = math.absf %add3A_741 : vector<128x128xf32>
      %ge3A_743 = vector.broadcast %get3A_713 : i32 to vector<128x1xi32>
      %ge3A_744 = arith.cmpi sge, %add3A_388, %ge3A_743 : vector<128x1xi32>
      %lt3A_745 = vector.broadcast %get3A_721 : i32 to vector<128x1xi32>
      %lt3A_746 = arith.cmpi slt, %add3A_388, %lt3A_745 : vector<128x1xi32>
      %and3A_747 = arith.andi %ge3A_744, %lt3A_746 : vector<128x1xi1>
      %jit3A_748 = arith.constant 0.000000e+00 : f32
      %broadcast_in_dim3A_749 = vector.shape_cast %and3A_747 : vector<128x1xi1> to vector<128x1xi1>
      %broadcast_in_dim3A_750 = vector.broadcast %broadcast_in_dim3A_749 : vector<128x1xi1> to vector<128x128xi1>
      %broadcast_in_dim3A_751 = vector.broadcast %jit3A_748 : f32 to vector<128x128xf32>
      %select_n3A_752 = arith.select %broadcast_in_dim3A_750, %abs3A_742, %broadcast_in_dim3A_751 : vector<128x128xi1>, vector<128x128xf32>
      %add3A_753 = arith.addf %add3A_707, %select_n3A_752 : vector<128x128xf32>
      %swap3A = arith.index_cast %multiple_of3A : i32 to index
      %swap3A_754 = arith.constant 0 : index
      %swap3A_755 = vector.load %arg8[%swap3A, %swap3A_754] : memref<4096x128xf32, #tpu.memory_space<vmem>>, vector<128x128xf32>
      tpu.vector_store %arg8[%swap3A, %swap3A_754], %add3A_753 {strides = array<i32>} : memref<4096x128xf32, #tpu.memory_space<vmem>>, vector<128x128xf32>,
      %while3A_756 = arith.constant 0 : i32
      scf.yield %while3A_756 : i32
    }
    %mul3A_144 = arith.constant 40 : i32
    %mul3A_145 = arith.muli %arg0, %mul3A_144 : i32
    %add3A_146 = arith.constant 16 : i32
    %add3A_147 = arith.addi %mul3A_145, %add3A_146 : i32
    %get3A_148 = arith.index_cast %add3A_147 : i32 to index
    %get3A_149 = memref.load %arg1[%get3A_148] : memref<1001xi32, #tpu.memory_space<smem>>
    %mul3A_150 = arith.constant 40 : i32
    %mul3A_151 = arith.muli %arg0, %mul3A_150 : i32
    %add3A_152 = arith.constant 16 : i32
    %add3A_153 = arith.addi %mul3A_151, %add3A_152 : i32
    %add3A_154 = arith.constant 8 : i32
    %add3A_155 = arith.addi %add3A_153, %add3A_154 : i32
    %get3A_156 = arith.index_cast %add3A_155 : i32 to index
    %get3A_157 = memref.load %arg1[%get3A_156] : memref<1001xi32, #tpu.memory_space<smem>>
    %jit3A_158 = arith.constant 128 : i32
    %div3A_159 = arith.divsi %get3A_149, %jit3A_158 : i32
    %sign3A_160 = arith.constant 0 : i32
    %sign3A_161 = arith.cmpi sgt, %get3A_149, %sign3A_160 : i32
    %sign3A_162 = arith.extui %sign3A_161 : i1 to i32
    %sign3A_163 = arith.constant 0 : i32
    %sign3A_164 = arith.cmpi slt, %get3A_149, %sign3A_163 : i32
    %sign3A_165 = arith.extui %sign3A_164 : i1 to i32
    %sign3A_166 = arith.subi %sign3A_162, %sign3A_165 : i32
    %sign3A_167 = arith.constant 0 : i32
    %sign3A_168 = arith.cmpi sgt, %jit3A_158, %sign3A_167 : i32
    %sign3A_169 = arith.extui %sign3A_168 : i1 to i32
    %sign3A_170 = arith.constant 0 : i32
    %sign3A_171 = arith.cmpi slt, %jit3A_158, %sign3A_170 : i32
    %sign3A_172 = arith.extui %sign3A_171 : i1 to i32
    %sign3A_173 = arith.subi %sign3A_169, %sign3A_172 : i32
    %ne3A_174 = arith.cmpi ne, %sign3A_166, %sign3A_173 : i32
    %rem3A_175 = arith.remsi %get3A_149, %jit3A_158 : i32
    %ne3A_176 = arith.constant 0 : i32
    %ne3A_177 = arith.cmpi ne, %rem3A_175, %ne3A_176 : i32
    %and3A_178 = arith.andi %ne3A_174, %ne3A_177 : i1
    %sub3A_179 = arith.constant 1 : i32
    %sub3A_180 = arith.subi %div3A_159, %sub3A_179 : i32
    %select_n3A_181 = arith.select %and3A_178, %sub3A_180, %div3A_159 : i32
    %add3A_182 = arith.constant 128 : i32
    %add3A_183 = arith.addi %get3A_157, %add3A_182 : i32
    %sub3A_184 = arith.constant 1 : i32
    %sub3A_185 = arith.subi %add3A_183, %sub3A_184 : i32
    %jit3A_186 = arith.constant 128 : i32
    %div3A_187 = arith.divsi %sub3A_185, %jit3A_186 : i32
    %sign3A_188 = arith.constant 0 : i32
    %sign3A_189 = arith.cmpi sgt, %sub3A_185, %sign3A_188 : i32
    %sign3A_190 = arith.extui %sign3A_189 : i1 to i32
    %sign3A_191 = arith.constant 0 : i32
    %sign3A_192 = arith.cmpi slt, %sub3A_185, %sign3A_191 : i32
    %sign3A_193 = arith.extui %sign3A_192 : i1 to i32
    %sign3A_194 = arith.subi %sign3A_190, %sign3A_193 : i32
    %sign3A_195 = arith.constant 0 : i32
    %sign3A_196 = arith.cmpi sgt, %jit3A_186, %sign3A_195 : i32
    %sign3A_197 = arith.extui %sign3A_196 : i1 to i32
    %sign3A_198 = arith.constant 0 : i32
    %sign3A_199 = arith.cmpi slt, %jit3A_186, %sign3A_198 : i32
    %sign3A_200 = arith.extui %sign3A_199 : i1 to i32
    %sign3A_201 = arith.subi %sign3A_197, %sign3A_200 : i32
    %ne3A_202 = arith.cmpi ne, %sign3A_194, %sign3A_201 : i32
    %rem3A_203 = arith.remsi %sub3A_185, %jit3A_186 : i32
    %ne3A_204 = arith.constant 0 : i32
    %ne3A_205 = arith.cmpi ne, %rem3A_203, %ne3A_204 : i32
    %and3A_206 = arith.andi %ne3A_202, %ne3A_205 : i1
    %sub3A_207 = arith.constant 1 : i32
    %sub3A_208 = arith.subi %div3A_187, %sub3A_207 : i32
    %select_n3A_209 = arith.select %and3A_206, %sub3A_208, %div3A_187 : i32
    %while3A_210 = arith.constant 0 : i32
    %while3A_211 = arith.subi %select_n3A_209, %select_n3A_181 : i32
    %while3A_212 = arith.addi %select_n3A_181, %while3A_211 : i32
    %while3A_213 = arith.constant 1 : i32
    %while3A_214 = arith.divsi %while3A_211, %while3A_213 : i32
    %while3A_215 = arith.muli %while3A_214, %while3A_213 : i32
    %while3A_216 = arith.addi %select_n3A_181, %while3A_215 : i32
    %while3A_217 = arith.constant 1 : i32
    %while3A_218 = scf.for %while3A_380 = %select_n3A_181 to %while3A_216 step %while3A_217 iter_args(%while3A_381 = %while3A_210) -> (i32)  : i32 {
      %mul3A_382 = arith.constant 128 : i32
      %mul3A_383 = arith.muli %while3A_380, %mul3A_382 : i32
      %multiple_of3A = tpu.assume_multiple %mul3A_383, 128 : i32
      %get3A_384 = arith.index_cast %multiple_of3A : i32 to index
      %get3A_385 = arith.constant 0 : index
      %get3A_386 = vector.load %arg7[%get3A_384, %get3A_385] : memref<4096x128xbf16, #tpu.memory_space<vmem>>, vector<128x128xbf16>
      %iota3A = tpu.iota {dimensions = array<i32: 0>} : vector<128x1xi32>
      %add3A_387 = vector.broadcast %multiple_of3A : i32 to vector<128x1xi32>
      %add3A_388 = arith.addi %add3A_387, %iota3A : vector<128x1xi32>
      %get3A_389 = arith.index_cast %multiple_of3A : i32 to index
      %get3A_390 = arith.constant 0 : index
      %get3A_391 = vector.load %arg8[%get3A_389, %get3A_390] : memref<4096x128xf32, #tpu.memory_space<vmem>>, vector<128x128xf32>
      %mul3A_392 = arith.constant 40 : i32
      %mul3A_393 = arith.muli %arg0, %mul3A_392 : i32
      %add3A_394 = arith.constant 16 : i32
      %add3A_395 = arith.addi %mul3A_393, %add3A_394 : i32
      %get3A_396 = arith.index_cast %add3A_395 : i32 to index
      %get3A_397 = memref.load %arg1[%get3A_396] : memref<1001xi32, #tpu.memory_space<smem>>
      %mul3A_398 = arith.constant 40 : i32
      %mul3A_399 = arith.muli %arg0, %mul3A_398 : i32
      %add3A_400 = arith.constant 16 : i32
      %add3A_401 = arith.addi %mul3A_399, %add3A_400 : i32
      %add3A_402 = arith.constant 1 : i32
      %add3A_403 = arith.addi %add3A_401, %add3A_402 : i32
      %get3A_404 = arith.index_cast %add3A_403 : i32 to index
      %get3A_405 = memref.load %arg1[%get3A_404] : memref<1001xi32, #tpu.memory_space<smem>>
      %get3A_406 = arith.constant 16 : index
      %get3A_407 = arith.constant 0 : index
      %get3A_408 = arith.constant 0 : index
      %get3A_409 = vector.load %arg2[%get3A_406, %get3A_407, %get3A_408] : memref<40x128x128xf32, #tpu.memory_space<vmem>>, vector<1x128x128xf32>
      %get3A_410 = vector.shape_cast %get3A_409 : vector<1x128x128xf32> to vector<128x128xf32>
      %bitcast_convert_type3A = tpu.bitcast %get3A_410 : vector<128x128xf32> -> vector<128x128xi32>
      %add3A_411 = arith.constant 32768 : i32
      %add3A_412 = vector.broadcast %add3A_411 : i32 to vector<128x128xi32>
      %add3A_413 = arith.addi %bitcast_convert_type3A, %add3A_412 : vector<128x128xi32>
      %bitcast_convert_type3A_414 = tpu.bitcast %add3A_413 : vector<128x128xi32> -> vector<128x128xf32>
      %convert_element_type3A_415 = arith.truncf %bitcast_convert_type3A_414 : vector<128x128xf32> to vector<128x128xbf16>
      %dot_general3A = arith.constant dense<0.000000e+00> : vector<128x128xf32>
      %dot_general3A_416 = tpu.matmul %get3A_386, %convert_element_type3A_415, %dot_general3A {dimension_numbers = #tpu.dot_dimension_numbers<[1], [1], [0], [0], [0, 0, 1, 0], [], []>, transpose_lhs_hint = false} : vector<128x128xbf16>, vector<128x128xbf16>, vector<128x128xf32> -> vector<128x128xf32>
      %get3A_417 = arith.constant 16 : index
      %get3A_418 = arith.constant 0 : index
      %get3A_419 = vector.load %arg3[%get3A_417, %get3A_418] : memref<40x128xf32, #tpu.memory_space<vmem>>, vector<1x128xf32>
      %get3A_420 = vector.shape_cast %get3A_419 : vector<1x128xf32> to vector<128xf32>
      %broadcast_in_dim3A = vector.shape_cast %get3A_420 : vector<128xf32> to vector<1x128xf32>
      %add3A_421 = vector.broadcast %broadcast_in_dim3A : vector<1x128xf32> to vector<128x128xf32>
      %add3A_422 = arith.addf %dot_general3A_416, %add3A_421 : vector<128x128xf32>
      %abs3A = math.absf %add3A_422 : vector<128x128xf32>
      %ge3A = vector.broadcast %get3A_397 : i32 to vector<128x1xi32>
      %ge3A_423 = arith.cmpi sge, %add3A_388, %ge3A : vector<128x1xi32>
      %lt3A = vector.broadcast %get3A_405 : i32 to vector<128x1xi32>
      %lt3A_424 = arith.cmpi slt, %add3A_388, %lt3A : vector<128x1xi32>
      %and3A_425 = arith.andi %ge3A_423, %lt3A_424 : vector<128x1xi1>
      %jit3A_426 = arith.constant 0.000000e+00 : f32
      %broadcast_in_dim3A_427 = vector.shape_cast %and3A_425 : vector<128x1xi1> to vector<128x1xi1>
      %broadcast_in_dim3A_428 = vector.broadcast %broadcast_in_dim3A_427 : vector<128x1xi1> to vector<128x128xi1>
      %broadcast_in_dim3A_429 = vector.broadcast %jit3A_426 : f32 to vector<128x128xf32>
      %select_n3A_430 = arith.select %broadcast_in_dim3A_428, %abs3A, %broadcast_in_dim3A_429 : vector<128x128xi1>, vector<128x128xf32>
      %add3A_431 = arith.addf %get3A_391, %select_n3A_430 : vector<128x128xf32>
      %mul3A_432 = arith.constant 40 : i32
      %mul3A_433 = arith.muli %arg0, %mul3A_432 : i32
      %add3A_434 = arith.constant 17 : i32
      %add3A_435 = arith.addi %mul3A_433, %add3A_434 : i32
      %get3A_436 = arith.index_cast %add3A_435 : i32 to index
      %get3A_437 = memref.load %arg1[%get3A_436] : memref<1001xi32, #tpu.memory_space<smem>>
      %mul3A_438 = arith.constant 40 : i32
      %mul3A_439 = arith.muli %arg0, %mul3A_438 : i32
      %add3A_440 = arith.constant 17 : i32
      %add3A_441 = arith.addi %mul3A_439, %add3A_440 : i32
      %add3A_442 = arith.constant 1 : i32
      %add3A_443 = arith.addi %add3A_441, %add3A_442 : i32
      %get3A_444 = arith.index_cast %add3A_443 : i32 to index
      %get3A_445 = memref.load %arg1[%get3A_444] : memref<1001xi32, #tpu.memory_space<smem>>
      %get3A_446 = arith.constant 17 : index
      %get3A_447 = arith.constant 0 : index
      %get3A_448 = arith.constant 0 : index
      %get3A_449 = vector.load %arg2[%get3A_446, %get3A_447, %get3A_448] : memref<40x128x128xf32, #tpu.memory_space<vmem>>, vector<1x128x128xf32>
      %get3A_450 = vector.shape_cast %get3A_449 : vector<1x128x128xf32> to vector<128x128xf32>
      %bitcast_convert_type3A_451 = tpu.bitcast %get3A_450 : vector<128x128xf32> -> vector<128x128xi32>
      %add3A_452 = arith.constant 32768 : i32
      %add3A_453 = vector.broadcast %add3A_452 : i32 to vector<128x128xi32>
      %add3A_454 = arith.addi %bitcast_convert_type3A_451, %add3A_453 : vector<128x128xi32>
      %bitcast_convert_type3A_455 = tpu.bitcast %add3A_454 : vector<128x128xi32> -> vector<128x128xf32>
      %convert_element_type3A_456 = arith.truncf %bitcast_convert_type3A_455 : vector<128x128xf32> to vector<128x128xbf16>
      %dot_general3A_457 = arith.constant dense<0.000000e+00> : vector<128x128xf32>
      %dot_general3A_458 = tpu.matmul %get3A_386, %convert_element_type3A_456, %dot_general3A_457 {dimension_numbers = #tpu.dot_dimension_numbers<[1], [1], [0], [0], [0, 0, 1, 0], [], []>, transpose_lhs_hint = false} : vector<128x128xbf16>, vector<128x128xbf16>, vector<128x128xf32> -> vector<128x128xf32>
      %get3A_459 = arith.constant 17 : index
      %get3A_460 = arith.constant 0 : index
      %get3A_461 = vector.load %arg3[%get3A_459, %get3A_460] : memref<40x128xf32, #tpu.memory_space<vmem>>, vector<1x128xf32>
      %get3A_462 = vector.shape_cast %get3A_461 : vector<1x128xf32> to vector<128xf32>
      %broadcast_in_dim3A_463 = vector.shape_cast %get3A_462 : vector<128xf32> to vector<1x128xf32>
      %add3A_464 = vector.broadcast %broadcast_in_dim3A_463 : vector<1x128xf32> to vector<128x128xf32>
      %add3A_465 = arith.addf %dot_general3A_458, %add3A_464 : vector<128x128xf32>
      %abs3A_466 = math.absf %add3A_465 : vector<128x128xf32>
      %ge3A_467 = vector.broadcast %get3A_437 : i32 to vector<128x1xi32>
      %ge3A_468 = arith.cmpi sge, %add3A_388, %ge3A_467 : vector<128x1xi32>
      %lt3A_469 = vector.broadcast %get3A_445 : i32 to vector<128x1xi32>
      %lt3A_470 = arith.cmpi slt, %add3A_388, %lt3A_469 : vector<128x1xi32>
      %and3A_471 = arith.andi %ge3A_468, %lt3A_470 : vector<128x1xi1>
      %jit3A_472 = arith.constant 0.000000e+00 : f32
      %broadcast_in_dim3A_473 = vector.shape_cast %and3A_471 : vector<128x1xi1> to vector<128x1xi1>
      %broadcast_in_dim3A_474 = vector.broadcast %broadcast_in_dim3A_473 : vector<128x1xi1> to vector<128x128xi1>
      %broadcast_in_dim3A_475 = vector.broadcast %jit3A_472 : f32 to vector<128x128xf32>
      %select_n3A_476 = arith.select %broadcast_in_dim3A_474, %abs3A_466, %broadcast_in_dim3A_475 : vector<128x128xi1>, vector<128x128xf32>
      %add3A_477 = arith.addf %add3A_431, %select_n3A_476 : vector<128x128xf32>
      %mul3A_478 = arith.constant 40 : i32
      %mul3A_479 = arith.muli %arg0, %mul3A_478 : i32
      %add3A_480 = arith.constant 18 : i32
      %add3A_481 = arith.addi %mul3A_479, %add3A_480 : i32
      %get3A_482 = arith.index_cast %add3A_481 : i32 to index
      %get3A_483 = memref.load %arg1[%get3A_482] : memref<1001xi32, #tpu.memory_space<smem>>
      %mul3A_484 = arith.constant 40 : i32
      %mul3A_485 = arith.muli %arg0, %mul3A_484 : i32
      %add3A_486 = arith.constant 18 : i32
      %add3A_487 = arith.addi %mul3A_485, %add3A_486 : i32
      %add3A_488 = arith.constant 1 : i32
      %add3A_489 = arith.addi %add3A_487, %add3A_488 : i32
      %get3A_490 = arith.index_cast %add3A_489 : i32 to index
      %get3A_491 = memref.load %arg1[%get3A_490] : memref<1001xi32, #tpu.memory_space<smem>>
      %get3A_492 = arith.constant 18 : index
      %get3A_493 = arith.constant 0 : index
      %get3A_494 = arith.constant 0 : index
      %get3A_495 = vector.load %arg2[%get3A_492, %get3A_493, %get3A_494] : memref<40x128x128xf32, #tpu.memory_space<vmem>>, vector<1x128x128xf32>
      %get3A_496 = vector.shape_cast %get3A_495 : vector<1x128x128xf32> to vector<128x128xf32>
      %bitcast_convert_type3A_497 = tpu.bitcast %get3A_496 : vector<128x128xf32> -> vector<128x128xi32>
      %add3A_498 = arith.constant 32768 : i32
      %add3A_499 = vector.broadcast %add3A_498 : i32 to vector<128x128xi32>
      %add3A_500 = arith.addi %bitcast_convert_type3A_497, %add3A_499 : vector<128x128xi32>
      %bitcast_convert_type3A_501 = tpu.bitcast %add3A_500 : vector<128x128xi32> -> vector<128x128xf32>
      %convert_element_type3A_502 = arith.truncf %bitcast_convert_type3A_501 : vector<128x128xf32> to vector<128x128xbf16>
      %dot_general3A_503 = arith.constant dense<0.000000e+00> : vector<128x128xf32>
      %dot_general3A_504 = tpu.matmul %get3A_386, %convert_element_type3A_502, %dot_general3A_503 {dimension_numbers = #tpu.dot_dimension_numbers<[1], [1], [0], [0], [0, 0, 1, 0], [], []>, transpose_lhs_hint = false} : vector<128x128xbf16>, vector<128x128xbf16>, vector<128x128xf32> -> vector<128x128xf32>
      %get3A_505 = arith.constant 18 : index
      %get3A_506 = arith.constant 0 : index
      %get3A_507 = vector.load %arg3[%get3A_505, %get3A_506] : memref<40x128xf32, #tpu.memory_space<vmem>>, vector<1x128xf32>
      %get3A_508 = vector.shape_cast %get3A_507 : vector<1x128xf32> to vector<128xf32>
      %broadcast_in_dim3A_509 = vector.shape_cast %get3A_508 : vector<128xf32> to vector<1x128xf32>
      %add3A_510 = vector.broadcast %broadcast_in_dim3A_509 : vector<1x128xf32> to vector<128x128xf32>
      %add3A_511 = arith.addf %dot_general3A_504, %add3A_510 : vector<128x128xf32>
      %abs3A_512 = math.absf %add3A_511 : vector<128x128xf32>
      %ge3A_513 = vector.broadcast %get3A_483 : i32 to vector<128x1xi32>
      %ge3A_514 = arith.cmpi sge, %add3A_388, %ge3A_513 : vector<128x1xi32>
      %lt3A_515 = vector.broadcast %get3A_491 : i32 to vector<128x1xi32>
      %lt3A_516 = arith.cmpi slt, %add3A_388, %lt3A_515 : vector<128x1xi32>
      %and3A_517 = arith.andi %ge3A_514, %lt3A_516 : vector<128x1xi1>
      %jit3A_518 = arith.constant 0.000000e+00 : f32
      %broadcast_in_dim3A_519 = vector.shape_cast %and3A_517 : vector<128x1xi1> to vector<128x1xi1>
      %broadcast_in_dim3A_520 = vector.broadcast %broadcast_in_dim3A_519 : vector<128x1xi1> to vector<128x128xi1>
      %broadcast_in_dim3A_521 = vector.broadcast %jit3A_518 : f32 to vector<128x128xf32>
      %select_n3A_522 = arith.select %broadcast_in_dim3A_520, %abs3A_512, %broadcast_in_dim3A_521 : vector<128x128xi1>, vector<128x128xf32>
      %add3A_523 = arith.addf %add3A_477, %select_n3A_522 : vector<128x128xf32>
      %mul3A_524 = arith.constant 40 : i32
      %mul3A_525 = arith.muli %arg0, %mul3A_524 : i32
      %add3A_526 = arith.constant 19 : i32
      %add3A_527 = arith.addi %mul3A_525, %add3A_526 : i32
      %get3A_528 = arith.index_cast %add3A_527 : i32 to index
      %get3A_529 = memref.load %arg1[%get3A_528] : memref<1001xi32, #tpu.memory_space<smem>>
      %mul3A_530 = arith.constant 40 : i32
      %mul3A_531 = arith.muli %arg0, %mul3A_530 : i32
      %add3A_532 = arith.constant 19 : i32
      %add3A_533 = arith.addi %mul3A_531, %add3A_532 : i32
      %add3A_534 = arith.constant 1 : i32
      %add3A_535 = arith.addi %add3A_533, %add3A_534 : i32
      %get3A_536 = arith.index_cast %add3A_535 : i32 to index
      %get3A_537 = memref.load %arg1[%get3A_536] : memref<1001xi32, #tpu.memory_space<smem>>
      %get3A_538 = arith.constant 19 : index
      %get3A_539 = arith.constant 0 : index
      %get3A_540 = arith.constant 0 : index
      %get3A_541 = vector.load %arg2[%get3A_538, %get3A_539, %get3A_540] : memref<40x128x128xf32, #tpu.memory_space<vmem>>, vector<1x128x128xf32>
      %get3A_542 = vector.shape_cast %get3A_541 : vector<1x128x128xf32> to vector<128x128xf32>
      %bitcast_convert_type3A_543 = tpu.bitcast %get3A_542 : vector<128x128xf32> -> vector<128x128xi32>
      %add3A_544 = arith.constant 32768 : i32
      %add3A_545 = vector.broadcast %add3A_544 : i32 to vector<128x128xi32>
      %add3A_546 = arith.addi %bitcast_convert_type3A_543, %add3A_545 : vector<128x128xi32>
      %bitcast_convert_type3A_547 = tpu.bitcast %add3A_546 : vector<128x128xi32> -> vector<128x128xf32>
      %convert_element_type3A_548 = arith.truncf %bitcast_convert_type3A_547 : vector<128x128xf32> to vector<128x128xbf16>
      %dot_general3A_549 = arith.constant dense<0.000000e+00> : vector<128x128xf32>
      %dot_general3A_550 = tpu.matmul %get3A_386, %convert_element_type3A_548, %dot_general3A_549 {dimension_numbers = #tpu.dot_dimension_numbers<[1], [1], [0], [0], [0, 0, 1, 0], [], []>, transpose_lhs_hint = false} : vector<128x128xbf16>, vector<128x128xbf16>, vector<128x128xf32> -> vector<128x128xf32>
      %get3A_551 = arith.constant 19 : index
      %get3A_552 = arith.constant 0 : index
      %get3A_553 = vector.load %arg3[%get3A_551, %get3A_552] : memref<40x128xf32, #tpu.memory_space<vmem>>, vector<1x128xf32>
      %get3A_554 = vector.shape_cast %get3A_553 : vector<1x128xf32> to vector<128xf32>
      %broadcast_in_dim3A_555 = vector.shape_cast %get3A_554 : vector<128xf32> to vector<1x128xf32>
      %add3A_556 = vector.broadcast %broadcast_in_dim3A_555 : vector<1x128xf32> to vector<128x128xf32>
      %add3A_557 = arith.addf %dot_general3A_550, %add3A_556 : vector<128x128xf32>
      %abs3A_558 = math.absf %add3A_557 : vector<128x128xf32>
      %ge3A_559 = vector.broadcast %get3A_529 : i32 to vector<128x1xi32>
      %ge3A_560 = arith.cmpi sge, %add3A_388, %ge3A_559 : vector<128x1xi32>
      %lt3A_561 = vector.broadcast %get3A_537 : i32 to vector<128x1xi32>
      %lt3A_562 = arith.cmpi slt, %add3A_388, %lt3A_561 : vector<128x1xi32>
      %and3A_563 = arith.andi %ge3A_560, %lt3A_562 : vector<128x1xi1>
      %jit3A_564 = arith.constant 0.000000e+00 : f32
      %broadcast_in_dim3A_565 = vector.shape_cast %and3A_563 : vector<128x1xi1> to vector<128x1xi1>
      %broadcast_in_dim3A_566 = vector.broadcast %broadcast_in_dim3A_565 : vector<128x1xi1> to vector<128x128xi1>
      %broadcast_in_dim3A_567 = vector.broadcast %jit3A_564 : f32 to vector<128x128xf32>
      %select_n3A_568 = arith.select %broadcast_in_dim3A_566, %abs3A_558, %broadcast_in_dim3A_567 : vector<128x128xi1>, vector<128x128xf32>
      %add3A_569 = arith.addf %add3A_523, %select_n3A_568 : vector<128x128xf32>
      %mul3A_570 = arith.constant 40 : i32
      %mul3A_571 = arith.muli %arg0, %mul3A_570 : i32
      %add3A_572 = arith.constant 20 : i32
      %add3A_573 = arith.addi %mul3A_571, %add3A_572 : i32
      %get3A_574 = arith.index_cast %add3A_573 : i32 to index
      %get3A_575 = memref.load %arg1[%get3A_574] : memref<1001xi32, #tpu.memory_space<smem>>
      %mul3A_576 = arith.constant 40 : i32
      %mul3A_577 = arith.muli %arg0, %mul3A_576 : i32
      %add3A_578 = arith.constant 20 : i32
      %add3A_579 = arith.addi %mul3A_577, %add3A_578 : i32
      %add3A_580 = arith.constant 1 : i32
      %add3A_581 = arith.addi %add3A_579, %add3A_580 : i32
      %get3A_582 = arith.index_cast %add3A_581 : i32 to index
      %get3A_583 = memref.load %arg1[%get3A_582] : memref<1001xi32, #tpu.memory_space<smem>>
      %get3A_584 = arith.constant 20 : index
      %get3A_585 = arith.constant 0 : index
      %get3A_586 = arith.constant 0 : index
      %get3A_587 = vector.load %arg2[%get3A_584, %get3A_585, %get3A_586] : memref<40x128x128xf32, #tpu.memory_space<vmem>>, vector<1x128x128xf32>
      %get3A_588 = vector.shape_cast %get3A_587 : vector<1x128x128xf32> to vector<128x128xf32>
      %bitcast_convert_type3A_589 = tpu.bitcast %get3A_588 : vector<128x128xf32> -> vector<128x128xi32>
      %add3A_590 = arith.constant 32768 : i32
      %add3A_591 = vector.broadcast %add3A_590 : i32 to vector<128x128xi32>
      %add3A_592 = arith.addi %bitcast_convert_type3A_589, %add3A_591 : vector<128x128xi32>
      %bitcast_convert_type3A_593 = tpu.bitcast %add3A_592 : vector<128x128xi32> -> vector<128x128xf32>
      %convert_element_type3A_594 = arith.truncf %bitcast_convert_type3A_593 : vector<128x128xf32> to vector<128x128xbf16>
      %dot_general3A_595 = arith.constant dense<0.000000e+00> : vector<128x128xf32>
      %dot_general3A_596 = tpu.matmul %get3A_386, %convert_element_type3A_594, %dot_general3A_595 {dimension_numbers = #tpu.dot_dimension_numbers<[1], [1], [0], [0], [0, 0, 1, 0], [], []>, transpose_lhs_hint = false} : vector<128x128xbf16>, vector<128x128xbf16>, vector<128x128xf32> -> vector<128x128xf32>
      %get3A_597 = arith.constant 20 : index
      %get3A_598 = arith.constant 0 : index
      %get3A_599 = vector.load %arg3[%get3A_597, %get3A_598] : memref<40x128xf32, #tpu.memory_space<vmem>>, vector<1x128xf32>
      %get3A_600 = vector.shape_cast %get3A_599 : vector<1x128xf32> to vector<128xf32>
      %broadcast_in_dim3A_601 = vector.shape_cast %get3A_600 : vector<128xf32> to vector<1x128xf32>
      %add3A_602 = vector.broadcast %broadcast_in_dim3A_601 : vector<1x128xf32> to vector<128x128xf32>
      %add3A_603 = arith.addf %dot_general3A_596, %add3A_602 : vector<128x128xf32>
      %abs3A_604 = math.absf %add3A_603 : vector<128x128xf32>
      %ge3A_605 = vector.broadcast %get3A_575 : i32 to vector<128x1xi32>
      %ge3A_606 = arith.cmpi sge, %add3A_388, %ge3A_605 : vector<128x1xi32>
      %lt3A_607 = vector.broadcast %get3A_583 : i32 to vector<128x1xi32>
      %lt3A_608 = arith.cmpi slt, %add3A_388, %lt3A_607 : vector<128x1xi32>
      %and3A_609 = arith.andi %ge3A_606, %lt3A_608 : vector<128x1xi1>
      %jit3A_610 = arith.constant 0.000000e+00 : f32
      %broadcast_in_dim3A_611 = vector.shape_cast %and3A_609 : vector<128x1xi1> to vector<128x1xi1>
      %broadcast_in_dim3A_612 = vector.broadcast %broadcast_in_dim3A_611 : vector<128x1xi1> to vector<128x128xi1>
      %broadcast_in_dim3A_613 = vector.broadcast %jit3A_610 : f32 to vector<128x128xf32>
      %select_n3A_614 = arith.select %broadcast_in_dim3A_612, %abs3A_604, %broadcast_in_dim3A_613 : vector<128x128xi1>, vector<128x128xf32>
      %add3A_615 = arith.addf %add3A_569, %select_n3A_614 : vector<128x128xf32>
      %mul3A_616 = arith.constant 40 : i32
      %mul3A_617 = arith.muli %arg0, %mul3A_616 : i32
      %add3A_618 = arith.constant 21 : i32
      %add3A_619 = arith.addi %mul3A_617, %add3A_618 : i32
      %get3A_620 = arith.index_cast %add3A_619 : i32 to index
      %get3A_621 = memref.load %arg1[%get3A_620] : memref<1001xi32, #tpu.memory_space<smem>>
      %mul3A_622 = arith.constant 40 : i32
      %mul3A_623 = arith.muli %arg0, %mul3A_622 : i32
      %add3A_624 = arith.constant 21 : i32
      %add3A_625 = arith.addi %mul3A_623, %add3A_624 : i32
      %add3A_626 = arith.constant 1 : i32
      %add3A_627 = arith.addi %add3A_625, %add3A_626 : i32
      %get3A_628 = arith.index_cast %add3A_627 : i32 to index
      %get3A_629 = memref.load %arg1[%get3A_628] : memref<1001xi32, #tpu.memory_space<smem>>
      %get3A_630 = arith.constant 21 : index
      %get3A_631 = arith.constant 0 : index
      %get3A_632 = arith.constant 0 : index
      %get3A_633 = vector.load %arg2[%get3A_630, %get3A_631, %get3A_632] : memref<40x128x128xf32, #tpu.memory_space<vmem>>, vector<1x128x128xf32>
      %get3A_634 = vector.shape_cast %get3A_633 : vector<1x128x128xf32> to vector<128x128xf32>
      %bitcast_convert_type3A_635 = tpu.bitcast %get3A_634 : vector<128x128xf32> -> vector<128x128xi32>
      %add3A_636 = arith.constant 32768 : i32
      %add3A_637 = vector.broadcast %add3A_636 : i32 to vector<128x128xi32>
      %add3A_638 = arith.addi %bitcast_convert_type3A_635, %add3A_637 : vector<128x128xi32>
      %bitcast_convert_type3A_639 = tpu.bitcast %add3A_638 : vector<128x128xi32> -> vector<128x128xf32>
      %convert_element_type3A_640 = arith.truncf %bitcast_convert_type3A_639 : vector<128x128xf32> to vector<128x128xbf16>
      %dot_general3A_641 = arith.constant dense<0.000000e+00> : vector<128x128xf32>
      %dot_general3A_642 = tpu.matmul %get3A_386, %convert_element_type3A_640, %dot_general3A_641 {dimension_numbers = #tpu.dot_dimension_numbers<[1], [1], [0], [0], [0, 0, 1, 0], [], []>, transpose_lhs_hint = false} : vector<128x128xbf16>, vector<128x128xbf16>, vector<128x128xf32> -> vector<128x128xf32>
      %get3A_643 = arith.constant 21 : index
      %get3A_644 = arith.constant 0 : index
      %get3A_645 = vector.load %arg3[%get3A_643, %get3A_644] : memref<40x128xf32, #tpu.memory_space<vmem>>, vector<1x128xf32>
      %get3A_646 = vector.shape_cast %get3A_645 : vector<1x128xf32> to vector<128xf32>
      %broadcast_in_dim3A_647 = vector.shape_cast %get3A_646 : vector<128xf32> to vector<1x128xf32>
      %add3A_648 = vector.broadcast %broadcast_in_dim3A_647 : vector<1x128xf32> to vector<128x128xf32>
      %add3A_649 = arith.addf %dot_general3A_642, %add3A_648 : vector<128x128xf32>
      %abs3A_650 = math.absf %add3A_649 : vector<128x128xf32>
      %ge3A_651 = vector.broadcast %get3A_621 : i32 to vector<128x1xi32>
      %ge3A_652 = arith.cmpi sge, %add3A_388, %ge3A_651 : vector<128x1xi32>
      %lt3A_653 = vector.broadcast %get3A_629 : i32 to vector<128x1xi32>
      %lt3A_654 = arith.cmpi slt, %add3A_388, %lt3A_653 : vector<128x1xi32>
      %and3A_655 = arith.andi %ge3A_652, %lt3A_654 : vector<128x1xi1>
      %jit3A_656 = arith.constant 0.000000e+00 : f32
      %broadcast_in_dim3A_657 = vector.shape_cast %and3A_655 : vector<128x1xi1> to vector<128x1xi1>
      %broadcast_in_dim3A_658 = vector.broadcast %broadcast_in_dim3A_657 : vector<128x1xi1> to vector<128x128xi1>
      %broadcast_in_dim3A_659 = vector.broadcast %jit3A_656 : f32 to vector<128x128xf32>
      %select_n3A_660 = arith.select %broadcast_in_dim3A_658, %abs3A_650, %broadcast_in_dim3A_659 : vector<128x128xi1>, vector<128x128xf32>
      %add3A_661 = arith.addf %add3A_615, %select_n3A_660 : vector<128x128xf32>
      %mul3A_662 = arith.constant 40 : i32
      %mul3A_663 = arith.muli %arg0, %mul3A_662 : i32
      %add3A_664 = arith.constant 22 : i32
      %add3A_665 = arith.addi %mul3A_663, %add3A_664 : i32
      %get3A_666 = arith.index_cast %add3A_665 : i32 to index
      %get3A_667 = memref.load %arg1[%get3A_666] : memref<1001xi32, #tpu.memory_space<smem>>
      %mul3A_668 = arith.constant 40 : i32
      %mul3A_669 = arith.muli %arg0, %mul3A_668 : i32
      %add3A_670 = arith.constant 22 : i32
      %add3A_671 = arith.addi %mul3A_669, %add3A_670 : i32
      %add3A_672 = arith.constant 1 : i32
      %add3A_673 = arith.addi %add3A_671, %add3A_672 : i32
      %get3A_674 = arith.index_cast %add3A_673 : i32 to index
      %get3A_675 = memref.load %arg1[%get3A_674] : memref<1001xi32, #tpu.memory_space<smem>>
      %get3A_676 = arith.constant 22 : index
      %get3A_677 = arith.constant 0 : index
      %get3A_678 = arith.constant 0 : index
      %get3A_679 = vector.load %arg2[%get3A_676, %get3A_677, %get3A_678] : memref<40x128x128xf32, #tpu.memory_space<vmem>>, vector<1x128x128xf32>
      %get3A_680 = vector.shape_cast %get3A_679 : vector<1x128x128xf32> to vector<128x128xf32>
      %bitcast_convert_type3A_681 = tpu.bitcast %get3A_680 : vector<128x128xf32> -> vector<128x128xi32>
      %add3A_682 = arith.constant 32768 : i32
      %add3A_683 = vector.broadcast %add3A_682 : i32 to vector<128x128xi32>
      %add3A_684 = arith.addi %bitcast_convert_type3A_681, %add3A_683 : vector<128x128xi32>
      %bitcast_convert_type3A_685 = tpu.bitcast %add3A_684 : vector<128x128xi32> -> vector<128x128xf32>
      %convert_element_type3A_686 = arith.truncf %bitcast_convert_type3A_685 : vector<128x128xf32> to vector<128x128xbf16>
      %dot_general3A_687 = arith.constant dense<0.000000e+00> : vector<128x128xf32>
      %dot_general3A_688 = tpu.matmul %get3A_386, %convert_element_type3A_686, %dot_general3A_687 {dimension_numbers = #tpu.dot_dimension_numbers<[1], [1], [0], [0], [0, 0, 1, 0], [], []>, transpose_lhs_hint = false} : vector<128x128xbf16>, vector<128x128xbf16>, vector<128x128xf32> -> vector<128x128xf32>
      %get3A_689 = arith.constant 22 : index
      %get3A_690 = arith.constant 0 : index
      %get3A_691 = vector.load %arg3[%get3A_689, %get3A_690] : memref<40x128xf32, #tpu.memory_space<vmem>>, vector<1x128xf32>
      %get3A_692 = vector.shape_cast %get3A_691 : vector<1x128xf32> to vector<128xf32>
      %broadcast_in_dim3A_693 = vector.shape_cast %get3A_692 : vector<128xf32> to vector<1x128xf32>
      %add3A_694 = vector.broadcast %broadcast_in_dim3A_693 : vector<1x128xf32> to vector<128x128xf32>
      %add3A_695 = arith.addf %dot_general3A_688, %add3A_694 : vector<128x128xf32>
      %abs3A_696 = math.absf %add3A_695 : vector<128x128xf32>
      %ge3A_697 = vector.broadcast %get3A_667 : i32 to vector<128x1xi32>
      %ge3A_698 = arith.cmpi sge, %add3A_388, %ge3A_697 : vector<128x1xi32>
      %lt3A_699 = vector.broadcast %get3A_675 : i32 to vector<128x1xi32>
      %lt3A_700 = arith.cmpi slt, %add3A_388, %lt3A_699 : vector<128x1xi32>
      %and3A_701 = arith.andi %ge3A_698, %lt3A_700 : vector<128x1xi1>
      %jit3A_702 = arith.constant 0.000000e+00 : f32
      %broadcast_in_dim3A_703 = vector.shape_cast %and3A_701 : vector<128x1xi1> to vector<128x1xi1>
      %broadcast_in_dim3A_704 = vector.broadcast %broadcast_in_dim3A_703 : vector<128x1xi1> to vector<128x128xi1>
      %broadcast_in_dim3A_705 = vector.broadcast %jit3A_702 : f32 to vector<128x128xf32>
      %select_n3A_706 = arith.select %broadcast_in_dim3A_704, %abs3A_696, %broadcast_in_dim3A_705 : vector<128x128xi1>, vector<128x128xf32>
      %add3A_707 = arith.addf %add3A_661, %select_n3A_706 : vector<128x128xf32>
      %mul3A_708 = arith.constant 40 : i32
      %mul3A_709 = arith.muli %arg0, %mul3A_708 : i32
      %add3A_710 = arith.constant 23 : i32
      %add3A_711 = arith.addi %mul3A_709, %add3A_710 : i32
      %get3A_712 = arith.index_cast %add3A_711 : i32 to index
      %get3A_713 = memref.load %arg1[%get3A_712] : memref<1001xi32, #tpu.memory_space<smem>>
      %mul3A_714 = arith.constant 40 : i32
      %mul3A_715 = arith.muli %arg0, %mul3A_714 : i32
      %add3A_716 = arith.constant 23 : i32
      %add3A_717 = arith.addi %mul3A_715, %add3A_716 : i32
      %add3A_718 = arith.constant 1 : i32
      %add3A_719 = arith.addi %add3A_717, %add3A_718 : i32
      %get3A_720 = arith.index_cast %add3A_719 : i32 to index
      %get3A_721 = memref.load %arg1[%get3A_720] : memref<1001xi32, #tpu.memory_space<smem>>
      %get3A_722 = arith.constant 23 : index
      %get3A_723 = arith.constant 0 : index
      %get3A_724 = arith.constant 0 : index
      %get3A_725 = vector.load %arg2[%get3A_722, %get3A_723, %get3A_724] : memref<40x128x128xf32, #tpu.memory_space<vmem>>, vector<1x128x128xf32>
      %get3A_726 = vector.shape_cast %get3A_725 : vector<1x128x128xf32> to vector<128x128xf32>
      %bitcast_convert_type3A_727 = tpu.bitcast %get3A_726 : vector<128x128xf32> -> vector<128x128xi32>
      %add3A_728 = arith.constant 32768 : i32
      %add3A_729 = vector.broadcast %add3A_728 : i32 to vector<128x128xi32>
      %add3A_730 = arith.addi %bitcast_convert_type3A_727, %add3A_729 : vector<128x128xi32>
      %bitcast_convert_type3A_731 = tpu.bitcast %add3A_730 : vector<128x128xi32> -> vector<128x128xf32>
      %convert_element_type3A_732 = arith.truncf %bitcast_convert_type3A_731 : vector<128x128xf32> to vector<128x128xbf16>
      %dot_general3A_733 = arith.constant dense<0.000000e+00> : vector<128x128xf32>
      %dot_general3A_734 = tpu.matmul %get3A_386, %convert_element_type3A_732, %dot_general3A_733 {dimension_numbers = #tpu.dot_dimension_numbers<[1], [1], [0], [0], [0, 0, 1, 0], [], []>, transpose_lhs_hint = false} : vector<128x128xbf16>, vector<128x128xbf16>, vector<128x128xf32> -> vector<128x128xf32>
      %get3A_735 = arith.constant 23 : index
      %get3A_736 = arith.constant 0 : index
      %get3A_737 = vector.load %arg3[%get3A_735, %get3A_736] : memref<40x128xf32, #tpu.memory_space<vmem>>, vector<1x128xf32>
      %get3A_738 = vector.shape_cast %get3A_737 : vector<1x128xf32> to vector<128xf32>
      %broadcast_in_dim3A_739 = vector.shape_cast %get3A_738 : vector<128xf32> to vector<1x128xf32>
      %add3A_740 = vector.broadcast %broadcast_in_dim3A_739 : vector<1x128xf32> to vector<128x128xf32>
      %add3A_741 = arith.addf %dot_general3A_734, %add3A_740 : vector<128x128xf32>
      %abs3A_742 = math.absf %add3A_741 : vector<128x128xf32>
      %ge3A_743 = vector.broadcast %get3A_713 : i32 to vector<128x1xi32>
      %ge3A_744 = arith.cmpi sge, %add3A_388, %ge3A_743 : vector<128x1xi32>
      %lt3A_745 = vector.broadcast %get3A_721 : i32 to vector<128x1xi32>
      %lt3A_746 = arith.cmpi slt, %add3A_388, %lt3A_745 : vector<128x1xi32>
      %and3A_747 = arith.andi %ge3A_744, %lt3A_746 : vector<128x1xi1>
      %jit3A_748 = arith.constant 0.000000e+00 : f32
      %broadcast_in_dim3A_749 = vector.shape_cast %and3A_747 : vector<128x1xi1> to vector<128x1xi1>
      %broadcast_in_dim3A_750 = vector.broadcast %broadcast_in_dim3A_749 : vector<128x1xi1> to vector<128x128xi1>
      %broadcast_in_dim3A_751 = vector.broadcast %jit3A_748 : f32 to vector<128x128xf32>
      %select_n3A_752 = arith.select %broadcast_in_dim3A_750, %abs3A_742, %broadcast_in_dim3A_751 : vector<128x128xi1>, vector<128x128xf32>
      %add3A_753 = arith.addf %add3A_707, %select_n3A_752 : vector<128x128xf32>
      %swap3A = arith.index_cast %multiple_of3A : i32 to index
      %swap3A_754 = arith.constant 0 : index
      %swap3A_755 = vector.load %arg8[%swap3A, %swap3A_754] : memref<4096x128xf32, #tpu.memory_space<vmem>>, vector<128x128xf32>
      tpu.vector_store %arg8[%swap3A, %swap3A_754], %add3A_753 {strides = array<i32>} : memref<4096x128xf32, #tpu.memory_space<vmem>>, vector<128x128xf32>,
      %while3A_756 = arith.constant 0 : i32
      scf.yield %while3A_756 : i32
    }
    %while3A_219 = arith.constant 1 : i32
    %while3A_220 = scf.for %while3A_380 = %while3A_216 to %while3A_212 step %while3A_219 iter_args(%while3A_381 = %while3A_218) -> (i32)  : i32 {
      %mul3A_382 = arith.constant 128 : i32
      %mul3A_383 = arith.muli %while3A_380, %mul3A_382 : i32
      %multiple_of3A = tpu.assume_multiple %mul3A_383, 128 : i32
      %get3A_384 = arith.index_cast %multiple_of3A : i32 to index
      %get3A_385 = arith.constant 0 : index
      %get3A_386 = vector.load %arg7[%get3A_384, %get3A_385] : memref<4096x128xbf16, #tpu.memory_space<vmem>>, vector<128x128xbf16>
      %iota3A = tpu.iota {dimensions = array<i32: 0>} : vector<128x1xi32>
      %add3A_387 = vector.broadcast %multiple_of3A : i32 to vector<128x1xi32>
      %add3A_388 = arith.addi %add3A_387, %iota3A : vector<128x1xi32>
      %get3A_389 = arith.index_cast %multiple_of3A : i32 to index
      %get3A_390 = arith.constant 0 : index
      %get3A_391 = vector.load %arg8[%get3A_389, %get3A_390] : memref<4096x128xf32, #tpu.memory_space<vmem>>, vector<128x128xf32>
      %mul3A_392 = arith.constant 40 : i32
      %mul3A_393 = arith.muli %arg0, %mul3A_392 : i32
      %add3A_394 = arith.constant 16 : i32
      %add3A_395 = arith.addi %mul3A_393, %add3A_394 : i32
      %get3A_396 = arith.index_cast %add3A_395 : i32 to index
      %get3A_397 = memref.load %arg1[%get3A_396] : memref<1001xi32, #tpu.memory_space<smem>>
      %mul3A_398 = arith.constant 40 : i32
      %mul3A_399 = arith.muli %arg0, %mul3A_398 : i32
      %add3A_400 = arith.constant 16 : i32
      %add3A_401 = arith.addi %mul3A_399, %add3A_400 : i32
      %add3A_402 = arith.constant 1 : i32
      %add3A_403 = arith.addi %add3A_401, %add3A_402 : i32
      %get3A_404 = arith.index_cast %add3A_403 : i32 to index
      %get3A_405 = memref.load %arg1[%get3A_404] : memref<1001xi32, #tpu.memory_space<smem>>
      %get3A_406 = arith.constant 16 : index
      %get3A_407 = arith.constant 0 : index
      %get3A_408 = arith.constant 0 : index
      %get3A_409 = vector.load %arg2[%get3A_406, %get3A_407, %get3A_408] : memref<40x128x128xf32, #tpu.memory_space<vmem>>, vector<1x128x128xf32>
      %get3A_410 = vector.shape_cast %get3A_409 : vector<1x128x128xf32> to vector<128x128xf32>
      %bitcast_convert_type3A = tpu.bitcast %get3A_410 : vector<128x128xf32> -> vector<128x128xi32>
      %add3A_411 = arith.constant 32768 : i32
      %add3A_412 = vector.broadcast %add3A_411 : i32 to vector<128x128xi32>
      %add3A_413 = arith.addi %bitcast_convert_type3A, %add3A_412 : vector<128x128xi32>
      %bitcast_convert_type3A_414 = tpu.bitcast %add3A_413 : vector<128x128xi32> -> vector<128x128xf32>
      %convert_element_type3A_415 = arith.truncf %bitcast_convert_type3A_414 : vector<128x128xf32> to vector<128x128xbf16>
      %dot_general3A = arith.constant dense<0.000000e+00> : vector<128x128xf32>
      %dot_general3A_416 = tpu.matmul %get3A_386, %convert_element_type3A_415, %dot_general3A {dimension_numbers = #tpu.dot_dimension_numbers<[1], [1], [0], [0], [0, 0, 1, 0], [], []>, transpose_lhs_hint = false} : vector<128x128xbf16>, vector<128x128xbf16>, vector<128x128xf32> -> vector<128x128xf32>
      %get3A_417 = arith.constant 16 : index
      %get3A_418 = arith.constant 0 : index
      %get3A_419 = vector.load %arg3[%get3A_417, %get3A_418] : memref<40x128xf32, #tpu.memory_space<vmem>>, vector<1x128xf32>
      %get3A_420 = vector.shape_cast %get3A_419 : vector<1x128xf32> to vector<128xf32>
      %broadcast_in_dim3A = vector.shape_cast %get3A_420 : vector<128xf32> to vector<1x128xf32>
      %add3A_421 = vector.broadcast %broadcast_in_dim3A : vector<1x128xf32> to vector<128x128xf32>
      %add3A_422 = arith.addf %dot_general3A_416, %add3A_421 : vector<128x128xf32>
      %abs3A = math.absf %add3A_422 : vector<128x128xf32>
      %ge3A = vector.broadcast %get3A_397 : i32 to vector<128x1xi32>
      %ge3A_423 = arith.cmpi sge, %add3A_388, %ge3A : vector<128x1xi32>
      %lt3A = vector.broadcast %get3A_405 : i32 to vector<128x1xi32>
      %lt3A_424 = arith.cmpi slt, %add3A_388, %lt3A : vector<128x1xi32>
      %and3A_425 = arith.andi %ge3A_423, %lt3A_424 : vector<128x1xi1>
      %jit3A_426 = arith.constant 0.000000e+00 : f32
      %broadcast_in_dim3A_427 = vector.shape_cast %and3A_425 : vector<128x1xi1> to vector<128x1xi1>
      %broadcast_in_dim3A_428 = vector.broadcast %broadcast_in_dim3A_427 : vector<128x1xi1> to vector<128x128xi1>
      %broadcast_in_dim3A_429 = vector.broadcast %jit3A_426 : f32 to vector<128x128xf32>
      %select_n3A_430 = arith.select %broadcast_in_dim3A_428, %abs3A, %broadcast_in_dim3A_429 : vector<128x128xi1>, vector<128x128xf32>
      %add3A_431 = arith.addf %get3A_391, %select_n3A_430 : vector<128x128xf32>
      %mul3A_432 = arith.constant 40 : i32
      %mul3A_433 = arith.muli %arg0, %mul3A_432 : i32
      %add3A_434 = arith.constant 17 : i32
      %add3A_435 = arith.addi %mul3A_433, %add3A_434 : i32
      %get3A_436 = arith.index_cast %add3A_435 : i32 to index
      %get3A_437 = memref.load %arg1[%get3A_436] : memref<1001xi32, #tpu.memory_space<smem>>
      %mul3A_438 = arith.constant 40 : i32
      %mul3A_439 = arith.muli %arg0, %mul3A_438 : i32
      %add3A_440 = arith.constant 17 : i32
      %add3A_441 = arith.addi %mul3A_439, %add3A_440 : i32
      %add3A_442 = arith.constant 1 : i32
      %add3A_443 = arith.addi %add3A_441, %add3A_442 : i32
      %get3A_444 = arith.index_cast %add3A_443 : i32 to index
      %get3A_445 = memref.load %arg1[%get3A_444] : memref<1001xi32, #tpu.memory_space<smem>>
      %get3A_446 = arith.constant 17 : index
      %get3A_447 = arith.constant 0 : index
      %get3A_448 = arith.constant 0 : index
      %get3A_449 = vector.load %arg2[%get3A_446, %get3A_447, %get3A_448] : memref<40x128x128xf32, #tpu.memory_space<vmem>>, vector<1x128x128xf32>
      %get3A_450 = vector.shape_cast %get3A_449 : vector<1x128x128xf32> to vector<128x128xf32>
      %bitcast_convert_type3A_451 = tpu.bitcast %get3A_450 : vector<128x128xf32> -> vector<128x128xi32>
      %add3A_452 = arith.constant 32768 : i32
      %add3A_453 = vector.broadcast %add3A_452 : i32 to vector<128x128xi32>
      %add3A_454 = arith.addi %bitcast_convert_type3A_451, %add3A_453 : vector<128x128xi32>
      %bitcast_convert_type3A_455 = tpu.bitcast %add3A_454 : vector<128x128xi32> -> vector<128x128xf32>
      %convert_element_type3A_456 = arith.truncf %bitcast_convert_type3A_455 : vector<128x128xf32> to vector<128x128xbf16>
      %dot_general3A_457 = arith.constant dense<0.000000e+00> : vector<128x128xf32>
      %dot_general3A_458 = tpu.matmul %get3A_386, %convert_element_type3A_456, %dot_general3A_457 {dimension_numbers = #tpu.dot_dimension_numbers<[1], [1], [0], [0], [0, 0, 1, 0], [], []>, transpose_lhs_hint = false} : vector<128x128xbf16>, vector<128x128xbf16>, vector<128x128xf32> -> vector<128x128xf32>
      %get3A_459 = arith.constant 17 : index
      %get3A_460 = arith.constant 0 : index
      %get3A_461 = vector.load %arg3[%get3A_459, %get3A_460] : memref<40x128xf32, #tpu.memory_space<vmem>>, vector<1x128xf32>
      %get3A_462 = vector.shape_cast %get3A_461 : vector<1x128xf32> to vector<128xf32>
      %broadcast_in_dim3A_463 = vector.shape_cast %get3A_462 : vector<128xf32> to vector<1x128xf32>
      %add3A_464 = vector.broadcast %broadcast_in_dim3A_463 : vector<1x128xf32> to vector<128x128xf32>
      %add3A_465 = arith.addf %dot_general3A_458, %add3A_464 : vector<128x128xf32>
      %abs3A_466 = math.absf %add3A_465 : vector<128x128xf32>
      %ge3A_467 = vector.broadcast %get3A_437 : i32 to vector<128x1xi32>
      %ge3A_468 = arith.cmpi sge, %add3A_388, %ge3A_467 : vector<128x1xi32>
      %lt3A_469 = vector.broadcast %get3A_445 : i32 to vector<128x1xi32>
      %lt3A_470 = arith.cmpi slt, %add3A_388, %lt3A_469 : vector<128x1xi32>
      %and3A_471 = arith.andi %ge3A_468, %lt3A_470 : vector<128x1xi1>
      %jit3A_472 = arith.constant 0.000000e+00 : f32
      %broadcast_in_dim3A_473 = vector.shape_cast %and3A_471 : vector<128x1xi1> to vector<128x1xi1>
      %broadcast_in_dim3A_474 = vector.broadcast %broadcast_in_dim3A_473 : vector<128x1xi1> to vector<128x128xi1>
      %broadcast_in_dim3A_475 = vector.broadcast %jit3A_472 : f32 to vector<128x128xf32>
      %select_n3A_476 = arith.select %broadcast_in_dim3A_474, %abs3A_466, %broadcast_in_dim3A_475 : vector<128x128xi1>, vector<128x128xf32>
      %add3A_477 = arith.addf %add3A_431, %select_n3A_476 : vector<128x128xf32>
      %mul3A_478 = arith.constant 40 : i32
      %mul3A_479 = arith.muli %arg0, %mul3A_478 : i32
      %add3A_480 = arith.constant 18 : i32
      %add3A_481 = arith.addi %mul3A_479, %add3A_480 : i32
      %get3A_482 = arith.index_cast %add3A_481 : i32 to index
      %get3A_483 = memref.load %arg1[%get3A_482] : memref<1001xi32, #tpu.memory_space<smem>>
      %mul3A_484 = arith.constant 40 : i32
      %mul3A_485 = arith.muli %arg0, %mul3A_484 : i32
      %add3A_486 = arith.constant 18 : i32
      %add3A_487 = arith.addi %mul3A_485, %add3A_486 : i32
      %add3A_488 = arith.constant 1 : i32
      %add3A_489 = arith.addi %add3A_487, %add3A_488 : i32
      %get3A_490 = arith.index_cast %add3A_489 : i32 to index
      %get3A_491 = memref.load %arg1[%get3A_490] : memref<1001xi32, #tpu.memory_space<smem>>
      %get3A_492 = arith.constant 18 : index
      %get3A_493 = arith.constant 0 : index
      %get3A_494 = arith.constant 0 : index
      %get3A_495 = vector.load %arg2[%get3A_492, %get3A_493, %get3A_494] : memref<40x128x128xf32, #tpu.memory_space<vmem>>, vector<1x128x128xf32>
      %get3A_496 = vector.shape_cast %get3A_495 : vector<1x128x128xf32> to vector<128x128xf32>
      %bitcast_convert_type3A_497 = tpu.bitcast %get3A_496 : vector<128x128xf32> -> vector<128x128xi32>
      %add3A_498 = arith.constant 32768 : i32
      %add3A_499 = vector.broadcast %add3A_498 : i32 to vector<128x128xi32>
      %add3A_500 = arith.addi %bitcast_convert_type3A_497, %add3A_499 : vector<128x128xi32>
      %bitcast_convert_type3A_501 = tpu.bitcast %add3A_500 : vector<128x128xi32> -> vector<128x128xf32>
      %convert_element_type3A_502 = arith.truncf %bitcast_convert_type3A_501 : vector<128x128xf32> to vector<128x128xbf16>
      %dot_general3A_503 = arith.constant dense<0.000000e+00> : vector<128x128xf32>
      %dot_general3A_504 = tpu.matmul %get3A_386, %convert_element_type3A_502, %dot_general3A_503 {dimension_numbers = #tpu.dot_dimension_numbers<[1], [1], [0], [0], [0, 0, 1, 0], [], []>, transpose_lhs_hint = false} : vector<128x128xbf16>, vector<128x128xbf16>, vector<128x128xf32> -> vector<128x128xf32>
      %get3A_505 = arith.constant 18 : index
      %get3A_506 = arith.constant 0 : index
      %get3A_507 = vector.load %arg3[%get3A_505, %get3A_506] : memref<40x128xf32, #tpu.memory_space<vmem>>, vector<1x128xf32>
      %get3A_508 = vector.shape_cast %get3A_507 : vector<1x128xf32> to vector<128xf32>
      %broadcast_in_dim3A_509 = vector.shape_cast %get3A_508 : vector<128xf32> to vector<1x128xf32>
      %add3A_510 = vector.broadcast %broadcast_in_dim3A_509 : vector<1x128xf32> to vector<128x128xf32>
      %add3A_511 = arith.addf %dot_general3A_504, %add3A_510 : vector<128x128xf32>
      %abs3A_512 = math.absf %add3A_511 : vector<128x128xf32>
      %ge3A_513 = vector.broadcast %get3A_483 : i32 to vector<128x1xi32>
      %ge3A_514 = arith.cmpi sge, %add3A_388, %ge3A_513 : vector<128x1xi32>
      %lt3A_515 = vector.broadcast %get3A_491 : i32 to vector<128x1xi32>
      %lt3A_516 = arith.cmpi slt, %add3A_388, %lt3A_515 : vector<128x1xi32>
      %and3A_517 = arith.andi %ge3A_514, %lt3A_516 : vector<128x1xi1>
      %jit3A_518 = arith.constant 0.000000e+00 : f32
      %broadcast_in_dim3A_519 = vector.shape_cast %and3A_517 : vector<128x1xi1> to vector<128x1xi1>
      %broadcast_in_dim3A_520 = vector.broadcast %broadcast_in_dim3A_519 : vector<128x1xi1> to vector<128x128xi1>
      %broadcast_in_dim3A_521 = vector.broadcast %jit3A_518 : f32 to vector<128x128xf32>
      %select_n3A_522 = arith.select %broadcast_in_dim3A_520, %abs3A_512, %broadcast_in_dim3A_521 : vector<128x128xi1>, vector<128x128xf32>
      %add3A_523 = arith.addf %add3A_477, %select_n3A_522 : vector<128x128xf32>
      %mul3A_524 = arith.constant 40 : i32
      %mul3A_525 = arith.muli %arg0, %mul3A_524 : i32
      %add3A_526 = arith.constant 19 : i32
      %add3A_527 = arith.addi %mul3A_525, %add3A_526 : i32
      %get3A_528 = arith.index_cast %add3A_527 : i32 to index
      %get3A_529 = memref.load %arg1[%get3A_528] : memref<1001xi32, #tpu.memory_space<smem>>
      %mul3A_530 = arith.constant 40 : i32
      %mul3A_531 = arith.muli %arg0, %mul3A_530 : i32
      %add3A_532 = arith.constant 19 : i32
      %add3A_533 = arith.addi %mul3A_531, %add3A_532 : i32
      %add3A_534 = arith.constant 1 : i32
      %add3A_535 = arith.addi %add3A_533, %add3A_534 : i32
      %get3A_536 = arith.index_cast %add3A_535 : i32 to index
      %get3A_537 = memref.load %arg1[%get3A_536] : memref<1001xi32, #tpu.memory_space<smem>>
      %get3A_538 = arith.constant 19 : index
      %get3A_539 = arith.constant 0 : index
      %get3A_540 = arith.constant 0 : index
      %get3A_541 = vector.load %arg2[%get3A_538, %get3A_539, %get3A_540] : memref<40x128x128xf32, #tpu.memory_space<vmem>>, vector<1x128x128xf32>
      %get3A_542 = vector.shape_cast %get3A_541 : vector<1x128x128xf32> to vector<128x128xf32>
      %bitcast_convert_type3A_543 = tpu.bitcast %get3A_542 : vector<128x128xf32> -> vector<128x128xi32>
      %add3A_544 = arith.constant 32768 : i32
      %add3A_545 = vector.broadcast %add3A_544 : i32 to vector<128x128xi32>
      %add3A_546 = arith.addi %bitcast_convert_type3A_543, %add3A_545 : vector<128x128xi32>
      %bitcast_convert_type3A_547 = tpu.bitcast %add3A_546 : vector<128x128xi32> -> vector<128x128xf32>
      %convert_element_type3A_548 = arith.truncf %bitcast_convert_type3A_547 : vector<128x128xf32> to vector<128x128xbf16>
      %dot_general3A_549 = arith.constant dense<0.000000e+00> : vector<128x128xf32>
      %dot_general3A_550 = tpu.matmul %get3A_386, %convert_element_type3A_548, %dot_general3A_549 {dimension_numbers = #tpu.dot_dimension_numbers<[1], [1], [0], [0], [0, 0, 1, 0], [], []>, transpose_lhs_hint = false} : vector<128x128xbf16>, vector<128x128xbf16>, vector<128x128xf32> -> vector<128x128xf32>
      %get3A_551 = arith.constant 19 : index
      %get3A_552 = arith.constant 0 : index
      %get3A_553 = vector.load %arg3[%get3A_551, %get3A_552] : memref<40x128xf32, #tpu.memory_space<vmem>>, vector<1x128xf32>
      %get3A_554 = vector.shape_cast %get3A_553 : vector<1x128xf32> to vector<128xf32>
      %broadcast_in_dim3A_555 = vector.shape_cast %get3A_554 : vector<128xf32> to vector<1x128xf32>
      %add3A_556 = vector.broadcast %broadcast_in_dim3A_555 : vector<1x128xf32> to vector<128x128xf32>
      %add3A_557 = arith.addf %dot_general3A_550, %add3A_556 : vector<128x128xf32>
      %abs3A_558 = math.absf %add3A_557 : vector<128x128xf32>
      %ge3A_559 = vector.broadcast %get3A_529 : i32 to vector<128x1xi32>
      %ge3A_560 = arith.cmpi sge, %add3A_388, %ge3A_559 : vector<128x1xi32>
      %lt3A_561 = vector.broadcast %get3A_537 : i32 to vector<128x1xi32>
      %lt3A_562 = arith.cmpi slt, %add3A_388, %lt3A_561 : vector<128x1xi32>
      %and3A_563 = arith.andi %ge3A_560, %lt3A_562 : vector<128x1xi1>
      %jit3A_564 = arith.constant 0.000000e+00 : f32
      %broadcast_in_dim3A_565 = vector.shape_cast %and3A_563 : vector<128x1xi1> to vector<128x1xi1>
      %broadcast_in_dim3A_566 = vector.broadcast %broadcast_in_dim3A_565 : vector<128x1xi1> to vector<128x128xi1>
      %broadcast_in_dim3A_567 = vector.broadcast %jit3A_564 : f32 to vector<128x128xf32>
      %select_n3A_568 = arith.select %broadcast_in_dim3A_566, %abs3A_558, %broadcast_in_dim3A_567 : vector<128x128xi1>, vector<128x128xf32>
      %add3A_569 = arith.addf %add3A_523, %select_n3A_568 : vector<128x128xf32>
      %mul3A_570 = arith.constant 40 : i32
      %mul3A_571 = arith.muli %arg0, %mul3A_570 : i32
      %add3A_572 = arith.constant 20 : i32
      %add3A_573 = arith.addi %mul3A_571, %add3A_572 : i32
      %get3A_574 = arith.index_cast %add3A_573 : i32 to index
      %get3A_575 = memref.load %arg1[%get3A_574] : memref<1001xi32, #tpu.memory_space<smem>>
      %mul3A_576 = arith.constant 40 : i32
      %mul3A_577 = arith.muli %arg0, %mul3A_576 : i32
      %add3A_578 = arith.constant 20 : i32
      %add3A_579 = arith.addi %mul3A_577, %add3A_578 : i32
      %add3A_580 = arith.constant 1 : i32
      %add3A_581 = arith.addi %add3A_579, %add3A_580 : i32
      %get3A_582 = arith.index_cast %add3A_581 : i32 to index
      %get3A_583 = memref.load %arg1[%get3A_582] : memref<1001xi32, #tpu.memory_space<smem>>
      %get3A_584 = arith.constant 20 : index
      %get3A_585 = arith.constant 0 : index
      %get3A_586 = arith.constant 0 : index
      %get3A_587 = vector.load %arg2[%get3A_584, %get3A_585, %get3A_586] : memref<40x128x128xf32, #tpu.memory_space<vmem>>, vector<1x128x128xf32>
      %get3A_588 = vector.shape_cast %get3A_587 : vector<1x128x128xf32> to vector<128x128xf32>
      %bitcast_convert_type3A_589 = tpu.bitcast %get3A_588 : vector<128x128xf32> -> vector<128x128xi32>
      %add3A_590 = arith.constant 32768 : i32
      %add3A_591 = vector.broadcast %add3A_590 : i32 to vector<128x128xi32>
      %add3A_592 = arith.addi %bitcast_convert_type3A_589, %add3A_591 : vector<128x128xi32>
      %bitcast_convert_type3A_593 = tpu.bitcast %add3A_592 : vector<128x128xi32> -> vector<128x128xf32>
      %convert_element_type3A_594 = arith.truncf %bitcast_convert_type3A_593 : vector<128x128xf32> to vector<128x128xbf16>
      %dot_general3A_595 = arith.constant dense<0.000000e+00> : vector<128x128xf32>
      %dot_general3A_596 = tpu.matmul %get3A_386, %convert_element_type3A_594, %dot_general3A_595 {dimension_numbers = #tpu.dot_dimension_numbers<[1], [1], [0], [0], [0, 0, 1, 0], [], []>, transpose_lhs_hint = false} : vector<128x128xbf16>, vector<128x128xbf16>, vector<128x128xf32> -> vector<128x128xf32>
      %get3A_597 = arith.constant 20 : index
      %get3A_598 = arith.constant 0 : index
      %get3A_599 = vector.load %arg3[%get3A_597, %get3A_598] : memref<40x128xf32, #tpu.memory_space<vmem>>, vector<1x128xf32>
      %get3A_600 = vector.shape_cast %get3A_599 : vector<1x128xf32> to vector<128xf32>
      %broadcast_in_dim3A_601 = vector.shape_cast %get3A_600 : vector<128xf32> to vector<1x128xf32>
      %add3A_602 = vector.broadcast %broadcast_in_dim3A_601 : vector<1x128xf32> to vector<128x128xf32>
      %add3A_603 = arith.addf %dot_general3A_596, %add3A_602 : vector<128x128xf32>
      %abs3A_604 = math.absf %add3A_603 : vector<128x128xf32>
      %ge3A_605 = vector.broadcast %get3A_575 : i32 to vector<128x1xi32>
      %ge3A_606 = arith.cmpi sge, %add3A_388, %ge3A_605 : vector<128x1xi32>
      %lt3A_607 = vector.broadcast %get3A_583 : i32 to vector<128x1xi32>
      %lt3A_608 = arith.cmpi slt, %add3A_388, %lt3A_607 : vector<128x1xi32>
      %and3A_609 = arith.andi %ge3A_606, %lt3A_608 : vector<128x1xi1>
      %jit3A_610 = arith.constant 0.000000e+00 : f32
      %broadcast_in_dim3A_611 = vector.shape_cast %and3A_609 : vector<128x1xi1> to vector<128x1xi1>
      %broadcast_in_dim3A_612 = vector.broadcast %broadcast_in_dim3A_611 : vector<128x1xi1> to vector<128x128xi1>
      %broadcast_in_dim3A_613 = vector.broadcast %jit3A_610 : f32 to vector<128x128xf32>
      %select_n3A_614 = arith.select %broadcast_in_dim3A_612, %abs3A_604, %broadcast_in_dim3A_613 : vector<128x128xi1>, vector<128x128xf32>
      %add3A_615 = arith.addf %add3A_569, %select_n3A_614 : vector<128x128xf32>
      %mul3A_616 = arith.constant 40 : i32
      %mul3A_617 = arith.muli %arg0, %mul3A_616 : i32
      %add3A_618 = arith.constant 21 : i32
      %add3A_619 = arith.addi %mul3A_617, %add3A_618 : i32
      %get3A_620 = arith.index_cast %add3A_619 : i32 to index
      %get3A_621 = memref.load %arg1[%get3A_620] : memref<1001xi32, #tpu.memory_space<smem>>
      %mul3A_622 = arith.constant 40 : i32
      %mul3A_623 = arith.muli %arg0, %mul3A_622 : i32
      %add3A_624 = arith.constant 21 : i32
      %add3A_625 = arith.addi %mul3A_623, %add3A_624 : i32
      %add3A_626 = arith.constant 1 : i32
      %add3A_627 = arith.addi %add3A_625, %add3A_626 : i32
      %get3A_628 = arith.index_cast %add3A_627 : i32 to index
      %get3A_629 = memref.load %arg1[%get3A_628] : memref<1001xi32, #tpu.memory_space<smem>>
      %get3A_630 = arith.constant 21 : index
      %get3A_631 = arith.constant 0 : index
      %get3A_632 = arith.constant 0 : index
      %get3A_633 = vector.load %arg2[%get3A_630, %get3A_631, %get3A_632] : memref<40x128x128xf32, #tpu.memory_space<vmem>>, vector<1x128x128xf32>
      %get3A_634 = vector.shape_cast %get3A_633 : vector<1x128x128xf32> to vector<128x128xf32>
      %bitcast_convert_type3A_635 = tpu.bitcast %get3A_634 : vector<128x128xf32> -> vector<128x128xi32>
      %add3A_636 = arith.constant 32768 : i32
      %add3A_637 = vector.broadcast %add3A_636 : i32 to vector<128x128xi32>
      %add3A_638 = arith.addi %bitcast_convert_type3A_635, %add3A_637 : vector<128x128xi32>
      %bitcast_convert_type3A_639 = tpu.bitcast %add3A_638 : vector<128x128xi32> -> vector<128x128xf32>
      %convert_element_type3A_640 = arith.truncf %bitcast_convert_type3A_639 : vector<128x128xf32> to vector<128x128xbf16>
      %dot_general3A_641 = arith.constant dense<0.000000e+00> : vector<128x128xf32>
      %dot_general3A_642 = tpu.matmul %get3A_386, %convert_element_type3A_640, %dot_general3A_641 {dimension_numbers = #tpu.dot_dimension_numbers<[1], [1], [0], [0], [0, 0, 1, 0], [], []>, transpose_lhs_hint = false} : vector<128x128xbf16>, vector<128x128xbf16>, vector<128x128xf32> -> vector<128x128xf32>
      %get3A_643 = arith.constant 21 : index
      %get3A_644 = arith.constant 0 : index
      %get3A_645 = vector.load %arg3[%get3A_643, %get3A_644] : memref<40x128xf32, #tpu.memory_space<vmem>>, vector<1x128xf32>
      %get3A_646 = vector.shape_cast %get3A_645 : vector<1x128xf32> to vector<128xf32>
      %broadcast_in_dim3A_647 = vector.shape_cast %get3A_646 : vector<128xf32> to vector<1x128xf32>
      %add3A_648 = vector.broadcast %broadcast_in_dim3A_647 : vector<1x128xf32> to vector<128x128xf32>
      %add3A_649 = arith.addf %dot_general3A_642, %add3A_648 : vector<128x128xf32>
      %abs3A_650 = math.absf %add3A_649 : vector<128x128xf32>
      %ge3A_651 = vector.broadcast %get3A_621 : i32 to vector<128x1xi32>
      %ge3A_652 = arith.cmpi sge, %add3A_388, %ge3A_651 : vector<128x1xi32>
      %lt3A_653 = vector.broadcast %get3A_629 : i32 to vector<128x1xi32>
      %lt3A_654 = arith.cmpi slt, %add3A_388, %lt3A_653 : vector<128x1xi32>
      %and3A_655 = arith.andi %ge3A_652, %lt3A_654 : vector<128x1xi1>
      %jit3A_656 = arith.constant 0.000000e+00 : f32
      %broadcast_in_dim3A_657 = vector.shape_cast %and3A_655 : vector<128x1xi1> to vector<128x1xi1>
      %broadcast_in_dim3A_658 = vector.broadcast %broadcast_in_dim3A_657 : vector<128x1xi1> to vector<128x128xi1>
      %broadcast_in_dim3A_659 = vector.broadcast %jit3A_656 : f32 to vector<128x128xf32>
      %select_n3A_660 = arith.select %broadcast_in_dim3A_658, %abs3A_650, %broadcast_in_dim3A_659 : vector<128x128xi1>, vector<128x128xf32>
      %add3A_661 = arith.addf %add3A_615, %select_n3A_660 : vector<128x128xf32>
      %mul3A_662 = arith.constant 40 : i32
      %mul3A_663 = arith.muli %arg0, %mul3A_662 : i32
      %add3A_664 = arith.constant 22 : i32
      %add3A_665 = arith.addi %mul3A_663, %add3A_664 : i32
      %get3A_666 = arith.index_cast %add3A_665 : i32 to index
      %get3A_667 = memref.load %arg1[%get3A_666] : memref<1001xi32, #tpu.memory_space<smem>>
      %mul3A_668 = arith.constant 40 : i32
      %mul3A_669 = arith.muli %arg0, %mul3A_668 : i32
      %add3A_670 = arith.constant 22 : i32
      %add3A_671 = arith.addi %mul3A_669, %add3A_670 : i32
      %add3A_672 = arith.constant 1 : i32
      %add3A_673 = arith.addi %add3A_671, %add3A_672 : i32
      %get3A_674 = arith.index_cast %add3A_673 : i32 to index
      %get3A_675 = memref.load %arg1[%get3A_674] : memref<1001xi32, #tpu.memory_space<smem>>
      %get3A_676 = arith.constant 22 : index
      %get3A_677 = arith.constant 0 : index
      %get3A_678 = arith.constant 0 : index
      %get3A_679 = vector.load %arg2[%get3A_676, %get3A_677, %get3A_678] : memref<40x128x128xf32, #tpu.memory_space<vmem>>, vector<1x128x128xf32>
      %get3A_680 = vector.shape_cast %get3A_679 : vector<1x128x128xf32> to vector<128x128xf32>
      %bitcast_convert_type3A_681 = tpu.bitcast %get3A_680 : vector<128x128xf32> -> vector<128x128xi32>
      %add3A_682 = arith.constant 32768 : i32
      %add3A_683 = vector.broadcast %add3A_682 : i32 to vector<128x128xi32>
      %add3A_684 = arith.addi %bitcast_convert_type3A_681, %add3A_683 : vector<128x128xi32>
      %bitcast_convert_type3A_685 = tpu.bitcast %add3A_684 : vector<128x128xi32> -> vector<128x128xf32>
      %convert_element_type3A_686 = arith.truncf %bitcast_convert_type3A_685 : vector<128x128xf32> to vector<128x128xbf16>
      %dot_general3A_687 = arith.constant dense<0.000000e+00> : vector<128x128xf32>
      %dot_general3A_688 = tpu.matmul %get3A_386, %convert_element_type3A_686, %dot_general3A_687 {dimension_numbers = #tpu.dot_dimension_numbers<[1], [1], [0], [0], [0, 0, 1, 0], [], []>, transpose_lhs_hint = false} : vector<128x128xbf16>, vector<128x128xbf16>, vector<128x128xf32> -> vector<128x128xf32>
      %get3A_689 = arith.constant 22 : index
      %get3A_690 = arith.constant 0 : index
      %get3A_691 = vector.load %arg3[%get3A_689, %get3A_690] : memref<40x128xf32, #tpu.memory_space<vmem>>, vector<1x128xf32>
      %get3A_692 = vector.shape_cast %get3A_691 : vector<1x128xf32> to vector<128xf32>
      %broadcast_in_dim3A_693 = vector.shape_cast %get3A_692 : vector<128xf32> to vector<1x128xf32>
      %add3A_694 = vector.broadcast %broadcast_in_dim3A_693 : vector<1x128xf32> to vector<128x128xf32>
      %add3A_695 = arith.addf %dot_general3A_688, %add3A_694 : vector<128x128xf32>
      %abs3A_696 = math.absf %add3A_695 : vector<128x128xf32>
      %ge3A_697 = vector.broadcast %get3A_667 : i32 to vector<128x1xi32>
      %ge3A_698 = arith.cmpi sge, %add3A_388, %ge3A_697 : vector<128x1xi32>
      %lt3A_699 = vector.broadcast %get3A_675 : i32 to vector<128x1xi32>
      %lt3A_700 = arith.cmpi slt, %add3A_388, %lt3A_699 : vector<128x1xi32>
      %and3A_701 = arith.andi %ge3A_698, %lt3A_700 : vector<128x1xi1>
      %jit3A_702 = arith.constant 0.000000e+00 : f32
      %broadcast_in_dim3A_703 = vector.shape_cast %and3A_701 : vector<128x1xi1> to vector<128x1xi1>
      %broadcast_in_dim3A_704 = vector.broadcast %broadcast_in_dim3A_703 : vector<128x1xi1> to vector<128x128xi1>
      %broadcast_in_dim3A_705 = vector.broadcast %jit3A_702 : f32 to vector<128x128xf32>
      %select_n3A_706 = arith.select %broadcast_in_dim3A_704, %abs3A_696, %broadcast_in_dim3A_705 : vector<128x128xi1>, vector<128x128xf32>
      %add3A_707 = arith.addf %add3A_661, %select_n3A_706 : vector<128x128xf32>
      %mul3A_708 = arith.constant 40 : i32
      %mul3A_709 = arith.muli %arg0, %mul3A_708 : i32
      %add3A_710 = arith.constant 23 : i32
      %add3A_711 = arith.addi %mul3A_709, %add3A_710 : i32
      %get3A_712 = arith.index_cast %add3A_711 : i32 to index
      %get3A_713 = memref.load %arg1[%get3A_712] : memref<1001xi32, #tpu.memory_space<smem>>
      %mul3A_714 = arith.constant 40 : i32
      %mul3A_715 = arith.muli %arg0, %mul3A_714 : i32
      %add3A_716 = arith.constant 23 : i32
      %add3A_717 = arith.addi %mul3A_715, %add3A_716 : i32
      %add3A_718 = arith.constant 1 : i32
      %add3A_719 = arith.addi %add3A_717, %add3A_718 : i32
      %get3A_720 = arith.index_cast %add3A_719 : i32 to index
      %get3A_721 = memref.load %arg1[%get3A_720] : memref<1001xi32, #tpu.memory_space<smem>>
      %get3A_722 = arith.constant 23 : index
      %get3A_723 = arith.constant 0 : index
      %get3A_724 = arith.constant 0 : index
      %get3A_725 = vector.load %arg2[%get3A_722, %get3A_723, %get3A_724] : memref<40x128x128xf32, #tpu.memory_space<vmem>>, vector<1x128x128xf32>
      %get3A_726 = vector.shape_cast %get3A_725 : vector<1x128x128xf32> to vector<128x128xf32>
      %bitcast_convert_type3A_727 = tpu.bitcast %get3A_726 : vector<128x128xf32> -> vector<128x128xi32>
      %add3A_728 = arith.constant 32768 : i32
      %add3A_729 = vector.broadcast %add3A_728 : i32 to vector<128x128xi32>
      %add3A_730 = arith.addi %bitcast_convert_type3A_727, %add3A_729 : vector<128x128xi32>
      %bitcast_convert_type3A_731 = tpu.bitcast %add3A_730 : vector<128x128xi32> -> vector<128x128xf32>
      %convert_element_type3A_732 = arith.truncf %bitcast_convert_type3A_731 : vector<128x128xf32> to vector<128x128xbf16>
      %dot_general3A_733 = arith.constant dense<0.000000e+00> : vector<128x128xf32>
      %dot_general3A_734 = tpu.matmul %get3A_386, %convert_element_type3A_732, %dot_general3A_733 {dimension_numbers = #tpu.dot_dimension_numbers<[1], [1], [0], [0], [0, 0, 1, 0], [], []>, transpose_lhs_hint = false} : vector<128x128xbf16>, vector<128x128xbf16>, vector<128x128xf32> -> vector<128x128xf32>
      %get3A_735 = arith.constant 23 : index
      %get3A_736 = arith.constant 0 : index
      %get3A_737 = vector.load %arg3[%get3A_735, %get3A_736] : memref<40x128xf32, #tpu.memory_space<vmem>>, vector<1x128xf32>
      %get3A_738 = vector.shape_cast %get3A_737 : vector<1x128xf32> to vector<128xf32>
      %broadcast_in_dim3A_739 = vector.shape_cast %get3A_738 : vector<128xf32> to vector<1x128xf32>
      %add3A_740 = vector.broadcast %broadcast_in_dim3A_739 : vector<1x128xf32> to vector<128x128xf32>
      %add3A_741 = arith.addf %dot_general3A_734, %add3A_740 : vector<128x128xf32>
      %abs3A_742 = math.absf %add3A_741 : vector<128x128xf32>
      %ge3A_743 = vector.broadcast %get3A_713 : i32 to vector<128x1xi32>
      %ge3A_744 = arith.cmpi sge, %add3A_388, %ge3A_743 : vector<128x1xi32>
      %lt3A_745 = vector.broadcast %get3A_721 : i32 to vector<128x1xi32>
      %lt3A_746 = arith.cmpi slt, %add3A_388, %lt3A_745 : vector<128x1xi32>
      %and3A_747 = arith.andi %ge3A_744, %lt3A_746 : vector<128x1xi1>
      %jit3A_748 = arith.constant 0.000000e+00 : f32
      %broadcast_in_dim3A_749 = vector.shape_cast %and3A_747 : vector<128x1xi1> to vector<128x1xi1>
      %broadcast_in_dim3A_750 = vector.broadcast %broadcast_in_dim3A_749 : vector<128x1xi1> to vector<128x128xi1>
      %broadcast_in_dim3A_751 = vector.broadcast %jit3A_748 : f32 to vector<128x128xf32>
      %select_n3A_752 = arith.select %broadcast_in_dim3A_750, %abs3A_742, %broadcast_in_dim3A_751 : vector<128x128xi1>, vector<128x128xf32>
      %add3A_753 = arith.addf %add3A_707, %select_n3A_752 : vector<128x128xf32>
      %swap3A = arith.index_cast %multiple_of3A : i32 to index
      %swap3A_754 = arith.constant 0 : index
      %swap3A_755 = vector.load %arg8[%swap3A, %swap3A_754] : memref<4096x128xf32, #tpu.memory_space<vmem>>, vector<128x128xf32>
      tpu.vector_store %arg8[%swap3A, %swap3A_754], %add3A_753 {strides = array<i32>} : memref<4096x128xf32, #tpu.memory_space<vmem>>, vector<128x128xf32>,
      %while3A_756 = arith.constant 0 : i32
      scf.yield %while3A_756 : i32
    }
    %mul3A_221 = arith.constant 40 : i32
    %mul3A_222 = arith.muli %arg0, %mul3A_221 : i32
    %add3A_223 = arith.constant 24 : i32
    %add3A_224 = arith.addi %mul3A_222, %add3A_223 : i32
    %get3A_225 = arith.index_cast %add3A_224 : i32 to index
    %get3A_226 = memref.load %arg1[%get3A_225] : memref<1001xi32, #tpu.memory_space<smem>>
    %mul3A_227 = arith.constant 40 : i32
    %mul3A_228 = arith.muli %arg0, %mul3A_227 : i32
    %add3A_229 = arith.constant 24 : i32
    %add3A_230 = arith.addi %mul3A_228, %add3A_229 : i32
    %add3A_231 = arith.constant 8 : i32
    %add3A_232 = arith.addi %add3A_230, %add3A_231 : i32
    %get3A_233 = arith.index_cast %add3A_232 : i32 to index
    %get3A_234 = memref.load %arg1[%get3A_233] : memref<1001xi32, #tpu.memory_space<smem>>
    %jit3A_235 = arith.constant 128 : i32
    %div3A_236 = arith.divsi %get3A_226, %jit3A_235 : i32
    %sign3A_237 = arith.constant 0 : i32
    %sign3A_238 = arith.cmpi sgt, %get3A_226, %sign3A_237 : i32
    %sign3A_239 = arith.extui %sign3A_238 : i1 to i32
    %sign3A_240 = arith.constant 0 : i32
    %sign3A_241 = arith.cmpi slt, %get3A_226, %sign3A_240 : i32
    %sign3A_242 = arith.extui %sign3A_241 : i1 to i32
    %sign3A_243 = arith.subi %sign3A_239, %sign3A_242 : i32
    %sign3A_244 = arith.constant 0 : i32
    %sign3A_245 = arith.cmpi sgt, %jit3A_235, %sign3A_244 : i32
    %sign3A_246 = arith.extui %sign3A_245 : i1 to i32
    %sign3A_247 = arith.constant 0 : i32
    %sign3A_248 = arith.cmpi slt, %jit3A_235, %sign3A_247 : i32
    %sign3A_249 = arith.extui %sign3A_248 : i1 to i32
    %sign3A_250 = arith.subi %sign3A_246, %sign3A_249 : i32
    %ne3A_251 = arith.cmpi ne, %sign3A_243, %sign3A_250 : i32
    %rem3A_252 = arith.remsi %get3A_226, %jit3A_235 : i32
    %ne3A_253 = arith.constant 0 : i32
    %ne3A_254 = arith.cmpi ne, %rem3A_252, %ne3A_253 : i32
    %and3A_255 = arith.andi %ne3A_251, %ne3A_254 : i1
    %sub3A_256 = arith.constant 1 : i32
    %sub3A_257 = arith.subi %div3A_236, %sub3A_256 : i32
    %select_n3A_258 = arith.select %and3A_255, %sub3A_257, %div3A_236 : i32
    %add3A_259 = arith.constant 128 : i32
    %add3A_260 = arith.addi %get3A_234, %add3A_259 : i32
    %sub3A_261 = arith.constant 1 : i32
    %sub3A_262 = arith.subi %add3A_260, %sub3A_261 : i32
    %jit3A_263 = arith.constant 128 : i32
    %div3A_264 = arith.divsi %sub3A_262, %jit3A_263 : i32
    %sign3A_265 = arith.constant 0 : i32
    %sign3A_266 = arith.cmpi sgt, %sub3A_262, %sign3A_265 : i32
    %sign3A_267 = arith.extui %sign3A_266 : i1 to i32
    %sign3A_268 = arith.constant 0 : i32
    %sign3A_269 = arith.cmpi slt, %sub3A_262, %sign3A_268 : i32
    %sign3A_270 = arith.extui %sign3A_269 : i1 to i32
    %sign3A_271 = arith.subi %sign3A_267, %sign3A_270 : i32
    %sign3A_272 = arith.constant 0 : i32
    %sign3A_273 = arith.cmpi sgt, %jit3A_263, %sign3A_272 : i32
    %sign3A_274 = arith.extui %sign3A_273 : i1 to i32
    %sign3A_275 = arith.constant 0 : i32
    %sign3A_276 = arith.cmpi slt, %jit3A_263, %sign3A_275 : i32
    %sign3A_277 = arith.extui %sign3A_276 : i1 to i32
    %sign3A_278 = arith.subi %sign3A_274, %sign3A_277 : i32
    %ne3A_279 = arith.cmpi ne, %sign3A_271, %sign3A_278 : i32
    %rem3A_280 = arith.remsi %sub3A_262, %jit3A_263 : i32
    %ne3A_281 = arith.constant 0 : i32
    %ne3A_282 = arith.cmpi ne, %rem3A_280, %ne3A_281 : i32
    %and3A_283 = arith.andi %ne3A_279, %ne3A_282 : i1
    %sub3A_284 = arith.constant 1 : i32
    %sub3A_285 = arith.subi %div3A_264, %sub3A_284 : i32
    %select_n3A_286 = arith.select %and3A_283, %sub3A_285, %div3A_264 : i32
    %while3A_287 = arith.constant 0 : i32
    %while3A_288 = arith.subi %select_n3A_286, %select_n3A_258 : i32
    %while3A_289 = arith.addi %select_n3A_258, %while3A_288 : i32
    %while3A_290 = arith.constant 1 : i32
    %while3A_291 = arith.divsi %while3A_288, %while3A_290 : i32
    %while3A_292 = arith.muli %while3A_291, %while3A_290 : i32
    %while3A_293 = arith.addi %select_n3A_258, %while3A_292 : i32
    %while3A_294 = arith.constant 1 : i32
    %while3A_295 = scf.for %while3A_380 = %select_n3A_258 to %while3A_293 step %while3A_294 iter_args(%while3A_381 = %while3A_287) -> (i32)  : i32 {
      %mul3A_382 = arith.constant 128 : i32
      %mul3A_383 = arith.muli %while3A_380, %mul3A_382 : i32
      %multiple_of3A = tpu.assume_multiple %mul3A_383, 128 : i32
      %get3A_384 = arith.index_cast %multiple_of3A : i32 to index
      %get3A_385 = arith.constant 0 : index
      %get3A_386 = vector.load %arg7[%get3A_384, %get3A_385] : memref<4096x128xbf16, #tpu.memory_space<vmem>>, vector<128x128xbf16>
      %iota3A = tpu.iota {dimensions = array<i32: 0>} : vector<128x1xi32>
      %add3A_387 = vector.broadcast %multiple_of3A : i32 to vector<128x1xi32>
      %add3A_388 = arith.addi %add3A_387, %iota3A : vector<128x1xi32>
      %get3A_389 = arith.index_cast %multiple_of3A : i32 to index
      %get3A_390 = arith.constant 0 : index
      %get3A_391 = vector.load %arg8[%get3A_389, %get3A_390] : memref<4096x128xf32, #tpu.memory_space<vmem>>, vector<128x128xf32>
      %mul3A_392 = arith.constant 40 : i32
      %mul3A_393 = arith.muli %arg0, %mul3A_392 : i32
      %add3A_394 = arith.constant 24 : i32
      %add3A_395 = arith.addi %mul3A_393, %add3A_394 : i32
      %get3A_396 = arith.index_cast %add3A_395 : i32 to index
      %get3A_397 = memref.load %arg1[%get3A_396] : memref<1001xi32, #tpu.memory_space<smem>>
      %mul3A_398 = arith.constant 40 : i32
      %mul3A_399 = arith.muli %arg0, %mul3A_398 : i32
      %add3A_400 = arith.constant 24 : i32
      %add3A_401 = arith.addi %mul3A_399, %add3A_400 : i32
      %add3A_402 = arith.constant 1 : i32
      %add3A_403 = arith.addi %add3A_401, %add3A_402 : i32
      %get3A_404 = arith.index_cast %add3A_403 : i32 to index
      %get3A_405 = memref.load %arg1[%get3A_404] : memref<1001xi32, #tpu.memory_space<smem>>
      %get3A_406 = arith.constant 24 : index
      %get3A_407 = arith.constant 0 : index
      %get3A_408 = arith.constant 0 : index
      %get3A_409 = vector.load %arg2[%get3A_406, %get3A_407, %get3A_408] : memref<40x128x128xf32, #tpu.memory_space<vmem>>, vector<1x128x128xf32>
      %get3A_410 = vector.shape_cast %get3A_409 : vector<1x128x128xf32> to vector<128x128xf32>
      %bitcast_convert_type3A = tpu.bitcast %get3A_410 : vector<128x128xf32> -> vector<128x128xi32>
      %add3A_411 = arith.constant 32768 : i32
      %add3A_412 = vector.broadcast %add3A_411 : i32 to vector<128x128xi32>
      %add3A_413 = arith.addi %bitcast_convert_type3A, %add3A_412 : vector<128x128xi32>
      %bitcast_convert_type3A_414 = tpu.bitcast %add3A_413 : vector<128x128xi32> -> vector<128x128xf32>
      %convert_element_type3A_415 = arith.truncf %bitcast_convert_type3A_414 : vector<128x128xf32> to vector<128x128xbf16>
      %dot_general3A = arith.constant dense<0.000000e+00> : vector<128x128xf32>
      %dot_general3A_416 = tpu.matmul %get3A_386, %convert_element_type3A_415, %dot_general3A {dimension_numbers = #tpu.dot_dimension_numbers<[1], [1], [0], [0], [0, 0, 1, 0], [], []>, transpose_lhs_hint = false} : vector<128x128xbf16>, vector<128x128xbf16>, vector<128x128xf32> -> vector<128x128xf32>
      %get3A_417 = arith.constant 24 : index
      %get3A_418 = arith.constant 0 : index
      %get3A_419 = vector.load %arg3[%get3A_417, %get3A_418] : memref<40x128xf32, #tpu.memory_space<vmem>>, vector<1x128xf32>
      %get3A_420 = vector.shape_cast %get3A_419 : vector<1x128xf32> to vector<128xf32>
      %broadcast_in_dim3A = vector.shape_cast %get3A_420 : vector<128xf32> to vector<1x128xf32>
      %add3A_421 = vector.broadcast %broadcast_in_dim3A : vector<1x128xf32> to vector<128x128xf32>
      %add3A_422 = arith.addf %dot_general3A_416, %add3A_421 : vector<128x128xf32>
      %abs3A = math.absf %add3A_422 : vector<128x128xf32>
      %ge3A = vector.broadcast %get3A_397 : i32 to vector<128x1xi32>
      %ge3A_423 = arith.cmpi sge, %add3A_388, %ge3A : vector<128x1xi32>
      %lt3A = vector.broadcast %get3A_405 : i32 to vector<128x1xi32>
      %lt3A_424 = arith.cmpi slt, %add3A_388, %lt3A : vector<128x1xi32>
      %and3A_425 = arith.andi %ge3A_423, %lt3A_424 : vector<128x1xi1>
      %jit3A_426 = arith.constant 0.000000e+00 : f32
      %broadcast_in_dim3A_427 = vector.shape_cast %and3A_425 : vector<128x1xi1> to vector<128x1xi1>
      %broadcast_in_dim3A_428 = vector.broadcast %broadcast_in_dim3A_427 : vector<128x1xi1> to vector<128x128xi1>
      %broadcast_in_dim3A_429 = vector.broadcast %jit3A_426 : f32 to vector<128x128xf32>
      %select_n3A_430 = arith.select %broadcast_in_dim3A_428, %abs3A, %broadcast_in_dim3A_429 : vector<128x128xi1>, vector<128x128xf32>
      %add3A_431 = arith.addf %get3A_391, %select_n3A_430 : vector<128x128xf32>
      %mul3A_432 = arith.constant 40 : i32
      %mul3A_433 = arith.muli %arg0, %mul3A_432 : i32
      %add3A_434 = arith.constant 25 : i32
      %add3A_435 = arith.addi %mul3A_433, %add3A_434 : i32
      %get3A_436 = arith.index_cast %add3A_435 : i32 to index
      %get3A_437 = memref.load %arg1[%get3A_436] : memref<1001xi32, #tpu.memory_space<smem>>
      %mul3A_438 = arith.constant 40 : i32
      %mul3A_439 = arith.muli %arg0, %mul3A_438 : i32
      %add3A_440 = arith.constant 25 : i32
      %add3A_441 = arith.addi %mul3A_439, %add3A_440 : i32
      %add3A_442 = arith.constant 1 : i32
      %add3A_443 = arith.addi %add3A_441, %add3A_442 : i32
      %get3A_444 = arith.index_cast %add3A_443 : i32 to index
      %get3A_445 = memref.load %arg1[%get3A_444] : memref<1001xi32, #tpu.memory_space<smem>>
      %get3A_446 = arith.constant 25 : index
      %get3A_447 = arith.constant 0 : index
      %get3A_448 = arith.constant 0 : index
      %get3A_449 = vector.load %arg2[%get3A_446, %get3A_447, %get3A_448] : memref<40x128x128xf32, #tpu.memory_space<vmem>>, vector<1x128x128xf32>
      %get3A_450 = vector.shape_cast %get3A_449 : vector<1x128x128xf32> to vector<128x128xf32>
      %bitcast_convert_type3A_451 = tpu.bitcast %get3A_450 : vector<128x128xf32> -> vector<128x128xi32>
      %add3A_452 = arith.constant 32768 : i32
      %add3A_453 = vector.broadcast %add3A_452 : i32 to vector<128x128xi32>
      %add3A_454 = arith.addi %bitcast_convert_type3A_451, %add3A_453 : vector<128x128xi32>
      %bitcast_convert_type3A_455 = tpu.bitcast %add3A_454 : vector<128x128xi32> -> vector<128x128xf32>
      %convert_element_type3A_456 = arith.truncf %bitcast_convert_type3A_455 : vector<128x128xf32> to vector<128x128xbf16>
      %dot_general3A_457 = arith.constant dense<0.000000e+00> : vector<128x128xf32>
      %dot_general3A_458 = tpu.matmul %get3A_386, %convert_element_type3A_456, %dot_general3A_457 {dimension_numbers = #tpu.dot_dimension_numbers<[1], [1], [0], [0], [0, 0, 1, 0], [], []>, transpose_lhs_hint = false} : vector<128x128xbf16>, vector<128x128xbf16>, vector<128x128xf32> -> vector<128x128xf32>
      %get3A_459 = arith.constant 25 : index
      %get3A_460 = arith.constant 0 : index
      %get3A_461 = vector.load %arg3[%get3A_459, %get3A_460] : memref<40x128xf32, #tpu.memory_space<vmem>>, vector<1x128xf32>
      %get3A_462 = vector.shape_cast %get3A_461 : vector<1x128xf32> to vector<128xf32>
      %broadcast_in_dim3A_463 = vector.shape_cast %get3A_462 : vector<128xf32> to vector<1x128xf32>
      %add3A_464 = vector.broadcast %broadcast_in_dim3A_463 : vector<1x128xf32> to vector<128x128xf32>
      %add3A_465 = arith.addf %dot_general3A_458, %add3A_464 : vector<128x128xf32>
      %abs3A_466 = math.absf %add3A_465 : vector<128x128xf32>
      %ge3A_467 = vector.broadcast %get3A_437 : i32 to vector<128x1xi32>
      %ge3A_468 = arith.cmpi sge, %add3A_388, %ge3A_467 : vector<128x1xi32>
      %lt3A_469 = vector.broadcast %get3A_445 : i32 to vector<128x1xi32>
      %lt3A_470 = arith.cmpi slt, %add3A_388, %lt3A_469 : vector<128x1xi32>
      %and3A_471 = arith.andi %ge3A_468, %lt3A_470 : vector<128x1xi1>
      %jit3A_472 = arith.constant 0.000000e+00 : f32
      %broadcast_in_dim3A_473 = vector.shape_cast %and3A_471 : vector<128x1xi1> to vector<128x1xi1>
      %broadcast_in_dim3A_474 = vector.broadcast %broadcast_in_dim3A_473 : vector<128x1xi1> to vector<128x128xi1>
      %broadcast_in_dim3A_475 = vector.broadcast %jit3A_472 : f32 to vector<128x128xf32>
      %select_n3A_476 = arith.select %broadcast_in_dim3A_474, %abs3A_466, %broadcast_in_dim3A_475 : vector<128x128xi1>, vector<128x128xf32>
      %add3A_477 = arith.addf %add3A_431, %select_n3A_476 : vector<128x128xf32>
      %mul3A_478 = arith.constant 40 : i32
      %mul3A_479 = arith.muli %arg0, %mul3A_478 : i32
      %add3A_480 = arith.constant 26 : i32
      %add3A_481 = arith.addi %mul3A_479, %add3A_480 : i32
      %get3A_482 = arith.index_cast %add3A_481 : i32 to index
      %get3A_483 = memref.load %arg1[%get3A_482] : memref<1001xi32, #tpu.memory_space<smem>>
      %mul3A_484 = arith.constant 40 : i32
      %mul3A_485 = arith.muli %arg0, %mul3A_484 : i32
      %add3A_486 = arith.constant 26 : i32
      %add3A_487 = arith.addi %mul3A_485, %add3A_486 : i32
      %add3A_488 = arith.constant 1 : i32
      %add3A_489 = arith.addi %add3A_487, %add3A_488 : i32
      %get3A_490 = arith.index_cast %add3A_489 : i32 to index
      %get3A_491 = memref.load %arg1[%get3A_490] : memref<1001xi32, #tpu.memory_space<smem>>
      %get3A_492 = arith.constant 26 : index
      %get3A_493 = arith.constant 0 : index
      %get3A_494 = arith.constant 0 : index
      %get3A_495 = vector.load %arg2[%get3A_492, %get3A_493, %get3A_494] : memref<40x128x128xf32, #tpu.memory_space<vmem>>, vector<1x128x128xf32>
      %get3A_496 = vector.shape_cast %get3A_495 : vector<1x128x128xf32> to vector<128x128xf32>
      %bitcast_convert_type3A_497 = tpu.bitcast %get3A_496 : vector<128x128xf32> -> vector<128x128xi32>
      %add3A_498 = arith.constant 32768 : i32
      %add3A_499 = vector.broadcast %add3A_498 : i32 to vector<128x128xi32>
      %add3A_500 = arith.addi %bitcast_convert_type3A_497, %add3A_499 : vector<128x128xi32>
      %bitcast_convert_type3A_501 = tpu.bitcast %add3A_500 : vector<128x128xi32> -> vector<128x128xf32>
      %convert_element_type3A_502 = arith.truncf %bitcast_convert_type3A_501 : vector<128x128xf32> to vector<128x128xbf16>
      %dot_general3A_503 = arith.constant dense<0.000000e+00> : vector<128x128xf32>
      %dot_general3A_504 = tpu.matmul %get3A_386, %convert_element_type3A_502, %dot_general3A_503 {dimension_numbers = #tpu.dot_dimension_numbers<[1], [1], [0], [0], [0, 0, 1, 0], [], []>, transpose_lhs_hint = false} : vector<128x128xbf16>, vector<128x128xbf16>, vector<128x128xf32> -> vector<128x128xf32>
      %get3A_505 = arith.constant 26 : index
      %get3A_506 = arith.constant 0 : index
      %get3A_507 = vector.load %arg3[%get3A_505, %get3A_506] : memref<40x128xf32, #tpu.memory_space<vmem>>, vector<1x128xf32>
      %get3A_508 = vector.shape_cast %get3A_507 : vector<1x128xf32> to vector<128xf32>
      %broadcast_in_dim3A_509 = vector.shape_cast %get3A_508 : vector<128xf32> to vector<1x128xf32>
      %add3A_510 = vector.broadcast %broadcast_in_dim3A_509 : vector<1x128xf32> to vector<128x128xf32>
      %add3A_511 = arith.addf %dot_general3A_504, %add3A_510 : vector<128x128xf32>
      %abs3A_512 = math.absf %add3A_511 : vector<128x128xf32>
      %ge3A_513 = vector.broadcast %get3A_483 : i32 to vector<128x1xi32>
      %ge3A_514 = arith.cmpi sge, %add3A_388, %ge3A_513 : vector<128x1xi32>
      %lt3A_515 = vector.broadcast %get3A_491 : i32 to vector<128x1xi32>
      %lt3A_516 = arith.cmpi slt, %add3A_388, %lt3A_515 : vector<128x1xi32>
      %and3A_517 = arith.andi %ge3A_514, %lt3A_516 : vector<128x1xi1>
      %jit3A_518 = arith.constant 0.000000e+00 : f32
      %broadcast_in_dim3A_519 = vector.shape_cast %and3A_517 : vector<128x1xi1> to vector<128x1xi1>
      %broadcast_in_dim3A_520 = vector.broadcast %broadcast_in_dim3A_519 : vector<128x1xi1> to vector<128x128xi1>
      %broadcast_in_dim3A_521 = vector.broadcast %jit3A_518 : f32 to vector<128x128xf32>
      %select_n3A_522 = arith.select %broadcast_in_dim3A_520, %abs3A_512, %broadcast_in_dim3A_521 : vector<128x128xi1>, vector<128x128xf32>
      %add3A_523 = arith.addf %add3A_477, %select_n3A_522 : vector<128x128xf32>
      %mul3A_524 = arith.constant 40 : i32
      %mul3A_525 = arith.muli %arg0, %mul3A_524 : i32
      %add3A_526 = arith.constant 27 : i32
      %add3A_527 = arith.addi %mul3A_525, %add3A_526 : i32
      %get3A_528 = arith.index_cast %add3A_527 : i32 to index
      %get3A_529 = memref.load %arg1[%get3A_528] : memref<1001xi32, #tpu.memory_space<smem>>
      %mul3A_530 = arith.constant 40 : i32
      %mul3A_531 = arith.muli %arg0, %mul3A_530 : i32
      %add3A_532 = arith.constant 27 : i32
      %add3A_533 = arith.addi %mul3A_531, %add3A_532 : i32
      %add3A_534 = arith.constant 1 : i32
      %add3A_535 = arith.addi %add3A_533, %add3A_534 : i32
      %get3A_536 = arith.index_cast %add3A_535 : i32 to index
      %get3A_537 = memref.load %arg1[%get3A_536] : memref<1001xi32, #tpu.memory_space<smem>>
      %get3A_538 = arith.constant 27 : index
      %get3A_539 = arith.constant 0 : index
      %get3A_540 = arith.constant 0 : index
      %get3A_541 = vector.load %arg2[%get3A_538, %get3A_539, %get3A_540] : memref<40x128x128xf32, #tpu.memory_space<vmem>>, vector<1x128x128xf32>
      %get3A_542 = vector.shape_cast %get3A_541 : vector<1x128x128xf32> to vector<128x128xf32>
      %bitcast_convert_type3A_543 = tpu.bitcast %get3A_542 : vector<128x128xf32> -> vector<128x128xi32>
      %add3A_544 = arith.constant 32768 : i32
      %add3A_545 = vector.broadcast %add3A_544 : i32 to vector<128x128xi32>
      %add3A_546 = arith.addi %bitcast_convert_type3A_543, %add3A_545 : vector<128x128xi32>
      %bitcast_convert_type3A_547 = tpu.bitcast %add3A_546 : vector<128x128xi32> -> vector<128x128xf32>
      %convert_element_type3A_548 = arith.truncf %bitcast_convert_type3A_547 : vector<128x128xf32> to vector<128x128xbf16>
      %dot_general3A_549 = arith.constant dense<0.000000e+00> : vector<128x128xf32>
      %dot_general3A_550 = tpu.matmul %get3A_386, %convert_element_type3A_548, %dot_general3A_549 {dimension_numbers = #tpu.dot_dimension_numbers<[1], [1], [0], [0], [0, 0, 1, 0], [], []>, transpose_lhs_hint = false} : vector<128x128xbf16>, vector<128x128xbf16>, vector<128x128xf32> -> vector<128x128xf32>
      %get3A_551 = arith.constant 27 : index
      %get3A_552 = arith.constant 0 : index
      %get3A_553 = vector.load %arg3[%get3A_551, %get3A_552] : memref<40x128xf32, #tpu.memory_space<vmem>>, vector<1x128xf32>
      %get3A_554 = vector.shape_cast %get3A_553 : vector<1x128xf32> to vector<128xf32>
      %broadcast_in_dim3A_555 = vector.shape_cast %get3A_554 : vector<128xf32> to vector<1x128xf32>
      %add3A_556 = vector.broadcast %broadcast_in_dim3A_555 : vector<1x128xf32> to vector<128x128xf32>
      %add3A_557 = arith.addf %dot_general3A_550, %add3A_556 : vector<128x128xf32>
      %abs3A_558 = math.absf %add3A_557 : vector<128x128xf32>
      %ge3A_559 = vector.broadcast %get3A_529 : i32 to vector<128x1xi32>
      %ge3A_560 = arith.cmpi sge, %add3A_388, %ge3A_559 : vector<128x1xi32>
      %lt3A_561 = vector.broadcast %get3A_537 : i32 to vector<128x1xi32>
      %lt3A_562 = arith.cmpi slt, %add3A_388, %lt3A_561 : vector<128x1xi32>
      %and3A_563 = arith.andi %ge3A_560, %lt3A_562 : vector<128x1xi1>
      %jit3A_564 = arith.constant 0.000000e+00 : f32
      %broadcast_in_dim3A_565 = vector.shape_cast %and3A_563 : vector<128x1xi1> to vector<128x1xi1>
      %broadcast_in_dim3A_566 = vector.broadcast %broadcast_in_dim3A_565 : vector<128x1xi1> to vector<128x128xi1>
      %broadcast_in_dim3A_567 = vector.broadcast %jit3A_564 : f32 to vector<128x128xf32>
      %select_n3A_568 = arith.select %broadcast_in_dim3A_566, %abs3A_558, %broadcast_in_dim3A_567 : vector<128x128xi1>, vector<128x128xf32>
      %add3A_569 = arith.addf %add3A_523, %select_n3A_568 : vector<128x128xf32>
      %mul3A_570 = arith.constant 40 : i32
      %mul3A_571 = arith.muli %arg0, %mul3A_570 : i32
      %add3A_572 = arith.constant 28 : i32
      %add3A_573 = arith.addi %mul3A_571, %add3A_572 : i32
      %get3A_574 = arith.index_cast %add3A_573 : i32 to index
      %get3A_575 = memref.load %arg1[%get3A_574] : memref<1001xi32, #tpu.memory_space<smem>>
      %mul3A_576 = arith.constant 40 : i32
      %mul3A_577 = arith.muli %arg0, %mul3A_576 : i32
      %add3A_578 = arith.constant 28 : i32
      %add3A_579 = arith.addi %mul3A_577, %add3A_578 : i32
      %add3A_580 = arith.constant 1 : i32
      %add3A_581 = arith.addi %add3A_579, %add3A_580 : i32
      %get3A_582 = arith.index_cast %add3A_581 : i32 to index
      %get3A_583 = memref.load %arg1[%get3A_582] : memref<1001xi32, #tpu.memory_space<smem>>
      %get3A_584 = arith.constant 28 : index
      %get3A_585 = arith.constant 0 : index
      %get3A_586 = arith.constant 0 : index
      %get3A_587 = vector.load %arg2[%get3A_584, %get3A_585, %get3A_586] : memref<40x128x128xf32, #tpu.memory_space<vmem>>, vector<1x128x128xf32>
      %get3A_588 = vector.shape_cast %get3A_587 : vector<1x128x128xf32> to vector<128x128xf32>
      %bitcast_convert_type3A_589 = tpu.bitcast %get3A_588 : vector<128x128xf32> -> vector<128x128xi32>
      %add3A_590 = arith.constant 32768 : i32
      %add3A_591 = vector.broadcast %add3A_590 : i32 to vector<128x128xi32>
      %add3A_592 = arith.addi %bitcast_convert_type3A_589, %add3A_591 : vector<128x128xi32>
      %bitcast_convert_type3A_593 = tpu.bitcast %add3A_592 : vector<128x128xi32> -> vector<128x128xf32>
      %convert_element_type3A_594 = arith.truncf %bitcast_convert_type3A_593 : vector<128x128xf32> to vector<128x128xbf16>
      %dot_general3A_595 = arith.constant dense<0.000000e+00> : vector<128x128xf32>
      %dot_general3A_596 = tpu.matmul %get3A_386, %convert_element_type3A_594, %dot_general3A_595 {dimension_numbers = #tpu.dot_dimension_numbers<[1], [1], [0], [0], [0, 0, 1, 0], [], []>, transpose_lhs_hint = false} : vector<128x128xbf16>, vector<128x128xbf16>, vector<128x128xf32> -> vector<128x128xf32>
      %get3A_597 = arith.constant 28 : index
      %get3A_598 = arith.constant 0 : index
      %get3A_599 = vector.load %arg3[%get3A_597, %get3A_598] : memref<40x128xf32, #tpu.memory_space<vmem>>, vector<1x128xf32>
      %get3A_600 = vector.shape_cast %get3A_599 : vector<1x128xf32> to vector<128xf32>
      %broadcast_in_dim3A_601 = vector.shape_cast %get3A_600 : vector<128xf32> to vector<1x128xf32>
      %add3A_602 = vector.broadcast %broadcast_in_dim3A_601 : vector<1x128xf32> to vector<128x128xf32>
      %add3A_603 = arith.addf %dot_general3A_596, %add3A_602 : vector<128x128xf32>
      %abs3A_604 = math.absf %add3A_603 : vector<128x128xf32>
      %ge3A_605 = vector.broadcast %get3A_575 : i32 to vector<128x1xi32>
      %ge3A_606 = arith.cmpi sge, %add3A_388, %ge3A_605 : vector<128x1xi32>
      %lt3A_607 = vector.broadcast %get3A_583 : i32 to vector<128x1xi32>
      %lt3A_608 = arith.cmpi slt, %add3A_388, %lt3A_607 : vector<128x1xi32>
      %and3A_609 = arith.andi %ge3A_606, %lt3A_608 : vector<128x1xi1>
      %jit3A_610 = arith.constant 0.000000e+00 : f32
      %broadcast_in_dim3A_611 = vector.shape_cast %and3A_609 : vector<128x1xi1> to vector<128x1xi1>
      %broadcast_in_dim3A_612 = vector.broadcast %broadcast_in_dim3A_611 : vector<128x1xi1> to vector<128x128xi1>
      %broadcast_in_dim3A_613 = vector.broadcast %jit3A_610 : f32 to vector<128x128xf32>
      %select_n3A_614 = arith.select %broadcast_in_dim3A_612, %abs3A_604, %broadcast_in_dim3A_613 : vector<128x128xi1>, vector<128x128xf32>
      %add3A_615 = arith.addf %add3A_569, %select_n3A_614 : vector<128x128xf32>
      %mul3A_616 = arith.constant 40 : i32
      %mul3A_617 = arith.muli %arg0, %mul3A_616 : i32
      %add3A_618 = arith.constant 29 : i32
      %add3A_619 = arith.addi %mul3A_617, %add3A_618 : i32
      %get3A_620 = arith.index_cast %add3A_619 : i32 to index
      %get3A_621 = memref.load %arg1[%get3A_620] : memref<1001xi32, #tpu.memory_space<smem>>
      %mul3A_622 = arith.constant 40 : i32
      %mul3A_623 = arith.muli %arg0, %mul3A_622 : i32
      %add3A_624 = arith.constant 29 : i32
      %add3A_625 = arith.addi %mul3A_623, %add3A_624 : i32
      %add3A_626 = arith.constant 1 : i32
      %add3A_627 = arith.addi %add3A_625, %add3A_626 : i32
      %get3A_628 = arith.index_cast %add3A_627 : i32 to index
      %get3A_629 = memref.load %arg1[%get3A_628] : memref<1001xi32, #tpu.memory_space<smem>>
      %get3A_630 = arith.constant 29 : index
      %get3A_631 = arith.constant 0 : index
      %get3A_632 = arith.constant 0 : index
      %get3A_633 = vector.load %arg2[%get3A_630, %get3A_631, %get3A_632] : memref<40x128x128xf32, #tpu.memory_space<vmem>>, vector<1x128x128xf32>
      %get3A_634 = vector.shape_cast %get3A_633 : vector<1x128x128xf32> to vector<128x128xf32>
      %bitcast_convert_type3A_635 = tpu.bitcast %get3A_634 : vector<128x128xf32> -> vector<128x128xi32>
      %add3A_636 = arith.constant 32768 : i32
      %add3A_637 = vector.broadcast %add3A_636 : i32 to vector<128x128xi32>
      %add3A_638 = arith.addi %bitcast_convert_type3A_635, %add3A_637 : vector<128x128xi32>
      %bitcast_convert_type3A_639 = tpu.bitcast %add3A_638 : vector<128x128xi32> -> vector<128x128xf32>
      %convert_element_type3A_640 = arith.truncf %bitcast_convert_type3A_639 : vector<128x128xf32> to vector<128x128xbf16>
      %dot_general3A_641 = arith.constant dense<0.000000e+00> : vector<128x128xf32>
      %dot_general3A_642 = tpu.matmul %get3A_386, %convert_element_type3A_640, %dot_general3A_641 {dimension_numbers = #tpu.dot_dimension_numbers<[1], [1], [0], [0], [0, 0, 1, 0], [], []>, transpose_lhs_hint = false} : vector<128x128xbf16>, vector<128x128xbf16>, vector<128x128xf32> -> vector<128x128xf32>
      %get3A_643 = arith.constant 29 : index
      %get3A_644 = arith.constant 0 : index
      %get3A_645 = vector.load %arg3[%get3A_643, %get3A_644] : memref<40x128xf32, #tpu.memory_space<vmem>>, vector<1x128xf32>
      %get3A_646 = vector.shape_cast %get3A_645 : vector<1x128xf32> to vector<128xf32>
      %broadcast_in_dim3A_647 = vector.shape_cast %get3A_646 : vector<128xf32> to vector<1x128xf32>
      %add3A_648 = vector.broadcast %broadcast_in_dim3A_647 : vector<1x128xf32> to vector<128x128xf32>
      %add3A_649 = arith.addf %dot_general3A_642, %add3A_648 : vector<128x128xf32>
      %abs3A_650 = math.absf %add3A_649 : vector<128x128xf32>
      %ge3A_651 = vector.broadcast %get3A_621 : i32 to vector<128x1xi32>
      %ge3A_652 = arith.cmpi sge, %add3A_388, %ge3A_651 : vector<128x1xi32>
      %lt3A_653 = vector.broadcast %get3A_629 : i32 to vector<128x1xi32>
      %lt3A_654 = arith.cmpi slt, %add3A_388, %lt3A_653 : vector<128x1xi32>
      %and3A_655 = arith.andi %ge3A_652, %lt3A_654 : vector<128x1xi1>
      %jit3A_656 = arith.constant 0.000000e+00 : f32
      %broadcast_in_dim3A_657 = vector.shape_cast %and3A_655 : vector<128x1xi1> to vector<128x1xi1>
      %broadcast_in_dim3A_658 = vector.broadcast %broadcast_in_dim3A_657 : vector<128x1xi1> to vector<128x128xi1>
      %broadcast_in_dim3A_659 = vector.broadcast %jit3A_656 : f32 to vector<128x128xf32>
      %select_n3A_660 = arith.select %broadcast_in_dim3A_658, %abs3A_650, %broadcast_in_dim3A_659 : vector<128x128xi1>, vector<128x128xf32>
      %add3A_661 = arith.addf %add3A_615, %select_n3A_660 : vector<128x128xf32>
      %mul3A_662 = arith.constant 40 : i32
      %mul3A_663 = arith.muli %arg0, %mul3A_662 : i32
      %add3A_664 = arith.constant 30 : i32
      %add3A_665 = arith.addi %mul3A_663, %add3A_664 : i32
      %get3A_666 = arith.index_cast %add3A_665 : i32 to index
      %get3A_667 = memref.load %arg1[%get3A_666] : memref<1001xi32, #tpu.memory_space<smem>>
      %mul3A_668 = arith.constant 40 : i32
      %mul3A_669 = arith.muli %arg0, %mul3A_668 : i32
      %add3A_670 = arith.constant 30 : i32
      %add3A_671 = arith.addi %mul3A_669, %add3A_670 : i32
      %add3A_672 = arith.constant 1 : i32
      %add3A_673 = arith.addi %add3A_671, %add3A_672 : i32
      %get3A_674 = arith.index_cast %add3A_673 : i32 to index
      %get3A_675 = memref.load %arg1[%get3A_674] : memref<1001xi32, #tpu.memory_space<smem>>
      %get3A_676 = arith.constant 30 : index
      %get3A_677 = arith.constant 0 : index
      %get3A_678 = arith.constant 0 : index
      %get3A_679 = vector.load %arg2[%get3A_676, %get3A_677, %get3A_678] : memref<40x128x128xf32, #tpu.memory_space<vmem>>, vector<1x128x128xf32>
      %get3A_680 = vector.shape_cast %get3A_679 : vector<1x128x128xf32> to vector<128x128xf32>
      %bitcast_convert_type3A_681 = tpu.bitcast %get3A_680 : vector<128x128xf32> -> vector<128x128xi32>
      %add3A_682 = arith.constant 32768 : i32
      %add3A_683 = vector.broadcast %add3A_682 : i32 to vector<128x128xi32>
      %add3A_684 = arith.addi %bitcast_convert_type3A_681, %add3A_683 : vector<128x128xi32>
      %bitcast_convert_type3A_685 = tpu.bitcast %add3A_684 : vector<128x128xi32> -> vector<128x128xf32>
      %convert_element_type3A_686 = arith.truncf %bitcast_convert_type3A_685 : vector<128x128xf32> to vector<128x128xbf16>
      %dot_general3A_687 = arith.constant dense<0.000000e+00> : vector<128x128xf32>
      %dot_general3A_688 = tpu.matmul %get3A_386, %convert_element_type3A_686, %dot_general3A_687 {dimension_numbers = #tpu.dot_dimension_numbers<[1], [1], [0], [0], [0, 0, 1, 0], [], []>, transpose_lhs_hint = false} : vector<128x128xbf16>, vector<128x128xbf16>, vector<128x128xf32> -> vector<128x128xf32>
      %get3A_689 = arith.constant 30 : index
      %get3A_690 = arith.constant 0 : index
      %get3A_691 = vector.load %arg3[%get3A_689, %get3A_690] : memref<40x128xf32, #tpu.memory_space<vmem>>, vector<1x128xf32>
      %get3A_692 = vector.shape_cast %get3A_691 : vector<1x128xf32> to vector<128xf32>
      %broadcast_in_dim3A_693 = vector.shape_cast %get3A_692 : vector<128xf32> to vector<1x128xf32>
      %add3A_694 = vector.broadcast %broadcast_in_dim3A_693 : vector<1x128xf32> to vector<128x128xf32>
      %add3A_695 = arith.addf %dot_general3A_688, %add3A_694 : vector<128x128xf32>
      %abs3A_696 = math.absf %add3A_695 : vector<128x128xf32>
      %ge3A_697 = vector.broadcast %get3A_667 : i32 to vector<128x1xi32>
      %ge3A_698 = arith.cmpi sge, %add3A_388, %ge3A_697 : vector<128x1xi32>
      %lt3A_699 = vector.broadcast %get3A_675 : i32 to vector<128x1xi32>
      %lt3A_700 = arith.cmpi slt, %add3A_388, %lt3A_699 : vector<128x1xi32>
      %and3A_701 = arith.andi %ge3A_698, %lt3A_700 : vector<128x1xi1>
      %jit3A_702 = arith.constant 0.000000e+00 : f32
      %broadcast_in_dim3A_703 = vector.shape_cast %and3A_701 : vector<128x1xi1> to vector<128x1xi1>
      %broadcast_in_dim3A_704 = vector.broadcast %broadcast_in_dim3A_703 : vector<128x1xi1> to vector<128x128xi1>
      %broadcast_in_dim3A_705 = vector.broadcast %jit3A_702 : f32 to vector<128x128xf32>
      %select_n3A_706 = arith.select %broadcast_in_dim3A_704, %abs3A_696, %broadcast_in_dim3A_705 : vector<128x128xi1>, vector<128x128xf32>
      %add3A_707 = arith.addf %add3A_661, %select_n3A_706 : vector<128x128xf32>
      %mul3A_708 = arith.constant 40 : i32
      %mul3A_709 = arith.muli %arg0, %mul3A_708 : i32
      %add3A_710 = arith.constant 31 : i32
      %add3A_711 = arith.addi %mul3A_709, %add3A_710 : i32
      %get3A_712 = arith.index_cast %add3A_711 : i32 to index
      %get3A_713 = memref.load %arg1[%get3A_712] : memref<1001xi32, #tpu.memory_space<smem>>
      %mul3A_714 = arith.constant 40 : i32
      %mul3A_715 = arith.muli %arg0, %mul3A_714 : i32
      %add3A_716 = arith.constant 31 : i32
      %add3A_717 = arith.addi %mul3A_715, %add3A_716 : i32
      %add3A_718 = arith.constant 1 : i32
      %add3A_719 = arith.addi %add3A_717, %add3A_718 : i32
      %get3A_720 = arith.index_cast %add3A_719 : i32 to index
      %get3A_721 = memref.load %arg1[%get3A_720] : memref<1001xi32, #tpu.memory_space<smem>>
      %get3A_722 = arith.constant 31 : index
      %get3A_723 = arith.constant 0 : index
      %get3A_724 = arith.constant 0 : index
      %get3A_725 = vector.load %arg2[%get3A_722, %get3A_723, %get3A_724] : memref<40x128x128xf32, #tpu.memory_space<vmem>>, vector<1x128x128xf32>
      %get3A_726 = vector.shape_cast %get3A_725 : vector<1x128x128xf32> to vector<128x128xf32>
      %bitcast_convert_type3A_727 = tpu.bitcast %get3A_726 : vector<128x128xf32> -> vector<128x128xi32>
      %add3A_728 = arith.constant 32768 : i32
      %add3A_729 = vector.broadcast %add3A_728 : i32 to vector<128x128xi32>
      %add3A_730 = arith.addi %bitcast_convert_type3A_727, %add3A_729 : vector<128x128xi32>
      %bitcast_convert_type3A_731 = tpu.bitcast %add3A_730 : vector<128x128xi32> -> vector<128x128xf32>
      %convert_element_type3A_732 = arith.truncf %bitcast_convert_type3A_731 : vector<128x128xf32> to vector<128x128xbf16>
      %dot_general3A_733 = arith.constant dense<0.000000e+00> : vector<128x128xf32>
      %dot_general3A_734 = tpu.matmul %get3A_386, %convert_element_type3A_732, %dot_general3A_733 {dimension_numbers = #tpu.dot_dimension_numbers<[1], [1], [0], [0], [0, 0, 1, 0], [], []>, transpose_lhs_hint = false} : vector<128x128xbf16>, vector<128x128xbf16>, vector<128x128xf32> -> vector<128x128xf32>
      %get3A_735 = arith.constant 31 : index
      %get3A_736 = arith.constant 0 : index
      %get3A_737 = vector.load %arg3[%get3A_735, %get3A_736] : memref<40x128xf32, #tpu.memory_space<vmem>>, vector<1x128xf32>
      %get3A_738 = vector.shape_cast %get3A_737 : vector<1x128xf32> to vector<128xf32>
      %broadcast_in_dim3A_739 = vector.shape_cast %get3A_738 : vector<128xf32> to vector<1x128xf32>
      %add3A_740 = vector.broadcast %broadcast_in_dim3A_739 : vector<1x128xf32> to vector<128x128xf32>
      %add3A_741 = arith.addf %dot_general3A_734, %add3A_740 : vector<128x128xf32>
      %abs3A_742 = math.absf %add3A_741 : vector<128x128xf32>
      %ge3A_743 = vector.broadcast %get3A_713 : i32 to vector<128x1xi32>
      %ge3A_744 = arith.cmpi sge, %add3A_388, %ge3A_743 : vector<128x1xi32>
      %lt3A_745 = vector.broadcast %get3A_721 : i32 to vector<128x1xi32>
      %lt3A_746 = arith.cmpi slt, %add3A_388, %lt3A_745 : vector<128x1xi32>
      %and3A_747 = arith.andi %ge3A_744, %lt3A_746 : vector<128x1xi1>
      %jit3A_748 = arith.constant 0.000000e+00 : f32
      %broadcast_in_dim3A_749 = vector.shape_cast %and3A_747 : vector<128x1xi1> to vector<128x1xi1>
      %broadcast_in_dim3A_750 = vector.broadcast %broadcast_in_dim3A_749 : vector<128x1xi1> to vector<128x128xi1>
      %broadcast_in_dim3A_751 = vector.broadcast %jit3A_748 : f32 to vector<128x128xf32>
      %select_n3A_752 = arith.select %broadcast_in_dim3A_750, %abs3A_742, %broadcast_in_dim3A_751 : vector<128x128xi1>, vector<128x128xf32>
      %add3A_753 = arith.addf %add3A_707, %select_n3A_752 : vector<128x128xf32>
      %swap3A = arith.index_cast %multiple_of3A : i32 to index
      %swap3A_754 = arith.constant 0 : index
      %swap3A_755 = vector.load %arg8[%swap3A, %swap3A_754] : memref<4096x128xf32, #tpu.memory_space<vmem>>, vector<128x128xf32>
      tpu.vector_store %arg8[%swap3A, %swap3A_754], %add3A_753 {strides = array<i32>} : memref<4096x128xf32, #tpu.memory_space<vmem>>, vector<128x128xf32>,
      %while3A_756 = arith.constant 0 : i32
      scf.yield %while3A_756 : i32
    }
    %while3A_296 = arith.constant 1 : i32
    %while3A_297 = scf.for %while3A_380 = %while3A_293 to %while3A_289 step %while3A_296 iter_args(%while3A_381 = %while3A_295) -> (i32)  : i32 {
      %mul3A_382 = arith.constant 128 : i32
      %mul3A_383 = arith.muli %while3A_380, %mul3A_382 : i32
      %multiple_of3A = tpu.assume_multiple %mul3A_383, 128 : i32
      %get3A_384 = arith.index_cast %multiple_of3A : i32 to index
      %get3A_385 = arith.constant 0 : index
      %get3A_386 = vector.load %arg7[%get3A_384, %get3A_385] : memref<4096x128xbf16, #tpu.memory_space<vmem>>, vector<128x128xbf16>
      %iota3A = tpu.iota {dimensions = array<i32: 0>} : vector<128x1xi32>
      %add3A_387 = vector.broadcast %multiple_of3A : i32 to vector<128x1xi32>
      %add3A_388 = arith.addi %add3A_387, %iota3A : vector<128x1xi32>
      %get3A_389 = arith.index_cast %multiple_of3A : i32 to index
      %get3A_390 = arith.constant 0 : index
      %get3A_391 = vector.load %arg8[%get3A_389, %get3A_390] : memref<4096x128xf32, #tpu.memory_space<vmem>>, vector<128x128xf32>
      %mul3A_392 = arith.constant 40 : i32
      %mul3A_393 = arith.muli %arg0, %mul3A_392 : i32
      %add3A_394 = arith.constant 24 : i32
      %add3A_395 = arith.addi %mul3A_393, %add3A_394 : i32
      %get3A_396 = arith.index_cast %add3A_395 : i32 to index
      %get3A_397 = memref.load %arg1[%get3A_396] : memref<1001xi32, #tpu.memory_space<smem>>
      %mul3A_398 = arith.constant 40 : i32
      %mul3A_399 = arith.muli %arg0, %mul3A_398 : i32
      %add3A_400 = arith.constant 24 : i32
      %add3A_401 = arith.addi %mul3A_399, %add3A_400 : i32
      %add3A_402 = arith.constant 1 : i32
      %add3A_403 = arith.addi %add3A_401, %add3A_402 : i32
      %get3A_404 = arith.index_cast %add3A_403 : i32 to index
      %get3A_405 = memref.load %arg1[%get3A_404] : memref<1001xi32, #tpu.memory_space<smem>>
      %get3A_406 = arith.constant 24 : index
      %get3A_407 = arith.constant 0 : index
      %get3A_408 = arith.constant 0 : index
      %get3A_409 = vector.load %arg2[%get3A_406, %get3A_407, %get3A_408] : memref<40x128x128xf32, #tpu.memory_space<vmem>>, vector<1x128x128xf32>
      %get3A_410 = vector.shape_cast %get3A_409 : vector<1x128x128xf32> to vector<128x128xf32>
      %bitcast_convert_type3A = tpu.bitcast %get3A_410 : vector<128x128xf32> -> vector<128x128xi32>
      %add3A_411 = arith.constant 32768 : i32
      %add3A_412 = vector.broadcast %add3A_411 : i32 to vector<128x128xi32>
      %add3A_413 = arith.addi %bitcast_convert_type3A, %add3A_412 : vector<128x128xi32>
      %bitcast_convert_type3A_414 = tpu.bitcast %add3A_413 : vector<128x128xi32> -> vector<128x128xf32>
      %convert_element_type3A_415 = arith.truncf %bitcast_convert_type3A_414 : vector<128x128xf32> to vector<128x128xbf16>
      %dot_general3A = arith.constant dense<0.000000e+00> : vector<128x128xf32>
      %dot_general3A_416 = tpu.matmul %get3A_386, %convert_element_type3A_415, %dot_general3A {dimension_numbers = #tpu.dot_dimension_numbers<[1], [1], [0], [0], [0, 0, 1, 0], [], []>, transpose_lhs_hint = false} : vector<128x128xbf16>, vector<128x128xbf16>, vector<128x128xf32> -> vector<128x128xf32>
      %get3A_417 = arith.constant 24 : index
      %get3A_418 = arith.constant 0 : index
      %get3A_419 = vector.load %arg3[%get3A_417, %get3A_418] : memref<40x128xf32, #tpu.memory_space<vmem>>, vector<1x128xf32>
      %get3A_420 = vector.shape_cast %get3A_419 : vector<1x128xf32> to vector<128xf32>
      %broadcast_in_dim3A = vector.shape_cast %get3A_420 : vector<128xf32> to vector<1x128xf32>
      %add3A_421 = vector.broadcast %broadcast_in_dim3A : vector<1x128xf32> to vector<128x128xf32>
      %add3A_422 = arith.addf %dot_general3A_416, %add3A_421 : vector<128x128xf32>
      %abs3A = math.absf %add3A_422 : vector<128x128xf32>
      %ge3A = vector.broadcast %get3A_397 : i32 to vector<128x1xi32>
      %ge3A_423 = arith.cmpi sge, %add3A_388, %ge3A : vector<128x1xi32>
      %lt3A = vector.broadcast %get3A_405 : i32 to vector<128x1xi32>
      %lt3A_424 = arith.cmpi slt, %add3A_388, %lt3A : vector<128x1xi32>
      %and3A_425 = arith.andi %ge3A_423, %lt3A_424 : vector<128x1xi1>
      %jit3A_426 = arith.constant 0.000000e+00 : f32
      %broadcast_in_dim3A_427 = vector.shape_cast %and3A_425 : vector<128x1xi1> to vector<128x1xi1>
      %broadcast_in_dim3A_428 = vector.broadcast %broadcast_in_dim3A_427 : vector<128x1xi1> to vector<128x128xi1>
      %broadcast_in_dim3A_429 = vector.broadcast %jit3A_426 : f32 to vector<128x128xf32>
      %select_n3A_430 = arith.select %broadcast_in_dim3A_428, %abs3A, %broadcast_in_dim3A_429 : vector<128x128xi1>, vector<128x128xf32>
      %add3A_431 = arith.addf %get3A_391, %select_n3A_430 : vector<128x128xf32>
      %mul3A_432 = arith.constant 40 : i32
      %mul3A_433 = arith.muli %arg0, %mul3A_432 : i32
      %add3A_434 = arith.constant 25 : i32
      %add3A_435 = arith.addi %mul3A_433, %add3A_434 : i32
      %get3A_436 = arith.index_cast %add3A_435 : i32 to index
      %get3A_437 = memref.load %arg1[%get3A_436] : memref<1001xi32, #tpu.memory_space<smem>>
      %mul3A_438 = arith.constant 40 : i32
      %mul3A_439 = arith.muli %arg0, %mul3A_438 : i32
      %add3A_440 = arith.constant 25 : i32
      %add3A_441 = arith.addi %mul3A_439, %add3A_440 : i32
      %add3A_442 = arith.constant 1 : i32
      %add3A_443 = arith.addi %add3A_441, %add3A_442 : i32
      %get3A_444 = arith.index_cast %add3A_443 : i32 to index
      %get3A_445 = memref.load %arg1[%get3A_444] : memref<1001xi32, #tpu.memory_space<smem>>
      %get3A_446 = arith.constant 25 : index
      %get3A_447 = arith.constant 0 : index
      %get3A_448 = arith.constant 0 : index
      %get3A_449 = vector.load %arg2[%get3A_446, %get3A_447, %get3A_448] : memref<40x128x128xf32, #tpu.memory_space<vmem>>, vector<1x128x128xf32>
      %get3A_450 = vector.shape_cast %get3A_449 : vector<1x128x128xf32> to vector<128x128xf32>
      %bitcast_convert_type3A_451 = tpu.bitcast %get3A_450 : vector<128x128xf32> -> vector<128x128xi32>
      %add3A_452 = arith.constant 32768 : i32
      %add3A_453 = vector.broadcast %add3A_452 : i32 to vector<128x128xi32>
      %add3A_454 = arith.addi %bitcast_convert_type3A_451, %add3A_453 : vector<128x128xi32>
      %bitcast_convert_type3A_455 = tpu.bitcast %add3A_454 : vector<128x128xi32> -> vector<128x128xf32>
      %convert_element_type3A_456 = arith.truncf %bitcast_convert_type3A_455 : vector<128x128xf32> to vector<128x128xbf16>
      %dot_general3A_457 = arith.constant dense<0.000000e+00> : vector<128x128xf32>
      %dot_general3A_458 = tpu.matmul %get3A_386, %convert_element_type3A_456, %dot_general3A_457 {dimension_numbers = #tpu.dot_dimension_numbers<[1], [1], [0], [0], [0, 0, 1, 0], [], []>, transpose_lhs_hint = false} : vector<128x128xbf16>, vector<128x128xbf16>, vector<128x128xf32> -> vector<128x128xf32>
      %get3A_459 = arith.constant 25 : index
      %get3A_460 = arith.constant 0 : index
      %get3A_461 = vector.load %arg3[%get3A_459, %get3A_460] : memref<40x128xf32, #tpu.memory_space<vmem>>, vector<1x128xf32>
      %get3A_462 = vector.shape_cast %get3A_461 : vector<1x128xf32> to vector<128xf32>
      %broadcast_in_dim3A_463 = vector.shape_cast %get3A_462 : vector<128xf32> to vector<1x128xf32>
      %add3A_464 = vector.broadcast %broadcast_in_dim3A_463 : vector<1x128xf32> to vector<128x128xf32>
      %add3A_465 = arith.addf %dot_general3A_458, %add3A_464 : vector<128x128xf32>
      %abs3A_466 = math.absf %add3A_465 : vector<128x128xf32>
      %ge3A_467 = vector.broadcast %get3A_437 : i32 to vector<128x1xi32>
      %ge3A_468 = arith.cmpi sge, %add3A_388, %ge3A_467 : vector<128x1xi32>
      %lt3A_469 = vector.broadcast %get3A_445 : i32 to vector<128x1xi32>
      %lt3A_470 = arith.cmpi slt, %add3A_388, %lt3A_469 : vector<128x1xi32>
      %and3A_471 = arith.andi %ge3A_468, %lt3A_470 : vector<128x1xi1>
      %jit3A_472 = arith.constant 0.000000e+00 : f32
      %broadcast_in_dim3A_473 = vector.shape_cast %and3A_471 : vector<128x1xi1> to vector<128x1xi1>
      %broadcast_in_dim3A_474 = vector.broadcast %broadcast_in_dim3A_473 : vector<128x1xi1> to vector<128x128xi1>
      %broadcast_in_dim3A_475 = vector.broadcast %jit3A_472 : f32 to vector<128x128xf32>
      %select_n3A_476 = arith.select %broadcast_in_dim3A_474, %abs3A_466, %broadcast_in_dim3A_475 : vector<128x128xi1>, vector<128x128xf32>
      %add3A_477 = arith.addf %add3A_431, %select_n3A_476 : vector<128x128xf32>
      %mul3A_478 = arith.constant 40 : i32
      %mul3A_479 = arith.muli %arg0, %mul3A_478 : i32
      %add3A_480 = arith.constant 26 : i32
      %add3A_481 = arith.addi %mul3A_479, %add3A_480 : i32
      %get3A_482 = arith.index_cast %add3A_481 : i32 to index
      %get3A_483 = memref.load %arg1[%get3A_482] : memref<1001xi32, #tpu.memory_space<smem>>
      %mul3A_484 = arith.constant 40 : i32
      %mul3A_485 = arith.muli %arg0, %mul3A_484 : i32
      %add3A_486 = arith.constant 26 : i32
      %add3A_487 = arith.addi %mul3A_485, %add3A_486 : i32
      %add3A_488 = arith.constant 1 : i32
      %add3A_489 = arith.addi %add3A_487, %add3A_488 : i32
      %get3A_490 = arith.index_cast %add3A_489 : i32 to index
      %get3A_491 = memref.load %arg1[%get3A_490] : memref<1001xi32, #tpu.memory_space<smem>>
      %get3A_492 = arith.constant 26 : index
      %get3A_493 = arith.constant 0 : index
      %get3A_494 = arith.constant 0 : index
      %get3A_495 = vector.load %arg2[%get3A_492, %get3A_493, %get3A_494] : memref<40x128x128xf32, #tpu.memory_space<vmem>>, vector<1x128x128xf32>
      %get3A_496 = vector.shape_cast %get3A_495 : vector<1x128x128xf32> to vector<128x128xf32>
      %bitcast_convert_type3A_497 = tpu.bitcast %get3A_496 : vector<128x128xf32> -> vector<128x128xi32>
      %add3A_498 = arith.constant 32768 : i32
      %add3A_499 = vector.broadcast %add3A_498 : i32 to vector<128x128xi32>
      %add3A_500 = arith.addi %bitcast_convert_type3A_497, %add3A_499 : vector<128x128xi32>
      %bitcast_convert_type3A_501 = tpu.bitcast %add3A_500 : vector<128x128xi32> -> vector<128x128xf32>
      %convert_element_type3A_502 = arith.truncf %bitcast_convert_type3A_501 : vector<128x128xf32> to vector<128x128xbf16>
      %dot_general3A_503 = arith.constant dense<0.000000e+00> : vector<128x128xf32>
      %dot_general3A_504 = tpu.matmul %get3A_386, %convert_element_type3A_502, %dot_general3A_503 {dimension_numbers = #tpu.dot_dimension_numbers<[1], [1], [0], [0], [0, 0, 1, 0], [], []>, transpose_lhs_hint = false} : vector<128x128xbf16>, vector<128x128xbf16>, vector<128x128xf32> -> vector<128x128xf32>
      %get3A_505 = arith.constant 26 : index
      %get3A_506 = arith.constant 0 : index
      %get3A_507 = vector.load %arg3[%get3A_505, %get3A_506] : memref<40x128xf32, #tpu.memory_space<vmem>>, vector<1x128xf32>
      %get3A_508 = vector.shape_cast %get3A_507 : vector<1x128xf32> to vector<128xf32>
      %broadcast_in_dim3A_509 = vector.shape_cast %get3A_508 : vector<128xf32> to vector<1x128xf32>
      %add3A_510 = vector.broadcast %broadcast_in_dim3A_509 : vector<1x128xf32> to vector<128x128xf32>
      %add3A_511 = arith.addf %dot_general3A_504, %add3A_510 : vector<128x128xf32>
      %abs3A_512 = math.absf %add3A_511 : vector<128x128xf32>
      %ge3A_513 = vector.broadcast %get3A_483 : i32 to vector<128x1xi32>
      %ge3A_514 = arith.cmpi sge, %add3A_388, %ge3A_513 : vector<128x1xi32>
      %lt3A_515 = vector.broadcast %get3A_491 : i32 to vector<128x1xi32>
      %lt3A_516 = arith.cmpi slt, %add3A_388, %lt3A_515 : vector<128x1xi32>
      %and3A_517 = arith.andi %ge3A_514, %lt3A_516 : vector<128x1xi1>
      %jit3A_518 = arith.constant 0.000000e+00 : f32
      %broadcast_in_dim3A_519 = vector.shape_cast %and3A_517 : vector<128x1xi1> to vector<128x1xi1>
      %broadcast_in_dim3A_520 = vector.broadcast %broadcast_in_dim3A_519 : vector<128x1xi1> to vector<128x128xi1>
      %broadcast_in_dim3A_521 = vector.broadcast %jit3A_518 : f32 to vector<128x128xf32>
      %select_n3A_522 = arith.select %broadcast_in_dim3A_520, %abs3A_512, %broadcast_in_dim3A_521 : vector<128x128xi1>, vector<128x128xf32>
      %add3A_523 = arith.addf %add3A_477, %select_n3A_522 : vector<128x128xf32>
      %mul3A_524 = arith.constant 40 : i32
      %mul3A_525 = arith.muli %arg0, %mul3A_524 : i32
      %add3A_526 = arith.constant 27 : i32
      %add3A_527 = arith.addi %mul3A_525, %add3A_526 : i32
      %get3A_528 = arith.index_cast %add3A_527 : i32 to index
      %get3A_529 = memref.load %arg1[%get3A_528] : memref<1001xi32, #tpu.memory_space<smem>>
      %mul3A_530 = arith.constant 40 : i32
      %mul3A_531 = arith.muli %arg0, %mul3A_530 : i32
      %add3A_532 = arith.constant 27 : i32
      %add3A_533 = arith.addi %mul3A_531, %add3A_532 : i32
      %add3A_534 = arith.constant 1 : i32
      %add3A_535 = arith.addi %add3A_533, %add3A_534 : i32
      %get3A_536 = arith.index_cast %add3A_535 : i32 to index
      %get3A_537 = memref.load %arg1[%get3A_536] : memref<1001xi32, #tpu.memory_space<smem>>
      %get3A_538 = arith.constant 27 : index
      %get3A_539 = arith.constant 0 : index
      %get3A_540 = arith.constant 0 : index
      %get3A_541 = vector.load %arg2[%get3A_538, %get3A_539, %get3A_540] : memref<40x128x128xf32, #tpu.memory_space<vmem>>, vector<1x128x128xf32>
      %get3A_542 = vector.shape_cast %get3A_541 : vector<1x128x128xf32> to vector<128x128xf32>
      %bitcast_convert_type3A_543 = tpu.bitcast %get3A_542 : vector<128x128xf32> -> vector<128x128xi32>
      %add3A_544 = arith.constant 32768 : i32
      %add3A_545 = vector.broadcast %add3A_544 : i32 to vector<128x128xi32>
      %add3A_546 = arith.addi %bitcast_convert_type3A_543, %add3A_545 : vector<128x128xi32>
      %bitcast_convert_type3A_547 = tpu.bitcast %add3A_546 : vector<128x128xi32> -> vector<128x128xf32>
      %convert_element_type3A_548 = arith.truncf %bitcast_convert_type3A_547 : vector<128x128xf32> to vector<128x128xbf16>
      %dot_general3A_549 = arith.constant dense<0.000000e+00> : vector<128x128xf32>
      %dot_general3A_550 = tpu.matmul %get3A_386, %convert_element_type3A_548, %dot_general3A_549 {dimension_numbers = #tpu.dot_dimension_numbers<[1], [1], [0], [0], [0, 0, 1, 0], [], []>, transpose_lhs_hint = false} : vector<128x128xbf16>, vector<128x128xbf16>, vector<128x128xf32> -> vector<128x128xf32>
      %get3A_551 = arith.constant 27 : index
      %get3A_552 = arith.constant 0 : index
      %get3A_553 = vector.load %arg3[%get3A_551, %get3A_552] : memref<40x128xf32, #tpu.memory_space<vmem>>, vector<1x128xf32>
      %get3A_554 = vector.shape_cast %get3A_553 : vector<1x128xf32> to vector<128xf32>
      %broadcast_in_dim3A_555 = vector.shape_cast %get3A_554 : vector<128xf32> to vector<1x128xf32>
      %add3A_556 = vector.broadcast %broadcast_in_dim3A_555 : vector<1x128xf32> to vector<128x128xf32>
      %add3A_557 = arith.addf %dot_general3A_550, %add3A_556 : vector<128x128xf32>
      %abs3A_558 = math.absf %add3A_557 : vector<128x128xf32>
      %ge3A_559 = vector.broadcast %get3A_529 : i32 to vector<128x1xi32>
      %ge3A_560 = arith.cmpi sge, %add3A_388, %ge3A_559 : vector<128x1xi32>
      %lt3A_561 = vector.broadcast %get3A_537 : i32 to vector<128x1xi32>
      %lt3A_562 = arith.cmpi slt, %add3A_388, %lt3A_561 : vector<128x1xi32>
      %and3A_563 = arith.andi %ge3A_560, %lt3A_562 : vector<128x1xi1>
      %jit3A_564 = arith.constant 0.000000e+00 : f32
      %broadcast_in_dim3A_565 = vector.shape_cast %and3A_563 : vector<128x1xi1> to vector<128x1xi1>
      %broadcast_in_dim3A_566 = vector.broadcast %broadcast_in_dim3A_565 : vector<128x1xi1> to vector<128x128xi1>
      %broadcast_in_dim3A_567 = vector.broadcast %jit3A_564 : f32 to vector<128x128xf32>
      %select_n3A_568 = arith.select %broadcast_in_dim3A_566, %abs3A_558, %broadcast_in_dim3A_567 : vector<128x128xi1>, vector<128x128xf32>
      %add3A_569 = arith.addf %add3A_523, %select_n3A_568 : vector<128x128xf32>
      %mul3A_570 = arith.constant 40 : i32
      %mul3A_571 = arith.muli %arg0, %mul3A_570 : i32
      %add3A_572 = arith.constant 28 : i32
      %add3A_573 = arith.addi %mul3A_571, %add3A_572 : i32
      %get3A_574 = arith.index_cast %add3A_573 : i32 to index
      %get3A_575 = memref.load %arg1[%get3A_574] : memref<1001xi32, #tpu.memory_space<smem>>
      %mul3A_576 = arith.constant 40 : i32
      %mul3A_577 = arith.muli %arg0, %mul3A_576 : i32
      %add3A_578 = arith.constant 28 : i32
      %add3A_579 = arith.addi %mul3A_577, %add3A_578 : i32
      %add3A_580 = arith.constant 1 : i32
      %add3A_581 = arith.addi %add3A_579, %add3A_580 : i32
      %get3A_582 = arith.index_cast %add3A_581 : i32 to index
      %get3A_583 = memref.load %arg1[%get3A_582] : memref<1001xi32, #tpu.memory_space<smem>>
      %get3A_584 = arith.constant 28 : index
      %get3A_585 = arith.constant 0 : index
      %get3A_586 = arith.constant 0 : index
      %get3A_587 = vector.load %arg2[%get3A_584, %get3A_585, %get3A_586] : memref<40x128x128xf32, #tpu.memory_space<vmem>>, vector<1x128x128xf32>
      %get3A_588 = vector.shape_cast %get3A_587 : vector<1x128x128xf32> to vector<128x128xf32>
      %bitcast_convert_type3A_589 = tpu.bitcast %get3A_588 : vector<128x128xf32> -> vector<128x128xi32>
      %add3A_590 = arith.constant 32768 : i32
      %add3A_591 = vector.broadcast %add3A_590 : i32 to vector<128x128xi32>
      %add3A_592 = arith.addi %bitcast_convert_type3A_589, %add3A_591 : vector<128x128xi32>
      %bitcast_convert_type3A_593 = tpu.bitcast %add3A_592 : vector<128x128xi32> -> vector<128x128xf32>
      %convert_element_type3A_594 = arith.truncf %bitcast_convert_type3A_593 : vector<128x128xf32> to vector<128x128xbf16>
      %dot_general3A_595 = arith.constant dense<0.000000e+00> : vector<128x128xf32>
      %dot_general3A_596 = tpu.matmul %get3A_386, %convert_element_type3A_594, %dot_general3A_595 {dimension_numbers = #tpu.dot_dimension_numbers<[1], [1], [0], [0], [0, 0, 1, 0], [], []>, transpose_lhs_hint = false} : vector<128x128xbf16>, vector<128x128xbf16>, vector<128x128xf32> -> vector<128x128xf32>
      %get3A_597 = arith.constant 28 : index
      %get3A_598 = arith.constant 0 : index
      %get3A_599 = vector.load %arg3[%get3A_597, %get3A_598] : memref<40x128xf32, #tpu.memory_space<vmem>>, vector<1x128xf32>
      %get3A_600 = vector.shape_cast %get3A_599 : vector<1x128xf32> to vector<128xf32>
      %broadcast_in_dim3A_601 = vector.shape_cast %get3A_600 : vector<128xf32> to vector<1x128xf32>
      %add3A_602 = vector.broadcast %broadcast_in_dim3A_601 : vector<1x128xf32> to vector<128x128xf32>
      %add3A_603 = arith.addf %dot_general3A_596, %add3A_602 : vector<128x128xf32>
      %abs3A_604 = math.absf %add3A_603 : vector<128x128xf32>
      %ge3A_605 = vector.broadcast %get3A_575 : i32 to vector<128x1xi32>
      %ge3A_606 = arith.cmpi sge, %add3A_388, %ge3A_605 : vector<128x1xi32>
      %lt3A_607 = vector.broadcast %get3A_583 : i32 to vector<128x1xi32>
      %lt3A_608 = arith.cmpi slt, %add3A_388, %lt3A_607 : vector<128x1xi32>
      %and3A_609 = arith.andi %ge3A_606, %lt3A_608 : vector<128x1xi1>
      %jit3A_610 = arith.constant 0.000000e+00 : f32
      %broadcast_in_dim3A_611 = vector.shape_cast %and3A_609 : vector<128x1xi1> to vector<128x1xi1>
      %broadcast_in_dim3A_612 = vector.broadcast %broadcast_in_dim3A_611 : vector<128x1xi1> to vector<128x128xi1>
      %broadcast_in_dim3A_613 = vector.broadcast %jit3A_610 : f32 to vector<128x128xf32>
      %select_n3A_614 = arith.select %broadcast_in_dim3A_612, %abs3A_604, %broadcast_in_dim3A_613 : vector<128x128xi1>, vector<128x128xf32>
      %add3A_615 = arith.addf %add3A_569, %select_n3A_614 : vector<128x128xf32>
      %mul3A_616 = arith.constant 40 : i32
      %mul3A_617 = arith.muli %arg0, %mul3A_616 : i32
      %add3A_618 = arith.constant 29 : i32
      %add3A_619 = arith.addi %mul3A_617, %add3A_618 : i32
      %get3A_620 = arith.index_cast %add3A_619 : i32 to index
      %get3A_621 = memref.load %arg1[%get3A_620] : memref<1001xi32, #tpu.memory_space<smem>>
      %mul3A_622 = arith.constant 40 : i32
      %mul3A_623 = arith.muli %arg0, %mul3A_622 : i32
      %add3A_624 = arith.constant 29 : i32
      %add3A_625 = arith.addi %mul3A_623, %add3A_624 : i32
      %add3A_626 = arith.constant 1 : i32
      %add3A_627 = arith.addi %add3A_625, %add3A_626 : i32
      %get3A_628 = arith.index_cast %add3A_627 : i32 to index
      %get3A_629 = memref.load %arg1[%get3A_628] : memref<1001xi32, #tpu.memory_space<smem>>
      %get3A_630 = arith.constant 29 : index
      %get3A_631 = arith.constant 0 : index
      %get3A_632 = arith.constant 0 : index
      %get3A_633 = vector.load %arg2[%get3A_630, %get3A_631, %get3A_632] : memref<40x128x128xf32, #tpu.memory_space<vmem>>, vector<1x128x128xf32>
      %get3A_634 = vector.shape_cast %get3A_633 : vector<1x128x128xf32> to vector<128x128xf32>
      %bitcast_convert_type3A_635 = tpu.bitcast %get3A_634 : vector<128x128xf32> -> vector<128x128xi32>
      %add3A_636 = arith.constant 32768 : i32
      %add3A_637 = vector.broadcast %add3A_636 : i32 to vector<128x128xi32>
      %add3A_638 = arith.addi %bitcast_convert_type3A_635, %add3A_637 : vector<128x128xi32>
      %bitcast_convert_type3A_639 = tpu.bitcast %add3A_638 : vector<128x128xi32> -> vector<128x128xf32>
      %convert_element_type3A_640 = arith.truncf %bitcast_convert_type3A_639 : vector<128x128xf32> to vector<128x128xbf16>
      %dot_general3A_641 = arith.constant dense<0.000000e+00> : vector<128x128xf32>
      %dot_general3A_642 = tpu.matmul %get3A_386, %convert_element_type3A_640, %dot_general3A_641 {dimension_numbers = #tpu.dot_dimension_numbers<[1], [1], [0], [0], [0, 0, 1, 0], [], []>, transpose_lhs_hint = false} : vector<128x128xbf16>, vector<128x128xbf16>, vector<128x128xf32> -> vector<128x128xf32>
      %get3A_643 = arith.constant 29 : index
      %get3A_644 = arith.constant 0 : index
      %get3A_645 = vector.load %arg3[%get3A_643, %get3A_644] : memref<40x128xf32, #tpu.memory_space<vmem>>, vector<1x128xf32>
      %get3A_646 = vector.shape_cast %get3A_645 : vector<1x128xf32> to vector<128xf32>
      %broadcast_in_dim3A_647 = vector.shape_cast %get3A_646 : vector<128xf32> to vector<1x128xf32>
      %add3A_648 = vector.broadcast %broadcast_in_dim3A_647 : vector<1x128xf32> to vector<128x128xf32>
      %add3A_649 = arith.addf %dot_general3A_642, %add3A_648 : vector<128x128xf32>
      %abs3A_650 = math.absf %add3A_649 : vector<128x128xf32>
      %ge3A_651 = vector.broadcast %get3A_621 : i32 to vector<128x1xi32>
      %ge3A_652 = arith.cmpi sge, %add3A_388, %ge3A_651 : vector<128x1xi32>
      %lt3A_653 = vector.broadcast %get3A_629 : i32 to vector<128x1xi32>
      %lt3A_654 = arith.cmpi slt, %add3A_388, %lt3A_653 : vector<128x1xi32>
      %and3A_655 = arith.andi %ge3A_652, %lt3A_654 : vector<128x1xi1>
      %jit3A_656 = arith.constant 0.000000e+00 : f32
      %broadcast_in_dim3A_657 = vector.shape_cast %and3A_655 : vector<128x1xi1> to vector<128x1xi1>
      %broadcast_in_dim3A_658 = vector.broadcast %broadcast_in_dim3A_657 : vector<128x1xi1> to vector<128x128xi1>
      %broadcast_in_dim3A_659 = vector.broadcast %jit3A_656 : f32 to vector<128x128xf32>
      %select_n3A_660 = arith.select %broadcast_in_dim3A_658, %abs3A_650, %broadcast_in_dim3A_659 : vector<128x128xi1>, vector<128x128xf32>
      %add3A_661 = arith.addf %add3A_615, %select_n3A_660 : vector<128x128xf32>
      %mul3A_662 = arith.constant 40 : i32
      %mul3A_663 = arith.muli %arg0, %mul3A_662 : i32
      %add3A_664 = arith.constant 30 : i32
      %add3A_665 = arith.addi %mul3A_663, %add3A_664 : i32
      %get3A_666 = arith.index_cast %add3A_665 : i32 to index
      %get3A_667 = memref.load %arg1[%get3A_666] : memref<1001xi32, #tpu.memory_space<smem>>
      %mul3A_668 = arith.constant 40 : i32
      %mul3A_669 = arith.muli %arg0, %mul3A_668 : i32
      %add3A_670 = arith.constant 30 : i32
      %add3A_671 = arith.addi %mul3A_669, %add3A_670 : i32
      %add3A_672 = arith.constant 1 : i32
      %add3A_673 = arith.addi %add3A_671, %add3A_672 : i32
      %get3A_674 = arith.index_cast %add3A_673 : i32 to index
      %get3A_675 = memref.load %arg1[%get3A_674] : memref<1001xi32, #tpu.memory_space<smem>>
      %get3A_676 = arith.constant 30 : index
      %get3A_677 = arith.constant 0 : index
      %get3A_678 = arith.constant 0 : index
      %get3A_679 = vector.load %arg2[%get3A_676, %get3A_677, %get3A_678] : memref<40x128x128xf32, #tpu.memory_space<vmem>>, vector<1x128x128xf32>
      %get3A_680 = vector.shape_cast %get3A_679 : vector<1x128x128xf32> to vector<128x128xf32>
      %bitcast_convert_type3A_681 = tpu.bitcast %get3A_680 : vector<128x128xf32> -> vector<128x128xi32>
      %add3A_682 = arith.constant 32768 : i32
      %add3A_683 = vector.broadcast %add3A_682 : i32 to vector<128x128xi32>
      %add3A_684 = arith.addi %bitcast_convert_type3A_681, %add3A_683 : vector<128x128xi32>
      %bitcast_convert_type3A_685 = tpu.bitcast %add3A_684 : vector<128x128xi32> -> vector<128x128xf32>
      %convert_element_type3A_686 = arith.truncf %bitcast_convert_type3A_685 : vector<128x128xf32> to vector<128x128xbf16>
      %dot_general3A_687 = arith.constant dense<0.000000e+00> : vector<128x128xf32>
      %dot_general3A_688 = tpu.matmul %get3A_386, %convert_element_type3A_686, %dot_general3A_687 {dimension_numbers = #tpu.dot_dimension_numbers<[1], [1], [0], [0], [0, 0, 1, 0], [], []>, transpose_lhs_hint = false} : vector<128x128xbf16>, vector<128x128xbf16>, vector<128x128xf32> -> vector<128x128xf32>
      %get3A_689 = arith.constant 30 : index
      %get3A_690 = arith.constant 0 : index
      %get3A_691 = vector.load %arg3[%get3A_689, %get3A_690] : memref<40x128xf32, #tpu.memory_space<vmem>>, vector<1x128xf32>
      %get3A_692 = vector.shape_cast %get3A_691 : vector<1x128xf32> to vector<128xf32>
      %broadcast_in_dim3A_693 = vector.shape_cast %get3A_692 : vector<128xf32> to vector<1x128xf32>
      %add3A_694 = vector.broadcast %broadcast_in_dim3A_693 : vector<1x128xf32> to vector<128x128xf32>
      %add3A_695 = arith.addf %dot_general3A_688, %add3A_694 : vector<128x128xf32>
      %abs3A_696 = math.absf %add3A_695 : vector<128x128xf32>
      %ge3A_697 = vector.broadcast %get3A_667 : i32 to vector<128x1xi32>
      %ge3A_698 = arith.cmpi sge, %add3A_388, %ge3A_697 : vector<128x1xi32>
      %lt3A_699 = vector.broadcast %get3A_675 : i32 to vector<128x1xi32>
      %lt3A_700 = arith.cmpi slt, %add3A_388, %lt3A_699 : vector<128x1xi32>
      %and3A_701 = arith.andi %ge3A_698, %lt3A_700 : vector<128x1xi1>
      %jit3A_702 = arith.constant 0.000000e+00 : f32
      %broadcast_in_dim3A_703 = vector.shape_cast %and3A_701 : vector<128x1xi1> to vector<128x1xi1>
      %broadcast_in_dim3A_704 = vector.broadcast %broadcast_in_dim3A_703 : vector<128x1xi1> to vector<128x128xi1>
      %broadcast_in_dim3A_705 = vector.broadcast %jit3A_702 : f32 to vector<128x128xf32>
      %select_n3A_706 = arith.select %broadcast_in_dim3A_704, %abs3A_696, %broadcast_in_dim3A_705 : vector<128x128xi1>, vector<128x128xf32>
      %add3A_707 = arith.addf %add3A_661, %select_n3A_706 : vector<128x128xf32>
      %mul3A_708 = arith.constant 40 : i32
      %mul3A_709 = arith.muli %arg0, %mul3A_708 : i32
      %add3A_710 = arith.constant 31 : i32
      %add3A_711 = arith.addi %mul3A_709, %add3A_710 : i32
      %get3A_712 = arith.index_cast %add3A_711 : i32 to index
      %get3A_713 = memref.load %arg1[%get3A_712] : memref<1001xi32, #tpu.memory_space<smem>>
      %mul3A_714 = arith.constant 40 : i32
      %mul3A_715 = arith.muli %arg0, %mul3A_714 : i32
      %add3A_716 = arith.constant 31 : i32
      %add3A_717 = arith.addi %mul3A_715, %add3A_716 : i32
      %add3A_718 = arith.constant 1 : i32
      %add3A_719 = arith.addi %add3A_717, %add3A_718 : i32
      %get3A_720 = arith.index_cast %add3A_719 : i32 to index
      %get3A_721 = memref.load %arg1[%get3A_720] : memref<1001xi32, #tpu.memory_space<smem>>
      %get3A_722 = arith.constant 31 : index
      %get3A_723 = arith.constant 0 : index
      %get3A_724 = arith.constant 0 : index
      %get3A_725 = vector.load %arg2[%get3A_722, %get3A_723, %get3A_724] : memref<40x128x128xf32, #tpu.memory_space<vmem>>, vector<1x128x128xf32>
      %get3A_726 = vector.shape_cast %get3A_725 : vector<1x128x128xf32> to vector<128x128xf32>
      %bitcast_convert_type3A_727 = tpu.bitcast %get3A_726 : vector<128x128xf32> -> vector<128x128xi32>
      %add3A_728 = arith.constant 32768 : i32
      %add3A_729 = vector.broadcast %add3A_728 : i32 to vector<128x128xi32>
      %add3A_730 = arith.addi %bitcast_convert_type3A_727, %add3A_729 : vector<128x128xi32>
      %bitcast_convert_type3A_731 = tpu.bitcast %add3A_730 : vector<128x128xi32> -> vector<128x128xf32>
      %convert_element_type3A_732 = arith.truncf %bitcast_convert_type3A_731 : vector<128x128xf32> to vector<128x128xbf16>
      %dot_general3A_733 = arith.constant dense<0.000000e+00> : vector<128x128xf32>
      %dot_general3A_734 = tpu.matmul %get3A_386, %convert_element_type3A_732, %dot_general3A_733 {dimension_numbers = #tpu.dot_dimension_numbers<[1], [1], [0], [0], [0, 0, 1, 0], [], []>, transpose_lhs_hint = false} : vector<128x128xbf16>, vector<128x128xbf16>, vector<128x128xf32> -> vector<128x128xf32>
      %get3A_735 = arith.constant 31 : index
      %get3A_736 = arith.constant 0 : index
      %get3A_737 = vector.load %arg3[%get3A_735, %get3A_736] : memref<40x128xf32, #tpu.memory_space<vmem>>, vector<1x128xf32>
      %get3A_738 = vector.shape_cast %get3A_737 : vector<1x128xf32> to vector<128xf32>
      %broadcast_in_dim3A_739 = vector.shape_cast %get3A_738 : vector<128xf32> to vector<1x128xf32>
      %add3A_740 = vector.broadcast %broadcast_in_dim3A_739 : vector<1x128xf32> to vector<128x128xf32>
      %add3A_741 = arith.addf %dot_general3A_734, %add3A_740 : vector<128x128xf32>
      %abs3A_742 = math.absf %add3A_741 : vector<128x128xf32>
      %ge3A_743 = vector.broadcast %get3A_713 : i32 to vector<128x1xi32>
      %ge3A_744 = arith.cmpi sge, %add3A_388, %ge3A_743 : vector<128x1xi32>
      %lt3A_745 = vector.broadcast %get3A_721 : i32 to vector<128x1xi32>
      %lt3A_746 = arith.cmpi slt, %add3A_388, %lt3A_745 : vector<128x1xi32>
      %and3A_747 = arith.andi %ge3A_744, %lt3A_746 : vector<128x1xi1>
      %jit3A_748 = arith.constant 0.000000e+00 : f32
      %broadcast_in_dim3A_749 = vector.shape_cast %and3A_747 : vector<128x1xi1> to vector<128x1xi1>
      %broadcast_in_dim3A_750 = vector.broadcast %broadcast_in_dim3A_749 : vector<128x1xi1> to vector<128x128xi1>
      %broadcast_in_dim3A_751 = vector.broadcast %jit3A_748 : f32 to vector<128x128xf32>
      %select_n3A_752 = arith.select %broadcast_in_dim3A_750, %abs3A_742, %broadcast_in_dim3A_751 : vector<128x128xi1>, vector<128x128xf32>
      %add3A_753 = arith.addf %add3A_707, %select_n3A_752 : vector<128x128xf32>
      %swap3A = arith.index_cast %multiple_of3A : i32 to index
      %swap3A_754 = arith.constant 0 : index
      %swap3A_755 = vector.load %arg8[%swap3A, %swap3A_754] : memref<4096x128xf32, #tpu.memory_space<vmem>>, vector<128x128xf32>
      tpu.vector_store %arg8[%swap3A, %swap3A_754], %add3A_753 {strides = array<i32>} : memref<4096x128xf32, #tpu.memory_space<vmem>>, vector<128x128xf32>,
      %while3A_756 = arith.constant 0 : i32
      scf.yield %while3A_756 : i32
    }
    %mul3A_298 = arith.constant 40 : i32
    %mul3A_299 = arith.muli %arg0, %mul3A_298 : i32
    %add3A_300 = arith.constant 32 : i32
    %add3A_301 = arith.addi %mul3A_299, %add3A_300 : i32
    %get3A_302 = arith.index_cast %add3A_301 : i32 to index
    %get3A_303 = memref.load %arg1[%get3A_302] : memref<1001xi32, #tpu.memory_space<smem>>
    %mul3A_304 = arith.constant 40 : i32
    %mul3A_305 = arith.muli %arg0, %mul3A_304 : i32
    %add3A_306 = arith.constant 32 : i32
    %add3A_307 = arith.addi %mul3A_305, %add3A_306 : i32
    %add3A_308 = arith.constant 8 : i32
    %add3A_309 = arith.addi %add3A_307, %add3A_308 : i32
    %get3A_310 = arith.index_cast %add3A_309 : i32 to index
    %get3A_311 = memref.load %arg1[%get3A_310] : memref<1001xi32, #tpu.memory_space<smem>>
    %jit3A_312 = arith.constant 128 : i32
    %div3A_313 = arith.divsi %get3A_303, %jit3A_312 : i32
    %sign3A_314 = arith.constant 0 : i32
    %sign3A_315 = arith.cmpi sgt, %get3A_303, %sign3A_314 : i32
    %sign3A_316 = arith.extui %sign3A_315 : i1 to i32
    %sign3A_317 = arith.constant 0 : i32
    %sign3A_318 = arith.cmpi slt, %get3A_303, %sign3A_317 : i32
    %sign3A_319 = arith.extui %sign3A_318 : i1 to i32
    %sign3A_320 = arith.subi %sign3A_316, %sign3A_319 : i32
    %sign3A_321 = arith.constant 0 : i32
    %sign3A_322 = arith.cmpi sgt, %jit3A_312, %sign3A_321 : i32
    %sign3A_323 = arith.extui %sign3A_322 : i1 to i32
    %sign3A_324 = arith.constant 0 : i32
    %sign3A_325 = arith.cmpi slt, %jit3A_312, %sign3A_324 : i32
    %sign3A_326 = arith.extui %sign3A_325 : i1 to i32
    %sign3A_327 = arith.subi %sign3A_323, %sign3A_326 : i32
    %ne3A_328 = arith.cmpi ne, %sign3A_320, %sign3A_327 : i32
    %rem3A_329 = arith.remsi %get3A_303, %jit3A_312 : i32
    %ne3A_330 = arith.constant 0 : i32
    %ne3A_331 = arith.cmpi ne, %rem3A_329, %ne3A_330 : i32
    %and3A_332 = arith.andi %ne3A_328, %ne3A_331 : i1
    %sub3A_333 = arith.constant 1 : i32
    %sub3A_334 = arith.subi %div3A_313, %sub3A_333 : i32
    %select_n3A_335 = arith.select %and3A_332, %sub3A_334, %div3A_313 : i32
    %add3A_336 = arith.constant 128 : i32
    %add3A_337 = arith.addi %get3A_311, %add3A_336 : i32
    %sub3A_338 = arith.constant 1 : i32
    %sub3A_339 = arith.subi %add3A_337, %sub3A_338 : i32
    %jit3A_340 = arith.constant 128 : i32
    %div3A_341 = arith.divsi %sub3A_339, %jit3A_340 : i32
    %sign3A_342 = arith.constant 0 : i32
    %sign3A_343 = arith.cmpi sgt, %sub3A_339, %sign3A_342 : i32
    %sign3A_344 = arith.extui %sign3A_343 : i1 to i32
    %sign3A_345 = arith.constant 0 : i32
    %sign3A_346 = arith.cmpi slt, %sub3A_339, %sign3A_345 : i32
    %sign3A_347 = arith.extui %sign3A_346 : i1 to i32
    %sign3A_348 = arith.subi %sign3A_344, %sign3A_347 : i32
    %sign3A_349 = arith.constant 0 : i32
    %sign3A_350 = arith.cmpi sgt, %jit3A_340, %sign3A_349 : i32
    %sign3A_351 = arith.extui %sign3A_350 : i1 to i32
    %sign3A_352 = arith.constant 0 : i32
    %sign3A_353 = arith.cmpi slt, %jit3A_340, %sign3A_352 : i32
    %sign3A_354 = arith.extui %sign3A_353 : i1 to i32
    %sign3A_355 = arith.subi %sign3A_351, %sign3A_354 : i32
    %ne3A_356 = arith.cmpi ne, %sign3A_348, %sign3A_355 : i32
    %rem3A_357 = arith.remsi %sub3A_339, %jit3A_340 : i32
    %ne3A_358 = arith.constant 0 : i32
    %ne3A_359 = arith.cmpi ne, %rem3A_357, %ne3A_358 : i32
    %and3A_360 = arith.andi %ne3A_356, %ne3A_359 : i1
    %sub3A_361 = arith.constant 1 : i32
    %sub3A_362 = arith.subi %div3A_341, %sub3A_361 : i32
    %select_n3A_363 = arith.select %and3A_360, %sub3A_362, %div3A_341 : i32
    %while3A_364 = arith.constant 0 : i32
    %while3A_365 = arith.subi %select_n3A_363, %select_n3A_335 : i32
    %while3A_366 = arith.addi %select_n3A_335, %while3A_365 : i32
    %while3A_367 = arith.constant 1 : i32
    %while3A_368 = arith.divsi %while3A_365, %while3A_367 : i32
    %while3A_369 = arith.muli %while3A_368, %while3A_367 : i32
    %while3A_370 = arith.addi %select_n3A_335, %while3A_369 : i32
    %while3A_371 = arith.constant 1 : i32
    %while3A_372 = scf.for %while3A_380 = %select_n3A_335 to %while3A_370 step %while3A_371 iter_args(%while3A_381 = %while3A_364) -> (i32)  : i32 {
      %mul3A_382 = arith.constant 128 : i32
      %mul3A_383 = arith.muli %while3A_380, %mul3A_382 : i32
      %multiple_of3A = tpu.assume_multiple %mul3A_383, 128 : i32
      %get3A_384 = arith.index_cast %multiple_of3A : i32 to index
      %get3A_385 = arith.constant 0 : index
      %get3A_386 = vector.load %arg7[%get3A_384, %get3A_385] : memref<4096x128xbf16, #tpu.memory_space<vmem>>, vector<128x128xbf16>
      %iota3A = tpu.iota {dimensions = array<i32: 0>} : vector<128x1xi32>
      %add3A_387 = vector.broadcast %multiple_of3A : i32 to vector<128x1xi32>
      %add3A_388 = arith.addi %add3A_387, %iota3A : vector<128x1xi32>
      %get3A_389 = arith.index_cast %multiple_of3A : i32 to index
      %get3A_390 = arith.constant 0 : index
      %get3A_391 = vector.load %arg8[%get3A_389, %get3A_390] : memref<4096x128xf32, #tpu.memory_space<vmem>>, vector<128x128xf32>
      %mul3A_392 = arith.constant 40 : i32
      %mul3A_393 = arith.muli %arg0, %mul3A_392 : i32
      %add3A_394 = arith.constant 32 : i32
      %add3A_395 = arith.addi %mul3A_393, %add3A_394 : i32
      %get3A_396 = arith.index_cast %add3A_395 : i32 to index
      %get3A_397 = memref.load %arg1[%get3A_396] : memref<1001xi32, #tpu.memory_space<smem>>
      %mul3A_398 = arith.constant 40 : i32
      %mul3A_399 = arith.muli %arg0, %mul3A_398 : i32
      %add3A_400 = arith.constant 32 : i32
      %add3A_401 = arith.addi %mul3A_399, %add3A_400 : i32
      %add3A_402 = arith.constant 1 : i32
      %add3A_403 = arith.addi %add3A_401, %add3A_402 : i32
      %get3A_404 = arith.index_cast %add3A_403 : i32 to index
      %get3A_405 = memref.load %arg1[%get3A_404] : memref<1001xi32, #tpu.memory_space<smem>>
      %get3A_406 = arith.constant 32 : index
      %get3A_407 = arith.constant 0 : index
      %get3A_408 = arith.constant 0 : index
      %get3A_409 = vector.load %arg2[%get3A_406, %get3A_407, %get3A_408] : memref<40x128x128xf32, #tpu.memory_space<vmem>>, vector<1x128x128xf32>
      %get3A_410 = vector.shape_cast %get3A_409 : vector<1x128x128xf32> to vector<128x128xf32>
      %bitcast_convert_type3A = tpu.bitcast %get3A_410 : vector<128x128xf32> -> vector<128x128xi32>
      %add3A_411 = arith.constant 32768 : i32
      %add3A_412 = vector.broadcast %add3A_411 : i32 to vector<128x128xi32>
      %add3A_413 = arith.addi %bitcast_convert_type3A, %add3A_412 : vector<128x128xi32>
      %bitcast_convert_type3A_414 = tpu.bitcast %add3A_413 : vector<128x128xi32> -> vector<128x128xf32>
      %convert_element_type3A_415 = arith.truncf %bitcast_convert_type3A_414 : vector<128x128xf32> to vector<128x128xbf16>
      %dot_general3A = arith.constant dense<0.000000e+00> : vector<128x128xf32>
      %dot_general3A_416 = tpu.matmul %get3A_386, %convert_element_type3A_415, %dot_general3A {dimension_numbers = #tpu.dot_dimension_numbers<[1], [1], [0], [0], [0, 0, 1, 0], [], []>, transpose_lhs_hint = false} : vector<128x128xbf16>, vector<128x128xbf16>, vector<128x128xf32> -> vector<128x128xf32>
      %get3A_417 = arith.constant 32 : index
      %get3A_418 = arith.constant 0 : index
      %get3A_419 = vector.load %arg3[%get3A_417, %get3A_418] : memref<40x128xf32, #tpu.memory_space<vmem>>, vector<1x128xf32>
      %get3A_420 = vector.shape_cast %get3A_419 : vector<1x128xf32> to vector<128xf32>
      %broadcast_in_dim3A = vector.shape_cast %get3A_420 : vector<128xf32> to vector<1x128xf32>
      %add3A_421 = vector.broadcast %broadcast_in_dim3A : vector<1x128xf32> to vector<128x128xf32>
      %add3A_422 = arith.addf %dot_general3A_416, %add3A_421 : vector<128x128xf32>
      %abs3A = math.absf %add3A_422 : vector<128x128xf32>
      %ge3A = vector.broadcast %get3A_397 : i32 to vector<128x1xi32>
      %ge3A_423 = arith.cmpi sge, %add3A_388, %ge3A : vector<128x1xi32>
      %lt3A = vector.broadcast %get3A_405 : i32 to vector<128x1xi32>
      %lt3A_424 = arith.cmpi slt, %add3A_388, %lt3A : vector<128x1xi32>
      %and3A_425 = arith.andi %ge3A_423, %lt3A_424 : vector<128x1xi1>
      %jit3A_426 = arith.constant 0.000000e+00 : f32
      %broadcast_in_dim3A_427 = vector.shape_cast %and3A_425 : vector<128x1xi1> to vector<128x1xi1>
      %broadcast_in_dim3A_428 = vector.broadcast %broadcast_in_dim3A_427 : vector<128x1xi1> to vector<128x128xi1>
      %broadcast_in_dim3A_429 = vector.broadcast %jit3A_426 : f32 to vector<128x128xf32>
      %select_n3A_430 = arith.select %broadcast_in_dim3A_428, %abs3A, %broadcast_in_dim3A_429 : vector<128x128xi1>, vector<128x128xf32>
      %add3A_431 = arith.addf %get3A_391, %select_n3A_430 : vector<128x128xf32>
      %mul3A_432 = arith.constant 40 : i32
      %mul3A_433 = arith.muli %arg0, %mul3A_432 : i32
      %add3A_434 = arith.constant 33 : i32
      %add3A_435 = arith.addi %mul3A_433, %add3A_434 : i32
      %get3A_436 = arith.index_cast %add3A_435 : i32 to index
      %get3A_437 = memref.load %arg1[%get3A_436] : memref<1001xi32, #tpu.memory_space<smem>>
      %mul3A_438 = arith.constant 40 : i32
      %mul3A_439 = arith.muli %arg0, %mul3A_438 : i32
      %add3A_440 = arith.constant 33 : i32
      %add3A_441 = arith.addi %mul3A_439, %add3A_440 : i32
      %add3A_442 = arith.constant 1 : i32
      %add3A_443 = arith.addi %add3A_441, %add3A_442 : i32
      %get3A_444 = arith.index_cast %add3A_443 : i32 to index
      %get3A_445 = memref.load %arg1[%get3A_444] : memref<1001xi32, #tpu.memory_space<smem>>
      %get3A_446 = arith.constant 33 : index
      %get3A_447 = arith.constant 0 : index
      %get3A_448 = arith.constant 0 : index
      %get3A_449 = vector.load %arg2[%get3A_446, %get3A_447, %get3A_448] : memref<40x128x128xf32, #tpu.memory_space<vmem>>, vector<1x128x128xf32>
      %get3A_450 = vector.shape_cast %get3A_449 : vector<1x128x128xf32> to vector<128x128xf32>
      %bitcast_convert_type3A_451 = tpu.bitcast %get3A_450 : vector<128x128xf32> -> vector<128x128xi32>
      %add3A_452 = arith.constant 32768 : i32
      %add3A_453 = vector.broadcast %add3A_452 : i32 to vector<128x128xi32>
      %add3A_454 = arith.addi %bitcast_convert_type3A_451, %add3A_453 : vector<128x128xi32>
      %bitcast_convert_type3A_455 = tpu.bitcast %add3A_454 : vector<128x128xi32> -> vector<128x128xf32>
      %convert_element_type3A_456 = arith.truncf %bitcast_convert_type3A_455 : vector<128x128xf32> to vector<128x128xbf16>
      %dot_general3A_457 = arith.constant dense<0.000000e+00> : vector<128x128xf32>
      %dot_general3A_458 = tpu.matmul %get3A_386, %convert_element_type3A_456, %dot_general3A_457 {dimension_numbers = #tpu.dot_dimension_numbers<[1], [1], [0], [0], [0, 0, 1, 0], [], []>, transpose_lhs_hint = false} : vector<128x128xbf16>, vector<128x128xbf16>, vector<128x128xf32> -> vector<128x128xf32>
      %get3A_459 = arith.constant 33 : index
      %get3A_460 = arith.constant 0 : index
      %get3A_461 = vector.load %arg3[%get3A_459, %get3A_460] : memref<40x128xf32, #tpu.memory_space<vmem>>, vector<1x128xf32>
      %get3A_462 = vector.shape_cast %get3A_461 : vector<1x128xf32> to vector<128xf32>
      %broadcast_in_dim3A_463 = vector.shape_cast %get3A_462 : vector<128xf32> to vector<1x128xf32>
      %add3A_464 = vector.broadcast %broadcast_in_dim3A_463 : vector<1x128xf32> to vector<128x128xf32>
      %add3A_465 = arith.addf %dot_general3A_458, %add3A_464 : vector<128x128xf32>
      %abs3A_466 = math.absf %add3A_465 : vector<128x128xf32>
      %ge3A_467 = vector.broadcast %get3A_437 : i32 to vector<128x1xi32>
      %ge3A_468 = arith.cmpi sge, %add3A_388, %ge3A_467 : vector<128x1xi32>
      %lt3A_469 = vector.broadcast %get3A_445 : i32 to vector<128x1xi32>
      %lt3A_470 = arith.cmpi slt, %add3A_388, %lt3A_469 : vector<128x1xi32>
      %and3A_471 = arith.andi %ge3A_468, %lt3A_470 : vector<128x1xi1>
      %jit3A_472 = arith.constant 0.000000e+00 : f32
      %broadcast_in_dim3A_473 = vector.shape_cast %and3A_471 : vector<128x1xi1> to vector<128x1xi1>
      %broadcast_in_dim3A_474 = vector.broadcast %broadcast_in_dim3A_473 : vector<128x1xi1> to vector<128x128xi1>
      %broadcast_in_dim3A_475 = vector.broadcast %jit3A_472 : f32 to vector<128x128xf32>
      %select_n3A_476 = arith.select %broadcast_in_dim3A_474, %abs3A_466, %broadcast_in_dim3A_475 : vector<128x128xi1>, vector<128x128xf32>
      %add3A_477 = arith.addf %add3A_431, %select_n3A_476 : vector<128x128xf32>
      %mul3A_478 = arith.constant 40 : i32
      %mul3A_479 = arith.muli %arg0, %mul3A_478 : i32
      %add3A_480 = arith.constant 34 : i32
      %add3A_481 = arith.addi %mul3A_479, %add3A_480 : i32
      %get3A_482 = arith.index_cast %add3A_481 : i32 to index
      %get3A_483 = memref.load %arg1[%get3A_482] : memref<1001xi32, #tpu.memory_space<smem>>
      %mul3A_484 = arith.constant 40 : i32
      %mul3A_485 = arith.muli %arg0, %mul3A_484 : i32
      %add3A_486 = arith.constant 34 : i32
      %add3A_487 = arith.addi %mul3A_485, %add3A_486 : i32
      %add3A_488 = arith.constant 1 : i32
      %add3A_489 = arith.addi %add3A_487, %add3A_488 : i32
      %get3A_490 = arith.index_cast %add3A_489 : i32 to index
      %get3A_491 = memref.load %arg1[%get3A_490] : memref<1001xi32, #tpu.memory_space<smem>>
      %get3A_492 = arith.constant 34 : index
      %get3A_493 = arith.constant 0 : index
      %get3A_494 = arith.constant 0 : index
      %get3A_495 = vector.load %arg2[%get3A_492, %get3A_493, %get3A_494] : memref<40x128x128xf32, #tpu.memory_space<vmem>>, vector<1x128x128xf32>
      %get3A_496 = vector.shape_cast %get3A_495 : vector<1x128x128xf32> to vector<128x128xf32>
      %bitcast_convert_type3A_497 = tpu.bitcast %get3A_496 : vector<128x128xf32> -> vector<128x128xi32>
      %add3A_498 = arith.constant 32768 : i32
      %add3A_499 = vector.broadcast %add3A_498 : i32 to vector<128x128xi32>
      %add3A_500 = arith.addi %bitcast_convert_type3A_497, %add3A_499 : vector<128x128xi32>
      %bitcast_convert_type3A_501 = tpu.bitcast %add3A_500 : vector<128x128xi32> -> vector<128x128xf32>
      %convert_element_type3A_502 = arith.truncf %bitcast_convert_type3A_501 : vector<128x128xf32> to vector<128x128xbf16>
      %dot_general3A_503 = arith.constant dense<0.000000e+00> : vector<128x128xf32>
      %dot_general3A_504 = tpu.matmul %get3A_386, %convert_element_type3A_502, %dot_general3A_503 {dimension_numbers = #tpu.dot_dimension_numbers<[1], [1], [0], [0], [0, 0, 1, 0], [], []>, transpose_lhs_hint = false} : vector<128x128xbf16>, vector<128x128xbf16>, vector<128x128xf32> -> vector<128x128xf32>
      %get3A_505 = arith.constant 34 : index
      %get3A_506 = arith.constant 0 : index
      %get3A_507 = vector.load %arg3[%get3A_505, %get3A_506] : memref<40x128xf32, #tpu.memory_space<vmem>>, vector<1x128xf32>
      %get3A_508 = vector.shape_cast %get3A_507 : vector<1x128xf32> to vector<128xf32>
      %broadcast_in_dim3A_509 = vector.shape_cast %get3A_508 : vector<128xf32> to vector<1x128xf32>
      %add3A_510 = vector.broadcast %broadcast_in_dim3A_509 : vector<1x128xf32> to vector<128x128xf32>
      %add3A_511 = arith.addf %dot_general3A_504, %add3A_510 : vector<128x128xf32>
      %abs3A_512 = math.absf %add3A_511 : vector<128x128xf32>
      %ge3A_513 = vector.broadcast %get3A_483 : i32 to vector<128x1xi32>
      %ge3A_514 = arith.cmpi sge, %add3A_388, %ge3A_513 : vector<128x1xi32>
      %lt3A_515 = vector.broadcast %get3A_491 : i32 to vector<128x1xi32>
      %lt3A_516 = arith.cmpi slt, %add3A_388, %lt3A_515 : vector<128x1xi32>
      %and3A_517 = arith.andi %ge3A_514, %lt3A_516 : vector<128x1xi1>
      %jit3A_518 = arith.constant 0.000000e+00 : f32
      %broadcast_in_dim3A_519 = vector.shape_cast %and3A_517 : vector<128x1xi1> to vector<128x1xi1>
      %broadcast_in_dim3A_520 = vector.broadcast %broadcast_in_dim3A_519 : vector<128x1xi1> to vector<128x128xi1>
      %broadcast_in_dim3A_521 = vector.broadcast %jit3A_518 : f32 to vector<128x128xf32>
      %select_n3A_522 = arith.select %broadcast_in_dim3A_520, %abs3A_512, %broadcast_in_dim3A_521 : vector<128x128xi1>, vector<128x128xf32>
      %add3A_523 = arith.addf %add3A_477, %select_n3A_522 : vector<128x128xf32>
      %mul3A_524 = arith.constant 40 : i32
      %mul3A_525 = arith.muli %arg0, %mul3A_524 : i32
      %add3A_526 = arith.constant 35 : i32
      %add3A_527 = arith.addi %mul3A_525, %add3A_526 : i32
      %get3A_528 = arith.index_cast %add3A_527 : i32 to index
      %get3A_529 = memref.load %arg1[%get3A_528] : memref<1001xi32, #tpu.memory_space<smem>>
      %mul3A_530 = arith.constant 40 : i32
      %mul3A_531 = arith.muli %arg0, %mul3A_530 : i32
      %add3A_532 = arith.constant 35 : i32
      %add3A_533 = arith.addi %mul3A_531, %add3A_532 : i32
      %add3A_534 = arith.constant 1 : i32
      %add3A_535 = arith.addi %add3A_533, %add3A_534 : i32
      %get3A_536 = arith.index_cast %add3A_535 : i32 to index
      %get3A_537 = memref.load %arg1[%get3A_536] : memref<1001xi32, #tpu.memory_space<smem>>
      %get3A_538 = arith.constant 35 : index
      %get3A_539 = arith.constant 0 : index
      %get3A_540 = arith.constant 0 : index
      %get3A_541 = vector.load %arg2[%get3A_538, %get3A_539, %get3A_540] : memref<40x128x128xf32, #tpu.memory_space<vmem>>, vector<1x128x128xf32>
      %get3A_542 = vector.shape_cast %get3A_541 : vector<1x128x128xf32> to vector<128x128xf32>
      %bitcast_convert_type3A_543 = tpu.bitcast %get3A_542 : vector<128x128xf32> -> vector<128x128xi32>
      %add3A_544 = arith.constant 32768 : i32
      %add3A_545 = vector.broadcast %add3A_544 : i32 to vector<128x128xi32>
      %add3A_546 = arith.addi %bitcast_convert_type3A_543, %add3A_545 : vector<128x128xi32>
      %bitcast_convert_type3A_547 = tpu.bitcast %add3A_546 : vector<128x128xi32> -> vector<128x128xf32>
      %convert_element_type3A_548 = arith.truncf %bitcast_convert_type3A_547 : vector<128x128xf32> to vector<128x128xbf16>
      %dot_general3A_549 = arith.constant dense<0.000000e+00> : vector<128x128xf32>
      %dot_general3A_550 = tpu.matmul %get3A_386, %convert_element_type3A_548, %dot_general3A_549 {dimension_numbers = #tpu.dot_dimension_numbers<[1], [1], [0], [0], [0, 0, 1, 0], [], []>, transpose_lhs_hint = false} : vector<128x128xbf16>, vector<128x128xbf16>, vector<128x128xf32> -> vector<128x128xf32>
      %get3A_551 = arith.constant 35 : index
      %get3A_552 = arith.constant 0 : index
      %get3A_553 = vector.load %arg3[%get3A_551, %get3A_552] : memref<40x128xf32, #tpu.memory_space<vmem>>, vector<1x128xf32>
      %get3A_554 = vector.shape_cast %get3A_553 : vector<1x128xf32> to vector<128xf32>
      %broadcast_in_dim3A_555 = vector.shape_cast %get3A_554 : vector<128xf32> to vector<1x128xf32>
      %add3A_556 = vector.broadcast %broadcast_in_dim3A_555 : vector<1x128xf32> to vector<128x128xf32>
      %add3A_557 = arith.addf %dot_general3A_550, %add3A_556 : vector<128x128xf32>
      %abs3A_558 = math.absf %add3A_557 : vector<128x128xf32>
      %ge3A_559 = vector.broadcast %get3A_529 : i32 to vector<128x1xi32>
      %ge3A_560 = arith.cmpi sge, %add3A_388, %ge3A_559 : vector<128x1xi32>
      %lt3A_561 = vector.broadcast %get3A_537 : i32 to vector<128x1xi32>
      %lt3A_562 = arith.cmpi slt, %add3A_388, %lt3A_561 : vector<128x1xi32>
      %and3A_563 = arith.andi %ge3A_560, %lt3A_562 : vector<128x1xi1>
      %jit3A_564 = arith.constant 0.000000e+00 : f32
      %broadcast_in_dim3A_565 = vector.shape_cast %and3A_563 : vector<128x1xi1> to vector<128x1xi1>
      %broadcast_in_dim3A_566 = vector.broadcast %broadcast_in_dim3A_565 : vector<128x1xi1> to vector<128x128xi1>
      %broadcast_in_dim3A_567 = vector.broadcast %jit3A_564 : f32 to vector<128x128xf32>
      %select_n3A_568 = arith.select %broadcast_in_dim3A_566, %abs3A_558, %broadcast_in_dim3A_567 : vector<128x128xi1>, vector<128x128xf32>
      %add3A_569 = arith.addf %add3A_523, %select_n3A_568 : vector<128x128xf32>
      %mul3A_570 = arith.constant 40 : i32
      %mul3A_571 = arith.muli %arg0, %mul3A_570 : i32
      %add3A_572 = arith.constant 36 : i32
      %add3A_573 = arith.addi %mul3A_571, %add3A_572 : i32
      %get3A_574 = arith.index_cast %add3A_573 : i32 to index
      %get3A_575 = memref.load %arg1[%get3A_574] : memref<1001xi32, #tpu.memory_space<smem>>
      %mul3A_576 = arith.constant 40 : i32
      %mul3A_577 = arith.muli %arg0, %mul3A_576 : i32
      %add3A_578 = arith.constant 36 : i32
      %add3A_579 = arith.addi %mul3A_577, %add3A_578 : i32
      %add3A_580 = arith.constant 1 : i32
      %add3A_581 = arith.addi %add3A_579, %add3A_580 : i32
      %get3A_582 = arith.index_cast %add3A_581 : i32 to index
      %get3A_583 = memref.load %arg1[%get3A_582] : memref<1001xi32, #tpu.memory_space<smem>>
      %get3A_584 = arith.constant 36 : index
      %get3A_585 = arith.constant 0 : index
      %get3A_586 = arith.constant 0 : index
      %get3A_587 = vector.load %arg2[%get3A_584, %get3A_585, %get3A_586] : memref<40x128x128xf32, #tpu.memory_space<vmem>>, vector<1x128x128xf32>
      %get3A_588 = vector.shape_cast %get3A_587 : vector<1x128x128xf32> to vector<128x128xf32>
      %bitcast_convert_type3A_589 = tpu.bitcast %get3A_588 : vector<128x128xf32> -> vector<128x128xi32>
      %add3A_590 = arith.constant 32768 : i32
      %add3A_591 = vector.broadcast %add3A_590 : i32 to vector<128x128xi32>
      %add3A_592 = arith.addi %bitcast_convert_type3A_589, %add3A_591 : vector<128x128xi32>
      %bitcast_convert_type3A_593 = tpu.bitcast %add3A_592 : vector<128x128xi32> -> vector<128x128xf32>
      %convert_element_type3A_594 = arith.truncf %bitcast_convert_type3A_593 : vector<128x128xf32> to vector<128x128xbf16>
      %dot_general3A_595 = arith.constant dense<0.000000e+00> : vector<128x128xf32>
      %dot_general3A_596 = tpu.matmul %get3A_386, %convert_element_type3A_594, %dot_general3A_595 {dimension_numbers = #tpu.dot_dimension_numbers<[1], [1], [0], [0], [0, 0, 1, 0], [], []>, transpose_lhs_hint = false} : vector<128x128xbf16>, vector<128x128xbf16>, vector<128x128xf32> -> vector<128x128xf32>
      %get3A_597 = arith.constant 36 : index
      %get3A_598 = arith.constant 0 : index
      %get3A_599 = vector.load %arg3[%get3A_597, %get3A_598] : memref<40x128xf32, #tpu.memory_space<vmem>>, vector<1x128xf32>
      %get3A_600 = vector.shape_cast %get3A_599 : vector<1x128xf32> to vector<128xf32>
      %broadcast_in_dim3A_601 = vector.shape_cast %get3A_600 : vector<128xf32> to vector<1x128xf32>
      %add3A_602 = vector.broadcast %broadcast_in_dim3A_601 : vector<1x128xf32> to vector<128x128xf32>
      %add3A_603 = arith.addf %dot_general3A_596, %add3A_602 : vector<128x128xf32>
      %abs3A_604 = math.absf %add3A_603 : vector<128x128xf32>
      %ge3A_605 = vector.broadcast %get3A_575 : i32 to vector<128x1xi32>
      %ge3A_606 = arith.cmpi sge, %add3A_388, %ge3A_605 : vector<128x1xi32>
      %lt3A_607 = vector.broadcast %get3A_583 : i32 to vector<128x1xi32>
      %lt3A_608 = arith.cmpi slt, %add3A_388, %lt3A_607 : vector<128x1xi32>
      %and3A_609 = arith.andi %ge3A_606, %lt3A_608 : vector<128x1xi1>
      %jit3A_610 = arith.constant 0.000000e+00 : f32
      %broadcast_in_dim3A_611 = vector.shape_cast %and3A_609 : vector<128x1xi1> to vector<128x1xi1>
      %broadcast_in_dim3A_612 = vector.broadcast %broadcast_in_dim3A_611 : vector<128x1xi1> to vector<128x128xi1>
      %broadcast_in_dim3A_613 = vector.broadcast %jit3A_610 : f32 to vector<128x128xf32>
      %select_n3A_614 = arith.select %broadcast_in_dim3A_612, %abs3A_604, %broadcast_in_dim3A_613 : vector<128x128xi1>, vector<128x128xf32>
      %add3A_615 = arith.addf %add3A_569, %select_n3A_614 : vector<128x128xf32>
      %mul3A_616 = arith.constant 40 : i32
      %mul3A_617 = arith.muli %arg0, %mul3A_616 : i32
      %add3A_618 = arith.constant 37 : i32
      %add3A_619 = arith.addi %mul3A_617, %add3A_618 : i32
      %get3A_620 = arith.index_cast %add3A_619 : i32 to index
      %get3A_621 = memref.load %arg1[%get3A_620] : memref<1001xi32, #tpu.memory_space<smem>>
      %mul3A_622 = arith.constant 40 : i32
      %mul3A_623 = arith.muli %arg0, %mul3A_622 : i32
      %add3A_624 = arith.constant 37 : i32
      %add3A_625 = arith.addi %mul3A_623, %add3A_624 : i32
      %add3A_626 = arith.constant 1 : i32
      %add3A_627 = arith.addi %add3A_625, %add3A_626 : i32
      %get3A_628 = arith.index_cast %add3A_627 : i32 to index
      %get3A_629 = memref.load %arg1[%get3A_628] : memref<1001xi32, #tpu.memory_space<smem>>
      %get3A_630 = arith.constant 37 : index
      %get3A_631 = arith.constant 0 : index
      %get3A_632 = arith.constant 0 : index
      %get3A_633 = vector.load %arg2[%get3A_630, %get3A_631, %get3A_632] : memref<40x128x128xf32, #tpu.memory_space<vmem>>, vector<1x128x128xf32>
      %get3A_634 = vector.shape_cast %get3A_633 : vector<1x128x128xf32> to vector<128x128xf32>
      %bitcast_convert_type3A_635 = tpu.bitcast %get3A_634 : vector<128x128xf32> -> vector<128x128xi32>
      %add3A_636 = arith.constant 32768 : i32
      %add3A_637 = vector.broadcast %add3A_636 : i32 to vector<128x128xi32>
      %add3A_638 = arith.addi %bitcast_convert_type3A_635, %add3A_637 : vector<128x128xi32>
      %bitcast_convert_type3A_639 = tpu.bitcast %add3A_638 : vector<128x128xi32> -> vector<128x128xf32>
      %convert_element_type3A_640 = arith.truncf %bitcast_convert_type3A_639 : vector<128x128xf32> to vector<128x128xbf16>
      %dot_general3A_641 = arith.constant dense<0.000000e+00> : vector<128x128xf32>
      %dot_general3A_642 = tpu.matmul %get3A_386, %convert_element_type3A_640, %dot_general3A_641 {dimension_numbers = #tpu.dot_dimension_numbers<[1], [1], [0], [0], [0, 0, 1, 0], [], []>, transpose_lhs_hint = false} : vector<128x128xbf16>, vector<128x128xbf16>, vector<128x128xf32> -> vector<128x128xf32>
      %get3A_643 = arith.constant 37 : index
      %get3A_644 = arith.constant 0 : index
      %get3A_645 = vector.load %arg3[%get3A_643, %get3A_644] : memref<40x128xf32, #tpu.memory_space<vmem>>, vector<1x128xf32>
      %get3A_646 = vector.shape_cast %get3A_645 : vector<1x128xf32> to vector<128xf32>
      %broadcast_in_dim3A_647 = vector.shape_cast %get3A_646 : vector<128xf32> to vector<1x128xf32>
      %add3A_648 = vector.broadcast %broadcast_in_dim3A_647 : vector<1x128xf32> to vector<128x128xf32>
      %add3A_649 = arith.addf %dot_general3A_642, %add3A_648 : vector<128x128xf32>
      %abs3A_650 = math.absf %add3A_649 : vector<128x128xf32>
      %ge3A_651 = vector.broadcast %get3A_621 : i32 to vector<128x1xi32>
      %ge3A_652 = arith.cmpi sge, %add3A_388, %ge3A_651 : vector<128x1xi32>
      %lt3A_653 = vector.broadcast %get3A_629 : i32 to vector<128x1xi32>
      %lt3A_654 = arith.cmpi slt, %add3A_388, %lt3A_653 : vector<128x1xi32>
      %and3A_655 = arith.andi %ge3A_652, %lt3A_654 : vector<128x1xi1>
      %jit3A_656 = arith.constant 0.000000e+00 : f32
      %broadcast_in_dim3A_657 = vector.shape_cast %and3A_655 : vector<128x1xi1> to vector<128x1xi1>
      %broadcast_in_dim3A_658 = vector.broadcast %broadcast_in_dim3A_657 : vector<128x1xi1> to vector<128x128xi1>
      %broadcast_in_dim3A_659 = vector.broadcast %jit3A_656 : f32 to vector<128x128xf32>
      %select_n3A_660 = arith.select %broadcast_in_dim3A_658, %abs3A_650, %broadcast_in_dim3A_659 : vector<128x128xi1>, vector<128x128xf32>
      %add3A_661 = arith.addf %add3A_615, %select_n3A_660 : vector<128x128xf32>
      %mul3A_662 = arith.constant 40 : i32
      %mul3A_663 = arith.muli %arg0, %mul3A_662 : i32
      %add3A_664 = arith.constant 38 : i32
      %add3A_665 = arith.addi %mul3A_663, %add3A_664 : i32
      %get3A_666 = arith.index_cast %add3A_665 : i32 to index
      %get3A_667 = memref.load %arg1[%get3A_666] : memref<1001xi32, #tpu.memory_space<smem>>
      %mul3A_668 = arith.constant 40 : i32
      %mul3A_669 = arith.muli %arg0, %mul3A_668 : i32
      %add3A_670 = arith.constant 38 : i32
      %add3A_671 = arith.addi %mul3A_669, %add3A_670 : i32
      %add3A_672 = arith.constant 1 : i32
      %add3A_673 = arith.addi %add3A_671, %add3A_672 : i32
      %get3A_674 = arith.index_cast %add3A_673 : i32 to index
      %get3A_675 = memref.load %arg1[%get3A_674] : memref<1001xi32, #tpu.memory_space<smem>>
      %get3A_676 = arith.constant 38 : index
      %get3A_677 = arith.constant 0 : index
      %get3A_678 = arith.constant 0 : index
      %get3A_679 = vector.load %arg2[%get3A_676, %get3A_677, %get3A_678] : memref<40x128x128xf32, #tpu.memory_space<vmem>>, vector<1x128x128xf32>
      %get3A_680 = vector.shape_cast %get3A_679 : vector<1x128x128xf32> to vector<128x128xf32>
      %bitcast_convert_type3A_681 = tpu.bitcast %get3A_680 : vector<128x128xf32> -> vector<128x128xi32>
      %add3A_682 = arith.constant 32768 : i32
      %add3A_683 = vector.broadcast %add3A_682 : i32 to vector<128x128xi32>
      %add3A_684 = arith.addi %bitcast_convert_type3A_681, %add3A_683 : vector<128x128xi32>
      %bitcast_convert_type3A_685 = tpu.bitcast %add3A_684 : vector<128x128xi32> -> vector<128x128xf32>
      %convert_element_type3A_686 = arith.truncf %bitcast_convert_type3A_685 : vector<128x128xf32> to vector<128x128xbf16>
      %dot_general3A_687 = arith.constant dense<0.000000e+00> : vector<128x128xf32>
      %dot_general3A_688 = tpu.matmul %get3A_386, %convert_element_type3A_686, %dot_general3A_687 {dimension_numbers = #tpu.dot_dimension_numbers<[1], [1], [0], [0], [0, 0, 1, 0], [], []>, transpose_lhs_hint = false} : vector<128x128xbf16>, vector<128x128xbf16>, vector<128x128xf32> -> vector<128x128xf32>
      %get3A_689 = arith.constant 38 : index
      %get3A_690 = arith.constant 0 : index
      %get3A_691 = vector.load %arg3[%get3A_689, %get3A_690] : memref<40x128xf32, #tpu.memory_space<vmem>>, vector<1x128xf32>
      %get3A_692 = vector.shape_cast %get3A_691 : vector<1x128xf32> to vector<128xf32>
      %broadcast_in_dim3A_693 = vector.shape_cast %get3A_692 : vector<128xf32> to vector<1x128xf32>
      %add3A_694 = vector.broadcast %broadcast_in_dim3A_693 : vector<1x128xf32> to vector<128x128xf32>
      %add3A_695 = arith.addf %dot_general3A_688, %add3A_694 : vector<128x128xf32>
      %abs3A_696 = math.absf %add3A_695 : vector<128x128xf32>
      %ge3A_697 = vector.broadcast %get3A_667 : i32 to vector<128x1xi32>
      %ge3A_698 = arith.cmpi sge, %add3A_388, %ge3A_697 : vector<128x1xi32>
      %lt3A_699 = vector.broadcast %get3A_675 : i32 to vector<128x1xi32>
      %lt3A_700 = arith.cmpi slt, %add3A_388, %lt3A_699 : vector<128x1xi32>
      %and3A_701 = arith.andi %ge3A_698, %lt3A_700 : vector<128x1xi1>
      %jit3A_702 = arith.constant 0.000000e+00 : f32
      %broadcast_in_dim3A_703 = vector.shape_cast %and3A_701 : vector<128x1xi1> to vector<128x1xi1>
      %broadcast_in_dim3A_704 = vector.broadcast %broadcast_in_dim3A_703 : vector<128x1xi1> to vector<128x128xi1>
      %broadcast_in_dim3A_705 = vector.broadcast %jit3A_702 : f32 to vector<128x128xf32>
      %select_n3A_706 = arith.select %broadcast_in_dim3A_704, %abs3A_696, %broadcast_in_dim3A_705 : vector<128x128xi1>, vector<128x128xf32>
      %add3A_707 = arith.addf %add3A_661, %select_n3A_706 : vector<128x128xf32>
      %mul3A_708 = arith.constant 40 : i32
      %mul3A_709 = arith.muli %arg0, %mul3A_708 : i32
      %add3A_710 = arith.constant 39 : i32
      %add3A_711 = arith.addi %mul3A_709, %add3A_710 : i32
      %get3A_712 = arith.index_cast %add3A_711 : i32 to index
      %get3A_713 = memref.load %arg1[%get3A_712] : memref<1001xi32, #tpu.memory_space<smem>>
      %mul3A_714 = arith.constant 40 : i32
      %mul3A_715 = arith.muli %arg0, %mul3A_714 : i32
      %add3A_716 = arith.constant 39 : i32
      %add3A_717 = arith.addi %mul3A_715, %add3A_716 : i32
      %add3A_718 = arith.constant 1 : i32
      %add3A_719 = arith.addi %add3A_717, %add3A_718 : i32
      %get3A_720 = arith.index_cast %add3A_719 : i32 to index
      %get3A_721 = memref.load %arg1[%get3A_720] : memref<1001xi32, #tpu.memory_space<smem>>
      %get3A_722 = arith.constant 39 : index
      %get3A_723 = arith.constant 0 : index
      %get3A_724 = arith.constant 0 : index
      %get3A_725 = vector.load %arg2[%get3A_722, %get3A_723, %get3A_724] : memref<40x128x128xf32, #tpu.memory_space<vmem>>, vector<1x128x128xf32>
      %get3A_726 = vector.shape_cast %get3A_725 : vector<1x128x128xf32> to vector<128x128xf32>
      %bitcast_convert_type3A_727 = tpu.bitcast %get3A_726 : vector<128x128xf32> -> vector<128x128xi32>
      %add3A_728 = arith.constant 32768 : i32
      %add3A_729 = vector.broadcast %add3A_728 : i32 to vector<128x128xi32>
      %add3A_730 = arith.addi %bitcast_convert_type3A_727, %add3A_729 : vector<128x128xi32>
      %bitcast_convert_type3A_731 = tpu.bitcast %add3A_730 : vector<128x128xi32> -> vector<128x128xf32>
      %convert_element_type3A_732 = arith.truncf %bitcast_convert_type3A_731 : vector<128x128xf32> to vector<128x128xbf16>
      %dot_general3A_733 = arith.constant dense<0.000000e+00> : vector<128x128xf32>
      %dot_general3A_734 = tpu.matmul %get3A_386, %convert_element_type3A_732, %dot_general3A_733 {dimension_numbers = #tpu.dot_dimension_numbers<[1], [1], [0], [0], [0, 0, 1, 0], [], []>, transpose_lhs_hint = false} : vector<128x128xbf16>, vector<128x128xbf16>, vector<128x128xf32> -> vector<128x128xf32>
      %get3A_735 = arith.constant 39 : index
      %get3A_736 = arith.constant 0 : index
      %get3A_737 = vector.load %arg3[%get3A_735, %get3A_736] : memref<40x128xf32, #tpu.memory_space<vmem>>, vector<1x128xf32>
      %get3A_738 = vector.shape_cast %get3A_737 : vector<1x128xf32> to vector<128xf32>
      %broadcast_in_dim3A_739 = vector.shape_cast %get3A_738 : vector<128xf32> to vector<1x128xf32>
      %add3A_740 = vector.broadcast %broadcast_in_dim3A_739 : vector<1x128xf32> to vector<128x128xf32>
      %add3A_741 = arith.addf %dot_general3A_734, %add3A_740 : vector<128x128xf32>
      %abs3A_742 = math.absf %add3A_741 : vector<128x128xf32>
      %ge3A_743 = vector.broadcast %get3A_713 : i32 to vector<128x1xi32>
      %ge3A_744 = arith.cmpi sge, %add3A_388, %ge3A_743 : vector<128x1xi32>
      %lt3A_745 = vector.broadcast %get3A_721 : i32 to vector<128x1xi32>
      %lt3A_746 = arith.cmpi slt, %add3A_388, %lt3A_745 : vector<128x1xi32>
      %and3A_747 = arith.andi %ge3A_744, %lt3A_746 : vector<128x1xi1>
      %jit3A_748 = arith.constant 0.000000e+00 : f32
      %broadcast_in_dim3A_749 = vector.shape_cast %and3A_747 : vector<128x1xi1> to vector<128x1xi1>
      %broadcast_in_dim3A_750 = vector.broadcast %broadcast_in_dim3A_749 : vector<128x1xi1> to vector<128x128xi1>
      %broadcast_in_dim3A_751 = vector.broadcast %jit3A_748 : f32 to vector<128x128xf32>
      %select_n3A_752 = arith.select %broadcast_in_dim3A_750, %abs3A_742, %broadcast_in_dim3A_751 : vector<128x128xi1>, vector<128x128xf32>
      %add3A_753 = arith.addf %add3A_707, %select_n3A_752 : vector<128x128xf32>
      %swap3A = arith.index_cast %multiple_of3A : i32 to index
      %swap3A_754 = arith.constant 0 : index
      %swap3A_755 = vector.load %arg8[%swap3A, %swap3A_754] : memref<4096x128xf32, #tpu.memory_space<vmem>>, vector<128x128xf32>
      tpu.vector_store %arg8[%swap3A, %swap3A_754], %add3A_753 {strides = array<i32>} : memref<4096x128xf32, #tpu.memory_space<vmem>>, vector<128x128xf32>,
      %while3A_756 = arith.constant 0 : i32
      scf.yield %while3A_756 : i32
    }
    %while3A_373 = arith.constant 1 : i32
    %while3A_374 = scf.for %while3A_380 = %while3A_370 to %while3A_366 step %while3A_373 iter_args(%while3A_381 = %while3A_372) -> (i32)  : i32 {
      %mul3A_382 = arith.constant 128 : i32
      %mul3A_383 = arith.muli %while3A_380, %mul3A_382 : i32
      %multiple_of3A = tpu.assume_multiple %mul3A_383, 128 : i32
      %get3A_384 = arith.index_cast %multiple_of3A : i32 to index
      %get3A_385 = arith.constant 0 : index
      %get3A_386 = vector.load %arg7[%get3A_384, %get3A_385] : memref<4096x128xbf16, #tpu.memory_space<vmem>>, vector<128x128xbf16>
      %iota3A = tpu.iota {dimensions = array<i32: 0>} : vector<128x1xi32>
      %add3A_387 = vector.broadcast %multiple_of3A : i32 to vector<128x1xi32>
      %add3A_388 = arith.addi %add3A_387, %iota3A : vector<128x1xi32>
      %get3A_389 = arith.index_cast %multiple_of3A : i32 to index
      %get3A_390 = arith.constant 0 : index
      %get3A_391 = vector.load %arg8[%get3A_389, %get3A_390] : memref<4096x128xf32, #tpu.memory_space<vmem>>, vector<128x128xf32>
      %mul3A_392 = arith.constant 40 : i32
      %mul3A_393 = arith.muli %arg0, %mul3A_392 : i32
      %add3A_394 = arith.constant 32 : i32
      %add3A_395 = arith.addi %mul3A_393, %add3A_394 : i32
      %get3A_396 = arith.index_cast %add3A_395 : i32 to index
      %get3A_397 = memref.load %arg1[%get3A_396] : memref<1001xi32, #tpu.memory_space<smem>>
      %mul3A_398 = arith.constant 40 : i32
      %mul3A_399 = arith.muli %arg0, %mul3A_398 : i32
      %add3A_400 = arith.constant 32 : i32
      %add3A_401 = arith.addi %mul3A_399, %add3A_400 : i32
      %add3A_402 = arith.constant 1 : i32
      %add3A_403 = arith.addi %add3A_401, %add3A_402 : i32
      %get3A_404 = arith.index_cast %add3A_403 : i32 to index
      %get3A_405 = memref.load %arg1[%get3A_404] : memref<1001xi32, #tpu.memory_space<smem>>
      %get3A_406 = arith.constant 32 : index
      %get3A_407 = arith.constant 0 : index
      %get3A_408 = arith.constant 0 : index
      %get3A_409 = vector.load %arg2[%get3A_406, %get3A_407, %get3A_408] : memref<40x128x128xf32, #tpu.memory_space<vmem>>, vector<1x128x128xf32>
      %get3A_410 = vector.shape_cast %get3A_409 : vector<1x128x128xf32> to vector<128x128xf32>
      %bitcast_convert_type3A = tpu.bitcast %get3A_410 : vector<128x128xf32> -> vector<128x128xi32>
      %add3A_411 = arith.constant 32768 : i32
      %add3A_412 = vector.broadcast %add3A_411 : i32 to vector<128x128xi32>
      %add3A_413 = arith.addi %bitcast_convert_type3A, %add3A_412 : vector<128x128xi32>
      %bitcast_convert_type3A_414 = tpu.bitcast %add3A_413 : vector<128x128xi32> -> vector<128x128xf32>
      %convert_element_type3A_415 = arith.truncf %bitcast_convert_type3A_414 : vector<128x128xf32> to vector<128x128xbf16>
      %dot_general3A = arith.constant dense<0.000000e+00> : vector<128x128xf32>
      %dot_general3A_416 = tpu.matmul %get3A_386, %convert_element_type3A_415, %dot_general3A {dimension_numbers = #tpu.dot_dimension_numbers<[1], [1], [0], [0], [0, 0, 1, 0], [], []>, transpose_lhs_hint = false} : vector<128x128xbf16>, vector<128x128xbf16>, vector<128x128xf32> -> vector<128x128xf32>
      %get3A_417 = arith.constant 32 : index
      %get3A_418 = arith.constant 0 : index
      %get3A_419 = vector.load %arg3[%get3A_417, %get3A_418] : memref<40x128xf32, #tpu.memory_space<vmem>>, vector<1x128xf32>
      %get3A_420 = vector.shape_cast %get3A_419 : vector<1x128xf32> to vector<128xf32>
      %broadcast_in_dim3A = vector.shape_cast %get3A_420 : vector<128xf32> to vector<1x128xf32>
      %add3A_421 = vector.broadcast %broadcast_in_dim3A : vector<1x128xf32> to vector<128x128xf32>
      %add3A_422 = arith.addf %dot_general3A_416, %add3A_421 : vector<128x128xf32>
      %abs3A = math.absf %add3A_422 : vector<128x128xf32>
      %ge3A = vector.broadcast %get3A_397 : i32 to vector<128x1xi32>
      %ge3A_423 = arith.cmpi sge, %add3A_388, %ge3A : vector<128x1xi32>
      %lt3A = vector.broadcast %get3A_405 : i32 to vector<128x1xi32>
      %lt3A_424 = arith.cmpi slt, %add3A_388, %lt3A : vector<128x1xi32>
      %and3A_425 = arith.andi %ge3A_423, %lt3A_424 : vector<128x1xi1>
      %jit3A_426 = arith.constant 0.000000e+00 : f32
      %broadcast_in_dim3A_427 = vector.shape_cast %and3A_425 : vector<128x1xi1> to vector<128x1xi1>
      %broadcast_in_dim3A_428 = vector.broadcast %broadcast_in_dim3A_427 : vector<128x1xi1> to vector<128x128xi1>
      %broadcast_in_dim3A_429 = vector.broadcast %jit3A_426 : f32 to vector<128x128xf32>
      %select_n3A_430 = arith.select %broadcast_in_dim3A_428, %abs3A, %broadcast_in_dim3A_429 : vector<128x128xi1>, vector<128x128xf32>
      %add3A_431 = arith.addf %get3A_391, %select_n3A_430 : vector<128x128xf32>
      %mul3A_432 = arith.constant 40 : i32
      %mul3A_433 = arith.muli %arg0, %mul3A_432 : i32
      %add3A_434 = arith.constant 33 : i32
      %add3A_435 = arith.addi %mul3A_433, %add3A_434 : i32
      %get3A_436 = arith.index_cast %add3A_435 : i32 to index
      %get3A_437 = memref.load %arg1[%get3A_436] : memref<1001xi32, #tpu.memory_space<smem>>
      %mul3A_438 = arith.constant 40 : i32
      %mul3A_439 = arith.muli %arg0, %mul3A_438 : i32
      %add3A_440 = arith.constant 33 : i32
      %add3A_441 = arith.addi %mul3A_439, %add3A_440 : i32
      %add3A_442 = arith.constant 1 : i32
      %add3A_443 = arith.addi %add3A_441, %add3A_442 : i32
      %get3A_444 = arith.index_cast %add3A_443 : i32 to index
      %get3A_445 = memref.load %arg1[%get3A_444] : memref<1001xi32, #tpu.memory_space<smem>>
      %get3A_446 = arith.constant 33 : index
      %get3A_447 = arith.constant 0 : index
      %get3A_448 = arith.constant 0 : index
      %get3A_449 = vector.load %arg2[%get3A_446, %get3A_447, %get3A_448] : memref<40x128x128xf32, #tpu.memory_space<vmem>>, vector<1x128x128xf32>
      %get3A_450 = vector.shape_cast %get3A_449 : vector<1x128x128xf32> to vector<128x128xf32>
      %bitcast_convert_type3A_451 = tpu.bitcast %get3A_450 : vector<128x128xf32> -> vector<128x128xi32>
      %add3A_452 = arith.constant 32768 : i32
      %add3A_453 = vector.broadcast %add3A_452 : i32 to vector<128x128xi32>
      %add3A_454 = arith.addi %bitcast_convert_type3A_451, %add3A_453 : vector<128x128xi32>
      %bitcast_convert_type3A_455 = tpu.bitcast %add3A_454 : vector<128x128xi32> -> vector<128x128xf32>
      %convert_element_type3A_456 = arith.truncf %bitcast_convert_type3A_455 : vector<128x128xf32> to vector<128x128xbf16>
      %dot_general3A_457 = arith.constant dense<0.000000e+00> : vector<128x128xf32>
      %dot_general3A_458 = tpu.matmul %get3A_386, %convert_element_type3A_456, %dot_general3A_457 {dimension_numbers = #tpu.dot_dimension_numbers<[1], [1], [0], [0], [0, 0, 1, 0], [], []>, transpose_lhs_hint = false} : vector<128x128xbf16>, vector<128x128xbf16>, vector<128x128xf32> -> vector<128x128xf32>
      %get3A_459 = arith.constant 33 : index
      %get3A_460 = arith.constant 0 : index
      %get3A_461 = vector.load %arg3[%get3A_459, %get3A_460] : memref<40x128xf32, #tpu.memory_space<vmem>>, vector<1x128xf32>
      %get3A_462 = vector.shape_cast %get3A_461 : vector<1x128xf32> to vector<128xf32>
      %broadcast_in_dim3A_463 = vector.shape_cast %get3A_462 : vector<128xf32> to vector<1x128xf32>
      %add3A_464 = vector.broadcast %broadcast_in_dim3A_463 : vector<1x128xf32> to vector<128x128xf32>
      %add3A_465 = arith.addf %dot_general3A_458, %add3A_464 : vector<128x128xf32>
      %abs3A_466 = math.absf %add3A_465 : vector<128x128xf32>
      %ge3A_467 = vector.broadcast %get3A_437 : i32 to vector<128x1xi32>
      %ge3A_468 = arith.cmpi sge, %add3A_388, %ge3A_467 : vector<128x1xi32>
      %lt3A_469 = vector.broadcast %get3A_445 : i32 to vector<128x1xi32>
      %lt3A_470 = arith.cmpi slt, %add3A_388, %lt3A_469 : vector<128x1xi32>
      %and3A_471 = arith.andi %ge3A_468, %lt3A_470 : vector<128x1xi1>
      %jit3A_472 = arith.constant 0.000000e+00 : f32
      %broadcast_in_dim3A_473 = vector.shape_cast %and3A_471 : vector<128x1xi1> to vector<128x1xi1>
      %broadcast_in_dim3A_474 = vector.broadcast %broadcast_in_dim3A_473 : vector<128x1xi1> to vector<128x128xi1>
      %broadcast_in_dim3A_475 = vector.broadcast %jit3A_472 : f32 to vector<128x128xf32>
      %select_n3A_476 = arith.select %broadcast_in_dim3A_474, %abs3A_466, %broadcast_in_dim3A_475 : vector<128x128xi1>, vector<128x128xf32>
      %add3A_477 = arith.addf %add3A_431, %select_n3A_476 : vector<128x128xf32>
      %mul3A_478 = arith.constant 40 : i32
      %mul3A_479 = arith.muli %arg0, %mul3A_478 : i32
      %add3A_480 = arith.constant 34 : i32
      %add3A_481 = arith.addi %mul3A_479, %add3A_480 : i32
      %get3A_482 = arith.index_cast %add3A_481 : i32 to index
      %get3A_483 = memref.load %arg1[%get3A_482] : memref<1001xi32, #tpu.memory_space<smem>>
      %mul3A_484 = arith.constant 40 : i32
      %mul3A_485 = arith.muli %arg0, %mul3A_484 : i32
      %add3A_486 = arith.constant 34 : i32
      %add3A_487 = arith.addi %mul3A_485, %add3A_486 : i32
      %add3A_488 = arith.constant 1 : i32
      %add3A_489 = arith.addi %add3A_487, %add3A_488 : i32
      %get3A_490 = arith.index_cast %add3A_489 : i32 to index
      %get3A_491 = memref.load %arg1[%get3A_490] : memref<1001xi32, #tpu.memory_space<smem>>
      %get3A_492 = arith.constant 34 : index
      %get3A_493 = arith.constant 0 : index
      %get3A_494 = arith.constant 0 : index
      %get3A_495 = vector.load %arg2[%get3A_492, %get3A_493, %get3A_494] : memref<40x128x128xf32, #tpu.memory_space<vmem>>, vector<1x128x128xf32>
      %get3A_496 = vector.shape_cast %get3A_495 : vector<1x128x128xf32> to vector<128x128xf32>
      %bitcast_convert_type3A_497 = tpu.bitcast %get3A_496 : vector<128x128xf32> -> vector<128x128xi32>
      %add3A_498 = arith.constant 32768 : i32
      %add3A_499 = vector.broadcast %add3A_498 : i32 to vector<128x128xi32>
      %add3A_500 = arith.addi %bitcast_convert_type3A_497, %add3A_499 : vector<128x128xi32>
      %bitcast_convert_type3A_501 = tpu.bitcast %add3A_500 : vector<128x128xi32> -> vector<128x128xf32>
      %convert_element_type3A_502 = arith.truncf %bitcast_convert_type3A_501 : vector<128x128xf32> to vector<128x128xbf16>
      %dot_general3A_503 = arith.constant dense<0.000000e+00> : vector<128x128xf32>
      %dot_general3A_504 = tpu.matmul %get3A_386, %convert_element_type3A_502, %dot_general3A_503 {dimension_numbers = #tpu.dot_dimension_numbers<[1], [1], [0], [0], [0, 0, 1, 0], [], []>, transpose_lhs_hint = false} : vector<128x128xbf16>, vector<128x128xbf16>, vector<128x128xf32> -> vector<128x128xf32>
      %get3A_505 = arith.constant 34 : index
      %get3A_506 = arith.constant 0 : index
      %get3A_507 = vector.load %arg3[%get3A_505, %get3A_506] : memref<40x128xf32, #tpu.memory_space<vmem>>, vector<1x128xf32>
      %get3A_508 = vector.shape_cast %get3A_507 : vector<1x128xf32> to vector<128xf32>
      %broadcast_in_dim3A_509 = vector.shape_cast %get3A_508 : vector<128xf32> to vector<1x128xf32>
      %add3A_510 = vector.broadcast %broadcast_in_dim3A_509 : vector<1x128xf32> to vector<128x128xf32>
      %add3A_511 = arith.addf %dot_general3A_504, %add3A_510 : vector<128x128xf32>
      %abs3A_512 = math.absf %add3A_511 : vector<128x128xf32>
      %ge3A_513 = vector.broadcast %get3A_483 : i32 to vector<128x1xi32>
      %ge3A_514 = arith.cmpi sge, %add3A_388, %ge3A_513 : vector<128x1xi32>
      %lt3A_515 = vector.broadcast %get3A_491 : i32 to vector<128x1xi32>
      %lt3A_516 = arith.cmpi slt, %add3A_388, %lt3A_515 : vector<128x1xi32>
      %and3A_517 = arith.andi %ge3A_514, %lt3A_516 : vector<128x1xi1>
      %jit3A_518 = arith.constant 0.000000e+00 : f32
      %broadcast_in_dim3A_519 = vector.shape_cast %and3A_517 : vector<128x1xi1> to vector<128x1xi1>
      %broadcast_in_dim3A_520 = vector.broadcast %broadcast_in_dim3A_519 : vector<128x1xi1> to vector<128x128xi1>
      %broadcast_in_dim3A_521 = vector.broadcast %jit3A_518 : f32 to vector<128x128xf32>
      %select_n3A_522 = arith.select %broadcast_in_dim3A_520, %abs3A_512, %broadcast_in_dim3A_521 : vector<128x128xi1>, vector<128x128xf32>
      %add3A_523 = arith.addf %add3A_477, %select_n3A_522 : vector<128x128xf32>
      %mul3A_524 = arith.constant 40 : i32
      %mul3A_525 = arith.muli %arg0, %mul3A_524 : i32
      %add3A_526 = arith.constant 35 : i32
      %add3A_527 = arith.addi %mul3A_525, %add3A_526 : i32
      %get3A_528 = arith.index_cast %add3A_527 : i32 to index
      %get3A_529 = memref.load %arg1[%get3A_528] : memref<1001xi32, #tpu.memory_space<smem>>
      %mul3A_530 = arith.constant 40 : i32
      %mul3A_531 = arith.muli %arg0, %mul3A_530 : i32
      %add3A_532 = arith.constant 35 : i32
      %add3A_533 = arith.addi %mul3A_531, %add3A_532 : i32
      %add3A_534 = arith.constant 1 : i32
      %add3A_535 = arith.addi %add3A_533, %add3A_534 : i32
      %get3A_536 = arith.index_cast %add3A_535 : i32 to index
      %get3A_537 = memref.load %arg1[%get3A_536] : memref<1001xi32, #tpu.memory_space<smem>>
      %get3A_538 = arith.constant 35 : index
      %get3A_539 = arith.constant 0 : index
      %get3A_540 = arith.constant 0 : index
      %get3A_541 = vector.load %arg2[%get3A_538, %get3A_539, %get3A_540] : memref<40x128x128xf32, #tpu.memory_space<vmem>>, vector<1x128x128xf32>
      %get3A_542 = vector.shape_cast %get3A_541 : vector<1x128x128xf32> to vector<128x128xf32>
      %bitcast_convert_type3A_543 = tpu.bitcast %get3A_542 : vector<128x128xf32> -> vector<128x128xi32>
      %add3A_544 = arith.constant 32768 : i32
      %add3A_545 = vector.broadcast %add3A_544 : i32 to vector<128x128xi32>
      %add3A_546 = arith.addi %bitcast_convert_type3A_543, %add3A_545 : vector<128x128xi32>
      %bitcast_convert_type3A_547 = tpu.bitcast %add3A_546 : vector<128x128xi32> -> vector<128x128xf32>
      %convert_element_type3A_548 = arith.truncf %bitcast_convert_type3A_547 : vector<128x128xf32> to vector<128x128xbf16>
      %dot_general3A_549 = arith.constant dense<0.000000e+00> : vector<128x128xf32>
      %dot_general3A_550 = tpu.matmul %get3A_386, %convert_element_type3A_548, %dot_general3A_549 {dimension_numbers = #tpu.dot_dimension_numbers<[1], [1], [0], [0], [0, 0, 1, 0], [], []>, transpose_lhs_hint = false} : vector<128x128xbf16>, vector<128x128xbf16>, vector<128x128xf32> -> vector<128x128xf32>
      %get3A_551 = arith.constant 35 : index
      %get3A_552 = arith.constant 0 : index
      %get3A_553 = vector.load %arg3[%get3A_551, %get3A_552] : memref<40x128xf32, #tpu.memory_space<vmem>>, vector<1x128xf32>
      %get3A_554 = vector.shape_cast %get3A_553 : vector<1x128xf32> to vector<128xf32>
      %broadcast_in_dim3A_555 = vector.shape_cast %get3A_554 : vector<128xf32> to vector<1x128xf32>
      %add3A_556 = vector.broadcast %broadcast_in_dim3A_555 : vector<1x128xf32> to vector<128x128xf32>
      %add3A_557 = arith.addf %dot_general3A_550, %add3A_556 : vector<128x128xf32>
      %abs3A_558 = math.absf %add3A_557 : vector<128x128xf32>
      %ge3A_559 = vector.broadcast %get3A_529 : i32 to vector<128x1xi32>
      %ge3A_560 = arith.cmpi sge, %add3A_388, %ge3A_559 : vector<128x1xi32>
      %lt3A_561 = vector.broadcast %get3A_537 : i32 to vector<128x1xi32>
      %lt3A_562 = arith.cmpi slt, %add3A_388, %lt3A_561 : vector<128x1xi32>
      %and3A_563 = arith.andi %ge3A_560, %lt3A_562 : vector<128x1xi1>
      %jit3A_564 = arith.constant 0.000000e+00 : f32
      %broadcast_in_dim3A_565 = vector.shape_cast %and3A_563 : vector<128x1xi1> to vector<128x1xi1>
      %broadcast_in_dim3A_566 = vector.broadcast %broadcast_in_dim3A_565 : vector<128x1xi1> to vector<128x128xi1>
      %broadcast_in_dim3A_567 = vector.broadcast %jit3A_564 : f32 to vector<128x128xf32>
      %select_n3A_568 = arith.select %broadcast_in_dim3A_566, %abs3A_558, %broadcast_in_dim3A_567 : vector<128x128xi1>, vector<128x128xf32>
      %add3A_569 = arith.addf %add3A_523, %select_n3A_568 : vector<128x128xf32>
      %mul3A_570 = arith.constant 40 : i32
      %mul3A_571 = arith.muli %arg0, %mul3A_570 : i32
      %add3A_572 = arith.constant 36 : i32
      %add3A_573 = arith.addi %mul3A_571, %add3A_572 : i32
      %get3A_574 = arith.index_cast %add3A_573 : i32 to index
      %get3A_575 = memref.load %arg1[%get3A_574] : memref<1001xi32, #tpu.memory_space<smem>>
      %mul3A_576 = arith.constant 40 : i32
      %mul3A_577 = arith.muli %arg0, %mul3A_576 : i32
      %add3A_578 = arith.constant 36 : i32
      %add3A_579 = arith.addi %mul3A_577, %add3A_578 : i32
      %add3A_580 = arith.constant 1 : i32
      %add3A_581 = arith.addi %add3A_579, %add3A_580 : i32
      %get3A_582 = arith.index_cast %add3A_581 : i32 to index
      %get3A_583 = memref.load %arg1[%get3A_582] : memref<1001xi32, #tpu.memory_space<smem>>
      %get3A_584 = arith.constant 36 : index
      %get3A_585 = arith.constant 0 : index
      %get3A_586 = arith.constant 0 : index
      %get3A_587 = vector.load %arg2[%get3A_584, %get3A_585, %get3A_586] : memref<40x128x128xf32, #tpu.memory_space<vmem>>, vector<1x128x128xf32>
      %get3A_588 = vector.shape_cast %get3A_587 : vector<1x128x128xf32> to vector<128x128xf32>
      %bitcast_convert_type3A_589 = tpu.bitcast %get3A_588 : vector<128x128xf32> -> vector<128x128xi32>
      %add3A_590 = arith.constant 32768 : i32
      %add3A_591 = vector.broadcast %add3A_590 : i32 to vector<128x128xi32>
      %add3A_592 = arith.addi %bitcast_convert_type3A_589, %add3A_591 : vector<128x128xi32>
      %bitcast_convert_type3A_593 = tpu.bitcast %add3A_592 : vector<128x128xi32> -> vector<128x128xf32>
      %convert_element_type3A_594 = arith.truncf %bitcast_convert_type3A_593 : vector<128x128xf32> to vector<128x128xbf16>
      %dot_general3A_595 = arith.constant dense<0.000000e+00> : vector<128x128xf32>
      %dot_general3A_596 = tpu.matmul %get3A_386, %convert_element_type3A_594, %dot_general3A_595 {dimension_numbers = #tpu.dot_dimension_numbers<[1], [1], [0], [0], [0, 0, 1, 0], [], []>, transpose_lhs_hint = false} : vector<128x128xbf16>, vector<128x128xbf16>, vector<128x128xf32> -> vector<128x128xf32>
      %get3A_597 = arith.constant 36 : index
      %get3A_598 = arith.constant 0 : index
      %get3A_599 = vector.load %arg3[%get3A_597, %get3A_598] : memref<40x128xf32, #tpu.memory_space<vmem>>, vector<1x128xf32>
      %get3A_600 = vector.shape_cast %get3A_599 : vector<1x128xf32> to vector<128xf32>
      %broadcast_in_dim3A_601 = vector.shape_cast %get3A_600 : vector<128xf32> to vector<1x128xf32>
      %add3A_602 = vector.broadcast %broadcast_in_dim3A_601 : vector<1x128xf32> to vector<128x128xf32>
      %add3A_603 = arith.addf %dot_general3A_596, %add3A_602 : vector<128x128xf32>
      %abs3A_604 = math.absf %add3A_603 : vector<128x128xf32>
      %ge3A_605 = vector.broadcast %get3A_575 : i32 to vector<128x1xi32>
      %ge3A_606 = arith.cmpi sge, %add3A_388, %ge3A_605 : vector<128x1xi32>
      %lt3A_607 = vector.broadcast %get3A_583 : i32 to vector<128x1xi32>
      %lt3A_608 = arith.cmpi slt, %add3A_388, %lt3A_607 : vector<128x1xi32>
      %and3A_609 = arith.andi %ge3A_606, %lt3A_608 : vector<128x1xi1>
      %jit3A_610 = arith.constant 0.000000e+00 : f32
      %broadcast_in_dim3A_611 = vector.shape_cast %and3A_609 : vector<128x1xi1> to vector<128x1xi1>
      %broadcast_in_dim3A_612 = vector.broadcast %broadcast_in_dim3A_611 : vector<128x1xi1> to vector<128x128xi1>
      %broadcast_in_dim3A_613 = vector.broadcast %jit3A_610 : f32 to vector<128x128xf32>
      %select_n3A_614 = arith.select %broadcast_in_dim3A_612, %abs3A_604, %broadcast_in_dim3A_613 : vector<128x128xi1>, vector<128x128xf32>
      %add3A_615 = arith.addf %add3A_569, %select_n3A_614 : vector<128x128xf32>
      %mul3A_616 = arith.constant 40 : i32
      %mul3A_617 = arith.muli %arg0, %mul3A_616 : i32
      %add3A_618 = arith.constant 37 : i32
      %add3A_619 = arith.addi %mul3A_617, %add3A_618 : i32
      %get3A_620 = arith.index_cast %add3A_619 : i32 to index
      %get3A_621 = memref.load %arg1[%get3A_620] : memref<1001xi32, #tpu.memory_space<smem>>
      %mul3A_622 = arith.constant 40 : i32
      %mul3A_623 = arith.muli %arg0, %mul3A_622 : i32
      %add3A_624 = arith.constant 37 : i32
      %add3A_625 = arith.addi %mul3A_623, %add3A_624 : i32
      %add3A_626 = arith.constant 1 : i32
      %add3A_627 = arith.addi %add3A_625, %add3A_626 : i32
      %get3A_628 = arith.index_cast %add3A_627 : i32 to index
      %get3A_629 = memref.load %arg1[%get3A_628] : memref<1001xi32, #tpu.memory_space<smem>>
      %get3A_630 = arith.constant 37 : index
      %get3A_631 = arith.constant 0 : index
      %get3A_632 = arith.constant 0 : index
      %get3A_633 = vector.load %arg2[%get3A_630, %get3A_631, %get3A_632] : memref<40x128x128xf32, #tpu.memory_space<vmem>>, vector<1x128x128xf32>
      %get3A_634 = vector.shape_cast %get3A_633 : vector<1x128x128xf32> to vector<128x128xf32>
      %bitcast_convert_type3A_635 = tpu.bitcast %get3A_634 : vector<128x128xf32> -> vector<128x128xi32>
      %add3A_636 = arith.constant 32768 : i32
      %add3A_637 = vector.broadcast %add3A_636 : i32 to vector<128x128xi32>
      %add3A_638 = arith.addi %bitcast_convert_type3A_635, %add3A_637 : vector<128x128xi32>
      %bitcast_convert_type3A_639 = tpu.bitcast %add3A_638 : vector<128x128xi32> -> vector<128x128xf32>
      %convert_element_type3A_640 = arith.truncf %bitcast_convert_type3A_639 : vector<128x128xf32> to vector<128x128xbf16>
      %dot_general3A_641 = arith.constant dense<0.000000e+00> : vector<128x128xf32>
      %dot_general3A_642 = tpu.matmul %get3A_386, %convert_element_type3A_640, %dot_general3A_641 {dimension_numbers = #tpu.dot_dimension_numbers<[1], [1], [0], [0], [0, 0, 1, 0], [], []>, transpose_lhs_hint = false} : vector<128x128xbf16>, vector<128x128xbf16>, vector<128x128xf32> -> vector<128x128xf32>
      %get3A_643 = arith.constant 37 : index
      %get3A_644 = arith.constant 0 : index
      %get3A_645 = vector.load %arg3[%get3A_643, %get3A_644] : memref<40x128xf32, #tpu.memory_space<vmem>>, vector<1x128xf32>
      %get3A_646 = vector.shape_cast %get3A_645 : vector<1x128xf32> to vector<128xf32>
      %broadcast_in_dim3A_647 = vector.shape_cast %get3A_646 : vector<128xf32> to vector<1x128xf32>
      %add3A_648 = vector.broadcast %broadcast_in_dim3A_647 : vector<1x128xf32> to vector<128x128xf32>
      %add3A_649 = arith.addf %dot_general3A_642, %add3A_648 : vector<128x128xf32>
      %abs3A_650 = math.absf %add3A_649 : vector<128x128xf32>
      %ge3A_651 = vector.broadcast %get3A_621 : i32 to vector<128x1xi32>
      %ge3A_652 = arith.cmpi sge, %add3A_388, %ge3A_651 : vector<128x1xi32>
      %lt3A_653 = vector.broadcast %get3A_629 : i32 to vector<128x1xi32>
      %lt3A_654 = arith.cmpi slt, %add3A_388, %lt3A_653 : vector<128x1xi32>
      %and3A_655 = arith.andi %ge3A_652, %lt3A_654 : vector<128x1xi1>
      %jit3A_656 = arith.constant 0.000000e+00 : f32
      %broadcast_in_dim3A_657 = vector.shape_cast %and3A_655 : vector<128x1xi1> to vector<128x1xi1>
      %broadcast_in_dim3A_658 = vector.broadcast %broadcast_in_dim3A_657 : vector<128x1xi1> to vector<128x128xi1>
      %broadcast_in_dim3A_659 = vector.broadcast %jit3A_656 : f32 to vector<128x128xf32>
      %select_n3A_660 = arith.select %broadcast_in_dim3A_658, %abs3A_650, %broadcast_in_dim3A_659 : vector<128x128xi1>, vector<128x128xf32>
      %add3A_661 = arith.addf %add3A_615, %select_n3A_660 : vector<128x128xf32>
      %mul3A_662 = arith.constant 40 : i32
      %mul3A_663 = arith.muli %arg0, %mul3A_662 : i32
      %add3A_664 = arith.constant 38 : i32
      %add3A_665 = arith.addi %mul3A_663, %add3A_664 : i32
      %get3A_666 = arith.index_cast %add3A_665 : i32 to index
      %get3A_667 = memref.load %arg1[%get3A_666] : memref<1001xi32, #tpu.memory_space<smem>>
      %mul3A_668 = arith.constant 40 : i32
      %mul3A_669 = arith.muli %arg0, %mul3A_668 : i32
      %add3A_670 = arith.constant 38 : i32
      %add3A_671 = arith.addi %mul3A_669, %add3A_670 : i32
      %add3A_672 = arith.constant 1 : i32
      %add3A_673 = arith.addi %add3A_671, %add3A_672 : i32
      %get3A_674 = arith.index_cast %add3A_673 : i32 to index
      %get3A_675 = memref.load %arg1[%get3A_674] : memref<1001xi32, #tpu.memory_space<smem>>
      %get3A_676 = arith.constant 38 : index
      %get3A_677 = arith.constant 0 : index
      %get3A_678 = arith.constant 0 : index
      %get3A_679 = vector.load %arg2[%get3A_676, %get3A_677, %get3A_678] : memref<40x128x128xf32, #tpu.memory_space<vmem>>, vector<1x128x128xf32>
      %get3A_680 = vector.shape_cast %get3A_679 : vector<1x128x128xf32> to vector<128x128xf32>
      %bitcast_convert_type3A_681 = tpu.bitcast %get3A_680 : vector<128x128xf32> -> vector<128x128xi32>
      %add3A_682 = arith.constant 32768 : i32
      %add3A_683 = vector.broadcast %add3A_682 : i32 to vector<128x128xi32>
      %add3A_684 = arith.addi %bitcast_convert_type3A_681, %add3A_683 : vector<128x128xi32>
      %bitcast_convert_type3A_685 = tpu.bitcast %add3A_684 : vector<128x128xi32> -> vector<128x128xf32>
      %convert_element_type3A_686 = arith.truncf %bitcast_convert_type3A_685 : vector<128x128xf32> to vector<128x128xbf16>
      %dot_general3A_687 = arith.constant dense<0.000000e+00> : vector<128x128xf32>
      %dot_general3A_688 = tpu.matmul %get3A_386, %convert_element_type3A_686, %dot_general3A_687 {dimension_numbers = #tpu.dot_dimension_numbers<[1], [1], [0], [0], [0, 0, 1, 0], [], []>, transpose_lhs_hint = false} : vector<128x128xbf16>, vector<128x128xbf16>, vector<128x128xf32> -> vector<128x128xf32>
      %get3A_689 = arith.constant 38 : index
      %get3A_690 = arith.constant 0 : index
      %get3A_691 = vector.load %arg3[%get3A_689, %get3A_690] : memref<40x128xf32, #tpu.memory_space<vmem>>, vector<1x128xf32>
      %get3A_692 = vector.shape_cast %get3A_691 : vector<1x128xf32> to vector<128xf32>
      %broadcast_in_dim3A_693 = vector.shape_cast %get3A_692 : vector<128xf32> to vector<1x128xf32>
      %add3A_694 = vector.broadcast %broadcast_in_dim3A_693 : vector<1x128xf32> to vector<128x128xf32>
      %add3A_695 = arith.addf %dot_general3A_688, %add3A_694 : vector<128x128xf32>
      %abs3A_696 = math.absf %add3A_695 : vector<128x128xf32>
      %ge3A_697 = vector.broadcast %get3A_667 : i32 to vector<128x1xi32>
      %ge3A_698 = arith.cmpi sge, %add3A_388, %ge3A_697 : vector<128x1xi32>
      %lt3A_699 = vector.broadcast %get3A_675 : i32 to vector<128x1xi32>
      %lt3A_700 = arith.cmpi slt, %add3A_388, %lt3A_699 : vector<128x1xi32>
      %and3A_701 = arith.andi %ge3A_698, %lt3A_700 : vector<128x1xi1>
      %jit3A_702 = arith.constant 0.000000e+00 : f32
      %broadcast_in_dim3A_703 = vector.shape_cast %and3A_701 : vector<128x1xi1> to vector<128x1xi1>
      %broadcast_in_dim3A_704 = vector.broadcast %broadcast_in_dim3A_703 : vector<128x1xi1> to vector<128x128xi1>
      %broadcast_in_dim3A_705 = vector.broadcast %jit3A_702 : f32 to vector<128x128xf32>
      %select_n3A_706 = arith.select %broadcast_in_dim3A_704, %abs3A_696, %broadcast_in_dim3A_705 : vector<128x128xi1>, vector<128x128xf32>
      %add3A_707 = arith.addf %add3A_661, %select_n3A_706 : vector<128x128xf32>
      %mul3A_708 = arith.constant 40 : i32
      %mul3A_709 = arith.muli %arg0, %mul3A_708 : i32
      %add3A_710 = arith.constant 39 : i32
      %add3A_711 = arith.addi %mul3A_709, %add3A_710 : i32
      %get3A_712 = arith.index_cast %add3A_711 : i32 to index
      %get3A_713 = memref.load %arg1[%get3A_712] : memref<1001xi32, #tpu.memory_space<smem>>
      %mul3A_714 = arith.constant 40 : i32
      %mul3A_715 = arith.muli %arg0, %mul3A_714 : i32
      %add3A_716 = arith.constant 39 : i32
      %add3A_717 = arith.addi %mul3A_715, %add3A_716 : i32
      %add3A_718 = arith.constant 1 : i32
      %add3A_719 = arith.addi %add3A_717, %add3A_718 : i32
      %get3A_720 = arith.index_cast %add3A_719 : i32 to index
      %get3A_721 = memref.load %arg1[%get3A_720] : memref<1001xi32, #tpu.memory_space<smem>>
      %get3A_722 = arith.constant 39 : index
      %get3A_723 = arith.constant 0 : index
      %get3A_724 = arith.constant 0 : index
      %get3A_725 = vector.load %arg2[%get3A_722, %get3A_723, %get3A_724] : memref<40x128x128xf32, #tpu.memory_space<vmem>>, vector<1x128x128xf32>
      %get3A_726 = vector.shape_cast %get3A_725 : vector<1x128x128xf32> to vector<128x128xf32>
      %bitcast_convert_type3A_727 = tpu.bitcast %get3A_726 : vector<128x128xf32> -> vector<128x128xi32>
      %add3A_728 = arith.constant 32768 : i32
      %add3A_729 = vector.broadcast %add3A_728 : i32 to vector<128x128xi32>
      %add3A_730 = arith.addi %bitcast_convert_type3A_727, %add3A_729 : vector<128x128xi32>
      %bitcast_convert_type3A_731 = tpu.bitcast %add3A_730 : vector<128x128xi32> -> vector<128x128xf32>
      %convert_element_type3A_732 = arith.truncf %bitcast_convert_type3A_731 : vector<128x128xf32> to vector<128x128xbf16>
      %dot_general3A_733 = arith.constant dense<0.000000e+00> : vector<128x128xf32>
      %dot_general3A_734 = tpu.matmul %get3A_386, %convert_element_type3A_732, %dot_general3A_733 {dimension_numbers = #tpu.dot_dimension_numbers<[1], [1], [0], [0], [0, 0, 1, 0], [], []>, transpose_lhs_hint = false} : vector<128x128xbf16>, vector<128x128xbf16>, vector<128x128xf32> -> vector<128x128xf32>
      %get3A_735 = arith.constant 39 : index
      %get3A_736 = arith.constant 0 : index
      %get3A_737 = vector.load %arg3[%get3A_735, %get3A_736] : memref<40x128xf32, #tpu.memory_space<vmem>>, vector<1x128xf32>
      %get3A_738 = vector.shape_cast %get3A_737 : vector<1x128xf32> to vector<128xf32>
      %broadcast_in_dim3A_739 = vector.shape_cast %get3A_738 : vector<128xf32> to vector<1x128xf32>
      %add3A_740 = vector.broadcast %broadcast_in_dim3A_739 : vector<1x128xf32> to vector<128x128xf32>
      %add3A_741 = arith.addf %dot_general3A_734, %add3A_740 : vector<128x128xf32>
      %abs3A_742 = math.absf %add3A_741 : vector<128x128xf32>
      %ge3A_743 = vector.broadcast %get3A_713 : i32 to vector<128x1xi32>
      %ge3A_744 = arith.cmpi sge, %add3A_388, %ge3A_743 : vector<128x1xi32>
      %lt3A_745 = vector.broadcast %get3A_721 : i32 to vector<128x1xi32>
      %lt3A_746 = arith.cmpi slt, %add3A_388, %lt3A_745 : vector<128x1xi32>
      %and3A_747 = arith.andi %ge3A_744, %lt3A_746 : vector<128x1xi1>
      %jit3A_748 = arith.constant 0.000000e+00 : f32
      %broadcast_in_dim3A_749 = vector.shape_cast %and3A_747 : vector<128x1xi1> to vector<128x1xi1>
      %broadcast_in_dim3A_750 = vector.broadcast %broadcast_in_dim3A_749 : vector<128x1xi1> to vector<128x128xi1>
      %broadcast_in_dim3A_751 = vector.broadcast %jit3A_748 : f32 to vector<128x128xf32>
      %select_n3A_752 = arith.select %broadcast_in_dim3A_750, %abs3A_742, %broadcast_in_dim3A_751 : vector<128x128xi1>, vector<128x128xf32>
      %add3A_753 = arith.addf %add3A_707, %select_n3A_752 : vector<128x128xf32>
      %swap3A = arith.index_cast %multiple_of3A : i32 to index
      %swap3A_754 = arith.constant 0 : index
      %swap3A_755 = vector.load %arg8[%swap3A, %swap3A_754] : memref<4096x128xf32, #tpu.memory_space<vmem>>, vector<128x128xf32>
      tpu.vector_store %arg8[%swap3A, %swap3A_754], %add3A_753 {strides = array<i32>} : memref<4096x128xf32, #tpu.memory_space<vmem>>, vector<128x128xf32>,
      %while3A_756 = arith.constant 0 : i32
      scf.yield %while3A_756 : i32
    }
    %eq3A_375 = arith.constant 24 : i32
    %eq3A_376 = arith.cmpi eq, %arg0, %eq3A_375 : i32
    %convert_element_type3A_377 = arith.extui %eq3A_376 : i1 to i32
    %cond3A_378 = arith.constant 0 : i32
    %cond3A_379 = arith.cmpi ne, %convert_element_type3A_377, %cond3A_378 : i32
    scf.if %cond3A_379 {
      %get3A_380 = arith.constant 0 : index
      %get3A_381 = arith.constant 0 : index
      %get3A_382 = vector.load %arg8[%get3A_380, %get3A_381] : memref<4096x128xf32, #tpu.memory_space<vmem>>, vector<128x128xf32>
      %reduce_sum3A = arith.constant dense<0.000000e+00> : vector<128xf32>
      %reduce_sum3A_383 = vector.multi_reduction <add>, %get3A_382, %reduce_sum3A [1] : vector<128x128xf32> to vector<128xf32>
      %broadcast_in_dim3A = vector.shape_cast %reduce_sum3A_383 : vector<128xf32> to vector<128x1xf32>
      %swap3A = arith.constant 0 : index
      %swap3A_384 = arith.constant 0 : index
      %swap3A_385 = vector.load %arg6[%swap3A, %swap3A_384] : memref<4096x1xf32, #tpu.memory_space<vmem>>, vector<128x1xf32>
      tpu.vector_store %arg6[%swap3A, %swap3A_384], %broadcast_in_dim3A {strides = array<i32>} : memref<4096x1xf32, #tpu.memory_space<vmem>>, vector<128x1xf32>,
      %get3A_386 = arith.constant 128 : index
      %get3A_387 = arith.constant 0 : index
      %get3A_388 = vector.load %arg8[%get3A_386, %get3A_387] : memref<4096x128xf32, #tpu.memory_space<vmem>>, vector<128x128xf32>
      %reduce_sum3A_389 = arith.constant dense<0.000000e+00> : vector<128xf32>
      %reduce_sum3A_390 = vector.multi_reduction <add>, %get3A_388, %reduce_sum3A_389 [1] : vector<128x128xf32> to vector<128xf32>
      %broadcast_in_dim3A_391 = vector.shape_cast %reduce_sum3A_390 : vector<128xf32> to vector<128x1xf32>
      %swap3A_392 = arith.constant 128 : index
      %swap3A_393 = arith.constant 0 : index
      %swap3A_394 = vector.load %arg6[%swap3A_392, %swap3A_393] : memref<4096x1xf32, #tpu.memory_space<vmem>>, vector<128x1xf32>
      tpu.vector_store %arg6[%swap3A_392, %swap3A_393], %broadcast_in_dim3A_391 {strides = array<i32>} : memref<4096x1xf32, #tpu.memory_space<vmem>>, vector<128x1xf32>,
      %get3A_395 = arith.constant 256 : index
      %get3A_396 = arith.constant 0 : index
      %get3A_397 = vector.load %arg8[%get3A_395, %get3A_396] : memref<4096x128xf32, #tpu.memory_space<vmem>>, vector<128x128xf32>
      %reduce_sum3A_398 = arith.constant dense<0.000000e+00> : vector<128xf32>
      %reduce_sum3A_399 = vector.multi_reduction <add>, %get3A_397, %reduce_sum3A_398 [1] : vector<128x128xf32> to vector<128xf32>
      %broadcast_in_dim3A_400 = vector.shape_cast %reduce_sum3A_399 : vector<128xf32> to vector<128x1xf32>
      %swap3A_401 = arith.constant 256 : index
      %swap3A_402 = arith.constant 0 : index
      %swap3A_403 = vector.load %arg6[%swap3A_401, %swap3A_402] : memref<4096x1xf32, #tpu.memory_space<vmem>>, vector<128x1xf32>
      tpu.vector_store %arg6[%swap3A_401, %swap3A_402], %broadcast_in_dim3A_400 {strides = array<i32>} : memref<4096x1xf32, #tpu.memory_space<vmem>>, vector<128x1xf32>,
      %get3A_404 = arith.constant 384 : index
      %get3A_405 = arith.constant 0 : index
      %get3A_406 = vector.load %arg8[%get3A_404, %get3A_405] : memref<4096x128xf32, #tpu.memory_space<vmem>>, vector<128x128xf32>
      %reduce_sum3A_407 = arith.constant dense<0.000000e+00> : vector<128xf32>
      %reduce_sum3A_408 = vector.multi_reduction <add>, %get3A_406, %reduce_sum3A_407 [1] : vector<128x128xf32> to vector<128xf32>
      %broadcast_in_dim3A_409 = vector.shape_cast %reduce_sum3A_408 : vector<128xf32> to vector<128x1xf32>
      %swap3A_410 = arith.constant 384 : index
      %swap3A_411 = arith.constant 0 : index
      %swap3A_412 = vector.load %arg6[%swap3A_410, %swap3A_411] : memref<4096x1xf32, #tpu.memory_space<vmem>>, vector<128x1xf32>
      tpu.vector_store %arg6[%swap3A_410, %swap3A_411], %broadcast_in_dim3A_409 {strides = array<i32>} : memref<4096x1xf32, #tpu.memory_space<vmem>>, vector<128x1xf32>,
      %get3A_413 = arith.constant 512 : index
      %get3A_414 = arith.constant 0 : index
      %get3A_415 = vector.load %arg8[%get3A_413, %get3A_414] : memref<4096x128xf32, #tpu.memory_space<vmem>>, vector<128x128xf32>
      %reduce_sum3A_416 = arith.constant dense<0.000000e+00> : vector<128xf32>
      %reduce_sum3A_417 = vector.multi_reduction <add>, %get3A_415, %reduce_sum3A_416 [1] : vector<128x128xf32> to vector<128xf32>
      %broadcast_in_dim3A_418 = vector.shape_cast %reduce_sum3A_417 : vector<128xf32> to vector<128x1xf32>
      %swap3A_419 = arith.constant 512 : index
      %swap3A_420 = arith.constant 0 : index
      %swap3A_421 = vector.load %arg6[%swap3A_419, %swap3A_420] : memref<4096x1xf32, #tpu.memory_space<vmem>>, vector<128x1xf32>
      tpu.vector_store %arg6[%swap3A_419, %swap3A_420], %broadcast_in_dim3A_418 {strides = array<i32>} : memref<4096x1xf32, #tpu.memory_space<vmem>>, vector<128x1xf32>,
      %get3A_422 = arith.constant 640 : index
      %get3A_423 = arith.constant 0 : index
      %get3A_424 = vector.load %arg8[%get3A_422, %get3A_423] : memref<4096x128xf32, #tpu.memory_space<vmem>>, vector<128x128xf32>
      %reduce_sum3A_425 = arith.constant dense<0.000000e+00> : vector<128xf32>
      %reduce_sum3A_426 = vector.multi_reduction <add>, %get3A_424, %reduce_sum3A_425 [1] : vector<128x128xf32> to vector<128xf32>
      %broadcast_in_dim3A_427 = vector.shape_cast %reduce_sum3A_426 : vector<128xf32> to vector<128x1xf32>
      %swap3A_428 = arith.constant 640 : index
      %swap3A_429 = arith.constant 0 : index
      %swap3A_430 = vector.load %arg6[%swap3A_428, %swap3A_429] : memref<4096x1xf32, #tpu.memory_space<vmem>>, vector<128x1xf32>
      tpu.vector_store %arg6[%swap3A_428, %swap3A_429], %broadcast_in_dim3A_427 {strides = array<i32>} : memref<4096x1xf32, #tpu.memory_space<vmem>>, vector<128x1xf32>,
      %get3A_431 = arith.constant 768 : index
      %get3A_432 = arith.constant 0 : index
      %get3A_433 = vector.load %arg8[%get3A_431, %get3A_432] : memref<4096x128xf32, #tpu.memory_space<vmem>>, vector<128x128xf32>
      %reduce_sum3A_434 = arith.constant dense<0.000000e+00> : vector<128xf32>
      %reduce_sum3A_435 = vector.multi_reduction <add>, %get3A_433, %reduce_sum3A_434 [1] : vector<128x128xf32> to vector<128xf32>
      %broadcast_in_dim3A_436 = vector.shape_cast %reduce_sum3A_435 : vector<128xf32> to vector<128x1xf32>
      %swap3A_437 = arith.constant 768 : index
      %swap3A_438 = arith.constant 0 : index
      %swap3A_439 = vector.load %arg6[%swap3A_437, %swap3A_438] : memref<4096x1xf32, #tpu.memory_space<vmem>>, vector<128x1xf32>
      tpu.vector_store %arg6[%swap3A_437, %swap3A_438], %broadcast_in_dim3A_436 {strides = array<i32>} : memref<4096x1xf32, #tpu.memory_space<vmem>>, vector<128x1xf32>,
      %get3A_440 = arith.constant 896 : index
      %get3A_441 = arith.constant 0 : index
      %get3A_442 = vector.load %arg8[%get3A_440, %get3A_441] : memref<4096x128xf32, #tpu.memory_space<vmem>>, vector<128x128xf32>
      %reduce_sum3A_443 = arith.constant dense<0.000000e+00> : vector<128xf32>
      %reduce_sum3A_444 = vector.multi_reduction <add>, %get3A_442, %reduce_sum3A_443 [1] : vector<128x128xf32> to vector<128xf32>
      %broadcast_in_dim3A_445 = vector.shape_cast %reduce_sum3A_444 : vector<128xf32> to vector<128x1xf32>
      %swap3A_446 = arith.constant 896 : index
      %swap3A_447 = arith.constant 0 : index
      %swap3A_448 = vector.load %arg6[%swap3A_446, %swap3A_447] : memref<4096x1xf32, #tpu.memory_space<vmem>>, vector<128x1xf32>
      tpu.vector_store %arg6[%swap3A_446, %swap3A_447], %broadcast_in_dim3A_445 {strides = array<i32>} : memref<4096x1xf32, #tpu.memory_space<vmem>>, vector<128x1xf32>,
      %get3A_449 = arith.constant 1024 : index
      %get3A_450 = arith.constant 0 : index
      %get3A_451 = vector.load %arg8[%get3A_449, %get3A_450] : memref<4096x128xf32, #tpu.memory_space<vmem>>, vector<128x128xf32>
      %reduce_sum3A_452 = arith.constant dense<0.000000e+00> : vector<128xf32>
      %reduce_sum3A_453 = vector.multi_reduction <add>, %get3A_451, %reduce_sum3A_452 [1] : vector<128x128xf32> to vector<128xf32>
      %broadcast_in_dim3A_454 = vector.shape_cast %reduce_sum3A_453 : vector<128xf32> to vector<128x1xf32>
      %swap3A_455 = arith.constant 1024 : index
      %swap3A_456 = arith.constant 0 : index
      %swap3A_457 = vector.load %arg6[%swap3A_455, %swap3A_456] : memref<4096x1xf32, #tpu.memory_space<vmem>>, vector<128x1xf32>
      tpu.vector_store %arg6[%swap3A_455, %swap3A_456], %broadcast_in_dim3A_454 {strides = array<i32>} : memref<4096x1xf32, #tpu.memory_space<vmem>>, vector<128x1xf32>,
      %get3A_458 = arith.constant 1152 : index
      %get3A_459 = arith.constant 0 : index
      %get3A_460 = vector.load %arg8[%get3A_458, %get3A_459] : memref<4096x128xf32, #tpu.memory_space<vmem>>, vector<128x128xf32>
      %reduce_sum3A_461 = arith.constant dense<0.000000e+00> : vector<128xf32>
      %reduce_sum3A_462 = vector.multi_reduction <add>, %get3A_460, %reduce_sum3A_461 [1] : vector<128x128xf32> to vector<128xf32>
      %broadcast_in_dim3A_463 = vector.shape_cast %reduce_sum3A_462 : vector<128xf32> to vector<128x1xf32>
      %swap3A_464 = arith.constant 1152 : index
      %swap3A_465 = arith.constant 0 : index
      %swap3A_466 = vector.load %arg6[%swap3A_464, %swap3A_465] : memref<4096x1xf32, #tpu.memory_space<vmem>>, vector<128x1xf32>
      tpu.vector_store %arg6[%swap3A_464, %swap3A_465], %broadcast_in_dim3A_463 {strides = array<i32>} : memref<4096x1xf32, #tpu.memory_space<vmem>>, vector<128x1xf32>,
      %get3A_467 = arith.constant 1280 : index
      %get3A_468 = arith.constant 0 : index
      %get3A_469 = vector.load %arg8[%get3A_467, %get3A_468] : memref<4096x128xf32, #tpu.memory_space<vmem>>, vector<128x128xf32>
      %reduce_sum3A_470 = arith.constant dense<0.000000e+00> : vector<128xf32>
      %reduce_sum3A_471 = vector.multi_reduction <add>, %get3A_469, %reduce_sum3A_470 [1] : vector<128x128xf32> to vector<128xf32>
      %broadcast_in_dim3A_472 = vector.shape_cast %reduce_sum3A_471 : vector<128xf32> to vector<128x1xf32>
      %swap3A_473 = arith.constant 1280 : index
      %swap3A_474 = arith.constant 0 : index
      %swap3A_475 = vector.load %arg6[%swap3A_473, %swap3A_474] : memref<4096x1xf32, #tpu.memory_space<vmem>>, vector<128x1xf32>
      tpu.vector_store %arg6[%swap3A_473, %swap3A_474], %broadcast_in_dim3A_472 {strides = array<i32>} : memref<4096x1xf32, #tpu.memory_space<vmem>>, vector<128x1xf32>,
      %get3A_476 = arith.constant 1408 : index
      %get3A_477 = arith.constant 0 : index
      %get3A_478 = vector.load %arg8[%get3A_476, %get3A_477] : memref<4096x128xf32, #tpu.memory_space<vmem>>, vector<128x128xf32>
      %reduce_sum3A_479 = arith.constant dense<0.000000e+00> : vector<128xf32>
      %reduce_sum3A_480 = vector.multi_reduction <add>, %get3A_478, %reduce_sum3A_479 [1] : vector<128x128xf32> to vector<128xf32>
      %broadcast_in_dim3A_481 = vector.shape_cast %reduce_sum3A_480 : vector<128xf32> to vector<128x1xf32>
      %swap3A_482 = arith.constant 1408 : index
      %swap3A_483 = arith.constant 0 : index
      %swap3A_484 = vector.load %arg6[%swap3A_482, %swap3A_483] : memref<4096x1xf32, #tpu.memory_space<vmem>>, vector<128x1xf32>
      tpu.vector_store %arg6[%swap3A_482, %swap3A_483], %broadcast_in_dim3A_481 {strides = array<i32>} : memref<4096x1xf32, #tpu.memory_space<vmem>>, vector<128x1xf32>,
      %get3A_485 = arith.constant 1536 : index
      %get3A_486 = arith.constant 0 : index
      %get3A_487 = vector.load %arg8[%get3A_485, %get3A_486] : memref<4096x128xf32, #tpu.memory_space<vmem>>, vector<128x128xf32>
      %reduce_sum3A_488 = arith.constant dense<0.000000e+00> : vector<128xf32>
      %reduce_sum3A_489 = vector.multi_reduction <add>, %get3A_487, %reduce_sum3A_488 [1] : vector<128x128xf32> to vector<128xf32>
      %broadcast_in_dim3A_490 = vector.shape_cast %reduce_sum3A_489 : vector<128xf32> to vector<128x1xf32>
      %swap3A_491 = arith.constant 1536 : index
      %swap3A_492 = arith.constant 0 : index
      %swap3A_493 = vector.load %arg6[%swap3A_491, %swap3A_492] : memref<4096x1xf32, #tpu.memory_space<vmem>>, vector<128x1xf32>
      tpu.vector_store %arg6[%swap3A_491, %swap3A_492], %broadcast_in_dim3A_490 {strides = array<i32>} : memref<4096x1xf32, #tpu.memory_space<vmem>>, vector<128x1xf32>,
      %get3A_494 = arith.constant 1664 : index
      %get3A_495 = arith.constant 0 : index
      %get3A_496 = vector.load %arg8[%get3A_494, %get3A_495] : memref<4096x128xf32, #tpu.memory_space<vmem>>, vector<128x128xf32>
      %reduce_sum3A_497 = arith.constant dense<0.000000e+00> : vector<128xf32>
      %reduce_sum3A_498 = vector.multi_reduction <add>, %get3A_496, %reduce_sum3A_497 [1] : vector<128x128xf32> to vector<128xf32>
      %broadcast_in_dim3A_499 = vector.shape_cast %reduce_sum3A_498 : vector<128xf32> to vector<128x1xf32>
      %swap3A_500 = arith.constant 1664 : index
      %swap3A_501 = arith.constant 0 : index
      %swap3A_502 = vector.load %arg6[%swap3A_500, %swap3A_501] : memref<4096x1xf32, #tpu.memory_space<vmem>>, vector<128x1xf32>
      tpu.vector_store %arg6[%swap3A_500, %swap3A_501], %broadcast_in_dim3A_499 {strides = array<i32>} : memref<4096x1xf32, #tpu.memory_space<vmem>>, vector<128x1xf32>,
      %get3A_503 = arith.constant 1792 : index
      %get3A_504 = arith.constant 0 : index
      %get3A_505 = vector.load %arg8[%get3A_503, %get3A_504] : memref<4096x128xf32, #tpu.memory_space<vmem>>, vector<128x128xf32>
      %reduce_sum3A_506 = arith.constant dense<0.000000e+00> : vector<128xf32>
      %reduce_sum3A_507 = vector.multi_reduction <add>, %get3A_505, %reduce_sum3A_506 [1] : vector<128x128xf32> to vector<128xf32>
      %broadcast_in_dim3A_508 = vector.shape_cast %reduce_sum3A_507 : vector<128xf32> to vector<128x1xf32>
      %swap3A_509 = arith.constant 1792 : index
      %swap3A_510 = arith.constant 0 : index
      %swap3A_511 = vector.load %arg6[%swap3A_509, %swap3A_510] : memref<4096x1xf32, #tpu.memory_space<vmem>>, vector<128x1xf32>
      tpu.vector_store %arg6[%swap3A_509, %swap3A_510], %broadcast_in_dim3A_508 {strides = array<i32>} : memref<4096x1xf32, #tpu.memory_space<vmem>>, vector<128x1xf32>,
      %get3A_512 = arith.constant 1920 : index
      %get3A_513 = arith.constant 0 : index
      %get3A_514 = vector.load %arg8[%get3A_512, %get3A_513] : memref<4096x128xf32, #tpu.memory_space<vmem>>, vector<128x128xf32>
      %reduce_sum3A_515 = arith.constant dense<0.000000e+00> : vector<128xf32>
      %reduce_sum3A_516 = vector.multi_reduction <add>, %get3A_514, %reduce_sum3A_515 [1] : vector<128x128xf32> to vector<128xf32>
      %broadcast_in_dim3A_517 = vector.shape_cast %reduce_sum3A_516 : vector<128xf32> to vector<128x1xf32>
      %swap3A_518 = arith.constant 1920 : index
      %swap3A_519 = arith.constant 0 : index
      %swap3A_520 = vector.load %arg6[%swap3A_518, %swap3A_519] : memref<4096x1xf32, #tpu.memory_space<vmem>>, vector<128x1xf32>
      tpu.vector_store %arg6[%swap3A_518, %swap3A_519], %broadcast_in_dim3A_517 {strides = array<i32>} : memref<4096x1xf32, #tpu.memory_space<vmem>>, vector<128x1xf32>,
      %get3A_521 = arith.constant 2048 : index
      %get3A_522 = arith.constant 0 : index
      %get3A_523 = vector.load %arg8[%get3A_521, %get3A_522] : memref<4096x128xf32, #tpu.memory_space<vmem>>, vector<128x128xf32>
      %reduce_sum3A_524 = arith.constant dense<0.000000e+00> : vector<128xf32>
      %reduce_sum3A_525 = vector.multi_reduction <add>, %get3A_523, %reduce_sum3A_524 [1] : vector<128x128xf32> to vector<128xf32>
      %broadcast_in_dim3A_526 = vector.shape_cast %reduce_sum3A_525 : vector<128xf32> to vector<128x1xf32>
      %swap3A_527 = arith.constant 2048 : index
      %swap3A_528 = arith.constant 0 : index
      %swap3A_529 = vector.load %arg6[%swap3A_527, %swap3A_528] : memref<4096x1xf32, #tpu.memory_space<vmem>>, vector<128x1xf32>
      tpu.vector_store %arg6[%swap3A_527, %swap3A_528], %broadcast_in_dim3A_526 {strides = array<i32>} : memref<4096x1xf32, #tpu.memory_space<vmem>>, vector<128x1xf32>,
      %get3A_530 = arith.constant 2176 : index
      %get3A_531 = arith.constant 0 : index
      %get3A_532 = vector.load %arg8[%get3A_530, %get3A_531] : memref<4096x128xf32, #tpu.memory_space<vmem>>, vector<128x128xf32>
      %reduce_sum3A_533 = arith.constant dense<0.000000e+00> : vector<128xf32>
      %reduce_sum3A_534 = vector.multi_reduction <add>, %get3A_532, %reduce_sum3A_533 [1] : vector<128x128xf32> to vector<128xf32>
      %broadcast_in_dim3A_535 = vector.shape_cast %reduce_sum3A_534 : vector<128xf32> to vector<128x1xf32>
      %swap3A_536 = arith.constant 2176 : index
      %swap3A_537 = arith.constant 0 : index
      %swap3A_538 = vector.load %arg6[%swap3A_536, %swap3A_537] : memref<4096x1xf32, #tpu.memory_space<vmem>>, vector<128x1xf32>
      tpu.vector_store %arg6[%swap3A_536, %swap3A_537], %broadcast_in_dim3A_535 {strides = array<i32>} : memref<4096x1xf32, #tpu.memory_space<vmem>>, vector<128x1xf32>,
      %get3A_539 = arith.constant 2304 : index
      %get3A_540 = arith.constant 0 : index
      %get3A_541 = vector.load %arg8[%get3A_539, %get3A_540] : memref<4096x128xf32, #tpu.memory_space<vmem>>, vector<128x128xf32>
      %reduce_sum3A_542 = arith.constant dense<0.000000e+00> : vector<128xf32>
      %reduce_sum3A_543 = vector.multi_reduction <add>, %get3A_541, %reduce_sum3A_542 [1] : vector<128x128xf32> to vector<128xf32>
      %broadcast_in_dim3A_544 = vector.shape_cast %reduce_sum3A_543 : vector<128xf32> to vector<128x1xf32>
      %swap3A_545 = arith.constant 2304 : index
      %swap3A_546 = arith.constant 0 : index
      %swap3A_547 = vector.load %arg6[%swap3A_545, %swap3A_546] : memref<4096x1xf32, #tpu.memory_space<vmem>>, vector<128x1xf32>
      tpu.vector_store %arg6[%swap3A_545, %swap3A_546], %broadcast_in_dim3A_544 {strides = array<i32>} : memref<4096x1xf32, #tpu.memory_space<vmem>>, vector<128x1xf32>,
      %get3A_548 = arith.constant 2432 : index
      %get3A_549 = arith.constant 0 : index
      %get3A_550 = vector.load %arg8[%get3A_548, %get3A_549] : memref<4096x128xf32, #tpu.memory_space<vmem>>, vector<128x128xf32>
      %reduce_sum3A_551 = arith.constant dense<0.000000e+00> : vector<128xf32>
      %reduce_sum3A_552 = vector.multi_reduction <add>, %get3A_550, %reduce_sum3A_551 [1] : vector<128x128xf32> to vector<128xf32>
      %broadcast_in_dim3A_553 = vector.shape_cast %reduce_sum3A_552 : vector<128xf32> to vector<128x1xf32>
      %swap3A_554 = arith.constant 2432 : index
      %swap3A_555 = arith.constant 0 : index
      %swap3A_556 = vector.load %arg6[%swap3A_554, %swap3A_555] : memref<4096x1xf32, #tpu.memory_space<vmem>>, vector<128x1xf32>
      tpu.vector_store %arg6[%swap3A_554, %swap3A_555], %broadcast_in_dim3A_553 {strides = array<i32>} : memref<4096x1xf32, #tpu.memory_space<vmem>>, vector<128x1xf32>,
      %get3A_557 = arith.constant 2560 : index
      %get3A_558 = arith.constant 0 : index
      %get3A_559 = vector.load %arg8[%get3A_557, %get3A_558] : memref<4096x128xf32, #tpu.memory_space<vmem>>, vector<128x128xf32>
      %reduce_sum3A_560 = arith.constant dense<0.000000e+00> : vector<128xf32>
      %reduce_sum3A_561 = vector.multi_reduction <add>, %get3A_559, %reduce_sum3A_560 [1] : vector<128x128xf32> to vector<128xf32>
      %broadcast_in_dim3A_562 = vector.shape_cast %reduce_sum3A_561 : vector<128xf32> to vector<128x1xf32>
      %swap3A_563 = arith.constant 2560 : index
      %swap3A_564 = arith.constant 0 : index
      %swap3A_565 = vector.load %arg6[%swap3A_563, %swap3A_564] : memref<4096x1xf32, #tpu.memory_space<vmem>>, vector<128x1xf32>
      tpu.vector_store %arg6[%swap3A_563, %swap3A_564], %broadcast_in_dim3A_562 {strides = array<i32>} : memref<4096x1xf32, #tpu.memory_space<vmem>>, vector<128x1xf32>,
      %get3A_566 = arith.constant 2688 : index
      %get3A_567 = arith.constant 0 : index
      %get3A_568 = vector.load %arg8[%get3A_566, %get3A_567] : memref<4096x128xf32, #tpu.memory_space<vmem>>, vector<128x128xf32>
      %reduce_sum3A_569 = arith.constant dense<0.000000e+00> : vector<128xf32>
      %reduce_sum3A_570 = vector.multi_reduction <add>, %get3A_568, %reduce_sum3A_569 [1] : vector<128x128xf32> to vector<128xf32>
      %broadcast_in_dim3A_571 = vector.shape_cast %reduce_sum3A_570 : vector<128xf32> to vector<128x1xf32>
      %swap3A_572 = arith.constant 2688 : index
      %swap3A_573 = arith.constant 0 : index
      %swap3A_574 = vector.load %arg6[%swap3A_572, %swap3A_573] : memref<4096x1xf32, #tpu.memory_space<vmem>>, vector<128x1xf32>
      tpu.vector_store %arg6[%swap3A_572, %swap3A_573], %broadcast_in_dim3A_571 {strides = array<i32>} : memref<4096x1xf32, #tpu.memory_space<vmem>>, vector<128x1xf32>,
      %get3A_575 = arith.constant 2816 : index
      %get3A_576 = arith.constant 0 : index
      %get3A_577 = vector.load %arg8[%get3A_575, %get3A_576] : memref<4096x128xf32, #tpu.memory_space<vmem>>, vector<128x128xf32>
      %reduce_sum3A_578 = arith.constant dense<0.000000e+00> : vector<128xf32>
      %reduce_sum3A_579 = vector.multi_reduction <add>, %get3A_577, %reduce_sum3A_578 [1] : vector<128x128xf32> to vector<128xf32>
      %broadcast_in_dim3A_580 = vector.shape_cast %reduce_sum3A_579 : vector<128xf32> to vector<128x1xf32>
      %swap3A_581 = arith.constant 2816 : index
      %swap3A_582 = arith.constant 0 : index
      %swap3A_583 = vector.load %arg6[%swap3A_581, %swap3A_582] : memref<4096x1xf32, #tpu.memory_space<vmem>>, vector<128x1xf32>
      tpu.vector_store %arg6[%swap3A_581, %swap3A_582], %broadcast_in_dim3A_580 {strides = array<i32>} : memref<4096x1xf32, #tpu.memory_space<vmem>>, vector<128x1xf32>,
      %get3A_584 = arith.constant 2944 : index
      %get3A_585 = arith.constant 0 : index
      %get3A_586 = vector.load %arg8[%get3A_584, %get3A_585] : memref<4096x128xf32, #tpu.memory_space<vmem>>, vector<128x128xf32>
      %reduce_sum3A_587 = arith.constant dense<0.000000e+00> : vector<128xf32>
      %reduce_sum3A_588 = vector.multi_reduction <add>, %get3A_586, %reduce_sum3A_587 [1] : vector<128x128xf32> to vector<128xf32>
      %broadcast_in_dim3A_589 = vector.shape_cast %reduce_sum3A_588 : vector<128xf32> to vector<128x1xf32>
      %swap3A_590 = arith.constant 2944 : index
      %swap3A_591 = arith.constant 0 : index
      %swap3A_592 = vector.load %arg6[%swap3A_590, %swap3A_591] : memref<4096x1xf32, #tpu.memory_space<vmem>>, vector<128x1xf32>
      tpu.vector_store %arg6[%swap3A_590, %swap3A_591], %broadcast_in_dim3A_589 {strides = array<i32>} : memref<4096x1xf32, #tpu.memory_space<vmem>>, vector<128x1xf32>,
      %get3A_593 = arith.constant 3072 : index
      %get3A_594 = arith.constant 0 : index
      %get3A_595 = vector.load %arg8[%get3A_593, %get3A_594] : memref<4096x128xf32, #tpu.memory_space<vmem>>, vector<128x128xf32>
      %reduce_sum3A_596 = arith.constant dense<0.000000e+00> : vector<128xf32>
      %reduce_sum3A_597 = vector.multi_reduction <add>, %get3A_595, %reduce_sum3A_596 [1] : vector<128x128xf32> to vector<128xf32>
      %broadcast_in_dim3A_598 = vector.shape_cast %reduce_sum3A_597 : vector<128xf32> to vector<128x1xf32>
      %swap3A_599 = arith.constant 3072 : index
      %swap3A_600 = arith.constant 0 : index
      %swap3A_601 = vector.load %arg6[%swap3A_599, %swap3A_600] : memref<4096x1xf32, #tpu.memory_space<vmem>>, vector<128x1xf32>
      tpu.vector_store %arg6[%swap3A_599, %swap3A_600], %broadcast_in_dim3A_598 {strides = array<i32>} : memref<4096x1xf32, #tpu.memory_space<vmem>>, vector<128x1xf32>,
      %get3A_602 = arith.constant 3200 : index
      %get3A_603 = arith.constant 0 : index
      %get3A_604 = vector.load %arg8[%get3A_602, %get3A_603] : memref<4096x128xf32, #tpu.memory_space<vmem>>, vector<128x128xf32>
      %reduce_sum3A_605 = arith.constant dense<0.000000e+00> : vector<128xf32>
      %reduce_sum3A_606 = vector.multi_reduction <add>, %get3A_604, %reduce_sum3A_605 [1] : vector<128x128xf32> to vector<128xf32>
      %broadcast_in_dim3A_607 = vector.shape_cast %reduce_sum3A_606 : vector<128xf32> to vector<128x1xf32>
      %swap3A_608 = arith.constant 3200 : index
      %swap3A_609 = arith.constant 0 : index
      %swap3A_610 = vector.load %arg6[%swap3A_608, %swap3A_609] : memref<4096x1xf32, #tpu.memory_space<vmem>>, vector<128x1xf32>
      tpu.vector_store %arg6[%swap3A_608, %swap3A_609], %broadcast_in_dim3A_607 {strides = array<i32>} : memref<4096x1xf32, #tpu.memory_space<vmem>>, vector<128x1xf32>,
      %get3A_611 = arith.constant 3328 : index
      %get3A_612 = arith.constant 0 : index
      %get3A_613 = vector.load %arg8[%get3A_611, %get3A_612] : memref<4096x128xf32, #tpu.memory_space<vmem>>, vector<128x128xf32>
      %reduce_sum3A_614 = arith.constant dense<0.000000e+00> : vector<128xf32>
      %reduce_sum3A_615 = vector.multi_reduction <add>, %get3A_613, %reduce_sum3A_614 [1] : vector<128x128xf32> to vector<128xf32>
      %broadcast_in_dim3A_616 = vector.shape_cast %reduce_sum3A_615 : vector<128xf32> to vector<128x1xf32>
      %swap3A_617 = arith.constant 3328 : index
      %swap3A_618 = arith.constant 0 : index
      %swap3A_619 = vector.load %arg6[%swap3A_617, %swap3A_618] : memref<4096x1xf32, #tpu.memory_space<vmem>>, vector<128x1xf32>
      tpu.vector_store %arg6[%swap3A_617, %swap3A_618], %broadcast_in_dim3A_616 {strides = array<i32>} : memref<4096x1xf32, #tpu.memory_space<vmem>>, vector<128x1xf32>,
      %get3A_620 = arith.constant 3456 : index
      %get3A_621 = arith.constant 0 : index
      %get3A_622 = vector.load %arg8[%get3A_620, %get3A_621] : memref<4096x128xf32, #tpu.memory_space<vmem>>, vector<128x128xf32>
      %reduce_sum3A_623 = arith.constant dense<0.000000e+00> : vector<128xf32>
      %reduce_sum3A_624 = vector.multi_reduction <add>, %get3A_622, %reduce_sum3A_623 [1] : vector<128x128xf32> to vector<128xf32>
      %broadcast_in_dim3A_625 = vector.shape_cast %reduce_sum3A_624 : vector<128xf32> to vector<128x1xf32>
      %swap3A_626 = arith.constant 3456 : index
      %swap3A_627 = arith.constant 0 : index
      %swap3A_628 = vector.load %arg6[%swap3A_626, %swap3A_627] : memref<4096x1xf32, #tpu.memory_space<vmem>>, vector<128x1xf32>
      tpu.vector_store %arg6[%swap3A_626, %swap3A_627], %broadcast_in_dim3A_625 {strides = array<i32>} : memref<4096x1xf32, #tpu.memory_space<vmem>>, vector<128x1xf32>,
      %get3A_629 = arith.constant 3584 : index
      %get3A_630 = arith.constant 0 : index
      %get3A_631 = vector.load %arg8[%get3A_629, %get3A_630] : memref<4096x128xf32, #tpu.memory_space<vmem>>, vector<128x128xf32>
      %reduce_sum3A_632 = arith.constant dense<0.000000e+00> : vector<128xf32>
      %reduce_sum3A_633 = vector.multi_reduction <add>, %get3A_631, %reduce_sum3A_632 [1] : vector<128x128xf32> to vector<128xf32>
      %broadcast_in_dim3A_634 = vector.shape_cast %reduce_sum3A_633 : vector<128xf32> to vector<128x1xf32>
      %swap3A_635 = arith.constant 3584 : index
      %swap3A_636 = arith.constant 0 : index
      %swap3A_637 = vector.load %arg6[%swap3A_635, %swap3A_636] : memref<4096x1xf32, #tpu.memory_space<vmem>>, vector<128x1xf32>
      tpu.vector_store %arg6[%swap3A_635, %swap3A_636], %broadcast_in_dim3A_634 {strides = array<i32>} : memref<4096x1xf32, #tpu.memory_space<vmem>>, vector<128x1xf32>,
      %get3A_638 = arith.constant 3712 : index
      %get3A_639 = arith.constant 0 : index
      %get3A_640 = vector.load %arg8[%get3A_638, %get3A_639] : memref<4096x128xf32, #tpu.memory_space<vmem>>, vector<128x128xf32>
      %reduce_sum3A_641 = arith.constant dense<0.000000e+00> : vector<128xf32>
      %reduce_sum3A_642 = vector.multi_reduction <add>, %get3A_640, %reduce_sum3A_641 [1] : vector<128x128xf32> to vector<128xf32>
      %broadcast_in_dim3A_643 = vector.shape_cast %reduce_sum3A_642 : vector<128xf32> to vector<128x1xf32>
      %swap3A_644 = arith.constant 3712 : index
      %swap3A_645 = arith.constant 0 : index
      %swap3A_646 = vector.load %arg6[%swap3A_644, %swap3A_645] : memref<4096x1xf32, #tpu.memory_space<vmem>>, vector<128x1xf32>
      tpu.vector_store %arg6[%swap3A_644, %swap3A_645], %broadcast_in_dim3A_643 {strides = array<i32>} : memref<4096x1xf32, #tpu.memory_space<vmem>>, vector<128x1xf32>,
      %get3A_647 = arith.constant 3840 : index
      %get3A_648 = arith.constant 0 : index
      %get3A_649 = vector.load %arg8[%get3A_647, %get3A_648] : memref<4096x128xf32, #tpu.memory_space<vmem>>, vector<128x128xf32>
      %reduce_sum3A_650 = arith.constant dense<0.000000e+00> : vector<128xf32>
      %reduce_sum3A_651 = vector.multi_reduction <add>, %get3A_649, %reduce_sum3A_650 [1] : vector<128x128xf32> to vector<128xf32>
      %broadcast_in_dim3A_652 = vector.shape_cast %reduce_sum3A_651 : vector<128xf32> to vector<128x1xf32>
      %swap3A_653 = arith.constant 3840 : index
      %swap3A_654 = arith.constant 0 : index
      %swap3A_655 = vector.load %arg6[%swap3A_653, %swap3A_654] : memref<4096x1xf32, #tpu.memory_space<vmem>>, vector<128x1xf32>
      tpu.vector_store %arg6[%swap3A_653, %swap3A_654], %broadcast_in_dim3A_652 {strides = array<i32>} : memref<4096x1xf32, #tpu.memory_space<vmem>>, vector<128x1xf32>,
      %get3A_656 = arith.constant 3968 : index
      %get3A_657 = arith.constant 0 : index
      %get3A_658 = vector.load %arg8[%get3A_656, %get3A_657] : memref<4096x128xf32, #tpu.memory_space<vmem>>, vector<128x128xf32>
      %reduce_sum3A_659 = arith.constant dense<0.000000e+00> : vector<128xf32>
      %reduce_sum3A_660 = vector.multi_reduction <add>, %get3A_658, %reduce_sum3A_659 [1] : vector<128x128xf32> to vector<128xf32>
      %broadcast_in_dim3A_661 = vector.shape_cast %reduce_sum3A_660 : vector<128xf32> to vector<128x1xf32>
      %swap3A_662 = arith.constant 3968 : index
      %swap3A_663 = arith.constant 0 : index
      %swap3A_664 = vector.load %arg6[%swap3A_662, %swap3A_663] : memref<4096x1xf32, #tpu.memory_space<vmem>>, vector<128x1xf32>
      tpu.vector_store %arg6[%swap3A_662, %swap3A_663], %broadcast_in_dim3A_661 {strides = array<i32>} : memref<4096x1xf32, #tpu.memory_space<vmem>>, vector<128x1xf32>,
    } else {
    }
    return
  }
  func.func @transform_0(%arg0: i32, %arg1: memref<1001xi32, #tpu.memory_space<smem>>) -> (i32, i32, i32) {
    %c0_i32 = arith.constant 0 : i32
    %c0_i32_0 = arith.constant 0 : i32
    %c0_i32_1 = arith.constant 0 : i32
    return %arg0, %c0_i32, %c0_i32_0 : i32, i32, i32
  }
  func.func @transform_1(%arg0: i32, %arg1: memref<1001xi32, #tpu.memory_space<smem>>) -> (i32, i32) {
    %c0_i32 = arith.constant 0 : i32
    %c0_i32_0 = arith.constant 0 : i32
    return %arg0, %c0_i32 : i32, i32
  }
  func.func @transform_2(%arg0: i32, %arg1: memref<1001xi32, #tpu.memory_space<smem>>) -> (i32, i32) {
    %c0_i32 = arith.constant 0 : i32
    %c0_i32_0 = arith.constant 0 : i32
    %c0_i32_1 = arith.constant 0 : i32
    return %c0_i32, %c0_i32_0 : i32, i32
  }
  func.func @transform_3(%arg0: i32, %arg1: memref<1001xi32, #tpu.memory_space<smem>>) -> (i32, i32) {
    %c0_i32 = arith.constant 0 : i32
    %c0_i32_0 = arith.constant 0 : i32
    %c0_i32_1 = arith.constant 0 : i32
    return %c0_i32, %c0_i32_0 : i32, i32
  }
  func.func @transform_4(%arg0: i32, %arg1: memref<1001xi32, #tpu.memory_space<smem>>) -> (i32, i32) {
    %c0_i32 = arith.constant 0 : i32
    %c0_i32_0 = arith.constant 0 : i32
    %c0_i32_1 = arith.constant 0 : i32
    return %c0_i32, %c0_i32_0 : i32, i32
  }
}

</mosaic_0001>

<sc_bundles>
// kernel: gather_offload_async_start
scs
__scs_entry_jumppad:
0x0: {  	(pc) =	sbr.rel $0x88, $3  }
0x1: {  	(tag) =	ssettag $0x0;
	lr =	simm.s32 $0x1  }
0x2: {  	[smem:$0x3F9B] =	sst lr;
	_ =	strace $0xD0000000  }
0x3: {  	_ = 	snop  }
0x4: {  	_ = 	snop  }
0x5: {  	_ = 	snop  }
0x6: {  	_ = 	snop  }
0x7: {  	_ = 	snop  }
__scs_overlays_trampoline_lowered:
0x8: {  	[smem:$0x3FAA] =	sst s0  }
0x9: {  	[smem:$0x3FAB] =	sst s1  }
0xa: {  	[smem:$0x3FAC] =	sst s2  }
0xb: {  	[smem:$0x3FAD] =	sst s3  }
0xc: {  	[smem:$0x3FAE] =	sst s4  }
0xd: {  	[smem:$0x3FAF] =	sst s5  }
0xe: {  	[smem:$0x3FB0] =	sst s6  }
0xf: {  	[smem:$0x3FB1] =	sst s7  }
0x10: {  	[smem:$0x3FB2] =	sst s8  }
0x11: {  	[smem:$0x3FB3] =	sst s9;
	s0 =	simm.s32 @!p0 $0x0  }
0x12: {  	s1 =	sld [smem:$0x3F99];
	s0 =	simm.s32 @p0 $0x1  }
0x13: {  	[smem:$0x3FB4] =	sst s0;
	s0 =	simm.s32 @!p1 $0x0  }
0x14: {  	s2 =	sld [smem:$0x3F98];
	s0 =	simm.s32 @p1 $0x1  }
0x15: {  	[smem:$0x3FB5] =	sst s0;
	s0 =	simm.s32 @!p2 $0x0  }
0x16: {  	s3 =	sld [smem:$0x3FDB];
	s0 =	simm.s32 @p2 $0x1  }
0x17: {  	s4 =	simm.s32 $0x1BF5;
	[smem:$0x3FB7] =	sst s0  }
0x18: {  	s0 =	sld [smem:$0x3F9A];
	_ =	swait.ge [sflag:s4], $0x0  }
0x19: {  	s7 =	sld [smem:$0x3F9B]  }
0x1a: {  	s8 =	sadd.s32 $0xFFFFE003, lr  }
0x1b: {  	s9 =	sadd.s32 $0xFFFFFEF7, lr;
	s5 =	simm.s32 $0xFFFFFFFF;
	p2 =	slt.u32 s8, $0xFFFFF086  }
0x1c: {  	p1 =	slt.u32 s9, $0xF7A;
	s5 =	simm.s32 @!p2 $0x0  }
0x1d: {  	s5 =	simm.s32 @p1 $0x1;
	p0 =	seq.s32 s7, s2  }
0x1e: {  	s7 =	smul.u32 @!p0 $0xF7A, s2;
	p2 =	seq.s32 @!p0 s5, $0x0  }
0x1f: {  	s9 =	smul.u32 $0xF7A, s1;
	s8 =	simm.s32 @!p0 $0x1BF5;
	p2 =	por !p2, p0  }
0x20: {  	[sflag:s8] =	ssyncset.s32 @!p0 $0xFFFFF086;
	s6 =	sadd.s32 @!p0 s3, s7;
	s7 =	simm.s32 @!p0 $0x108  }
0x21: {  	s3 =	sadd.s32 s3, s9;
	s6 =	sadd.s32 @!p0 $0x88, s6;
	s7 =	simm.s32 @p2 $0x1082  }
0x22: {  	[simem:s7], [sflag:s8] =	dma.local @!p0 [hbm:s6], $0xF7A  }
0x23: {  	s9 =	sor.u32 $0xD0000000, s2;
	s6 =	simm.s32 $0x108;
	_ =	swait.ge @!p0 [sflag:s8], $0x0  }
0x24: {  	s3 =	sadd.s32 $0x88, s3;
	s6 =	simm.s32 @!p1 $0x1082;
	[sflag:s4] =	ssyncset.s32 $0xFFFFF086  }
0x25: {  	[simem:s6], [sflag:s4] =	dma.local [hbm:s3], $0xF7A  }
0x26: {  	[smem:$0x3F9B] =	sst s1;
	(tag) =	ssettag s2;
	_ =	strace s9  }
0x27: {  	s1 =	sld [smem:$0x3FAB]  }
0x28: {  	s2 =	sld [smem:$0x3FAC]  }
0x29: {  	s4 =	sld [smem:$0x3FAE]  }
0x2a: {  	p0 =	seq.s32 s5, $0x0;
	s5 =	sld [smem:$0x3FAF]  }
0x2b: {  	s6 =	sld [smem:$0x3FB0]  }
0x2c: {  	s7 =	sld [smem:$0x3FB1]  }
0x2d: {  	s3 =	simm.s32 $0x108;
	s8 =	sld [smem:$0x3FB2]  }
0x2e: {  	s3 =	simm.s32 @!p0 $0x1082;
	s9 =	sld [smem:$0x3FB3]  }
0x2f: {  	lr =	sadd.s32 s0, s3;
	s0 =	sld [smem:$0x3FAA]  }
0x30: {  	s3 =	sld [smem:$0x3FAD]  }
0x31: {  	[smem:$0x3FB6] =	sst s10  }
0x32: {  	s10 =	sld [smem:$0x3FB4];
	_ =	sdelay $0x3  }
0x33: {  	p0 =	seq.s32 s10, $0x1;
	s10 =	sld [smem:$0x3FB6];
	_ =	sdelay $0x3  }
0x34: {  	[smem:$0x3FB6] =	sst s10  }
0x35: {  	s10 =	sld [smem:$0x3FB5];
	_ =	sdelay $0x3  }
0x36: {  	p1 =	seq.s32 s10, $0x1;
	s10 =	sld [smem:$0x3FB6];
	_ =	sdelay $0x3  }
0x37: {  	[smem:$0x3FB6] =	sst s10  }
0x38: {  	s10 =	sld [smem:$0x3FB7]  }
0x39: {  	_ = 	snop;
	(pc) =	sbr.ind lr, $3  }
0x3a: {  	_ = 	snop  }
0x3b: {  	_ = 	snop  }
0x3c: {  	p2 =	seq.s32 s10, $0x1;
	s10 =	sld [smem:$0x3FB6]  }
0x3d: {  	_ =	shalt  }
0x3e: {  	_ =	shalt  }
0x3f: {  	_ =	shalt  }
0x40: {  	_ =	shalt  }
0x41: {  	_ =	shalt  }
0x42: {  	_ =	shalt  }
0x43: {  	_ =	shalt  }
0x44: {  	_ =	shalt  }
0x45: {  	_ =	shalt  }
0x46: {  	_ =	shalt  }
0x47: {  	_ =	shalt  }
0x48: {  	_ =	shalt  }
0x49: {  	_ =	shalt  }
0x4a: {  	_ =	shalt  }
0x4b: {  	_ =	shalt  }
0x4c: {  	_ =	shalt  }
0x4d: {  	_ =	shalt  }
0x4e: {  	_ =	shalt  }
0x4f: {  	_ =	shalt  }
0x50: {  	_ =	shalt  }
0x51: {  	_ =	shalt  }
0x52: {  	_ =	shalt  }
0x53: {  	_ =	shalt  }
0x54: {  	_ =	shalt  }
0x55: {  	_ =	shalt  }
0x56: {  	_ =	shalt  }
0x57: {  	_ =	shalt  }
0x58: {  	_ =	shalt  }
0x59: {  	_ =	shalt  }
0x5a: {  	_ =	shalt  }
0x5b: {  	_ =	shalt  }
0x5c: {  	_ =	shalt  }
0x5d: {  	_ =	shalt  }
0x5e: {  	_ =	shalt  }
0x5f: {  	_ =	shalt  }
0x60: {  	_ =	shalt  }
0x61: {  	_ =	shalt  }
0x62: {  	_ =	shalt  }
0x63: {  	_ =	shalt  }
0x64: {  	_ =	shalt  }
0x65: {  	_ =	shalt  }
0x66: {  	_ =	shalt  }
0x67: {  	_ =	shalt  }
0x68: {  	_ =	shalt  }
0x69: {  	_ =	shalt  }
0x6a: {  	_ =	shalt  }
0x6b: {  	_ =	shalt  }
0x6c: {  	_ =	shalt  }
0x6d: {  	_ =	shalt  }
0x6e: {  	_ =	shalt  }
0x6f: {  	_ =	shalt  }
0x70: {  	_ =	shalt  }
0x71: {  	_ =	shalt  }
0x72: {  	_ =	shalt  }
0x73: {  	_ =	shalt  }
0x74: {  	_ =	shalt  }
0x75: {  	_ =	shalt  }
0x76: {  	_ =	shalt  }
0x77: {  	_ =	shalt  }
0x78: {  	_ =	shalt  }
0x79: {  	_ =	shalt  }
0x7a: {  	_ =	shalt  }
0x7b: {  	_ =	shalt  }
0x7c: {  	_ =	shalt  }
0x7d: {  	_ =	shalt  }
0x7e: {  	_ =	shalt  }
0x7f: {  	_ =	shalt  }
0x80: {  	_ =	shalt  }
0x81: {  	_ =	shalt  }
0x82: {  	_ =	shalt  }
0x83: {  	_ =	shalt  }
0x84: {  	_ =	shalt  }
0x85: {  	_ =	shalt  }
0x86: {  	_ =	shalt  }
0x87: {  	_ =	shalt  }
.Lfunc_end0:
.L_simem_size_0:
called_computation.1_lowered:
.L_overlay_start_0:
0x88: {  	s2 =	sld [smem:$0x3FD9]  }
0x89: {  	s3 =	sld [smem:$0x3FFE];
	_ =	sdelay $0x1  }
0x8a: {  	s1 =	srdreg.scid  }
0x8b: {  	s0 =	sand.u32 $0x1, s1  }
0x8c: {  	s17 =	sshll.u32 s0, $0xA;
	s2 =	sadd.s32 s3, s2  }
0x8d: {  	s2 =	sadd.s32 s2, s17  }
0x8e: {  	[smem:$0x3FC2] =	sst s2  }
0x8f: {  	_ = 	snop  }
0x90: {  	s2 =	sld [smem:$0x3FD0];
	(tm) =	ssettm $0x1  }
0x91: {  	s18 =	sld [smem:$0x3FFB];
	_ =	sdelay $0x3  }
0x92: {  	_ =	strace s18  }
0x93: {  	s3 =	sld [smem:$0x3FFC];
	_ =	sdelay $0x3  }
0x94: {  	_ =	strace s3  }
0x95: {  	s3 =	sld [smem:$0x3FFD];
	_ =	sdelay $0x3  }
0x96: {  	_ =	strace s3  }
0x97: {  	_ =	strace $0x8FFFFFFF  }
0x98: {  	s19 =	sld [smem:$0x3FDB];
	_ =	sdelay $0x1  }
0x99: {  	s4 =	simm.s32 $_scs_section_size  }
0x9a: {  	s5 =	simm.s32 $_size__tile_overlayer_lowered;
	s6 =	simm.s32 $_tile_overlayer_lowered  }
0x9b: {  	s22 =	simm.s32 $0x1BFF;
	s21 =	sshll.u32 s6, $0x1;
	s3 =	sadd.s32 s4, s19  }
0x9c: {  	s7 =	simm.s32 $0x0;
	s20 =	sshll.u32 s5, $0x1;
	s5 =	sadd.s32 s21, s3  }
0x9d: {  	[timem:s7], [sflag:s22] =	dma.local [hbm:s5], s20  }
0x9e: {  	_ =	swait.ge [sflag:s22], s20  }
0x9f: {  	s4 =	ssub.s32 $0x0, s20;
	[sflag:s22] =	ssyncset.done $0x0  }
0xa0: {  	[sflag:s22] =	ssyncadd.s32 s4;
	_ =	sdelay $0x1  }
0xa1: {  	s23 =	simm.s32 $0x1B8B  }
0xa2: {  	_ =	swait.ge [sflag:s23], $0x1  }
0xa3: {  	[sflag:s23] =	ssyncset.done $0x0  }
0xa4: {  	s25 =	simm.s32 $0x1B8E;
	s24 =	sld [smem:$0x3FFE];
	[sflag:s23] =	ssyncadd.s32 $0xFFFFFFFF  }
0xa5: {  	s26 =	simm.s32 $execute0_lowered;
	[smem:$0x3FD2] =	sst s25  }
0xa6: {  	s5 =	sshll.u32 s26, $0x1;
	_ =	strace $0x8000004C;
	[dreg:$0x1] =	wrdreg $0xFFFFFFFF  }
0xa7: {  	s28 =	simm.s32 $_size_execute0_lowered;
	s3 =	sadd.s32 s3, s5;
	[dreg:$0x0] =	wrdreg $0x0  }
0xa8: {  	s5 =	sshll.u32 s28, $0x1;
	[dreg:$0x2] =	wrdreg s3  }
0xa9: {  	[dreg:$0x3] =	wrdreg s5  }
0xaa: {  	[dreg:$0x4] =	wrdreg $0xC0  }
0xab: {  	_ =	task [dreg:s7], $0x5FFFF  }
0xac: {  	[dreg:$0x1] =	wrdreg $0xFFFFFFFF  }
0xad: {  	[dreg:$0x0] =	wrdreg $0x60  }
0xae: {  	[dreg:$0x2] =	wrdreg s2  }
0xaf: {  	[dreg:$0x3] =	wrdreg s24  }
0xb0: {  	[dreg:$0x4] =	wrdreg $0x9  }
0xb1: {  	_ =	task.clear_ibuf [dreg:s7], $0x5FFFF;
	_ =	strace $0x9000004C  }
0xb2: {  	s29 =	simm.s32 $0x9;
	_ =	strace $0x8000004E  }
0xb3: {  	_ =	swait.ge [sflag:s29], $0x1  }
0xb4: {  	[sflag:s29] =	ssyncadd.s32 $0xFFFFFFFF  }
0xb5: {  	_ =	strace $0x9000004E  }
0xb6: {  	_ =	sfence  }
0xb7: {  	s30 =	sld [smem:$0x0];
	_ =	sdelay $0x2  }
0xb8: {  	s31 =	sshll.u32 s1, $0xD;
	s1 =	sshrl.u32 s1, $0x2  }
0xb9: {  	s3 =	sand.u32 $0x4000, s31;
	s1 =	sadd.s32 s1, s30  }
0xba: {  	s0 =	sor.u32 s3, s0;
	s1 =	sshll.u32 s1, $0x11  }
0xbb: {  	s0 =	sor.u32 s1, s0  }
0xbc: {  	s0 =	sadd.s32 $0x8F2B, s0  }
0xbd: {  	[sflag:s0] =	ssyncadd.remote.s32 $0x1  }
0xbe: {  	_ =	sfence.sel $0xFFFF  }
0xbf: {  	[dreg:$0x0] =	wrdreg $0xFFFFFFFF;
	(pc) =	sbr.abs _section_cstart, $3  }
0xc0: {  	[dreg:$0x1] =	wrdreg $0xFFFFFFFF  }
0xc1: {  	_ =	task.clear_ibuf [dreg:s7], $0x2FFFF;
	_ =	strace $0x9FFFFFFF  }
0xc2: {  	(tm) =	ssettm $0x7FFFFFFF  }
0xc3: {  	_ =	shalt  }
tec
execute0_lowered:
.L_overlay_start_1:
0x0: {  	(tag) =	ssettag $0x1  }
0x1: {  	s1 =	srdreg.scid;
	s2 =	rddreg [dreg:$0x0]  }
0x2: {  	s0 =	stileid.u32;
	s3 =	rddreg [dreg:$0x1]  }
0x3: {  	s6 =	simm.s32 $0x1;
	s9 =	simm.s32 $0x1;
	s1 =	sshll.u32 s1, $0x6  }
0x4: {  	s10 =	simm.s32 $0x3;
	s4 =	sshll.u32 s0, $0x7;
	s5 =	sand.u32 $0x40, s1  }
0x5: {  	s13 =	simm.s32 $0x0;
	s12 =	simm.s32 $0x0;
	s4 =	sor.u32 s4, s5  }
0x6: {  	s1 =	rddreg [dreg:$0x2];
	_ =	strace $0x8000004D;
	s8 =	ssub.s32 $0x1000, s4  }
.Ltmp0:
0x7: {  	s5 =	sadd.s32 $0x214400, s3;
	s7 =	sand.u32 $0x7C0, s8;
	(pc) =	sbr.rel .LBB2_1-.Ltmp0, $4  }
0x8: {  	[sflag:s6] =	ssyncpa.u1 $0x0;
	s11 =	smov.u32 s4;
	p0 =	sne.s32 s7, $0x0  }
0x9: {  	s8 =	sshrl.u32 s8, $0xB;
	s7 =	simm.s32 $0x2;
	s9 =	simm.s32 @!p0 $0x0  }
0xa: {  	[sflag:s7] =	ssyncpa.u1 $0x0;
	p0 =	por $0x0, $0x0;
	s8 =	sadd.s32 s9, s8  }
0xb: {  	vm0 =	vmmov $0xffff;
	[sflag:s10] =	ssyncpa.u1 $0x0;
	s10 =	simm.s32 $0x0;
	s9 =	sadd.s32 $0x1, s8  }
.LBB2_4:
0xc: {  	v2 =	vnsel vm1, $0x0, v2  }
0xd: {  	vm1 =	vgt.s32 v0, $0x0;
	v2 =	vmin.u32 v2, $0xFFF  }
0xe: {  	v0 =	vnsel vm1, $0x0, v0  }
0xf: {  	v0 =	vmin.u32 v0, $0xFFF  }
0x10: {  	[tilespmem:s15], [sflag:$0x1] =	stream.indirect_vreg.gather [hbm4b:s2+s10], $0x1, v1, vm0, $0x4038;
	[tilespmem:$0x100] =	vst v63  }
0x11: {  	(ifvalue) =	ssetifvalue $0x7FFFFFFF  }
0x12: {  	[tilespmem:s16], [sflag:$0x1] =	stream.indirect_vreg.gather [hbm4b:s2+s10], $0x1, v2, vm0, $0x4038;
	[tilespmem:$0x100] =	vst v63  }
0x13: {  	s29 =	sadd.s32 $0x10, s16;
	(ifvalue) =	ssetifvalue $0x7FFFFFFF  }
0x14: {  	[tilespmem:s29], [sflag:$0x1] =	stream.indirect_vreg.gather [hbm4b:s2+s10], $0x1, v0, vm0, $0x4038;
	[tilespmem:$0x100] =	vst v63  }
0x15: {  	_ =	swait.ge [sflag:s6], $0x40  }
0x16: {  	s30 =	sshrl.u32 s13, $0x3;
	[sflag:s6] =	ssyncset.done $0x0  }
0x17: {  	s31 =	sand.u32 $0x7, s13;
	s15 =	sadd.s32 s3, s30;
	[sflag:s6] =	ssyncadd.s32 $0xFFFFFFC0  }
0x18: {  	[hbm4b:s15+s31] =	stream.linear.scatter [tilespmem:s14], [sflag:$0x3], $0x40, $0x38;
	[tilespmem:$0x100] =	vst v63  }
.LBB2_5:
0x19: {  	s15 =	sadd.s32 $0x800, s11  }
0x1a: {  	p2 =	sgt.s32 s15, $0xFFF  }
0x1b: {  	s15 =	smov.u32 @p2 s4;
	p2 =	sne.s32 s12, s9  }
.Ltmp1:
0x1c: {  	p1 =	slt.u32 s12, $0x2;
	(pc) =	sbr.rel @!p2 .LBB2_6-.Ltmp1, $4  }
0x1d: {  	s14 =	simm.s32 @!p1 $0x3  }
0x1e: {  	s16 =	sadd.s32 $0x1, s12;
	_ =	swait.ge @!p1 [sflag:s14], $0x40  }
0x1f: {  	s13 =	smov.u32 s11;
	p0 =	por !p0, !p0;
	[sflag:s14] =	ssyncset.done @!p1 $0x0  }
0x20: {  	s12 =	smov.u32 s16;
	s11 =	smov.u32 s15;
	[sflag:s14] =	ssyncadd.s32 @!p1 $0xFFFFFFC0  }
.LBB2_1:
0x21: {  	p1 =	sge.u32 s12, s8  }
0x22: {  	s14 =	sxor.u32 @!p1 $0xFFFFFFFF, s12  }
0x23: {  	s31 =	sadd.s32 $0xFFFFFFFF, s12;
	s15 =	sshrl.u32 @!p1 s11, $0x3;
	s14 =	sshll.u32 @!p1 s14, $0x6  }
0x24: {  	s16 =	sand.u32 @!p1 $0x7, s11;
	s15 =	sadd.s32 @!p1 s5, s15;
	s14 =	sand.u32 @!p1 $0x40, s14  }
0x25: {  	[tilespmem:s14], [sflag:$0x2] =	stream.linear.gather @!p1 [hbm4b:s15+s16], $0x40, $0x38;
	[tilespmem:$0x100] =	vst v63  }
0x26: {  	p1 =	sge.u32 s31, s8  }
.Ltmp2:
0x27: {  	_ = 	snop;
	(pc) =	sbr.rel @p1 .LBB2_5-.Ltmp2, $1  }
0x28: {  	_ =	sdelay $0x3  }
0x29: {  	s14 =	simm.s32 $0x1  }
0x2a: {  	_ =	swait.ge [sflag:s7], $0x40;
	s14 =	simm.s32 @!p0 $0x0  }
0x2b: {  	[sflag:s7] =	ssyncset.done $0x0;
	s14 =	sshll.u32 s14, $0x6  }
0x2c: {  	[sflag:s7] =	ssyncadd.s32 $0xFFFFFFC0;
	(ifvalue) =	ssetifvalue $0x7FFFFFFF;
	v0 =	vld.msk [tilespmem:s14+$0x0 ss:$0x1], $0xffff;
	_ =	sdelay $0x4  }
0x2d: {  	s15 =	sadd.s32 $0x10, s14;
	vm1 =	vgt.s32 v0, $0x0  }
0x2e: {  	v2 =	vld.msk [tilespmem:s15+$0x0 ss:$0x1], $0xffff;
	v1 =	vnsel vm1, $0x0, v0  }
0x2f: {  	v1 =	vmin.u32 v1, $0xFFF;
	_ =	sdelay $0x1  }
0x30: {  	s16 =	sshll.u32 s12, $0x6;
	s18 =	simm.s32 $0x20  }
0x31: {  	s16 =	sand.u32 $0x40, s16;
	s17 =	sadd.s32 $0x10, s15;
	s15 =	sor.u32 $0x80, s14  }
0x32: {  	s14 =	sor.u32 $0x80, s16;
	s16 =	sadd.s32 $0x10, s15;
	v0 =	vld.msk [tilespmem:s17+$0x0 ss:$0x1], $0xffff;
	vm1 =	vgt.s32 v2, $0x0;
	(ifvalue) =	ssetifvalue $0x7FFFFFFF  }
.LBB2_3:
0x33: {  	[tilespmem:s15], [sflag:$0x1] =	stream.indirect_vreg.gather [hbm4b:s2+s10], $0x1, v1, vm0, $0x4038;
	[tilespmem:$0x100] =	vst v63  }
0x34: {  	s18 =	sadd.s32 $0x10, s18  }
0x35: {  	v2 =	vnsel vm1, $0x0, v2;
	p1 =	slt.u32 s18, $0x30  }
.Ltmp3:
0x36: {  	s15 =	smov.u32 s16;
	v1 =	vmin.u32 v2, $0xFFF;
	(pc) =	sbr.rel @p1 .LBB2_3-.Ltmp3, $3  }
0x37: {  	_ =	sdelay $0x1  }
0x38: {  	s17 =	sadd.s32 $0x10, s17  }
0x39: {  	vm1 =	vgt.s32 v0, $0x0;
	s16 =	sadd.s32 $0x10, s16;
	v2 =	vmov v0;
	(ifvalue) =	ssetifvalue $0x7FFFFFFF;
	v0 =	vld.msk [tilespmem:s17+$0x0 ss:$0x1], $0xffff  }
.Ltmp4:
0x3a: {  	_ = 	snop;
	(pc) =	sbr.rel .LBB2_4-.Ltmp4, $1  }
0x3b: {  	_ =	sdelay $0x3  }
.LBB2_6:
0x3c: {  	_ =	sfence.sel $0x180000  }
0x3d: {  	s2 =	simm.s32 $0x2;
	[bflag:$0x0] =	sbarrier.arrive $0xFFFF  }
0x3e: {  	s30 =	simm.s32 $0x3;
	[sflag:s2] =	ssyncpa.u1 $0x1  }
0x3f: {  	s31 =	simm.s32 $0x1;
	[sflag:s30] =	ssyncpa.u1 $0x1  }
0x40: {  	[sflag:s31] =	ssyncpa.u1 $0x1  }
0x41: {  	p0 =	sne.s32 s0, $0x0;
	_ =	strace $0x9000004D  }
0x42: {  	s0 =	sadd.s32 @!p0 $0x100000, s1;
	[bflag:$0x2] =	sbarrier.arrive $0xFFFF  }
0x43: {  	[sflag:s0] =	ssyncadd.tile.s32 @!p0 $0x1;
	_ =	shalt  }
.Lfunc_end2:
_tile_overlayer_lowered:
.L_overlay_start_2:
0x44: {  	(tag) =	ssettag $0x2  }
0x45: {  	s0 =	rddreg [dreg:$0x0];
	s2 =	stileid.u32  }
0x46: {  	s1 =	rddreg [dreg:$0x1];
	p0 =	sne.s32 s2, $0x0  }
0x47: {  	s3 =	rddreg [dreg:$0x2];
	[bflag:$0x3] =	sbarrier.arrive $0xFFFF;
	s2 =	simm.s32 @!p0 $0x1C01  }
0x48: {  	[timem:s3], [sflag:s2] =	dma.local @!p0 [hbm:s0], s1  }
0x49: {  	s0 =	simm.s32 @!p0 $0x1  }
0x4a: {  	_ =	swait.ge @!p0 [sflag:s0], s1  }
0x4b: {  	s1 =	ssub.s32 @!p0 $0x0, s1;
	[sflag:s0] =	ssyncset.done @!p0 $0x0  }
0x4c: {  	[sflag:s0] =	ssyncadd.s32 @!p0 s1  }
0x4d: {  	[bflag:$0x3] =	sbarrier.arrive $0xFFFF  }
0x4e: {  	_ =	shalt  }

// kernel: kernel.4.cloned.1.call-start
scs
__scs_entry_jumppad:
0x0: {  	(pc) =	sbr.rel $0x88, $3  }
0x1: {  	(tag) =	ssettag $0x0;
	lr =	simm.s32 $0x1  }
0x2: {  	[smem:$0x3F9B] =	sst lr;
	_ =	strace $0xD0000000  }
0x3: {  	_ = 	snop  }
0x4: {  	_ = 	snop  }
0x5: {  	_ = 	snop  }
0x6: {  	_ = 	snop  }
0x7: {  	_ = 	snop  }
__scs_overlays_trampoline_lowered:
0x8: {  	[smem:$0x3FAA] =	sst s0  }
0x9: {  	[smem:$0x3FAB] =	sst s1  }
0xa: {  	[smem:$0x3FAC] =	sst s2  }
0xb: {  	[smem:$0x3FAD] =	sst s3  }
0xc: {  	[smem:$0x3FAE] =	sst s4  }
0xd: {  	[smem:$0x3FAF] =	sst s5  }
0xe: {  	[smem:$0x3FB0] =	sst s6  }
0xf: {  	[smem:$0x3FB1] =	sst s7  }
0x10: {  	[smem:$0x3FB2] =	sst s8  }
0x11: {  	[smem:$0x3FB3] =	sst s9;
	s0 =	simm.s32 @!p0 $0x0  }
0x12: {  	s1 =	sld [smem:$0x3F99];
	s0 =	simm.s32 @p0 $0x1  }
0x13: {  	[smem:$0x3FB4] =	sst s0;
	s0 =	simm.s32 @!p1 $0x0  }
0x14: {  	s2 =	sld [smem:$0x3F98];
	s0 =	simm.s32 @p1 $0x1  }
0x15: {  	[smem:$0x3FB5] =	sst s0;
	s0 =	simm.s32 @!p2 $0x0  }
0x16: {  	s3 =	sld [smem:$0x3FDB];
	s0 =	simm.s32 @p2 $0x1  }
0x17: {  	s4 =	simm.s32 $0x1BF5;
	[smem:$0x3FB7] =	sst s0  }
0x18: {  	s0 =	sld [smem:$0x3F9A];
	_ =	swait.ge [sflag:s4], $0x0  }
0x19: {  	s7 =	sld [smem:$0x3F9B]  }
0x1a: {  	s8 =	sadd.s32 $0xFFFFE003, lr  }
0x1b: {  	s9 =	sadd.s32 $0xFFFFFEF7, lr;
	s5 =	simm.s32 $0xFFFFFFFF;
	p2 =	slt.u32 s8, $0xFFFFF086  }
0x1c: {  	p1 =	slt.u32 s9, $0xF7A;
	s5 =	simm.s32 @!p2 $0x0  }
0x1d: {  	s5 =	simm.s32 @p1 $0x1;
	p0 =	seq.s32 s7, s2  }
0x1e: {  	s7 =	smul.u32 @!p0 $0xF7A, s2;
	p2 =	seq.s32 @!p0 s5, $0x0  }
0x1f: {  	s9 =	smul.u32 $0xF7A, s1;
	s8 =	simm.s32 @!p0 $0x1BF5;
	p2 =	por !p2, p0  }
0x20: {  	[sflag:s8] =	ssyncset.s32 @!p0 $0xFFFFF086;
	s6 =	sadd.s32 @!p0 s3, s7;
	s7 =	simm.s32 @!p0 $0x108  }
0x21: {  	s3 =	sadd.s32 s3, s9;
	s6 =	sadd.s32 @!p0 $0x88, s6;
	s7 =	simm.s32 @p2 $0x1082  }
0x22: {  	[simem:s7], [sflag:s8] =	dma.local @!p0 [hbm:s6], $0xF7A  }
0x23: {  	s9 =	sor.u32 $0xD0000000, s2;
	s6 =	simm.s32 $0x108;
	_ =	swait.ge @!p0 [sflag:s8], $0x0  }
0x24: {  	s3 =	sadd.s32 $0x88, s3;
	s6 =	simm.s32 @!p1 $0x1082;
	[sflag:s4] =	ssyncset.s32 $0xFFFFF086  }
0x25: {  	[simem:s6], [sflag:s4] =	dma.local [hbm:s3], $0xF7A  }
0x26: {  	[smem:$0x3F9B] =	sst s1;
	(tag) =	ssettag s2;
	_ =	strace s9  }
0x27: {  	s1 =	sld [smem:$0x3FAB]  }
0x28: {  	s2 =	sld [smem:$0x3FAC]  }
0x29: {  	s4 =	sld [smem:$0x3FAE]  }
0x2a: {  	p0 =	seq.s32 s5, $0x0;
	s5 =	sld [smem:$0x3FAF]  }
0x2b: {  	s6 =	sld [smem:$0x3FB0]  }
0x2c: {  	s7 =	sld [smem:$0x3FB1]  }
0x2d: {  	s3 =	simm.s32 $0x108;
	s8 =	sld [smem:$0x3FB2]  }
0x2e: {  	s3 =	simm.s32 @!p0 $0x1082;
	s9 =	sld [smem:$0x3FB3]  }
0x2f: {  	lr =	sadd.s32 s0, s3;
	s0 =	sld [smem:$0x3FAA]  }
0x30: {  	s3 =	sld [smem:$0x3FAD]  }
0x31: {  	[smem:$0x3FB6] =	sst s10  }
0x32: {  	s10 =	sld [smem:$0x3FB4];
	_ =	sdelay $0x3  }
0x33: {  	p0 =	seq.s32 s10, $0x1;
	s10 =	sld [smem:$0x3FB6];
	_ =	sdelay $0x3  }
0x34: {  	[smem:$0x3FB6] =	sst s10  }
0x35: {  	s10 =	sld [smem:$0x3FB5];
	_ =	sdelay $0x3  }
0x36: {  	p1 =	seq.s32 s10, $0x1;
	s10 =	sld [smem:$0x3FB6];
	_ =	sdelay $0x3  }
0x37: {  	[smem:$0x3FB6] =	sst s10  }
0x38: {  	s10 =	sld [smem:$0x3FB7]  }
0x39: {  	_ = 	snop;
	(pc) =	sbr.ind lr, $3  }
0x3a: {  	_ = 	snop  }
0x3b: {  	_ = 	snop  }
0x3c: {  	p2 =	seq.s32 s10, $0x1;
	s10 =	sld [smem:$0x3FB6]  }
0x3d: {  	_ =	shalt  }
0x3e: {  	_ =	shalt  }
0x3f: {  	_ =	shalt  }
0x40: {  	_ =	shalt  }
0x41: {  	_ =	shalt  }
0x42: {  	_ =	shalt  }
0x43: {  	_ =	shalt  }
0x44: {  	_ =	shalt  }
0x45: {  	_ =	shalt  }
0x46: {  	_ =	shalt  }
0x47: {  	_ =	shalt  }
0x48: {  	_ =	shalt  }
0x49: {  	_ =	shalt  }
0x4a: {  	_ =	shalt  }
0x4b: {  	_ =	shalt  }
0x4c: {  	_ =	shalt  }
0x4d: {  	_ =	shalt  }
0x4e: {  	_ =	shalt  }
0x4f: {  	_ =	shalt  }
0x50: {  	_ =	shalt  }
0x51: {  	_ =	shalt  }
0x52: {  	_ =	shalt  }
0x53: {  	_ =	shalt  }
0x54: {  	_ =	shalt  }
0x55: {  	_ =	shalt  }
0x56: {  	_ =	shalt  }
0x57: {  	_ =	shalt  }
0x58: {  	_ =	shalt  }
0x59: {  	_ =	shalt  }
0x5a: {  	_ =	shalt  }
0x5b: {  	_ =	shalt  }
0x5c: {  	_ =	shalt  }
0x5d: {  	_ =	shalt  }
0x5e: {  	_ =	shalt  }
0x5f: {  	_ =	shalt  }
0x60: {  	_ =	shalt  }
0x61: {  	_ =	shalt  }
0x62: {  	_ =	shalt  }
0x63: {  	_ =	shalt  }
0x64: {  	_ =	shalt  }
0x65: {  	_ =	shalt  }
0x66: {  	_ =	shalt  }
0x67: {  	_ =	shalt  }
0x68: {  	_ =	shalt  }
0x69: {  	_ =	shalt  }
0x6a: {  	_ =	shalt  }
0x6b: {  	_ =	shalt  }
0x6c: {  	_ =	shalt  }
0x6d: {  	_ =	shalt  }
0x6e: {  	_ =	shalt  }
0x6f: {  	_ =	shalt  }
0x70: {  	_ =	shalt  }
0x71: {  	_ =	shalt  }
0x72: {  	_ =	shalt  }
0x73: {  	_ =	shalt  }
0x74: {  	_ =	shalt  }
0x75: {  	_ =	shalt  }
0x76: {  	_ =	shalt  }
0x77: {  	_ =	shalt  }
0x78: {  	_ =	shalt  }
0x79: {  	_ =	shalt  }
0x7a: {  	_ =	shalt  }
0x7b: {  	_ =	shalt  }
0x7c: {  	_ =	shalt  }
0x7d: {  	_ =	shalt  }
0x7e: {  	_ =	shalt  }
0x7f: {  	_ =	shalt  }
0x80: {  	_ =	shalt  }
0x81: {  	_ =	shalt  }
0x82: {  	_ =	shalt  }
0x83: {  	_ =	shalt  }
0x84: {  	_ =	shalt  }
0x85: {  	_ =	shalt  }
0x86: {  	_ =	shalt  }
0x87: {  	_ =	shalt  }
.Lfunc_end0:
.L_simem_size_0:
called_computation.2_lowered:
.L_overlay_start_0:
0x88: {  	s2 =	sld [smem:$0x3FD9]  }
0x89: {  	s3 =	sld [smem:$0x3FFE];
	_ =	sdelay $0x1  }
0x8a: {  	s1 =	srdreg.scid  }
0x8b: {  	s0 =	sand.u32 $0x1, s1  }
0x8c: {  	s17 =	sshll.u32 s0, $0xA;
	s2 =	sadd.s32 s3, s2  }
0x8d: {  	s2 =	sadd.s32 s2, s17  }
0x8e: {  	[smem:$0x3FC2] =	sst s2  }
0x8f: {  	_ = 	snop  }
0x90: {  	s18 =	sld [smem:$0x3FC6];
	(tm) =	ssettm $0x1  }
0x91: {  	s19 =	sld [smem:$0x3FFB];
	_ =	sdelay $0x3  }
0x92: {  	_ =	strace s19  }
0x93: {  	s2 =	sld [smem:$0x3FFC];
	_ =	sdelay $0x3  }
0x94: {  	_ =	strace s2  }
0x95: {  	s2 =	sld [smem:$0x3FFD];
	_ =	sdelay $0x3  }
0x96: {  	_ =	strace s2  }
0x97: {  	_ =	strace $0x8FFFFFFF  }
0x98: {  	s20 =	sld [smem:$0x3FDB];
	_ =	sdelay $0x1  }
0x99: {  	s4 =	simm.s32 $_scs_section_size  }
0x9a: {  	s5 =	simm.s32 $_size__tile_overlayer_lowered;
	s6 =	simm.s32 $_tile_overlayer_lowered  }
0x9b: {  	s7 =	simm.s32 $0x1BFF;
	s21 =	sshll.u32 s6, $0x1;
	s4 =	sadd.s32 s4, s20  }
0x9c: {  	s22 =	simm.s32 $0x0;
	s5 =	sshll.u32 s5, $0x1;
	s6 =	sadd.s32 s21, s4  }
0x9d: {  	[timem:s22], [sflag:s7] =	dma.local [hbm:s6], s5  }
0x9e: {  	_ =	swait.ge [sflag:s7], s5  }
0x9f: {  	s5 =	ssub.s32 $0x0, s5;
	[sflag:s7] =	ssyncset.done $0x0  }
0xa0: {  	[sflag:s7] =	ssyncadd.s32 s5;
	_ =	sdelay $0x1  }
0xa1: {  	s23 =	simm.s32 $0x1B8B  }
0xa2: {  	_ =	swait.ge [sflag:s23], $0x1  }
0xa3: {  	[sflag:s23] =	ssyncset.done $0x0  }
0xa4: {  	[sflag:s23] =	ssyncadd.s32 $0xFFFFFFFF  }
0xa5: {  	s5 =	sld [smem:$0x0]  }
0xa6: {  	s6 =	sand.u32 $0xFFFFFFFE, s1  }
0xa7: {  	p0 =	sne.s32 s1, s6  }
0xa8: {  	s6 =	sshll.u32 @p0 s6, $0xE  }
0xa9: {  	s6 =	sadd.s32 @p0 $0x11B8D, s6;
	s7 =	sshll.u32 @p0 s5, $0x11  }
0xaa: {  	s6 =	sor.u32 @p0 s7, s6  }
0xab: {  	[sflag:s6] =	ssyncadd.remote.s32 @p0 $0x1;
	_ =	sdelay $0x1  }
0xac: {  	s6 =	simm.s32 @p0 $0x1B8D  }
0xad: {  	_ =	swait.eq @p0 [sflag:s6], $0x1  }
0xae: {  	[sflag:s6] =	ssyncadd.s32 @p0 $0xFFFFFFFF  }
0xaf: {  	s7 =	sshll.u32 @!p0 s1, $0xE  }
0xb0: {  	s7 =	sor.u32 @!p0 $0x4000, s7;
	s6 =	simm.s32 @!p0 $0x1B8D  }
0xb1: {  	s5 =	sshll.u32 @!p0 s5, $0x11;
	s7 =	sadd.s32 @!p0 $0x11B8D, s7;
	_ =	swait.eq @!p0 [sflag:s6], $0x1  }
0xb2: {  	s5 =	sor.u32 @!p0 s5, s7;
	[sflag:s6] =	ssyncadd.s32 @!p0 $0xFFFFFFFF  }
0xb3: {  	s25 =	simm.s32 $0x1B8E;
	s24 =	sld [smem:$0x3FFE];
	[sflag:s5] =	ssyncadd.remote.s32 @!p0 $0x1  }
0xb4: {  	s26 =	simm.s32 $execute0_lowered;
	[smem:$0x3FD2] =	sst s25  }
0xb5: {  	s6 =	sshll.u32 s26, $0x1;
	_ =	strace $0x80000049;
	[dreg:$0x1] =	wrdreg $0xFFFFFFFF  }
0xb6: {  	s28 =	simm.s32 $_size_execute0_lowered;
	s4 =	sadd.s32 s4, s6;
	[dreg:$0x0] =	wrdreg $0x0  }
0xb7: {  	s6 =	sshll.u32 s28, $0x1;
	[dreg:$0x2] =	wrdreg s4  }
0xb8: {  	[dreg:$0x3] =	wrdreg s6  }
0xb9: {  	[dreg:$0x4] =	wrdreg $0xC0  }
0xba: {  	_ =	task [dreg:s22], $0x5FFFF  }
0xbb: {  	[dreg:$0x1] =	wrdreg $0xFFFFFFFF  }
0xbc: {  	[dreg:$0x0] =	wrdreg $0x60  }
0xbd: {  	[dreg:$0x2] =	wrdreg s18  }
0xbe: {  	[dreg:$0x3] =	wrdreg s24  }
0xbf: {  	[dreg:$0x4] =	wrdreg $0xA  }
0xc0: {  	_ =	task.clear_ibuf [dreg:s22], $0x5FFFF;
	_ =	strace $0x90000049  }
0xc1: {  	s29 =	simm.s32 $0xA;
	_ =	strace $0x8000004B  }
0xc2: {  	_ =	swait.ge [sflag:s29], $0x1  }
0xc3: {  	[sflag:s29] =	ssyncadd.s32 $0xFFFFFFFF  }
0xc4: {  	_ =	strace $0x9000004B  }
0xc5: {  	_ =	sfence  }
0xc6: {  	s30 =	sld [smem:$0x0];
	_ =	sdelay $0x2  }
0xc7: {  	s31 =	sshll.u32 s1, $0xD;
	s1 =	sshrl.u32 s1, $0x2  }
0xc8: {  	s4 =	sand.u32 $0x4000, s31;
	s1 =	sadd.s32 s1, s30  }
0xc9: {  	s0 =	sor.u32 s4, s0;
	s1 =	sshll.u32 s1, $0x11  }
0xca: {  	s0 =	sor.u32 s1, s0  }
0xcb: {  	s0 =	sadd.s32 $0x8F2B, s0  }
0xcc: {  	[sflag:s0] =	ssyncadd.remote.s32 $0x1  }
0xcd: {  	_ =	sfence.sel $0xFFFF  }
0xce: {  	[dreg:$0x0] =	wrdreg $0xFFFFFFFF;
	(pc) =	sbr.abs _section_cstart, $3  }
0xcf: {  	[dreg:$0x1] =	wrdreg $0xFFFFFFFF  }
0xd0: {  	_ =	task.clear_ibuf [dreg:s22], $0x2FFFF;
	_ =	strace $0x9FFFFFFF  }
0xd1: {  	(tm) =	ssettm $0x7FFFFFFF  }
tec
execute0_lowered:
.L_overlay_start_1:
0x0: {  	(tag) =	ssettag $0x1  }
0x1: {  	s1 =	srdreg.scid  }
0x2: {  	s0 =	stileid.u32;
	s12 =	sand.u32 $0x1, s1  }
0x3: {  	s2 =	rddreg [dreg:$0x0];
	s30 =	sshll.u32 s0, $0x8;
	s3 =	sshll.u32 s12, $0x7  }
0x4: {  	s13 =	rddreg [dreg:$0x1];
	s14 =	sor.u32 s3, s30  }
0x5: {  	s1 =	rddreg [dreg:$0x2];
	s3 =	simm.s32 $0x0;
	s4 =	sshrl.u32 s14, $0x3  }
0x6: {  	[smem:$0x7FF] =	sst s3;
	s6 =	sadd.s32 s4, s13  }
0x7: {  	_ =	strace $0x8000004A;
	s4 =	simm.s32 $0x3;
	s5 =	sadd.s32 $0x1F4000, s6  }
0x8: {  	[tilespmem:s3], [sflag:$0x3] =	stream.linear.gather [hbm4b:s5+s3], $0x80, $0x38;
	[tilespmem:$0x8100] =	vst v63  }
0x9: {  	_ =	swait.ge [sflag:s4], $0x80  }
0xa: {  	[sflag:s4] =	ssyncset.done $0x0  }
0xb: {  	s7 =	simm.s32 $0x80;
	s6 =	sadd.s32 $0x1F4200, s6;
	[sflag:s4] =	ssyncadd.s32 $0xFFFFFF80  }
0xc: {  	[tilespmem:s7], [sflag:$0x3] =	stream.linear.gather [hbm4b:s6+s3], $0x80, $0x38;
	[tilespmem:$0x8100] =	vst v63  }
0xd: {  	_ =	swait.ge [sflag:s4], $0x80  }
0xe: {  	[sflag:s4] =	ssyncset.done $0x0  }
0xf: {  	s8 =	simm.s32 $0x100;
	[sflag:s4] =	ssyncadd.s32 $0xFFFFFF80  }
0x10: {  	[tilespmem:s8], [sflag:$0x1] =	stream.indirect.gather [hbm4b:s2+s7], $0x80, s3, s7, $0xb8;
	[tilespmem:$0x8100] =	vst v63  }
0x11: {  	s9 =	simm.s32 $0x4100;
	s10 =	simm.s32 $0x1  }
0x12: {  	[tilespmem:s9], [sflag:$0x2] =	stream.indirect.gather [hbm4b:s2+s7], $0x80, s7, s7, $0xb8;
	[tilespmem:$0x8100] =	vst v63  }
0x13: {  	_ =	swait.ge [sflag:s10], $0x4000  }
0x14: {  	[sflag:s10] =	ssyncset.done $0x0  }
0x15: {  	s11 =	simm.s32 $0x2;
	s31 =	ssub.s32 $0x2, s12;
	[sflag:s10] =	ssyncadd.s32 $0xFFFFC000  }
0x16: {  	s15 =	sshrl.u32 s31, $0x1;
	s14 =	sshll.u32 s14, $0x4;
	_ =	swait.ge [sflag:s11], $0x4000  }
0x17: {  	s13 =	sadd.s32 s14, s13;
	s14 =	ssub.s32 s31, s15;
	[sflag:s11] =	ssyncset.done $0x0  }
0x18: {  	s12 =	sadd.s32 $0x1F4400, s13;
	s14 =	smax.u32 s14, $0x1;
	[sflag:s11] =	ssyncadd.s32 $0xFFFFC000  }
0x19: {  	[hbm4b:s12+s3] =	stream.linear.scatter [tilespmem:s8], [sflag:$0x3], $0x4000, $0x38;
	[tilespmem:$0x8100] =	vst v63  }
0x1a: {  	p0 =	sne.s32 s14, $0x1;
	_ =	swait.ge [sflag:s4], $0x4000  }
.Ltmp0:
0x1b: {  	[sflag:s4] =	ssyncset.done $0x0;
	(pc) =	sbr.rel @!p0 .LBB2_2-.Ltmp0, $4  }
0x1c: {  	s13 =	sadd.s32 $0x204400, s13;
	[sflag:s4] =	ssyncadd.s32 $0xFFFFC000  }
0x1d: {  	[hbm4b:s13+s3] =	stream.linear.scatter [tilespmem:s9], [sflag:$0x3], $0x4000, $0x38;
	[tilespmem:$0x8100] =	vst v63  }
0x1e: {  	_ =	swait.ge [sflag:s4], $0x4000  }
0x1f: {  	s14 =	sadd.s32 $0xFFFFFFFF, s14;
	[sflag:s4] =	ssyncset.done $0x0  }
.LBB2_1:
0x20: {  	p0 =	sne.s32 s14, $0x1;
	s14 =	sadd.s32 $0xFFFFFFFF, s14;
	[sflag:s4] =	ssyncadd.s32 $0xFFFFC000  }
0x21: {  	[tilespmem:s3], [sflag:$0x3] =	stream.linear.gather [hbm4b:s5+s3], $0x80, $0x38;
	[tilespmem:$0x8100] =	vst v63  }
0x22: {  	_ =	swait.ge [sflag:s4], $0x80  }
0x23: {  	[sflag:s4] =	ssyncset.done $0x0  }
0x24: {  	[sflag:s4] =	ssyncadd.s32 $0xFFFFFF80  }
0x25: {  	[tilespmem:s7], [sflag:$0x3] =	stream.linear.gather [hbm4b:s6+s3], $0x80, $0x38;
	[tilespmem:$0x8100] =	vst v63  }
0x26: {  	_ =	swait.ge [sflag:s4], $0x80  }
0x27: {  	[sflag:s4] =	ssyncset.done $0x0  }
0x28: {  	[sflag:s4] =	ssyncadd.s32 $0xFFFFFF80  }
0x29: {  	[tilespmem:s8], [sflag:$0x1] =	stream.indirect.gather [hbm4b:s2+s7], $0x80, s3, s7, $0xb8;
	[tilespmem:$0x8100] =	vst v63  }
0x2a: {  	_ = 	snop  }
0x2b: {  	[tilespmem:s9], [sflag:$0x2] =	stream.indirect.gather [hbm4b:s2+s7], $0x80, s7, s7, $0xb8;
	[tilespmem:$0x8100] =	vst v63  }
0x2c: {  	_ =	swait.ge [sflag:s10], $0x4000  }
0x2d: {  	[sflag:s10] =	ssyncset.done $0x0  }
0x2e: {  	[sflag:s10] =	ssyncadd.s32 $0xFFFFC000  }
0x2f: {  	_ =	swait.ge [sflag:s11], $0x4000  }
0x30: {  	[sflag:s11] =	ssyncset.done $0x0  }
0x31: {  	[sflag:s11] =	ssyncadd.s32 $0xFFFFC000  }
0x32: {  	[hbm4b:s12+s3] =	stream.linear.scatter [tilespmem:s8], [sflag:$0x3], $0x4000, $0x38;
	[tilespmem:$0x8100] =	vst v63  }
0x33: {  	_ =	swait.ge [sflag:s4], $0x4000  }
.Ltmp1:
0x34: {  	[sflag:s4] =	ssyncset.done $0x0;
	(pc) =	sbr.rel @p0 .LBB2_1-.Ltmp1, $4  }
0x35: {  	[sflag:s4] =	ssyncadd.s32 $0xFFFFC000  }
0x36: {  	[hbm4b:s13+s3] =	stream.linear.scatter [tilespmem:s9], [sflag:$0x3], $0x4000, $0x38;
	[tilespmem:$0x8100] =	vst v63  }
0x37: {  	_ =	swait.ge [sflag:s4], $0x4000  }
0x38: {  	[sflag:s4] =	ssyncset.done $0x0  }
.LBB2_2:
0x39: {  	[sflag:s4] =	ssyncadd.s32 $0xFFFFC000  }
0x3a: {  	_ =	sfence.sel $0x180000  }
0x3b: {  	[bflag:$0x0] =	sbarrier.arrive $0xFFFF  }
0x3c: {  	p0 =	sne.s32 s0, $0x0;
	_ =	strace $0x9000004A  }
0x3d: {  	s0 =	sadd.s32 @!p0 $0x100000, s1;
	[bflag:$0x2] =	sbarrier.arrive $0xFFFF  }
0x3e: {  	[sflag:s0] =	ssyncadd.tile.s32 @!p0 $0x1;
	_ =	shalt  }
.Lfunc_end2:
_tile_overlayer_lowered:
.L_overlay_start_2:
0x3f: {  	(tag) =	ssettag $0x2  }
0x40: {  	s0 =	rddreg [dreg:$0x0];
	s2 =	stileid.u32  }
0x41: {  	s1 =	rddreg [dreg:$0x1];
	p0 =	sne.s32 s2, $0x0  }
0x42: {  	s3 =	rddreg [dreg:$0x2];
	[bflag:$0x3] =	sbarrier.arrive $0xFFFF;
	s2 =	simm.s32 @!p0 $0x1C03  }
0x43: {  	[timem:s3], [sflag:s2] =	dma.local @!p0 [hbm:s0], s1  }
0x44: {  	s0 =	simm.s32 @!p0 $0x3  }
0x45: {  	_ =	swait.ge @!p0 [sflag:s0], s1  }
0x46: {  	s1 =	ssub.s32 @!p0 $0x0, s1;
	[sflag:s0] =	ssyncset.done @!p0 $0x0  }
0x47: {  	[sflag:s0] =	ssyncadd.s32 @!p0 s1  }
0x48: {  	[bflag:$0x3] =	sbarrier.arrive $0xFFFF  }
0x49: {  	_ =	shalt  }

// kernel: sparse-core-data-format-call.cloned.1.call-start
scs
called_computation_lowered:
.L_overlay_start_0:
0x0: {  	s2 =	sld [smem:$0x3FD9]  }
0x1: {  	s3 =	sld [smem:$0x3FFE];
	_ =	sdelay $0x1  }
0x2: {  	s1 =	srdreg.scid  }
0x3: {  	s0 =	sand.u32 $0x1, s1  }
0x4: {  	s18 =	sshll.u32 s0, $0xA;
	s2 =	sadd.s32 s3, s2  }
0x5: {  	s2 =	sadd.s32 s2, s18  }
0x6: {  	[smem:$0x3FC2] =	sst s2  }
0x7: {  	_ = 	snop  }
0x8: {  	s2 =	sld [smem:$0x3FC4];
	(tm) =	ssettm $0x1  }
0x9: {  	s19 =	sld [smem:$0x3FFB];
	_ =	sdelay $0x3  }
0xa: {  	_ =	strace s19  }
0xb: {  	s3 =	sld [smem:$0x3FFC];
	_ =	sdelay $0x3  }
0xc: {  	_ =	strace s3  }
0xd: {  	s3 =	sld [smem:$0x3FFD];
	_ =	sdelay $0x3  }
0xe: {  	_ =	strace s3  }
0xf: {  	_ =	strace $0x8FFFFFFF  }
0x10: {  	s20 =	sld [smem:$0x3FDB];
	_ =	sdelay $0x1  }
0x11: {  	s4 =	simm.s32 $_scs_section_size  }
0x12: {  	s5 =	simm.s32 $_size__tile_overlayer_lowered;
	s6 =	simm.s32 $_tile_overlayer_lowered  }
0x13: {  	s23 =	simm.s32 $0x1BFF;
	s22 =	sshll.u32 s6, $0x1;
	s3 =	sadd.s32 s4, s20  }
0x14: {  	s7 =	simm.s32 $0x0;
	s21 =	sshll.u32 s5, $0x1;
	s5 =	sadd.s32 s22, s3  }
0x15: {  	[timem:s7], [sflag:s23] =	dma.local [hbm:s5], s21  }
0x16: {  	_ =	swait.ge [sflag:s23], s21  }
0x17: {  	s4 =	ssub.s32 $0x0, s21;
	[sflag:s23] =	ssyncset.done $0x0  }
0x18: {  	[sflag:s23] =	ssyncadd.s32 s4;
	_ =	sdelay $0x1  }
0x19: {  	s24 =	simm.s32 $0x1B8B  }
0x1a: {  	_ =	swait.ge [sflag:s24], $0x1  }
0x1b: {  	[sflag:s24] =	ssyncset.done $0x0  }
0x1c: {  	s26 =	simm.s32 $0x1B8E;
	s25 =	sld [smem:$0x3FFE];
	[sflag:s24] =	ssyncadd.s32 $0xFFFFFFFF  }
0x1d: {  	s27 =	simm.s32 $execute0_lowered;
	[smem:$0x3FD2] =	sst s26  }
0x1e: {  	s5 =	sshll.u32 s27, $0x1;
	_ =	strace $0x80000046;
	[dreg:$0x1] =	wrdreg $0xFFFFFFFF  }
0x1f: {  	s28 =	simm.s32 $_size_execute0_lowered;
	s3 =	sadd.s32 s3, s5;
	[dreg:$0x0] =	wrdreg $0x0  }
0x20: {  	s5 =	sshll.u32 s28, $0x1;
	[dreg:$0x2] =	wrdreg s3  }
0x21: {  	[dreg:$0x3] =	wrdreg s5  }
0x22: {  	[dreg:$0x4] =	wrdreg $0xC0  }
0x23: {  	_ =	task [dreg:s7], $0x5FFFF  }
0x24: {  	[dreg:$0x1] =	wrdreg $0xFFFFFFFF  }
0x25: {  	[dreg:$0x0] =	wrdreg $0x60  }
0x26: {  	[dreg:$0x2] =	wrdreg s2  }
0x27: {  	[dreg:$0x3] =	wrdreg s25  }
0x28: {  	[dreg:$0x4] =	wrdreg $0x9  }
0x29: {  	_ =	task.clear_ibuf [dreg:s7], $0x5FFFF;
	_ =	strace $0x90000046  }
0x2a: {  	s29 =	simm.s32 $0x9;
	_ =	strace $0x80000048  }
0x2b: {  	_ =	swait.ge [sflag:s29], $0x1  }
0x2c: {  	[sflag:s29] =	ssyncadd.s32 $0xFFFFFFFF  }
0x2d: {  	_ =	strace $0x90000048  }
0x2e: {  	_ =	sfence  }
0x2f: {  	s30 =	sld [smem:$0x0];
	_ =	sdelay $0x2  }
0x30: {  	s31 =	sshll.u32 s1, $0xD;
	s1 =	sshrl.u32 s1, $0x2  }
0x31: {  	s3 =	sand.u32 $0x4000, s31;
	s1 =	sadd.s32 s1, s30  }
0x32: {  	s0 =	sor.u32 s3, s0;
	s1 =	sshll.u32 s1, $0x11  }
0x33: {  	s0 =	sor.u32 s1, s0  }
0x34: {  	s0 =	sadd.s32 $0x8F2B, s0  }
0x35: {  	[sflag:s0] =	ssyncadd.remote.s32 $0x1  }
0x36: {  	_ =	sfence.sel $0xFFFF  }
0x37: {  	[dreg:$0x0] =	wrdreg $0xFFFFFFFF;
	(pc) =	sbr.abs _section_cstart, $3  }
0x38: {  	[dreg:$0x1] =	wrdreg $0xFFFFFFFF  }
0x39: {  	_ =	task.clear_ibuf [dreg:s7], $0x2FFFF;
	_ =	strace $0x9FFFFFFF  }
0x3a: {  	(tm) =	ssettm $0x7FFFFFFF  }
0x3b: {  	_ =	shalt  }
tec
execute0_lowered:
.L_overlay_start_1:
0x0: {  	(tag) =	ssettag $0x1  }
0x1: {  	s0 =	stileid.u32  }
0x2: {  	s1 =	srdreg.scid;
	s7 =	rddreg [dreg:$0x0]  }
0x3: {  	s3 =	rddreg [dreg:$0x1];
	s2 =	sshll.u32 s0, $0x2;
	s1 =	sshll.u32 s1, $0x6  }
0x4: {  	s31 =	simm.s32 $0x2;
	s14 =	simm.s32 $0x0;
	s1 =	sor.u32 s2, s1  }
0x5: {  	s10 =	simm.s32 $0x4000;
	s11 =	simm.s32 $0x0;
	s1 =	sand.u32 $0x70, s1  }
0x6: {  	s15 =	simm.s32 $0x0;
	s4 =	sand.u32 $0x3, s0;
	s30 =	ssub.s32 $0x80, s1  }
0x7: {  	s13 =	simm.s32 $0x0;
	s6 =	ssub.s32 $0x80, s4;
	s5 =	sand.u32 $0x70, s30  }
0x8: {  	s2 =	rddreg [dreg:$0x2];
	p0 =	sne.s32 s5, $0x0;
	s5 =	simm.s32 $0x1  }
.Ltmp0:
0x9: {  	s8 =	sshrl.u32 s30, $0x7;
	s5 =	simm.s32 @!p0 $0x0;
	(pc) =	sbr.rel .LBB1_1-.Ltmp0, $4  }
0xa: {  	_ =	strace $0x80000047;
	s6 =	sshrl.u32 s6, $0x2;
	s8 =	sadd.s32 s5, s8  }
0xb: {  	s9 =	sshll.u32 s1, $0x7;
	s5 =	simm.s32 $0x1;
	s6 =	smul.u32 s6, s8  }
0xc: {  	s12 =	smov.u32 s4;
	s7 =	sadd.s32 s7, s9;
	[sflag:s5] =	ssyncpa.u1 $0x0  }
0xd: {  	s9 =	simm.s32 $0x800;
	[sflag:s31] =	ssyncpa.u1 $0x0;
	s8 =	sadd.s32 $0x1, s6  }
.LBB1_7:
0xe: {  	s16 =	sadd.s32 $0x4, s12  }
0xf: {  	p1 =	sgt.s32 s16, $0x7C  }
0x10: {  	s16 =	smov.u32 @p1 s4;
	p1 =	sne.s32 s13, s8  }
.Ltmp1:
0x11: {  	p0 =	slt.u32 s13, $0x2;
	(pc) =	sbr.rel @!p1 .LBB1_8-.Ltmp1, $4  }
0x12: {  	s14 =	simm.s32 @!p0 $0x2  }
0x13: {  	s17 =	sadd.s32 $0x1, s13;
	s15 =	smov.u32 s12;
	_ =	swait.ge @!p0 [sflag:s14], $0x4000  }
0x14: {  	s11 =	sadd.s32 $0x4000, s11;
	s13 =	smov.u32 s17;
	[sflag:s14] =	ssyncset.done @!p0 $0x0  }
0x15: {  	s12 =	smov.u32 s16;
	[sflag:s14] =	ssyncadd.s32 @!p0 $0xFFFFC000;
	s14 =	smov.u32 s1  }
.LBB1_1:
0x16: {  	p0 =	sge.u32 s13, s6  }
0x17: {  	s16 =	sxor.u32 @!p0 $0xFFFFFFFF, s13  }
0x18: {  	s31 =	sadd.s32 $0xFFFFFFFF, s13;
	s17 =	sshll.u32 @!p0 s12, $0xE;
	s16 =	sshll.u32 @!p0 s16, $0xE  }
0x19: {  	s18 =	simm.s32 @!p0 $0x0;
	s17 =	sadd.s32 @!p0 s17, s7;
	s16 =	sand.u32 @!p0 $0x4000, s16  }
0x1a: {  	[tilespmem:s16], [sflag:$0x1] =	stream.linear.gather @!p0 [hbm4b:s17+s18], $0x4000, $0x38;
	[tilespmem:$0x10000] =	vst v63  }
0x1b: {  	p0 =	sge.u32 s31, s6  }
.Ltmp2:
0x1c: {  	_ = 	snop;
	(pc) =	sbr.rel @p0 .LBB1_7-.Ltmp2, $1  }
0x1d: {  	_ =	sdelay $0x3  }
0x1e: {  	s17 =	sand.u32 $0x4000, s11  }
0x1f: {  	_ =	swait.ge [sflag:s5], $0x4000;
	s19 =	sshll.u32 s13, $0xE;
	s16 =	sor.u32 $0x8040, s17  }
0x20: {  	s18 =	sor.u32 $0x40, s17;
	[sflag:s5] =	ssyncset.done $0x0;
	s31 =	sand.u32 $0x4000, s19  }
0x21: {  	s19 =	simm.s32 $0x0;
	[sflag:s5] =	ssyncadd.s32 $0xFFFFC000;
	s17 =	sor.u32 $0x8000, s31  }
.LBB1_3:
0x22: {  	v0 =	vmov s18;
	_ =	sdelay $0x3  }
0x23: {  	s21 =	simm.s32 $0x0  }
0x24: {  	v6 =	vld.idx.msk [tilespmem:v0+s21+$0x30 ss:$0x1], $0xffff  }
0x25: {  	v7 =	vld.idx.msk [tilespmem:v0+s21+$0xFFFFFFC0 ss:$0x1], $0xffff  }
0x26: {  	v5 =	vld.idx.msk [tilespmem:v0+s21+$0xFFFFFFD0 ss:$0x1], $0xffff  }
0x27: {  	v4 =	vld.idx.msk [tilespmem:v0+s21+$0xFFFFFFE0 ss:$0x1], $0xffff  }
0x28: {  	v3 =	vld.idx.msk [tilespmem:v0+s21+$0xFFFFFFF0 ss:$0x1], $0xffff  }
0x29: {  	v1 =	vld.idx.msk [tilespmem:v0+s21+$0x0 ss:$0x1], $0xffff  }
0x2a: {  	v2 =	vld.idx.msk [tilespmem:v0+s21+$0x10 ss:$0x1], $0xffff;
	[tilespmem:s16+$0x30] =	vst v6  }
0x2b: {  	s20 =	simm.s32 $0x80;
	s22 =	simm.s32 $0x400;
	[tilespmem:s16+$0xFFFFFFC0] =	vst v7;
	v6 =	vld.idx.msk [tilespmem:v0+s21+$0x20 ss:$0x1], $0xffff;
	s21 =	smov.u32 s16  }
.LBB1_4:
0x2c: {  	p0 =	sne.s32 s22, $0xE00;
	v7 =	vld.idx.msk [tilespmem:v0+s20+$0x30 ss:$0x1], $0xffff;
	[tilespmem:s21+$0xFFFFFFD0] =	vst v5  }
0x2d: {  	v8 =	vld.idx.msk [tilespmem:v0+s20+$0xFFFFFFC0 ss:$0x1], $0xffff;
	[tilespmem:s21+$0xFFFFFFE0] =	vst v4  }
0x2e: {  	v5 =	vld.idx.msk [tilespmem:v0+s20+$0xFFFFFFD0 ss:$0x1], $0xffff;
	[tilespmem:s21+$0xFFFFFFF0] =	vst v3  }
.Ltmp3:
0x2f: {  	v4 =	vld.idx.msk [tilespmem:v0+s20+$0xFFFFFFE0 ss:$0x1], $0xffff;
	[tilespmem:s21+$0x0] =	vst v1;
	(pc) =	sbr.rel @p0 .LBB1_4-.Ltmp3, $4  }
0x30: {  	v3 =	vld.idx.msk [tilespmem:v0+s20+$0xFFFFFFF0 ss:$0x1], $0xffff;
	[tilespmem:s21+$0x10] =	vst v2  }
0x31: {  	v1 =	vld.idx.msk [tilespmem:v0+s20+$0x0 ss:$0x1], $0xffff;
	[tilespmem:s21+$0x20] =	vst v6;
	s21 =	sadd.s32 $0x800, s21  }
0x32: {  	v2 =	vld.idx.msk [tilespmem:v0+s20+$0x10 ss:$0x1], $0xffff;
	[tilespmem:s21+$0x30] =	vst v7  }
0x33: {  	[tilespmem:s21+$0xFFFFFFC0] =	vst v8;
	v6 =	vld.idx.msk [tilespmem:v0+s20+$0x20 ss:$0x1], $0xffff;
	s20 =	sshra.s32 s22, $0x2;
	s22 =	sadd.s32 $0x200, s22  }
0x34: {  	_ =	sdelay $0x2  }
0x35: {  	[tilespmem:s21+$0xFFFFFFD0] =	vst v5  }
0x36: {  	v56 =	vld.idx.msk [tilespmem:v0+s20+$0x30 ss:$0x1], $0xffff;
	[tilespmem:s21+$0xFFFFFFE0] =	vst v4  }
0x37: {  	v57 =	vld.idx.msk [tilespmem:v0+s20+$0xFFFFFFC0 ss:$0x1], $0xffff;
	[tilespmem:s21+$0xFFFFFFF0] =	vst v3  }
0x38: {  	v58 =	vld.idx.msk [tilespmem:v0+s20+$0xFFFFFFD0 ss:$0x1], $0xffff;
	[tilespmem:s21+$0x0] =	vst v1  }
0x39: {  	v59 =	vld.idx.msk [tilespmem:v0+s20+$0xFFFFFFE0 ss:$0x1], $0xffff;
	[tilespmem:s21+$0x10] =	vst v2  }
0x3a: {  	v60 =	vld.idx.msk [tilespmem:v0+s20+$0xFFFFFFF0 ss:$0x1], $0xffff;
	s31 =	sadd.s32 $0x800, s21;
	[tilespmem:s21+$0x20] =	vst v6  }
0x3b: {  	v61 =	vld.idx.msk [tilespmem:v0+s20+$0x0 ss:$0x1], $0xffff;
	[tilespmem:s31+$0x30] =	vst v56  }
0x3c: {  	v62 =	vld.idx.msk [tilespmem:v0+s20+$0x10 ss:$0x1], $0xffff;
	s19 =	sadd.s32 $0x1, s19;
	[tilespmem:s31+$0xFFFFFFC0] =	vst v57  }
0x3d: {  	v63 =	vld.idx.msk [tilespmem:v0+s20+$0x20 ss:$0x1], $0xffff;
	p0 =	sne.s32 s19, $0x10;
	[tilespmem:s31+$0xFFFFFFD0] =	vst v58  }
.Ltmp4:
0x3e: {  	[tilespmem:s31+$0xFFFFFFE0] =	vst v59;
	(pc) =	sbr.rel @p0 .LBB1_3-.Ltmp4, $4  }
0x3f: {  	[tilespmem:s31+$0xFFFFFFF0] =	vst v60  }
0x40: {  	[tilespmem:s31+$0x0] =	vst v61  }
0x41: {  	[tilespmem:s31+$0x10] =	vst v62  }
0x42: {  	s16 =	sadd.s32 $0x80, s16;
	s18 =	sadd.s32 $0x400, s18;
	[tilespmem:s31+$0x20] =	vst v63  }
.Ltmp5:
0x43: {  	(pc) =	sbr.rel .LBB1_7-.Ltmp5, $4  }
0x44: {  	s15 =	sshll.u32 s15, $0xE  }
0x45: {  	s14 =	sshll.u32 s14, $0x4;
	s15 =	sadd.s32 s3, s15  }
0x46: {  	s14 =	sadd.s32 s14, s15  }
0x47: {  	[hbm4b:s14+s9] =	stream.strided.scatter [tilespmem:s17], [sflag:$0x2], $0x4000, s10, s9, $0x38;
	[tilespmem:$0x10000] =	vst v63  }
.LBB1_8:
0x48: {  	_ =	sfence.sel $0x180000  }
0x49: {  	s1 =	simm.s32 $0x1;
	[bflag:$0x0] =	sbarrier.arrive $0xFFFF  }
0x4a: {  	s31 =	simm.s32 $0x2;
	[sflag:s1] =	ssyncpa.u1 $0x1  }
0x4b: {  	[sflag:s31] =	ssyncpa.u1 $0x1  }
0x4c: {  	p0 =	sne.s32 s0, $0x0;
	_ =	strace $0x90000047  }
0x4d: {  	s0 =	sadd.s32 @!p0 $0x100000, s2;
	[bflag:$0x2] =	sbarrier.arrive $0xFFFF  }
0x4e: {  	[sflag:s0] =	ssyncadd.tile.s32 @!p0 $0x1;
	_ =	shalt  }
.Lfunc_end1:
_tile_overlayer_lowered:
.L_overlay_start_2:
0x4f: {  	(tag) =	ssettag $0x2  }
0x50: {  	s0 =	rddreg [dreg:$0x0];
	s2 =	stileid.u32  }
0x51: {  	s1 =	rddreg [dreg:$0x1];
	p0 =	sne.s32 s2, $0x0  }
0x52: {  	s3 =	rddreg [dreg:$0x2];
	[bflag:$0x3] =	sbarrier.arrive $0xFFFF;
	s2 =	simm.s32 @!p0 $0x1C01  }
0x53: {  	[timem:s3], [sflag:s2] =	dma.local @!p0 [hbm:s0], s1  }
0x54: {  	s0 =	simm.s32 @!p0 $0x1  }
0x55: {  	_ =	swait.ge @!p0 [sflag:s0], s1  }
0x56: {  	s1 =	ssub.s32 @!p0 $0x0, s1;
	[sflag:s0] =	ssyncset.done @!p0 $0x0  }
0x57: {  	[sflag:s0] =	ssyncadd.s32 @!p0 s1  }
0x58: {  	[bflag:$0x3] =	sbarrier.arrive $0xFFFF  }
0x59: {  	_ =	shalt  }

</sc_bundles>
